<compile_context>
chip_gen: v7x
topology: tpu7x:2x2x1
jax: 0.10.2.dev20260603
libtpu: 0.0.44.dev20260713+nightly
codegen_flags: <defaults>
</compile_context>

<pallas_src>
import functools

import jax
import jax.numpy as jnp
from jax import lax
from jax.experimental import pallas as pl
from jax.experimental.pallas import tpu as pltpu
from jax.experimental.pallas import tpu_sc as plsc

E = 16
D = 1024
DFF = 1024
N = 8192
K = N // E
L = 16
NC, NS = 2, 16
NW = NC * NS

_MESH = dict(core_axis_name="c", subcore_axis_name="s", num_cores=NC,
             num_subcores=NS)


_TB = 1024


def _router_body(x_ref, w_ref, b_ref, out_ref):
    lg = lax.dot_general(w_ref[...], x_ref[...],
                         (((0,), (1,)), ((), ())),
                         preferred_element_type=jnp.float32)
    lg = lg + b_ref[...]
    m = jnp.max(lg, axis=0, keepdims=True)
    ex = jnp.exp(lg - m)
    out_ref[...] = ex / jnp.sum(ex, axis=0, keepdims=True)


def _router(xf, w, b2d):
    return pl.pallas_call(
        _router_body,
        grid=(N // _TB,),
        in_specs=[
            pl.BlockSpec((_TB, D), lambda i: (i, 0)),
            pl.BlockSpec((D, E), lambda i: (0, 0)),
            pl.BlockSpec((E, 1), lambda i: (0, 0)),
        ],
        out_specs=pl.BlockSpec((E, _TB), lambda i: (0, i)),
        out_shape=jax.ShapeDtypeStruct((E, N), jnp.float32),
    )(xf, w, b2d)




def _thresh_body(pt_ref, tau_ref, bud_ref):
    bits = lax.bitcast_convert_type(pt_ref[...], jnp.int32)

    def body(_, carry):
        lo, hi = carry
        mid = lo + lax.div(hi - lo + 1, 2)
        cnt = jnp.sum((bits >= mid).astype(jnp.int32), axis=1, keepdims=True)
        ge = cnt >= K
        return jnp.where(ge, mid, lo), jnp.where(ge, hi, mid - 1)

    lo0 = jnp.zeros((E, 1), jnp.int32)
    hi0 = jnp.full((E, 1), jnp.int32(0x3F800001))
    lo, _ = lax.fori_loop(0, 31, body, (lo0, hi0))
    cnt_gt = jnp.sum((bits > lo).astype(jnp.int32), axis=1, keepdims=True)
    tau_ref[...] = jnp.broadcast_to(lo, (E, 128))
    bud_ref[...] = jnp.broadcast_to(K - cnt_gt, (E, 128))


def _thresh(probs_t):
    return pl.pallas_call(
        _thresh_body,
        out_shape=(jax.ShapeDtypeStruct((E, 128), jnp.int32),
                   jax.ShapeDtypeStruct((E, 128), jnp.int32)),
    )(probs_t)




@functools.partial(
    pl.kernel,
    out_type=(jax.ShapeDtypeStruct((E, K), jnp.int32),
              jax.ShapeDtypeStruct((E, K), jnp.float32)),
    mesh=plsc.VectorSubcoreMesh(**_MESH),
    compiler_params=pltpu.CompilerParams(needs_layout_passes=False),
    scratch_types=[
        pltpu.VMEM((N,), jnp.float32),
        pltpu.VMEM((K,), jnp.int32),
        pltpu.VMEM((K,), jnp.float32),
        pltpu.VMEM((L,), jnp.int32),
        pltpu.VMEM((L,), jnp.int32),
    ],
)
def _compact(pt_hbm, tau_hbm, bud_hbm, routes_hbm, vals_hbm,
             row_v, idx_v, val_v, tau_v, bud_v):
    wid = lax.axis_index("s") * NC + lax.axis_index("c")

    @pl.when(wid < E)
    def _():
        e = wid
        pltpu.sync_copy(pt_hbm.at[e], row_v)
        pltpu.sync_copy(tau_hbm.at[e, pl.ds(0, L)], tau_v)
        pltpu.sync_copy(bud_hbm.at[e, pl.ds(0, L)], bud_v)
        lane = lax.iota(jnp.int32, L)
        tau_vec = tau_v[...]
        bud_vec0 = bud_v[...]

        def body(j, carry):
            ptr, bud = carry
            p16 = row_v[pl.ds(j * L, L)]
            bits = plsc.bitcast(p16, jnp.int32)
            gt = bits > tau_vec
            eq = bits == tau_vec
            eqc = plsc.cumsum(jnp.where(eq, 1, 0))
            take_eq = eq & (eqc <= bud)
            mask = gt | take_eq
            pos = ptr + plsc.cumsum(jnp.where(mask, 1, 0)) - 1
            ids = j * L + lane
            plsc.store_scatter(idx_v, [pos], ids, mask=mask)
            plsc.store_scatter(val_v, [pos], p16, mask=mask)
            cnt = plsc.all_reduce_population_count(mask)
            ceq = plsc.all_reduce_population_count(take_eq)
            return ptr + cnt, bud - ceq

        zero16 = jnp.zeros((L,), jnp.int32)
        lax.fori_loop(0, N // L, body, (zero16, bud_vec0))
        pltpu.sync_copy(idx_v, routes_hbm.at[e])
        pltpu.sync_copy(val_v, vals_hbm.at[e])



_GC = 32


def _make_gather(rows):
    bpw = rows // NW

    @functools.partial(
        pl.kernel,
        out_type=jax.ShapeDtypeStruct((rows, D), jnp.float32),
        mesh=plsc.VectorSubcoreMesh(**_MESH),
        compiler_params=pltpu.CompilerParams(needs_layout_passes=False),
        scratch_types=[
            pltpu.VMEM((bpw,), jnp.int32),
            pltpu.VMEM((2, _GC, D), jnp.float32),
            pltpu.SemaphoreType.DMA,
            pltpu.SemaphoreType.DMA,
        ],
    )
    def g(xf_hbm, ridx_hbm, xg_hbm, idx_v, rows_v, sem0, sem1):
        wid = lax.axis_index("s") * NC + lax.axis_index("c")
        nt = bpw // _GC
        sems = (sem0, sem1)
        pltpu.sync_copy(ridx_hbm.at[pl.ds(wid * bpw, bpw)], idx_v)

        def start(t, b):
            return pltpu.async_copy(
                xf_hbm.at[idx_v.at[pl.ds(t * _GC, _GC)]], rows_v.at[b],
                sems[b])

        cps = [None, None]
        cps[0] = start(0, 0)
        for t in range(nt):
            b = t % 2
            if t + 1 < nt:
                cps[1 - b] = start(t + 1, 1 - b)
            cps[b].wait()
            pltpu.sync_copy(rows_v.at[b],
                            xg_hbm.at[pl.ds(wid * bpw + t * _GC, _GC)])

    return g


_gather_all = _make_gather(N)




def _ffn_body(xg_ref, w1_ref, b1_ref, w2_ref, b2_ref, v_ref, out_ref):
    x = xg_ref[0].astype(jnp.bfloat16)
    w1 = w1_ref[0].astype(jnp.bfloat16)
    h = jnp.dot(x, w1, preferred_element_type=jnp.float32) + b1_ref[0]
    g = jax.nn.gelu(h, approximate=True).astype(jnp.bfloat16)
    w2 = w2_ref[0].astype(jnp.bfloat16)
    y = jnp.dot(g, w2, preferred_element_type=jnp.float32) + b2_ref[0]
    out_ref[...] = (y * v_ref[0])[None]


def _ffn(xg, w1, b1, w2, b2, v3):
    return pl.pallas_call(
        _ffn_body,
        grid=(E,),
        in_specs=[
            pl.BlockSpec((1, K, D), lambda i: (i, 0, 0)),
            pl.BlockSpec((1, D, DFF), lambda i: (i, 0, 0)),
            pl.BlockSpec((1, 1, DFF), lambda i: (i, 0, 0)),
            pl.BlockSpec((1, DFF, D), lambda i: (i, 0, 0)),
            pl.BlockSpec((1, 1, D), lambda i: (i, 0, 0)),
            pl.BlockSpec((1, K, 1), lambda i: (i, 0, 0)),
        ],
        out_specs=pl.BlockSpec((1, K, D), lambda i: (i, 0, 0)),
        out_shape=jax.ShapeDtypeStruct((E, K, D), jnp.float32),
    )(xg, w1, b1, w2, b2, v3)



_Q = 8
_QC = D // _Q
_SC = 128


@functools.partial(
    pl.kernel,
    out_type=jax.ShapeDtypeStruct((N, D), jnp.float32),
    mesh=plsc.VectorSubcoreMesh(**_MESH),
    compiler_params=pltpu.CompilerParams(needs_layout_passes=False),
    scratch_types=[
        pltpu.VMEM((_SC, _QC), jnp.float32),
        pltpu.VMEM((N // NS // _SC, _SC), jnp.int32),
        pltpu.VMEM((2, _SC, _QC), jnp.float32),
        pltpu.VMEM_SHARED((N, _QC), jnp.float32),
        pltpu.SemaphoreType.DMA,
        pltpu.SemaphoreType.DMA,
    ],
)
def _scatter(yg_hbm, ridx_hbm, zeros_hbm, out_hbm, zbuf, idx_v,
             ygbuf, acc, sem0, sem1):
    c = lax.axis_index("c")
    sid = lax.axis_index("s")
    rpw = N // NS
    nt = rpw // _SC
    wbase = sid * rpw
    sems = (sem0, sem1)
    pltpu.sync_copy(zeros_hbm, zbuf)
    for t in range(nt):
        pltpu.sync_copy(ridx_hbm.at[pl.ds(wbase + t * _SC, _SC)], idx_v.at[t])
    for i in range(nt):
        pltpu.sync_copy(zbuf, acc.at[pl.ds(wbase + i * _SC, _SC)])
    plsc.subcore_barrier()
    nsl = _Q // NC
    for j in range(nsl):
        q = (c * nsl + j) * _QC

        def start(t, b):
            return pltpu.async_copy(
                yg_hbm.at[pl.ds(wbase + t * _SC, _SC), pl.ds(q, _QC)],
                ygbuf.at[b], sems[b])

        cps = [None, None]
        cps[0] = start(0, 0)
        for t in range(nt):
            b = t % 2
            if t + 1 < nt:
                cps[1 - b] = start(t + 1, 1 - b)
            cps[b].wait()
            pltpu.sync_copy(ygbuf.at[b], acc.at[idx_v.at[t]], add=True)
        plsc.subcore_barrier()
        pltpu.sync_copy(acc.at[pl.ds(wbase, rpw)],
                        out_hbm.at[pl.ds(wbase, rpw), pl.ds(q, _QC)])
        if j + 1 < nsl:
            for i in range(nt):
                pltpu.sync_copy(zbuf, acc.at[pl.ds(wbase + i * _SC, _SC)])
            plsc.subcore_barrier()




def kernel(x, W_switch, b_switch, W1, b1, W2, b2):
    Bx, Sx, Dx = x.shape
    xf = x.reshape(N, D)
    probs_t = _router(xf, W_switch, b_switch.reshape(E, 1))
    tau128, bud128 = _thresh(probs_t)
    routes, vals = _compact(probs_t, tau128, bud128)
    ridx = routes.reshape(N)
    xg = _gather_all(xf, ridx)
    yg = _ffn(xg.reshape(E, K, D), W1, b1.reshape(E, 1, DFF), W2,
              b2.reshape(E, 1, D), vals[:, :, None])
    zeros = jnp.zeros((_SC, _QC), jnp.float32)
    out = _scatter(yg.reshape(N, D), ridx, zeros)
    return out.reshape(Bx, Sx, Dx)

# --- scband reference (transcript-rebuilt; emitter-appended) ---
"""Pipeline reference for scband-reverse-mo-e-3453153706590 (READ-ONLY COPY).

The authoritative reference and input builder live on the scoring server;
editing this copy changes nothing except your own understanding.
"""

import jax, jax.numpy as jnp
import numpy as np

E = 16
D = 1024
DFF = 1024
B = 4
S = 2048
CAP = 1.0

def setup_inputs(seed: int = 0) -> dict:
    key = jax.random.key(seed)
    ks = jax.random.split(key, 6)
    x = jax.random.normal(ks[0], (B, S, D), dtype=jnp.float32)
    W_switch = jax.random.normal(ks[1], (D, E), dtype=jnp.float32) * 0.02
    b_switch = jnp.zeros((E,), dtype=jnp.float32)
    W1 = jax.random.normal(ks[2], (E, D, DFF), dtype=jnp.float32) * 0.02
    b1 = jnp.zeros((E, DFF), dtype=jnp.float32)
    W2 = jax.random.normal(ks[3], (E, DFF, D), dtype=jnp.float32) * 0.02
    b2 = jnp.zeros((E, D), dtype=jnp.float32)
    return {"x": x, "W_switch": W_switch, "b_switch": b_switch, "W1": W1, "b1": b1, "W2": W2, "b2": b2}

def reference(x, W_switch, b_switch, W1, b1, W2, b2):
    Bx, Sx, Dx = x.shape
    xf = x.reshape(-1, Dx)
    N = xf.shape[0]
    logits = xf @ W_switch + b_switch
    probs = jax.nn.softmax(logits, axis=-1)
    probs_t = probs.T  # [E, N], expert-major routing (ReverseMoE: experts pick tokens)
    k = int(CAP * N / E)
    route_prob_values, routes = jax.lax.top_k(probs_t, k)  # [E, k]
    final = jnp.zeros((E, N, Dx), dtype=x.dtype)
    for i in range(E):
        expert_input = jnp.take(xf, routes[i], axis=0)  # gather [k, D]
        h = jax.nn.gelu(expert_input @ W1[i] + b1[i])
        expert_output = h @ W2[i] + b2[i]
        expert_output = expert_output * route_prob_values[i][:, None]  # is_scale_prob=True
        final = final.at[i, routes[i]].set(expert_output)  # scatter-overwrite
    out = jnp.sum(final, axis=0)
    return out.reshape(Bx, Sx, Dx)

if __name__ == "__main__":
    import jax
    _d = setup_inputs()
    print(jax.jit(kernel)(*tuple(_d.values())))

</pallas_src>

<mosaic_0001>
#map = affine_map<(d0, d1) -> (0, 0)>
#map1 = affine_map<(d0, d1) -> (0)>
module attributes {stable_mosaic.version = 14 : i64} {
  func.func @_scatter(%arg0: i32, %arg1: i32, %arg2: memref<8192x1024xf32, #tpu.memory_space<hbm>>, %arg3: memref<8192xi32, #tpu.memory_space<hbm>>, %arg4: memref<128x128xf32, #tpu.memory_space<hbm>>, %arg5: memref<8192x1024xf32, #tpu.memory_space<hbm>>, %arg6: memref<128x128xf32, #tpu.memory_space<vmem>>, %arg7: memref<4x128xi32, #tpu.memory_space<vmem>>, %arg8: memref<2x128x128xf32, #tpu.memory_space<vmem>>, %arg9: memref<8192x128xf32, #tpu.memory_space<vmem_shared>>, %arg10: memref<!tpu.dma_semaphore, #tpu.memory_space<semaphore_mem>>, %arg11: memref<!tpu.dma_semaphore, #tpu.memory_space<semaphore_mem>>) attributes {dimension_semantics = [#tpu.dimension_semantics<core_parallel>, #tpu.dimension_semantics<subcore_parallel>], iteration_bounds = array<i64: 2, 16>, scalar_prefetch = 0 : i64, scratch_operands = 6 : i64, tpu.core_type = #tpu.core_type<sc_vector_subcore>, window_params = [{transform_indices = #map}, {transform_indices = #map1}, {transform_indices = #map}, {transform_indices = #map}]} {
    %mul3A = arith.constant 512 : i32
    %mul3A_0 = arith.muli %arg1, %mul3A : i32
    "tpu.region"() ({
      %run_scoped3A_488 = tpu.sem_alloc : memref<!tpu.dma_semaphore, #tpu.memory_space<semaphore_mem>>
      tpu.enqueue_dma source(%arg4 : memref<128x128xf32, #tpu.memory_space<hbm>>) target(%arg6 : memref<128x128xf32, #tpu.memory_space<vmem>>) target_semaphore(%run_scoped3A_488 : memref<!tpu.dma_semaphore, #tpu.memory_space<semaphore_mem>>)
      tpu.wait_dma2 semaphore(%run_scoped3A_488 : memref<!tpu.dma_semaphore, #tpu.memory_space<semaphore_mem>>) src(%arg4 : memref<128x128xf32, #tpu.memory_space<hbm>>) dst(%arg6 : memref<128x128xf32, #tpu.memory_space<vmem>>)
      tpu.yield
    }) : () -> ()
    %add3A = arith.constant 0 : i32
    %add3A_1 = arith.addi %mul3A_0, %add3A : i32
    %run_scoped3A = arith.constant 0 : i32
    "tpu.region"() ({
      %run_scoped3A_488 = tpu.sem_alloc : memref<!tpu.dma_semaphore, #tpu.memory_space<semaphore_mem>>
      %dma_start3A_489 = arith.constant 0 : i32
      %dma_start3A_490 = tpu.memref_slice %arg7[%run_scoped3A, %dma_start3A_489] : memref<4x128xi32, #tpu.memory_space<vmem>> -> memref<1x128xi32, #tpu.memory_space<vmem>>
      %dma_start3A_491 = tpu.memref_squeeze %dma_start3A_490 : memref<1x128xi32, #tpu.memory_space<vmem>> -> memref<128xi32, #tpu.memory_space<vmem>>
      %dma_start3A_492 = tpu.memref_slice %arg3[%add3A_1] : memref<8192xi32, #tpu.memory_space<hbm>> -> memref<128xi32, #tpu.memory_space<hbm>>
      %dma_start3A_493 = arith.constant 0 : i32
      %dma_start3A_494 = tpu.memref_slice %arg7[%run_scoped3A, %dma_start3A_493] : memref<4x128xi32, #tpu.memory_space<vmem>> -> memref<1x128xi32, #tpu.memory_space<vmem>>
      %dma_start3A_495 = tpu.memref_squeeze %dma_start3A_494 : memref<1x128xi32, #tpu.memory_space<vmem>> -> memref<128xi32, #tpu.memory_space<vmem>>
      %dma_start3A_496 = tpu.memref_slice %arg3[%add3A_1] : memref<8192xi32, #tpu.memory_space<hbm>> -> memref<128xi32, #tpu.memory_space<hbm>>
      tpu.enqueue_dma source(%dma_start3A_496 : memref<128xi32, #tpu.memory_space<hbm>>) target(%dma_start3A_495 : memref<128xi32, #tpu.memory_space<vmem>>) target_semaphore(%run_scoped3A_488 : memref<!tpu.dma_semaphore, #tpu.memory_space<semaphore_mem>>)
      %dma_wait3A_497 = arith.constant 0 : i32
      %dma_wait3A_498 = tpu.memref_slice %arg7[%run_scoped3A, %dma_wait3A_497] : memref<4x128xi32, #tpu.memory_space<vmem>> -> memref<1x128xi32, #tpu.memory_space<vmem>>
      %dma_wait3A_499 = tpu.memref_squeeze %dma_wait3A_498 : memref<1x128xi32, #tpu.memory_space<vmem>> -> memref<128xi32, #tpu.memory_space<vmem>>
      %dma_wait3A_500 = tpu.memref_slice %arg3[%add3A_1] : memref<8192xi32, #tpu.memory_space<hbm>> -> memref<128xi32, #tpu.memory_space<hbm>>
      %dma_wait3A_501 = arith.constant 0 : i32
      %dma_wait3A_502 = tpu.memref_slice %arg7[%run_scoped3A, %dma_wait3A_501] : memref<4x128xi32, #tpu.memory_space<vmem>> -> memref<1x128xi32, #tpu.memory_space<vmem>>
      %dma_wait3A_503 = tpu.memref_squeeze %dma_wait3A_502 : memref<1x128xi32, #tpu.memory_space<vmem>> -> memref<128xi32, #tpu.memory_space<vmem>>
      %dma_wait3A_504 = tpu.memref_slice %arg3[%add3A_1] : memref<8192xi32, #tpu.memory_space<hbm>> -> memref<128xi32, #tpu.memory_space<hbm>>
      tpu.wait_dma2 semaphore(%run_scoped3A_488 : memref<!tpu.dma_semaphore, #tpu.memory_space<semaphore_mem>>) src(%dma_wait3A_504 : memref<128xi32, #tpu.memory_space<hbm>>) dst(%dma_wait3A_503 : memref<128xi32, #tpu.memory_space<vmem>>)
      tpu.yield
    }) : () -> ()
    %add3A_2 = arith.constant 128 : i32
    %add3A_3 = arith.addi %mul3A_0, %add3A_2 : i32
    %run_scoped3A_4 = arith.constant 1 : i32
    "tpu.region"() ({
      %run_scoped3A_488 = tpu.sem_alloc : memref<!tpu.dma_semaphore, #tpu.memory_space<semaphore_mem>>
      %dma_start3A_489 = arith.constant 0 : i32
      %dma_start3A_490 = tpu.memref_slice %arg7[%run_scoped3A_4, %dma_start3A_489] : memref<4x128xi32, #tpu.memory_space<vmem>> -> memref<1x128xi32, #tpu.memory_space<vmem>>
      %dma_start3A_491 = tpu.memref_squeeze %dma_start3A_490 : memref<1x128xi32, #tpu.memory_space<vmem>> -> memref<128xi32, #tpu.memory_space<vmem>>
      %dma_start3A_492 = tpu.memref_slice %arg3[%add3A_3] : memref<8192xi32, #tpu.memory_space<hbm>> -> memref<128xi32, #tpu.memory_space<hbm>>
      %dma_start3A_493 = arith.constant 0 : i32
      %dma_start3A_494 = tpu.memref_slice %arg7[%run_scoped3A_4, %dma_start3A_493] : memref<4x128xi32, #tpu.memory_space<vmem>> -> memref<1x128xi32, #tpu.memory_space<vmem>>
      %dma_start3A_495 = tpu.memref_squeeze %dma_start3A_494 : memref<1x128xi32, #tpu.memory_space<vmem>> -> memref<128xi32, #tpu.memory_space<vmem>>
      %dma_start3A_496 = tpu.memref_slice %arg3[%add3A_3] : memref<8192xi32, #tpu.memory_space<hbm>> -> memref<128xi32, #tpu.memory_space<hbm>>
      tpu.enqueue_dma source(%dma_start3A_496 : memref<128xi32, #tpu.memory_space<hbm>>) target(%dma_start3A_495 : memref<128xi32, #tpu.memory_space<vmem>>) target_semaphore(%run_scoped3A_488 : memref<!tpu.dma_semaphore, #tpu.memory_space<semaphore_mem>>)
      %dma_wait3A_497 = arith.constant 0 : i32
      %dma_wait3A_498 = tpu.memref_slice %arg7[%run_scoped3A_4, %dma_wait3A_497] : memref<4x128xi32, #tpu.memory_space<vmem>> -> memref<1x128xi32, #tpu.memory_space<vmem>>
      %dma_wait3A_499 = tpu.memref_squeeze %dma_wait3A_498 : memref<1x128xi32, #tpu.memory_space<vmem>> -> memref<128xi32, #tpu.memory_space<vmem>>
      %dma_wait3A_500 = tpu.memref_slice %arg3[%add3A_3] : memref<8192xi32, #tpu.memory_space<hbm>> -> memref<128xi32, #tpu.memory_space<hbm>>
      %dma_wait3A_501 = arith.constant 0 : i32
      %dma_wait3A_502 = tpu.memref_slice %arg7[%run_scoped3A_4, %dma_wait3A_501] : memref<4x128xi32, #tpu.memory_space<vmem>> -> memref<1x128xi32, #tpu.memory_space<vmem>>
      %dma_wait3A_503 = tpu.memref_squeeze %dma_wait3A_502 : memref<1x128xi32, #tpu.memory_space<vmem>> -> memref<128xi32, #tpu.memory_space<vmem>>
      %dma_wait3A_504 = tpu.memref_slice %arg3[%add3A_3] : memref<8192xi32, #tpu.memory_space<hbm>> -> memref<128xi32, #tpu.memory_space<hbm>>
      tpu.wait_dma2 semaphore(%run_scoped3A_488 : memref<!tpu.dma_semaphore, #tpu.memory_space<semaphore_mem>>) src(%dma_wait3A_504 : memref<128xi32, #tpu.memory_space<hbm>>) dst(%dma_wait3A_503 : memref<128xi32, #tpu.memory_space<vmem>>)
      tpu.yield
    }) : () -> ()
    %add3A_5 = arith.constant 256 : i32
    %add3A_6 = arith.addi %mul3A_0, %add3A_5 : i32
    %run_scoped3A_7 = arith.constant 2 : i32
    "tpu.region"() ({
      %run_scoped3A_488 = tpu.sem_alloc : memref<!tpu.dma_semaphore, #tpu.memory_space<semaphore_mem>>
      %dma_start3A_489 = arith.constant 0 : i32
      %dma_start3A_490 = tpu.memref_slice %arg7[%run_scoped3A_7, %dma_start3A_489] : memref<4x128xi32, #tpu.memory_space<vmem>> -> memref<1x128xi32, #tpu.memory_space<vmem>>
      %dma_start3A_491 = tpu.memref_squeeze %dma_start3A_490 : memref<1x128xi32, #tpu.memory_space<vmem>> -> memref<128xi32, #tpu.memory_space<vmem>>
      %dma_start3A_492 = tpu.memref_slice %arg3[%add3A_6] : memref<8192xi32, #tpu.memory_space<hbm>> -> memref<128xi32, #tpu.memory_space<hbm>>
      %dma_start3A_493 = arith.constant 0 : i32
      %dma_start3A_494 = tpu.memref_slice %arg7[%run_scoped3A_7, %dma_start3A_493] : memref<4x128xi32, #tpu.memory_space<vmem>> -> memref<1x128xi32, #tpu.memory_space<vmem>>
      %dma_start3A_495 = tpu.memref_squeeze %dma_start3A_494 : memref<1x128xi32, #tpu.memory_space<vmem>> -> memref<128xi32, #tpu.memory_space<vmem>>
      %dma_start3A_496 = tpu.memref_slice %arg3[%add3A_6] : memref<8192xi32, #tpu.memory_space<hbm>> -> memref<128xi32, #tpu.memory_space<hbm>>
      tpu.enqueue_dma source(%dma_start3A_496 : memref<128xi32, #tpu.memory_space<hbm>>) target(%dma_start3A_495 : memref<128xi32, #tpu.memory_space<vmem>>) target_semaphore(%run_scoped3A_488 : memref<!tpu.dma_semaphore, #tpu.memory_space<semaphore_mem>>)
      %dma_wait3A_497 = arith.constant 0 : i32
      %dma_wait3A_498 = tpu.memref_slice %arg7[%run_scoped3A_7, %dma_wait3A_497] : memref<4x128xi32, #tpu.memory_space<vmem>> -> memref<1x128xi32, #tpu.memory_space<vmem>>
      %dma_wait3A_499 = tpu.memref_squeeze %dma_wait3A_498 : memref<1x128xi32, #tpu.memory_space<vmem>> -> memref<128xi32, #tpu.memory_space<vmem>>
      %dma_wait3A_500 = tpu.memref_slice %arg3[%add3A_6] : memref<8192xi32, #tpu.memory_space<hbm>> -> memref<128xi32, #tpu.memory_space<hbm>>
      %dma_wait3A_501 = arith.constant 0 : i32
      %dma_wait3A_502 = tpu.memref_slice %arg7[%run_scoped3A_7, %dma_wait3A_501] : memref<4x128xi32, #tpu.memory_space<vmem>> -> memref<1x128xi32, #tpu.memory_space<vmem>>
      %dma_wait3A_503 = tpu.memref_squeeze %dma_wait3A_502 : memref<1x128xi32, #tpu.memory_space<vmem>> -> memref<128xi32, #tpu.memory_space<vmem>>
      %dma_wait3A_504 = tpu.memref_slice %arg3[%add3A_6] : memref<8192xi32, #tpu.memory_space<hbm>> -> memref<128xi32, #tpu.memory_space<hbm>>
      tpu.wait_dma2 semaphore(%run_scoped3A_488 : memref<!tpu.dma_semaphore, #tpu.memory_space<semaphore_mem>>) src(%dma_wait3A_504 : memref<128xi32, #tpu.memory_space<hbm>>) dst(%dma_wait3A_503 : memref<128xi32, #tpu.memory_space<vmem>>)
      tpu.yield
    }) : () -> ()
    %add3A_8 = arith.constant 384 : i32
    %add3A_9 = arith.addi %mul3A_0, %add3A_8 : i32
    %run_scoped3A_10 = arith.constant 3 : i32
    "tpu.region"() ({
      %run_scoped3A_488 = tpu.sem_alloc : memref<!tpu.dma_semaphore, #tpu.memory_space<semaphore_mem>>
      %dma_start3A_489 = arith.constant 0 : i32
      %dma_start3A_490 = tpu.memref_slice %arg7[%run_scoped3A_10, %dma_start3A_489] : memref<4x128xi32, #tpu.memory_space<vmem>> -> memref<1x128xi32, #tpu.memory_space<vmem>>
      %dma_start3A_491 = tpu.memref_squeeze %dma_start3A_490 : memref<1x128xi32, #tpu.memory_space<vmem>> -> memref<128xi32, #tpu.memory_space<vmem>>
      %dma_start3A_492 = tpu.memref_slice %arg3[%add3A_9] : memref<8192xi32, #tpu.memory_space<hbm>> -> memref<128xi32, #tpu.memory_space<hbm>>
      %dma_start3A_493 = arith.constant 0 : i32
      %dma_start3A_494 = tpu.memref_slice %arg7[%run_scoped3A_10, %dma_start3A_493] : memref<4x128xi32, #tpu.memory_space<vmem>> -> memref<1x128xi32, #tpu.memory_space<vmem>>
      %dma_start3A_495 = tpu.memref_squeeze %dma_start3A_494 : memref<1x128xi32, #tpu.memory_space<vmem>> -> memref<128xi32, #tpu.memory_space<vmem>>
      %dma_start3A_496 = tpu.memref_slice %arg3[%add3A_9] : memref<8192xi32, #tpu.memory_space<hbm>> -> memref<128xi32, #tpu.memory_space<hbm>>
      tpu.enqueue_dma source(%dma_start3A_496 : memref<128xi32, #tpu.memory_space<hbm>>) target(%dma_start3A_495 : memref<128xi32, #tpu.memory_space<vmem>>) target_semaphore(%run_scoped3A_488 : memref<!tpu.dma_semaphore, #tpu.memory_space<semaphore_mem>>)
      %dma_wait3A_497 = arith.constant 0 : i32
      %dma_wait3A_498 = tpu.memref_slice %arg7[%run_scoped3A_10, %dma_wait3A_497] : memref<4x128xi32, #tpu.memory_space<vmem>> -> memref<1x128xi32, #tpu.memory_space<vmem>>
      %dma_wait3A_499 = tpu.memref_squeeze %dma_wait3A_498 : memref<1x128xi32, #tpu.memory_space<vmem>> -> memref<128xi32, #tpu.memory_space<vmem>>
      %dma_wait3A_500 = tpu.memref_slice %arg3[%add3A_9] : memref<8192xi32, #tpu.memory_space<hbm>> -> memref<128xi32, #tpu.memory_space<hbm>>
      %dma_wait3A_501 = arith.constant 0 : i32
      %dma_wait3A_502 = tpu.memref_slice %arg7[%run_scoped3A_10, %dma_wait3A_501] : memref<4x128xi32, #tpu.memory_space<vmem>> -> memref<1x128xi32, #tpu.memory_space<vmem>>
      %dma_wait3A_503 = tpu.memref_squeeze %dma_wait3A_502 : memref<1x128xi32, #tpu.memory_space<vmem>> -> memref<128xi32, #tpu.memory_space<vmem>>
      %dma_wait3A_504 = tpu.memref_slice %arg3[%add3A_9] : memref<8192xi32, #tpu.memory_space<hbm>> -> memref<128xi32, #tpu.memory_space<hbm>>
      tpu.wait_dma2 semaphore(%run_scoped3A_488 : memref<!tpu.dma_semaphore, #tpu.memory_space<semaphore_mem>>) src(%dma_wait3A_504 : memref<128xi32, #tpu.memory_space<hbm>>) dst(%dma_wait3A_503 : memref<128xi32, #tpu.memory_space<vmem>>)
      tpu.yield
    }) : () -> ()
    %add3A_11 = arith.constant 0 : i32
    %add3A_12 = arith.addi %mul3A_0, %add3A_11 : i32
    "tpu.region"() ({
      %run_scoped3A_488 = tpu.sem_alloc : memref<!tpu.dma_semaphore, #tpu.memory_space<semaphore_mem>>
      %dma_start3A_489 = arith.constant 0 : i32
      %dma_start3A_490 = tpu.memref_slice %arg9[%add3A_12, %dma_start3A_489] : memref<8192x128xf32, #tpu.memory_space<vmem_shared>> -> memref<128x128xf32, #tpu.memory_space<vmem_shared>>
      %dma_start3A_491 = arith.constant 0 : i32
      %dma_start3A_492 = tpu.memref_slice %arg9[%add3A_12, %dma_start3A_491] : memref<8192x128xf32, #tpu.memory_space<vmem_shared>> -> memref<128x128xf32, #tpu.memory_space<vmem_shared>>
      tpu.enqueue_dma source(%arg6 : memref<128x128xf32, #tpu.memory_space<vmem>>) target(%dma_start3A_492 : memref<128x128xf32, #tpu.memory_space<vmem_shared>>) target_semaphore(%run_scoped3A_488 : memref<!tpu.dma_semaphore, #tpu.memory_space<semaphore_mem>>)
      %dma_wait3A_493 = arith.constant 0 : i32
      %dma_wait3A_494 = tpu.memref_slice %arg9[%add3A_12, %dma_wait3A_493] : memref<8192x128xf32, #tpu.memory_space<vmem_shared>> -> memref<128x128xf32, #tpu.memory_space<vmem_shared>>
      %dma_wait3A_495 = arith.constant 0 : i32
      %dma_wait3A_496 = tpu.memref_slice %arg9[%add3A_12, %dma_wait3A_495] : memref<8192x128xf32, #tpu.memory_space<vmem_shared>> -> memref<128x128xf32, #tpu.memory_space<vmem_shared>>
      tpu.wait_dma2 semaphore(%run_scoped3A_488 : memref<!tpu.dma_semaphore, #tpu.memory_space<semaphore_mem>>) src(%arg6 : memref<128x128xf32, #tpu.memory_space<vmem>>) dst(%dma_wait3A_496 : memref<128x128xf32, #tpu.memory_space<vmem_shared>>)
      tpu.yield
    }) : () -> ()
    %add3A_13 = arith.constant 128 : i32
    %add3A_14 = arith.addi %mul3A_0, %add3A_13 : i32
    "tpu.region"() ({
      %run_scoped3A_488 = tpu.sem_alloc : memref<!tpu.dma_semaphore, #tpu.memory_space<semaphore_mem>>
      %dma_start3A_489 = arith.constant 0 : i32
      %dma_start3A_490 = tpu.memref_slice %arg9[%add3A_14, %dma_start3A_489] : memref<8192x128xf32, #tpu.memory_space<vmem_shared>> -> memref<128x128xf32, #tpu.memory_space<vmem_shared>>
      %dma_start3A_491 = arith.constant 0 : i32
      %dma_start3A_492 = tpu.memref_slice %arg9[%add3A_14, %dma_start3A_491] : memref<8192x128xf32, #tpu.memory_space<vmem_shared>> -> memref<128x128xf32, #tpu.memory_space<vmem_shared>>
      tpu.enqueue_dma source(%arg6 : memref<128x128xf32, #tpu.memory_space<vmem>>) target(%dma_start3A_492 : memref<128x128xf32, #tpu.memory_space<vmem_shared>>) target_semaphore(%run_scoped3A_488 : memref<!tpu.dma_semaphore, #tpu.memory_space<semaphore_mem>>)
      %dma_wait3A_493 = arith.constant 0 : i32
      %dma_wait3A_494 = tpu.memref_slice %arg9[%add3A_14, %dma_wait3A_493] : memref<8192x128xf32, #tpu.memory_space<vmem_shared>> -> memref<128x128xf32, #tpu.memory_space<vmem_shared>>
      %dma_wait3A_495 = arith.constant 0 : i32
      %dma_wait3A_496 = tpu.memref_slice %arg9[%add3A_14, %dma_wait3A_495] : memref<8192x128xf32, #tpu.memory_space<vmem_shared>> -> memref<128x128xf32, #tpu.memory_space<vmem_shared>>
      tpu.wait_dma2 semaphore(%run_scoped3A_488 : memref<!tpu.dma_semaphore, #tpu.memory_space<semaphore_mem>>) src(%arg6 : memref<128x128xf32, #tpu.memory_space<vmem>>) dst(%dma_wait3A_496 : memref<128x128xf32, #tpu.memory_space<vmem_shared>>)
      tpu.yield
    }) : () -> ()
    %add3A_15 = arith.constant 256 : i32
    %add3A_16 = arith.addi %mul3A_0, %add3A_15 : i32
    "tpu.region"() ({
      %run_scoped3A_488 = tpu.sem_alloc : memref<!tpu.dma_semaphore, #tpu.memory_space<semaphore_mem>>
      %dma_start3A_489 = arith.constant 0 : i32
      %dma_start3A_490 = tpu.memref_slice %arg9[%add3A_16, %dma_start3A_489] : memref<8192x128xf32, #tpu.memory_space<vmem_shared>> -> memref<128x128xf32, #tpu.memory_space<vmem_shared>>
      %dma_start3A_491 = arith.constant 0 : i32
      %dma_start3A_492 = tpu.memref_slice %arg9[%add3A_16, %dma_start3A_491] : memref<8192x128xf32, #tpu.memory_space<vmem_shared>> -> memref<128x128xf32, #tpu.memory_space<vmem_shared>>
      tpu.enqueue_dma source(%arg6 : memref<128x128xf32, #tpu.memory_space<vmem>>) target(%dma_start3A_492 : memref<128x128xf32, #tpu.memory_space<vmem_shared>>) target_semaphore(%run_scoped3A_488 : memref<!tpu.dma_semaphore, #tpu.memory_space<semaphore_mem>>)
      %dma_wait3A_493 = arith.constant 0 : i32
      %dma_wait3A_494 = tpu.memref_slice %arg9[%add3A_16, %dma_wait3A_493] : memref<8192x128xf32, #tpu.memory_space<vmem_shared>> -> memref<128x128xf32, #tpu.memory_space<vmem_shared>>
      %dma_wait3A_495 = arith.constant 0 : i32
      %dma_wait3A_496 = tpu.memref_slice %arg9[%add3A_16, %dma_wait3A_495] : memref<8192x128xf32, #tpu.memory_space<vmem_shared>> -> memref<128x128xf32, #tpu.memory_space<vmem_shared>>
      tpu.wait_dma2 semaphore(%run_scoped3A_488 : memref<!tpu.dma_semaphore, #tpu.memory_space<semaphore_mem>>) src(%arg6 : memref<128x128xf32, #tpu.memory_space<vmem>>) dst(%dma_wait3A_496 : memref<128x128xf32, #tpu.memory_space<vmem_shared>>)
      tpu.yield
    }) : () -> ()
    %add3A_17 = arith.constant 384 : i32
    %add3A_18 = arith.addi %mul3A_0, %add3A_17 : i32
    "tpu.region"() ({
      %run_scoped3A_488 = tpu.sem_alloc : memref<!tpu.dma_semaphore, #tpu.memory_space<semaphore_mem>>
      %dma_start3A_489 = arith.constant 0 : i32
      %dma_start3A_490 = tpu.memref_slice %arg9[%add3A_18, %dma_start3A_489] : memref<8192x128xf32, #tpu.memory_space<vmem_shared>> -> memref<128x128xf32, #tpu.memory_space<vmem_shared>>
      %dma_start3A_491 = arith.constant 0 : i32
      %dma_start3A_492 = tpu.memref_slice %arg9[%add3A_18, %dma_start3A_491] : memref<8192x128xf32, #tpu.memory_space<vmem_shared>> -> memref<128x128xf32, #tpu.memory_space<vmem_shared>>
      tpu.enqueue_dma source(%arg6 : memref<128x128xf32, #tpu.memory_space<vmem>>) target(%dma_start3A_492 : memref<128x128xf32, #tpu.memory_space<vmem_shared>>) target_semaphore(%run_scoped3A_488 : memref<!tpu.dma_semaphore, #tpu.memory_space<semaphore_mem>>)
      %dma_wait3A_493 = arith.constant 0 : i32
      %dma_wait3A_494 = tpu.memref_slice %arg9[%add3A_18, %dma_wait3A_493] : memref<8192x128xf32, #tpu.memory_space<vmem_shared>> -> memref<128x128xf32, #tpu.memory_space<vmem_shared>>
      %dma_wait3A_495 = arith.constant 0 : i32
      %dma_wait3A_496 = tpu.memref_slice %arg9[%add3A_18, %dma_wait3A_495] : memref<8192x128xf32, #tpu.memory_space<vmem_shared>> -> memref<128x128xf32, #tpu.memory_space<vmem_shared>>
      tpu.wait_dma2 semaphore(%run_scoped3A_488 : memref<!tpu.dma_semaphore, #tpu.memory_space<semaphore_mem>>) src(%arg6 : memref<128x128xf32, #tpu.memory_space<vmem>>) dst(%dma_wait3A_496 : memref<128x128xf32, #tpu.memory_space<vmem_shared>>)
      tpu.yield
    }) : () -> ()
    %barrier3A = arith.constant 0 : index
    tpu.barrier barrier_id(%barrier3A)
    %mul3A_19 = arith.constant 4 : i32
    %mul3A_20 = arith.muli %arg0, %mul3A_19 : i32
    %add3A_21 = arith.constant 0 : i32
    %add3A_22 = arith.addi %mul3A_20, %add3A_21 : i32
    %mul3A_23 = arith.constant 128 : i32
    %mul3A_24 = arith.muli %add3A_22, %mul3A_23 : i32
    %add3A_25 = arith.constant 0 : i32
    %add3A_26 = arith.addi %mul3A_0, %add3A_25 : i32
    %dma_start3A = arith.constant 0 : i32
    %dma_start3A_27 = arith.constant 0 : i32
    %dma_start3A_28 = arith.constant 0 : i32
    %dma_start3A_29 = tpu.memref_slice %arg8[%dma_start3A, %dma_start3A_27, %dma_start3A_28] : memref<2x128x128xf32, #tpu.memory_space<vmem>> -> memref<1x128x128xf32, #tpu.memory_space<vmem>>
    %dma_start3A_30 = tpu.memref_squeeze %dma_start3A_29 : memref<1x128x128xf32, #tpu.memory_space<vmem>> -> memref<128x128xf32, #tpu.memory_space<vmem>>
    %dma_start3A_31 = tpu.memref_slice %arg2[%add3A_26, %mul3A_24] : memref<8192x1024xf32, #tpu.memory_space<hbm>> -> memref<128x128xf32, #tpu.memory_space<hbm>>
    %dma_start3A_32 = arith.constant 0 : i32
    %dma_start3A_33 = arith.constant 0 : i32
    %dma_start3A_34 = tpu.memref_slice %arg8[%dma_start3A, %dma_start3A_32, %dma_start3A_33] : memref<2x128x128xf32, #tpu.memory_space<vmem>> -> memref<1x128x128xf32, #tpu.memory_space<vmem>>
    %dma_start3A_35 = tpu.memref_squeeze %dma_start3A_34 : memref<1x128x128xf32, #tpu.memory_space<vmem>> -> memref<128x128xf32, #tpu.memory_space<vmem>>
    %dma_start3A_36 = tpu.memref_slice %arg2[%add3A_26, %mul3A_24] : memref<8192x1024xf32, #tpu.memory_space<hbm>> -> memref<128x128xf32, #tpu.memory_space<hbm>>
    tpu.enqueue_dma source(%dma_start3A_36 : memref<128x128xf32, #tpu.memory_space<hbm>>) target(%dma_start3A_35 : memref<128x128xf32, #tpu.memory_space<vmem>>) target_semaphore(%arg10 : memref<!tpu.dma_semaphore, #tpu.memory_space<semaphore_mem>>)
    %add3A_37 = arith.constant 128 : i32
    %add3A_38 = arith.addi %mul3A_0, %add3A_37 : i32
    %dma_start3A_39 = arith.constant 1 : i32
    %dma_start3A_40 = arith.constant 0 : i32
    %dma_start3A_41 = arith.constant 0 : i32
    %dma_start3A_42 = tpu.memref_slice %arg8[%dma_start3A_39, %dma_start3A_40, %dma_start3A_41] : memref<2x128x128xf32, #tpu.memory_space<vmem>> -> memref<1x128x128xf32, #tpu.memory_space<vmem>>
    %dma_start3A_43 = tpu.memref_squeeze %dma_start3A_42 : memref<1x128x128xf32, #tpu.memory_space<vmem>> -> memref<128x128xf32, #tpu.memory_space<vmem>>
    %dma_start3A_44 = tpu.memref_slice %arg2[%add3A_38, %mul3A_24] : memref<8192x1024xf32, #tpu.memory_space<hbm>> -> memref<128x128xf32, #tpu.memory_space<hbm>>
    %dma_start3A_45 = arith.constant 0 : i32
    %dma_start3A_46 = arith.constant 0 : i32
    %dma_start3A_47 = tpu.memref_slice %arg8[%dma_start3A_39, %dma_start3A_45, %dma_start3A_46] : memref<2x128x128xf32, #tpu.memory_space<vmem>> -> memref<1x128x128xf32, #tpu.memory_space<vmem>>
    %dma_start3A_48 = tpu.memref_squeeze %dma_start3A_47 : memref<1x128x128xf32, #tpu.memory_space<vmem>> -> memref<128x128xf32, #tpu.memory_space<vmem>>
    %dma_start3A_49 = tpu.memref_slice %arg2[%add3A_38, %mul3A_24] : memref<8192x1024xf32, #tpu.memory_space<hbm>> -> memref<128x128xf32, #tpu.memory_space<hbm>>
    tpu.enqueue_dma source(%dma_start3A_49 : memref<128x128xf32, #tpu.memory_space<hbm>>) target(%dma_start3A_48 : memref<128x128xf32, #tpu.memory_space<vmem>>) target_semaphore(%arg11 : memref<!tpu.dma_semaphore, #tpu.memory_space<semaphore_mem>>)
    %dma_wait3A = arith.constant 0 : i32
    %dma_wait3A_50 = arith.constant 0 : i32
    %dma_wait3A_51 = arith.constant 0 : i32
    %dma_wait3A_52 = tpu.memref_slice %arg8[%dma_wait3A, %dma_wait3A_50, %dma_wait3A_51] : memref<2x128x128xf32, #tpu.memory_space<vmem>> -> memref<1x128x128xf32, #tpu.memory_space<vmem>>
    %dma_wait3A_53 = tpu.memref_squeeze %dma_wait3A_52 : memref<1x128x128xf32, #tpu.memory_space<vmem>> -> memref<128x128xf32, #tpu.memory_space<vmem>>
    %dma_wait3A_54 = tpu.memref_slice %arg2[%add3A_26, %mul3A_24] : memref<8192x1024xf32, #tpu.memory_space<hbm>> -> memref<128x128xf32, #tpu.memory_space<hbm>>
    %dma_wait3A_55 = arith.constant 0 : i32
    %dma_wait3A_56 = arith.constant 0 : i32
    %dma_wait3A_57 = tpu.memref_slice %arg8[%dma_wait3A, %dma_wait3A_55, %dma_wait3A_56] : memref<2x128x128xf32, #tpu.memory_space<vmem>> -> memref<1x128x128xf32, #tpu.memory_space<vmem>>
    %dma_wait3A_58 = tpu.memref_squeeze %dma_wait3A_57 : memref<1x128x128xf32, #tpu.memory_space<vmem>> -> memref<128x128xf32, #tpu.memory_space<vmem>>
    %dma_wait3A_59 = tpu.memref_slice %arg2[%add3A_26, %mul3A_24] : memref<8192x1024xf32, #tpu.memory_space<hbm>> -> memref<128x128xf32, #tpu.memory_space<hbm>>
    tpu.wait_dma2 semaphore(%arg10 : memref<!tpu.dma_semaphore, #tpu.memory_space<semaphore_mem>>) src(%dma_wait3A_59 : memref<128x128xf32, #tpu.memory_space<hbm>>) dst(%dma_wait3A_58 : memref<128x128xf32, #tpu.memory_space<vmem>>)
    %run_scoped3A_60 = arith.constant 0 : i32
    %run_scoped3A_61 = arith.constant 0 : i32
    "tpu.region"() ({
      %run_scoped3A_488 = tpu.sem_alloc : memref<!tpu.dma_semaphore, #tpu.memory_space<semaphore_mem>>
      %dma_start3A_489 = arith.constant 0 : i32
      %dma_start3A_490 = arith.constant 0 : i32
      %dma_start3A_491 = tpu.memref_slice %arg8[%run_scoped3A_60, %dma_start3A_489, %dma_start3A_490] : memref<2x128x128xf32, #tpu.memory_space<vmem>> -> memref<1x128x128xf32, #tpu.memory_space<vmem>>
      %dma_start3A_492 = tpu.memref_squeeze %dma_start3A_491 : memref<1x128x128xf32, #tpu.memory_space<vmem>> -> memref<128x128xf32, #tpu.memory_space<vmem>>
      %dma_start3A_493 = arith.constant 0 : i32
      %dma_start3A_494 = tpu.memref_slice %arg7[%run_scoped3A_61, %dma_start3A_493] : memref<4x128xi32, #tpu.memory_space<vmem>> -> memref<1x128xi32, #tpu.memory_space<vmem>>
      %dma_start3A_495 = tpu.memref_squeeze %dma_start3A_494 : memref<1x128xi32, #tpu.memory_space<vmem>> -> memref<128xi32, #tpu.memory_space<vmem>>
      %dma_start3A_496 = arith.constant 0 : i32
      %dma_start3A_497 = arith.constant 0 : i32
      %dma_start3A_498 = tpu.memref_slice %arg9[%dma_start3A_496, %dma_start3A_497] : memref<8192x128xf32, #tpu.memory_space<vmem_shared>> -> memref<8192x128xf32, #tpu.memory_space<vmem_shared>>
      tpu.enqueue_indirect_dma source(%dma_start3A_492 : memref<128x128xf32, #tpu.memory_space<vmem>>) target(%dma_start3A_498 : memref<8192x128xf32, #tpu.memory_space<vmem_shared>>) offsets(%dma_start3A_495 : memref<128xi32, #tpu.memory_space<vmem>>) semaphore(%run_scoped3A_488 : memref<!tpu.dma_semaphore, #tpu.memory_space<semaphore_mem>>) {add = true}
      %dma_wait3A_499 = arith.constant 0 : i32
      %dma_wait3A_500 = arith.constant 0 : i32
      %dma_wait3A_501 = tpu.memref_slice %arg8[%run_scoped3A_60, %dma_wait3A_499, %dma_wait3A_500] : memref<2x128x128xf32, #tpu.memory_space<vmem>> -> memref<1x128x128xf32, #tpu.memory_space<vmem>>
      %dma_wait3A_502 = tpu.memref_squeeze %dma_wait3A_501 : memref<1x128x128xf32, #tpu.memory_space<vmem>> -> memref<128x128xf32, #tpu.memory_space<vmem>>
      %dma_wait3A_503 = arith.constant 0 : i32
      %dma_wait3A_504 = tpu.memref_slice %arg7[%run_scoped3A_61, %dma_wait3A_503] : memref<4x128xi32, #tpu.memory_space<vmem>> -> memref<1x128xi32, #tpu.memory_space<vmem>>
      %dma_wait3A_505 = tpu.memref_squeeze %dma_wait3A_504 : memref<1x128xi32, #tpu.memory_space<vmem>> -> memref<128xi32, #tpu.memory_space<vmem>>
      %dma_wait3A_506 = arith.constant 0 : i32
      %dma_wait3A_507 = arith.constant 0 : i32
      %dma_wait3A_508 = tpu.memref_slice %arg9[%dma_wait3A_506, %dma_wait3A_507] : memref<8192x128xf32, #tpu.memory_space<vmem_shared>> -> memref<8192x128xf32, #tpu.memory_space<vmem_shared>>
      tpu.wait_indirect_dma semaphore(%run_scoped3A_488 : memref<!tpu.dma_semaphore, #tpu.memory_space<semaphore_mem>>) src(%dma_wait3A_502 : memref<128x128xf32, #tpu.memory_space<vmem>>) dst(%dma_wait3A_508 : memref<8192x128xf32, #tpu.memory_space<vmem_shared>>)
      tpu.yield
    }) : () -> ()
    %add3A_62 = arith.constant 256 : i32
    %add3A_63 = arith.addi %mul3A_0, %add3A_62 : i32
    %dma_start3A_64 = arith.constant 0 : i32
    %dma_start3A_65 = arith.constant 0 : i32
    %dma_start3A_66 = arith.constant 0 : i32
    %dma_start3A_67 = tpu.memref_slice %arg8[%dma_start3A_64, %dma_start3A_65, %dma_start3A_66] : memref<2x128x128xf32, #tpu.memory_space<vmem>> -> memref<1x128x128xf32, #tpu.memory_space<vmem>>
    %dma_start3A_68 = tpu.memref_squeeze %dma_start3A_67 : memref<1x128x128xf32, #tpu.memory_space<vmem>> -> memref<128x128xf32, #tpu.memory_space<vmem>>
    %dma_start3A_69 = tpu.memref_slice %arg2[%add3A_63, %mul3A_24] : memref<8192x1024xf32, #tpu.memory_space<hbm>> -> memref<128x128xf32, #tpu.memory_space<hbm>>
    %dma_start3A_70 = arith.constant 0 : i32
    %dma_start3A_71 = arith.constant 0 : i32
    %dma_start3A_72 = tpu.memref_slice %arg8[%dma_start3A_64, %dma_start3A_70, %dma_start3A_71] : memref<2x128x128xf32, #tpu.memory_space<vmem>> -> memref<1x128x128xf32, #tpu.memory_space<vmem>>
    %dma_start3A_73 = tpu.memref_squeeze %dma_start3A_72 : memref<1x128x128xf32, #tpu.memory_space<vmem>> -> memref<128x128xf32, #tpu.memory_space<vmem>>
    %dma_start3A_74 = tpu.memref_slice %arg2[%add3A_63, %mul3A_24] : memref<8192x1024xf32, #tpu.memory_space<hbm>> -> memref<128x128xf32, #tpu.memory_space<hbm>>
    tpu.enqueue_dma source(%dma_start3A_74 : memref<128x128xf32, #tpu.memory_space<hbm>>) target(%dma_start3A_73 : memref<128x128xf32, #tpu.memory_space<vmem>>) target_semaphore(%arg10 : memref<!tpu.dma_semaphore, #tpu.memory_space<semaphore_mem>>)
    %dma_wait3A_75 = arith.constant 1 : i32
    %dma_wait3A_76 = arith.constant 0 : i32
    %dma_wait3A_77 = arith.constant 0 : i32
    %dma_wait3A_78 = tpu.memref_slice %arg8[%dma_wait3A_75, %dma_wait3A_76, %dma_wait3A_77] : memref<2x128x128xf32, #tpu.memory_space<vmem>> -> memref<1x128x128xf32, #tpu.memory_space<vmem>>
    %dma_wait3A_79 = tpu.memref_squeeze %dma_wait3A_78 : memref<1x128x128xf32, #tpu.memory_space<vmem>> -> memref<128x128xf32, #tpu.memory_space<vmem>>
    %dma_wait3A_80 = tpu.memref_slice %arg2[%add3A_38, %mul3A_24] : memref<8192x1024xf32, #tpu.memory_space<hbm>> -> memref<128x128xf32, #tpu.memory_space<hbm>>
    %dma_wait3A_81 = arith.constant 0 : i32
    %dma_wait3A_82 = arith.constant 0 : i32
    %dma_wait3A_83 = tpu.memref_slice %arg8[%dma_wait3A_75, %dma_wait3A_81, %dma_wait3A_82] : memref<2x128x128xf32, #tpu.memory_space<vmem>> -> memref<1x128x128xf32, #tpu.memory_space<vmem>>
    %dma_wait3A_84 = tpu.memref_squeeze %dma_wait3A_83 : memref<1x128x128xf32, #tpu.memory_space<vmem>> -> memref<128x128xf32, #tpu.memory_space<vmem>>
    %dma_wait3A_85 = tpu.memref_slice %arg2[%add3A_38, %mul3A_24] : memref<8192x1024xf32, #tpu.memory_space<hbm>> -> memref<128x128xf32, #tpu.memory_space<hbm>>
    tpu.wait_dma2 semaphore(%arg11 : memref<!tpu.dma_semaphore, #tpu.memory_space<semaphore_mem>>) src(%dma_wait3A_85 : memref<128x128xf32, #tpu.memory_space<hbm>>) dst(%dma_wait3A_84 : memref<128x128xf32, #tpu.memory_space<vmem>>)
    %run_scoped3A_86 = arith.constant 1 : i32
    %run_scoped3A_87 = arith.constant 1 : i32
    "tpu.region"() ({
      %run_scoped3A_488 = tpu.sem_alloc : memref<!tpu.dma_semaphore, #tpu.memory_space<semaphore_mem>>
      %dma_start3A_489 = arith.constant 0 : i32
      %dma_start3A_490 = arith.constant 0 : i32
      %dma_start3A_491 = tpu.memref_slice %arg8[%run_scoped3A_86, %dma_start3A_489, %dma_start3A_490] : memref<2x128x128xf32, #tpu.memory_space<vmem>> -> memref<1x128x128xf32, #tpu.memory_space<vmem>>
      %dma_start3A_492 = tpu.memref_squeeze %dma_start3A_491 : memref<1x128x128xf32, #tpu.memory_space<vmem>> -> memref<128x128xf32, #tpu.memory_space<vmem>>
      %dma_start3A_493 = arith.constant 0 : i32
      %dma_start3A_494 = tpu.memref_slice %arg7[%run_scoped3A_87, %dma_start3A_493] : memref<4x128xi32, #tpu.memory_space<vmem>> -> memref<1x128xi32, #tpu.memory_space<vmem>>
      %dma_start3A_495 = tpu.memref_squeeze %dma_start3A_494 : memref<1x128xi32, #tpu.memory_space<vmem>> -> memref<128xi32, #tpu.memory_space<vmem>>
      %dma_start3A_496 = arith.constant 0 : i32
      %dma_start3A_497 = arith.constant 0 : i32
      %dma_start3A_498 = tpu.memref_slice %arg9[%dma_start3A_496, %dma_start3A_497] : memref<8192x128xf32, #tpu.memory_space<vmem_shared>> -> memref<8192x128xf32, #tpu.memory_space<vmem_shared>>
      tpu.enqueue_indirect_dma source(%dma_start3A_492 : memref<128x128xf32, #tpu.memory_space<vmem>>) target(%dma_start3A_498 : memref<8192x128xf32, #tpu.memory_space<vmem_shared>>) offsets(%dma_start3A_495 : memref<128xi32, #tpu.memory_space<vmem>>) semaphore(%run_scoped3A_488 : memref<!tpu.dma_semaphore, #tpu.memory_space<semaphore_mem>>) {add = true}
      %dma_wait3A_499 = arith.constant 0 : i32
      %dma_wait3A_500 = arith.constant 0 : i32
      %dma_wait3A_501 = tpu.memref_slice %arg8[%run_scoped3A_86, %dma_wait3A_499, %dma_wait3A_500] : memref<2x128x128xf32, #tpu.memory_space<vmem>> -> memref<1x128x128xf32, #tpu.memory_space<vmem>>
      %dma_wait3A_502 = tpu.memref_squeeze %dma_wait3A_501 : memref<1x128x128xf32, #tpu.memory_space<vmem>> -> memref<128x128xf32, #tpu.memory_space<vmem>>
      %dma_wait3A_503 = arith.constant 0 : i32
      %dma_wait3A_504 = tpu.memref_slice %arg7[%run_scoped3A_87, %dma_wait3A_503] : memref<4x128xi32, #tpu.memory_space<vmem>> -> memref<1x128xi32, #tpu.memory_space<vmem>>
      %dma_wait3A_505 = tpu.memref_squeeze %dma_wait3A_504 : memref<1x128xi32, #tpu.memory_space<vmem>> -> memref<128xi32, #tpu.memory_space<vmem>>
      %dma_wait3A_506 = arith.constant 0 : i32
      %dma_wait3A_507 = arith.constant 0 : i32
      %dma_wait3A_508 = tpu.memref_slice %arg9[%dma_wait3A_506, %dma_wait3A_507] : memref<8192x128xf32, #tpu.memory_space<vmem_shared>> -> memref<8192x128xf32, #tpu.memory_space<vmem_shared>>
      tpu.wait_indirect_dma semaphore(%run_scoped3A_488 : memref<!tpu.dma_semaphore, #tpu.memory_space<semaphore_mem>>) src(%dma_wait3A_502 : memref<128x128xf32, #tpu.memory_space<vmem>>) dst(%dma_wait3A_508 : memref<8192x128xf32, #tpu.memory_space<vmem_shared>>)
      tpu.yield
    }) : () -> ()
    %add3A_88 = arith.constant 384 : i32
    %add3A_89 = arith.addi %mul3A_0, %add3A_88 : i32
    %dma_start3A_90 = arith.constant 1 : i32
    %dma_start3A_91 = arith.constant 0 : i32
    %dma_start3A_92 = arith.constant 0 : i32
    %dma_start3A_93 = tpu.memref_slice %arg8[%dma_start3A_90, %dma_start3A_91, %dma_start3A_92] : memref<2x128x128xf32, #tpu.memory_space<vmem>> -> memref<1x128x128xf32, #tpu.memory_space<vmem>>
    %dma_start3A_94 = tpu.memref_squeeze %dma_start3A_93 : memref<1x128x128xf32, #tpu.memory_space<vmem>> -> memref<128x128xf32, #tpu.memory_space<vmem>>
    %dma_start3A_95 = tpu.memref_slice %arg2[%add3A_89, %mul3A_24] : memref<8192x1024xf32, #tpu.memory_space<hbm>> -> memref<128x128xf32, #tpu.memory_space<hbm>>
    %dma_start3A_96 = arith.constant 0 : i32
    %dma_start3A_97 = arith.constant 0 : i32
    %dma_start3A_98 = tpu.memref_slice %arg8[%dma_start3A_90, %dma_start3A_96, %dma_start3A_97] : memref<2x128x128xf32, #tpu.memory_space<vmem>> -> memref<1x128x128xf32, #tpu.memory_space<vmem>>
    %dma_start3A_99 = tpu.memref_squeeze %dma_start3A_98 : memref<1x128x128xf32, #tpu.memory_space<vmem>> -> memref<128x128xf32, #tpu.memory_space<vmem>>
    %dma_start3A_100 = tpu.memref_slice %arg2[%add3A_89, %mul3A_24] : memref<8192x1024xf32, #tpu.memory_space<hbm>> -> memref<128x128xf32, #tpu.memory_space<hbm>>
    tpu.enqueue_dma source(%dma_start3A_100 : memref<128x128xf32, #tpu.memory_space<hbm>>) target(%dma_start3A_99 : memref<128x128xf32, #tpu.memory_space<vmem>>) target_semaphore(%arg11 : memref<!tpu.dma_semaphore, #tpu.memory_space<semaphore_mem>>)
    %dma_wait3A_101 = arith.constant 0 : i32
    %dma_wait3A_102 = arith.constant 0 : i32
    %dma_wait3A_103 = arith.constant 0 : i32
    %dma_wait3A_104 = tpu.memref_slice %arg8[%dma_wait3A_101, %dma_wait3A_102, %dma_wait3A_103] : memref<2x128x128xf32, #tpu.memory_space<vmem>> -> memref<1x128x128xf32, #tpu.memory_space<vmem>>
    %dma_wait3A_105 = tpu.memref_squeeze %dma_wait3A_104 : memref<1x128x128xf32, #tpu.memory_space<vmem>> -> memref<128x128xf32, #tpu.memory_space<vmem>>
    %dma_wait3A_106 = tpu.memref_slice %arg2[%add3A_63, %mul3A_24] : memref<8192x1024xf32, #tpu.memory_space<hbm>> -> memref<128x128xf32, #tpu.memory_space<hbm>>
    %dma_wait3A_107 = arith.constant 0 : i32
    %dma_wait3A_108 = arith.constant 0 : i32
    %dma_wait3A_109 = tpu.memref_slice %arg8[%dma_wait3A_101, %dma_wait3A_107, %dma_wait3A_108] : memref<2x128x128xf32, #tpu.memory_space<vmem>> -> memref<1x128x128xf32, #tpu.memory_space<vmem>>
    %dma_wait3A_110 = tpu.memref_squeeze %dma_wait3A_109 : memref<1x128x128xf32, #tpu.memory_space<vmem>> -> memref<128x128xf32, #tpu.memory_space<vmem>>
    %dma_wait3A_111 = tpu.memref_slice %arg2[%add3A_63, %mul3A_24] : memref<8192x1024xf32, #tpu.memory_space<hbm>> -> memref<128x128xf32, #tpu.memory_space<hbm>>
    tpu.wait_dma2 semaphore(%arg10 : memref<!tpu.dma_semaphore, #tpu.memory_space<semaphore_mem>>) src(%dma_wait3A_111 : memref<128x128xf32, #tpu.memory_space<hbm>>) dst(%dma_wait3A_110 : memref<128x128xf32, #tpu.memory_space<vmem>>)
    %run_scoped3A_112 = arith.constant 0 : i32
    %run_scoped3A_113 = arith.constant 2 : i32
    "tpu.region"() ({
      %run_scoped3A_488 = tpu.sem_alloc : memref<!tpu.dma_semaphore, #tpu.memory_space<semaphore_mem>>
      %dma_start3A_489 = arith.constant 0 : i32
      %dma_start3A_490 = arith.constant 0 : i32
      %dma_start3A_491 = tpu.memref_slice %arg8[%run_scoped3A_112, %dma_start3A_489, %dma_start3A_490] : memref<2x128x128xf32, #tpu.memory_space<vmem>> -> memref<1x128x128xf32, #tpu.memory_space<vmem>>
      %dma_start3A_492 = tpu.memref_squeeze %dma_start3A_491 : memref<1x128x128xf32, #tpu.memory_space<vmem>> -> memref<128x128xf32, #tpu.memory_space<vmem>>
      %dma_start3A_493 = arith.constant 0 : i32
      %dma_start3A_494 = tpu.memref_slice %arg7[%run_scoped3A_113, %dma_start3A_493] : memref<4x128xi32, #tpu.memory_space<vmem>> -> memref<1x128xi32, #tpu.memory_space<vmem>>
      %dma_start3A_495 = tpu.memref_squeeze %dma_start3A_494 : memref<1x128xi32, #tpu.memory_space<vmem>> -> memref<128xi32, #tpu.memory_space<vmem>>
      %dma_start3A_496 = arith.constant 0 : i32
      %dma_start3A_497 = arith.constant 0 : i32
      %dma_start3A_498 = tpu.memref_slice %arg9[%dma_start3A_496, %dma_start3A_497] : memref<8192x128xf32, #tpu.memory_space<vmem_shared>> -> memref<8192x128xf32, #tpu.memory_space<vmem_shared>>
      tpu.enqueue_indirect_dma source(%dma_start3A_492 : memref<128x128xf32, #tpu.memory_space<vmem>>) target(%dma_start3A_498 : memref<8192x128xf32, #tpu.memory_space<vmem_shared>>) offsets(%dma_start3A_495 : memref<128xi32, #tpu.memory_space<vmem>>) semaphore(%run_scoped3A_488 : memref<!tpu.dma_semaphore, #tpu.memory_space<semaphore_mem>>) {add = true}
      %dma_wait3A_499 = arith.constant 0 : i32
      %dma_wait3A_500 = arith.constant 0 : i32
      %dma_wait3A_501 = tpu.memref_slice %arg8[%run_scoped3A_112, %dma_wait3A_499, %dma_wait3A_500] : memref<2x128x128xf32, #tpu.memory_space<vmem>> -> memref<1x128x128xf32, #tpu.memory_space<vmem>>
      %dma_wait3A_502 = tpu.memref_squeeze %dma_wait3A_501 : memref<1x128x128xf32, #tpu.memory_space<vmem>> -> memref<128x128xf32, #tpu.memory_space<vmem>>
      %dma_wait3A_503 = arith.constant 0 : i32
      %dma_wait3A_504 = tpu.memref_slice %arg7[%run_scoped3A_113, %dma_wait3A_503] : memref<4x128xi32, #tpu.memory_space<vmem>> -> memref<1x128xi32, #tpu.memory_space<vmem>>
      %dma_wait3A_505 = tpu.memref_squeeze %dma_wait3A_504 : memref<1x128xi32, #tpu.memory_space<vmem>> -> memref<128xi32, #tpu.memory_space<vmem>>
      %dma_wait3A_506 = arith.constant 0 : i32
      %dma_wait3A_507 = arith.constant 0 : i32
      %dma_wait3A_508 = tpu.memref_slice %arg9[%dma_wait3A_506, %dma_wait3A_507] : memref<8192x128xf32, #tpu.memory_space<vmem_shared>> -> memref<8192x128xf32, #tpu.memory_space<vmem_shared>>
      tpu.wait_indirect_dma semaphore(%run_scoped3A_488 : memref<!tpu.dma_semaphore, #tpu.memory_space<semaphore_mem>>) src(%dma_wait3A_502 : memref<128x128xf32, #tpu.memory_space<vmem>>) dst(%dma_wait3A_508 : memref<8192x128xf32, #tpu.memory_space<vmem_shared>>)
      tpu.yield
    }) : () -> ()
    %dma_wait3A_114 = arith.constant 1 : i32
    %dma_wait3A_115 = arith.constant 0 : i32
    %dma_wait3A_116 = arith.constant 0 : i32
    %dma_wait3A_117 = tpu.memref_slice %arg8[%dma_wait3A_114, %dma_wait3A_115, %dma_wait3A_116] : memref<2x128x128xf32, #tpu.memory_space<vmem>> -> memref<1x128x128xf32, #tpu.memory_space<vmem>>
    %dma_wait3A_118 = tpu.memref_squeeze %dma_wait3A_117 : memref<1x128x128xf32, #tpu.memory_space<vmem>> -> memref<128x128xf32, #tpu.memory_space<vmem>>
    %dma_wait3A_119 = tpu.memref_slice %arg2[%add3A_89, %mul3A_24] : memref<8192x1024xf32, #tpu.memory_space<hbm>> -> memref<128x128xf32, #tpu.memory_space<hbm>>
    %dma_wait3A_120 = arith.constant 0 : i32
    %dma_wait3A_121 = arith.constant 0 : i32
    %dma_wait3A_122 = tpu.memref_slice %arg8[%dma_wait3A_114, %dma_wait3A_120, %dma_wait3A_121] : memref<2x128x128xf32, #tpu.memory_space<vmem>> -> memref<1x128x128xf32, #tpu.memory_space<vmem>>
    %dma_wait3A_123 = tpu.memref_squeeze %dma_wait3A_122 : memref<1x128x128xf32, #tpu.memory_space<vmem>> -> memref<128x128xf32, #tpu.memory_space<vmem>>
    %dma_wait3A_124 = tpu.memref_slice %arg2[%add3A_89, %mul3A_24] : memref<8192x1024xf32, #tpu.memory_space<hbm>> -> memref<128x128xf32, #tpu.memory_space<hbm>>
    tpu.wait_dma2 semaphore(%arg11 : memref<!tpu.dma_semaphore, #tpu.memory_space<semaphore_mem>>) src(%dma_wait3A_124 : memref<128x128xf32, #tpu.memory_space<hbm>>) dst(%dma_wait3A_123 : memref<128x128xf32, #tpu.memory_space<vmem>>)
    %run_scoped3A_125 = arith.constant 1 : i32
    %run_scoped3A_126 = arith.constant 3 : i32
    "tpu.region"() ({
      %run_scoped3A_488 = tpu.sem_alloc : memref<!tpu.dma_semaphore, #tpu.memory_space<semaphore_mem>>
      %dma_start3A_489 = arith.constant 0 : i32
      %dma_start3A_490 = arith.constant 0 : i32
      %dma_start3A_491 = tpu.memref_slice %arg8[%run_scoped3A_125, %dma_start3A_489, %dma_start3A_490] : memref<2x128x128xf32, #tpu.memory_space<vmem>> -> memref<1x128x128xf32, #tpu.memory_space<vmem>>
      %dma_start3A_492 = tpu.memref_squeeze %dma_start3A_491 : memref<1x128x128xf32, #tpu.memory_space<vmem>> -> memref<128x128xf32, #tpu.memory_space<vmem>>
      %dma_start3A_493 = arith.constant 0 : i32
      %dma_start3A_494 = tpu.memref_slice %arg7[%run_scoped3A_126, %dma_start3A_493] : memref<4x128xi32, #tpu.memory_space<vmem>> -> memref<1x128xi32, #tpu.memory_space<vmem>>
      %dma_start3A_495 = tpu.memref_squeeze %dma_start3A_494 : memref<1x128xi32, #tpu.memory_space<vmem>> -> memref<128xi32, #tpu.memory_space<vmem>>
      %dma_start3A_496 = arith.constant 0 : i32
      %dma_start3A_497 = arith.constant 0 : i32
      %dma_start3A_498 = tpu.memref_slice %arg9[%dma_start3A_496, %dma_start3A_497] : memref<8192x128xf32, #tpu.memory_space<vmem_shared>> -> memref<8192x128xf32, #tpu.memory_space<vmem_shared>>
      tpu.enqueue_indirect_dma source(%dma_start3A_492 : memref<128x128xf32, #tpu.memory_space<vmem>>) target(%dma_start3A_498 : memref<8192x128xf32, #tpu.memory_space<vmem_shared>>) offsets(%dma_start3A_495 : memref<128xi32, #tpu.memory_space<vmem>>) semaphore(%run_scoped3A_488 : memref<!tpu.dma_semaphore, #tpu.memory_space<semaphore_mem>>) {add = true}
      %dma_wait3A_499 = arith.constant 0 : i32
      %dma_wait3A_500 = arith.constant 0 : i32
      %dma_wait3A_501 = tpu.memref_slice %arg8[%run_scoped3A_125, %dma_wait3A_499, %dma_wait3A_500] : memref<2x128x128xf32, #tpu.memory_space<vmem>> -> memref<1x128x128xf32, #tpu.memory_space<vmem>>
      %dma_wait3A_502 = tpu.memref_squeeze %dma_wait3A_501 : memref<1x128x128xf32, #tpu.memory_space<vmem>> -> memref<128x128xf32, #tpu.memory_space<vmem>>
      %dma_wait3A_503 = arith.constant 0 : i32
      %dma_wait3A_504 = tpu.memref_slice %arg7[%run_scoped3A_126, %dma_wait3A_503] : memref<4x128xi32, #tpu.memory_space<vmem>> -> memref<1x128xi32, #tpu.memory_space<vmem>>
      %dma_wait3A_505 = tpu.memref_squeeze %dma_wait3A_504 : memref<1x128xi32, #tpu.memory_space<vmem>> -> memref<128xi32, #tpu.memory_space<vmem>>
      %dma_wait3A_506 = arith.constant 0 : i32
      %dma_wait3A_507 = arith.constant 0 : i32
      %dma_wait3A_508 = tpu.memref_slice %arg9[%dma_wait3A_506, %dma_wait3A_507] : memref<8192x128xf32, #tpu.memory_space<vmem_shared>> -> memref<8192x128xf32, #tpu.memory_space<vmem_shared>>
      tpu.wait_indirect_dma semaphore(%run_scoped3A_488 : memref<!tpu.dma_semaphore, #tpu.memory_space<semaphore_mem>>) src(%dma_wait3A_502 : memref<128x128xf32, #tpu.memory_space<vmem>>) dst(%dma_wait3A_508 : memref<8192x128xf32, #tpu.memory_space<vmem_shared>>)
      tpu.yield
    }) : () -> ()
    %barrier3A_127 = arith.constant 0 : index
    tpu.barrier barrier_id(%barrier3A_127)
    "tpu.region"() ({
      %run_scoped3A_488 = tpu.sem_alloc : memref<!tpu.dma_semaphore, #tpu.memory_space<semaphore_mem>>
      %dma_start3A_489 = tpu.memref_slice %arg5[%mul3A_0, %mul3A_24] : memref<8192x1024xf32, #tpu.memory_space<hbm>> -> memref<512x128xf32, #tpu.memory_space<hbm>>
      %dma_start3A_490 = arith.constant 0 : i32
      %dma_start3A_491 = tpu.memref_slice %arg9[%mul3A_0, %dma_start3A_490] : memref<8192x128xf32, #tpu.memory_space<vmem_shared>> -> memref<512x128xf32, #tpu.memory_space<vmem_shared>>
      tpu.enqueue_dma source(%dma_start3A_491 : memref<512x128xf32, #tpu.memory_space<vmem_shared>>) target(%dma_start3A_489 : memref<512x128xf32, #tpu.memory_space<hbm>>) target_semaphore(%run_scoped3A_488 : memref<!tpu.dma_semaphore, #tpu.memory_space<semaphore_mem>>)
      %dma_wait3A_492 = tpu.memref_slice %arg5[%mul3A_0, %mul3A_24] : memref<8192x1024xf32, #tpu.memory_space<hbm>> -> memref<512x128xf32, #tpu.memory_space<hbm>>
      %dma_wait3A_493 = arith.constant 0 : i32
      %dma_wait3A_494 = tpu.memref_slice %arg9[%mul3A_0, %dma_wait3A_493] : memref<8192x128xf32, #tpu.memory_space<vmem_shared>> -> memref<512x128xf32, #tpu.memory_space<vmem_shared>>
      tpu.wait_dma2 semaphore(%run_scoped3A_488 : memref<!tpu.dma_semaphore, #tpu.memory_space<semaphore_mem>>) src(%dma_wait3A_494 : memref<512x128xf32, #tpu.memory_space<vmem_shared>>) dst(%dma_wait3A_492 : memref<512x128xf32, #tpu.memory_space<hbm>>)
      tpu.yield
    }) : () -> ()
    %add3A_128 = arith.constant 0 : i32
    %add3A_129 = arith.addi %mul3A_0, %add3A_128 : i32
    "tpu.region"() ({
      %run_scoped3A_488 = tpu.sem_alloc : memref<!tpu.dma_semaphore, #tpu.memory_space<semaphore_mem>>
      %dma_start3A_489 = arith.constant 0 : i32
      %dma_start3A_490 = tpu.memref_slice %arg9[%add3A_129, %dma_start3A_489] : memref<8192x128xf32, #tpu.memory_space<vmem_shared>> -> memref<128x128xf32, #tpu.memory_space<vmem_shared>>
      %dma_start3A_491 = arith.constant 0 : i32
      %dma_start3A_492 = tpu.memref_slice %arg9[%add3A_129, %dma_start3A_491] : memref<8192x128xf32, #tpu.memory_space<vmem_shared>> -> memref<128x128xf32, #tpu.memory_space<vmem_shared>>
      tpu.enqueue_dma source(%arg6 : memref<128x128xf32, #tpu.memory_space<vmem>>) target(%dma_start3A_492 : memref<128x128xf32, #tpu.memory_space<vmem_shared>>) target_semaphore(%run_scoped3A_488 : memref<!tpu.dma_semaphore, #tpu.memory_space<semaphore_mem>>)
      %dma_wait3A_493 = arith.constant 0 : i32
      %dma_wait3A_494 = tpu.memref_slice %arg9[%add3A_129, %dma_wait3A_493] : memref<8192x128xf32, #tpu.memory_space<vmem_shared>> -> memref<128x128xf32, #tpu.memory_space<vmem_shared>>
      %dma_wait3A_495 = arith.constant 0 : i32
      %dma_wait3A_496 = tpu.memref_slice %arg9[%add3A_129, %dma_wait3A_495] : memref<8192x128xf32, #tpu.memory_space<vmem_shared>> -> memref<128x128xf32, #tpu.memory_space<vmem_shared>>
      tpu.wait_dma2 semaphore(%run_scoped3A_488 : memref<!tpu.dma_semaphore, #tpu.memory_space<semaphore_mem>>) src(%arg6 : memref<128x128xf32, #tpu.memory_space<vmem>>) dst(%dma_wait3A_496 : memref<128x128xf32, #tpu.memory_space<vmem_shared>>)
      tpu.yield
    }) : () -> ()
    %add3A_130 = arith.constant 128 : i32
    %add3A_131 = arith.addi %mul3A_0, %add3A_130 : i32
    "tpu.region"() ({
      %run_scoped3A_488 = tpu.sem_alloc : memref<!tpu.dma_semaphore, #tpu.memory_space<semaphore_mem>>
      %dma_start3A_489 = arith.constant 0 : i32
      %dma_start3A_490 = tpu.memref_slice %arg9[%add3A_131, %dma_start3A_489] : memref<8192x128xf32, #tpu.memory_space<vmem_shared>> -> memref<128x128xf32, #tpu.memory_space<vmem_shared>>
      %dma_start3A_491 = arith.constant 0 : i32
      %dma_start3A_492 = tpu.memref_slice %arg9[%add3A_131, %dma_start3A_491] : memref<8192x128xf32, #tpu.memory_space<vmem_shared>> -> memref<128x128xf32, #tpu.memory_space<vmem_shared>>
      tpu.enqueue_dma source(%arg6 : memref<128x128xf32, #tpu.memory_space<vmem>>) target(%dma_start3A_492 : memref<128x128xf32, #tpu.memory_space<vmem_shared>>) target_semaphore(%run_scoped3A_488 : memref<!tpu.dma_semaphore, #tpu.memory_space<semaphore_mem>>)
      %dma_wait3A_493 = arith.constant 0 : i32
      %dma_wait3A_494 = tpu.memref_slice %arg9[%add3A_131, %dma_wait3A_493] : memref<8192x128xf32, #tpu.memory_space<vmem_shared>> -> memref<128x128xf32, #tpu.memory_space<vmem_shared>>
      %dma_wait3A_495 = arith.constant 0 : i32
      %dma_wait3A_496 = tpu.memref_slice %arg9[%add3A_131, %dma_wait3A_495] : memref<8192x128xf32, #tpu.memory_space<vmem_shared>> -> memref<128x128xf32, #tpu.memory_space<vmem_shared>>
      tpu.wait_dma2 semaphore(%run_scoped3A_488 : memref<!tpu.dma_semaphore, #tpu.memory_space<semaphore_mem>>) src(%arg6 : memref<128x128xf32, #tpu.memory_space<vmem>>) dst(%dma_wait3A_496 : memref<128x128xf32, #tpu.memory_space<vmem_shared>>)
      tpu.yield
    }) : () -> ()
    %add3A_132 = arith.constant 256 : i32
    %add3A_133 = arith.addi %mul3A_0, %add3A_132 : i32
    "tpu.region"() ({
      %run_scoped3A_488 = tpu.sem_alloc : memref<!tpu.dma_semaphore, #tpu.memory_space<semaphore_mem>>
      %dma_start3A_489 = arith.constant 0 : i32
      %dma_start3A_490 = tpu.memref_slice %arg9[%add3A_133, %dma_start3A_489] : memref<8192x128xf32, #tpu.memory_space<vmem_shared>> -> memref<128x128xf32, #tpu.memory_space<vmem_shared>>
      %dma_start3A_491 = arith.constant 0 : i32
      %dma_start3A_492 = tpu.memref_slice %arg9[%add3A_133, %dma_start3A_491] : memref<8192x128xf32, #tpu.memory_space<vmem_shared>> -> memref<128x128xf32, #tpu.memory_space<vmem_shared>>
      tpu.enqueue_dma source(%arg6 : memref<128x128xf32, #tpu.memory_space<vmem>>) target(%dma_start3A_492 : memref<128x128xf32, #tpu.memory_space<vmem_shared>>) target_semaphore(%run_scoped3A_488 : memref<!tpu.dma_semaphore, #tpu.memory_space<semaphore_mem>>)
      %dma_wait3A_493 = arith.constant 0 : i32
      %dma_wait3A_494 = tpu.memref_slice %arg9[%add3A_133, %dma_wait3A_493] : memref<8192x128xf32, #tpu.memory_space<vmem_shared>> -> memref<128x128xf32, #tpu.memory_space<vmem_shared>>
      %dma_wait3A_495 = arith.constant 0 : i32
      %dma_wait3A_496 = tpu.memref_slice %arg9[%add3A_133, %dma_wait3A_495] : memref<8192x128xf32, #tpu.memory_space<vmem_shared>> -> memref<128x128xf32, #tpu.memory_space<vmem_shared>>
      tpu.wait_dma2 semaphore(%run_scoped3A_488 : memref<!tpu.dma_semaphore, #tpu.memory_space<semaphore_mem>>) src(%arg6 : memref<128x128xf32, #tpu.memory_space<vmem>>) dst(%dma_wait3A_496 : memref<128x128xf32, #tpu.memory_space<vmem_shared>>)
      tpu.yield
    }) : () -> ()
    %add3A_134 = arith.constant 384 : i32
    %add3A_135 = arith.addi %mul3A_0, %add3A_134 : i32
    "tpu.region"() ({
      %run_scoped3A_488 = tpu.sem_alloc : memref<!tpu.dma_semaphore, #tpu.memory_space<semaphore_mem>>
      %dma_start3A_489 = arith.constant 0 : i32
      %dma_start3A_490 = tpu.memref_slice %arg9[%add3A_135, %dma_start3A_489] : memref<8192x128xf32, #tpu.memory_space<vmem_shared>> -> memref<128x128xf32, #tpu.memory_space<vmem_shared>>
      %dma_start3A_491 = arith.constant 0 : i32
      %dma_start3A_492 = tpu.memref_slice %arg9[%add3A_135, %dma_start3A_491] : memref<8192x128xf32, #tpu.memory_space<vmem_shared>> -> memref<128x128xf32, #tpu.memory_space<vmem_shared>>
      tpu.enqueue_dma source(%arg6 : memref<128x128xf32, #tpu.memory_space<vmem>>) target(%dma_start3A_492 : memref<128x128xf32, #tpu.memory_space<vmem_shared>>) target_semaphore(%run_scoped3A_488 : memref<!tpu.dma_semaphore, #tpu.memory_space<semaphore_mem>>)
      %dma_wait3A_493 = arith.constant 0 : i32
      %dma_wait3A_494 = tpu.memref_slice %arg9[%add3A_135, %dma_wait3A_493] : memref<8192x128xf32, #tpu.memory_space<vmem_shared>> -> memref<128x128xf32, #tpu.memory_space<vmem_shared>>
      %dma_wait3A_495 = arith.constant 0 : i32
      %dma_wait3A_496 = tpu.memref_slice %arg9[%add3A_135, %dma_wait3A_495] : memref<8192x128xf32, #tpu.memory_space<vmem_shared>> -> memref<128x128xf32, #tpu.memory_space<vmem_shared>>
      tpu.wait_dma2 semaphore(%run_scoped3A_488 : memref<!tpu.dma_semaphore, #tpu.memory_space<semaphore_mem>>) src(%arg6 : memref<128x128xf32, #tpu.memory_space<vmem>>) dst(%dma_wait3A_496 : memref<128x128xf32, #tpu.memory_space<vmem_shared>>)
      tpu.yield
    }) : () -> ()
    %barrier3A_136 = arith.constant 0 : index
    tpu.barrier barrier_id(%barrier3A_136)
    %mul3A_137 = arith.constant 4 : i32
    %mul3A_138 = arith.muli %arg0, %mul3A_137 : i32
    %add3A_139 = arith.constant 1 : i32
    %add3A_140 = arith.addi %mul3A_138, %add3A_139 : i32
    %mul3A_141 = arith.constant 128 : i32
    %mul3A_142 = arith.muli %add3A_140, %mul3A_141 : i32
    %add3A_143 = arith.constant 0 : i32
    %add3A_144 = arith.addi %mul3A_0, %add3A_143 : i32
    %dma_start3A_145 = arith.constant 0 : i32
    %dma_start3A_146 = arith.constant 0 : i32
    %dma_start3A_147 = arith.constant 0 : i32
    %dma_start3A_148 = tpu.memref_slice %arg8[%dma_start3A_145, %dma_start3A_146, %dma_start3A_147] : memref<2x128x128xf32, #tpu.memory_space<vmem>> -> memref<1x128x128xf32, #tpu.memory_space<vmem>>
    %dma_start3A_149 = tpu.memref_squeeze %dma_start3A_148 : memref<1x128x128xf32, #tpu.memory_space<vmem>> -> memref<128x128xf32, #tpu.memory_space<vmem>>
    %dma_start3A_150 = tpu.memref_slice %arg2[%add3A_144, %mul3A_142] : memref<8192x1024xf32, #tpu.memory_space<hbm>> -> memref<128x128xf32, #tpu.memory_space<hbm>>
    %dma_start3A_151 = arith.constant 0 : i32
    %dma_start3A_152 = arith.constant 0 : i32
    %dma_start3A_153 = tpu.memref_slice %arg8[%dma_start3A_145, %dma_start3A_151, %dma_start3A_152] : memref<2x128x128xf32, #tpu.memory_space<vmem>> -> memref<1x128x128xf32, #tpu.memory_space<vmem>>
    %dma_start3A_154 = tpu.memref_squeeze %dma_start3A_153 : memref<1x128x128xf32, #tpu.memory_space<vmem>> -> memref<128x128xf32, #tpu.memory_space<vmem>>
    %dma_start3A_155 = tpu.memref_slice %arg2[%add3A_144, %mul3A_142] : memref<8192x1024xf32, #tpu.memory_space<hbm>> -> memref<128x128xf32, #tpu.memory_space<hbm>>
    tpu.enqueue_dma source(%dma_start3A_155 : memref<128x128xf32, #tpu.memory_space<hbm>>) target(%dma_start3A_154 : memref<128x128xf32, #tpu.memory_space<vmem>>) target_semaphore(%arg10 : memref<!tpu.dma_semaphore, #tpu.memory_space<semaphore_mem>>)
    %add3A_156 = arith.constant 128 : i32
    %add3A_157 = arith.addi %mul3A_0, %add3A_156 : i32
    %dma_start3A_158 = arith.constant 1 : i32
    %dma_start3A_159 = arith.constant 0 : i32
    %dma_start3A_160 = arith.constant 0 : i32
    %dma_start3A_161 = tpu.memref_slice %arg8[%dma_start3A_158, %dma_start3A_159, %dma_start3A_160] : memref<2x128x128xf32, #tpu.memory_space<vmem>> -> memref<1x128x128xf32, #tpu.memory_space<vmem>>
    %dma_start3A_162 = tpu.memref_squeeze %dma_start3A_161 : memref<1x128x128xf32, #tpu.memory_space<vmem>> -> memref<128x128xf32, #tpu.memory_space<vmem>>
    %dma_start3A_163 = tpu.memref_slice %arg2[%add3A_157, %mul3A_142] : memref<8192x1024xf32, #tpu.memory_space<hbm>> -> memref<128x128xf32, #tpu.memory_space<hbm>>
    %dma_start3A_164 = arith.constant 0 : i32
    %dma_start3A_165 = arith.constant 0 : i32
    %dma_start3A_166 = tpu.memref_slice %arg8[%dma_start3A_158, %dma_start3A_164, %dma_start3A_165] : memref<2x128x128xf32, #tpu.memory_space<vmem>> -> memref<1x128x128xf32, #tpu.memory_space<vmem>>
    %dma_start3A_167 = tpu.memref_squeeze %dma_start3A_166 : memref<1x128x128xf32, #tpu.memory_space<vmem>> -> memref<128x128xf32, #tpu.memory_space<vmem>>
    %dma_start3A_168 = tpu.memref_slice %arg2[%add3A_157, %mul3A_142] : memref<8192x1024xf32, #tpu.memory_space<hbm>> -> memref<128x128xf32, #tpu.memory_space<hbm>>
    tpu.enqueue_dma source(%dma_start3A_168 : memref<128x128xf32, #tpu.memory_space<hbm>>) target(%dma_start3A_167 : memref<128x128xf32, #tpu.memory_space<vmem>>) target_semaphore(%arg11 : memref<!tpu.dma_semaphore, #tpu.memory_space<semaphore_mem>>)
    %dma_wait3A_169 = arith.constant 0 : i32
    %dma_wait3A_170 = arith.constant 0 : i32
    %dma_wait3A_171 = arith.constant 0 : i32
    %dma_wait3A_172 = tpu.memref_slice %arg8[%dma_wait3A_169, %dma_wait3A_170, %dma_wait3A_171] : memref<2x128x128xf32, #tpu.memory_space<vmem>> -> memref<1x128x128xf32, #tpu.memory_space<vmem>>
    %dma_wait3A_173 = tpu.memref_squeeze %dma_wait3A_172 : memref<1x128x128xf32, #tpu.memory_space<vmem>> -> memref<128x128xf32, #tpu.memory_space<vmem>>
    %dma_wait3A_174 = tpu.memref_slice %arg2[%add3A_144, %mul3A_142] : memref<8192x1024xf32, #tpu.memory_space<hbm>> -> memref<128x128xf32, #tpu.memory_space<hbm>>
    %dma_wait3A_175 = arith.constant 0 : i32
    %dma_wait3A_176 = arith.constant 0 : i32
    %dma_wait3A_177 = tpu.memref_slice %arg8[%dma_wait3A_169, %dma_wait3A_175, %dma_wait3A_176] : memref<2x128x128xf32, #tpu.memory_space<vmem>> -> memref<1x128x128xf32, #tpu.memory_space<vmem>>
    %dma_wait3A_178 = tpu.memref_squeeze %dma_wait3A_177 : memref<1x128x128xf32, #tpu.memory_space<vmem>> -> memref<128x128xf32, #tpu.memory_space<vmem>>
    %dma_wait3A_179 = tpu.memref_slice %arg2[%add3A_144, %mul3A_142] : memref<8192x1024xf32, #tpu.memory_space<hbm>> -> memref<128x128xf32, #tpu.memory_space<hbm>>
    tpu.wait_dma2 semaphore(%arg10 : memref<!tpu.dma_semaphore, #tpu.memory_space<semaphore_mem>>) src(%dma_wait3A_179 : memref<128x128xf32, #tpu.memory_space<hbm>>) dst(%dma_wait3A_178 : memref<128x128xf32, #tpu.memory_space<vmem>>)
    %run_scoped3A_180 = arith.constant 0 : i32
    %run_scoped3A_181 = arith.constant 0 : i32
    "tpu.region"() ({
      %run_scoped3A_488 = tpu.sem_alloc : memref<!tpu.dma_semaphore, #tpu.memory_space<semaphore_mem>>
      %dma_start3A_489 = arith.constant 0 : i32
      %dma_start3A_490 = arith.constant 0 : i32
      %dma_start3A_491 = tpu.memref_slice %arg8[%run_scoped3A_180, %dma_start3A_489, %dma_start3A_490] : memref<2x128x128xf32, #tpu.memory_space<vmem>> -> memref<1x128x128xf32, #tpu.memory_space<vmem>>
      %dma_start3A_492 = tpu.memref_squeeze %dma_start3A_491 : memref<1x128x128xf32, #tpu.memory_space<vmem>> -> memref<128x128xf32, #tpu.memory_space<vmem>>
      %dma_start3A_493 = arith.constant 0 : i32
      %dma_start3A_494 = tpu.memref_slice %arg7[%run_scoped3A_181, %dma_start3A_493] : memref<4x128xi32, #tpu.memory_space<vmem>> -> memref<1x128xi32, #tpu.memory_space<vmem>>
      %dma_start3A_495 = tpu.memref_squeeze %dma_start3A_494 : memref<1x128xi32, #tpu.memory_space<vmem>> -> memref<128xi32, #tpu.memory_space<vmem>>
      %dma_start3A_496 = arith.constant 0 : i32
      %dma_start3A_497 = arith.constant 0 : i32
      %dma_start3A_498 = tpu.memref_slice %arg9[%dma_start3A_496, %dma_start3A_497] : memref<8192x128xf32, #tpu.memory_space<vmem_shared>> -> memref<8192x128xf32, #tpu.memory_space<vmem_shared>>
      tpu.enqueue_indirect_dma source(%dma_start3A_492 : memref<128x128xf32, #tpu.memory_space<vmem>>) target(%dma_start3A_498 : memref<8192x128xf32, #tpu.memory_space<vmem_shared>>) offsets(%dma_start3A_495 : memref<128xi32, #tpu.memory_space<vmem>>) semaphore(%run_scoped3A_488 : memref<!tpu.dma_semaphore, #tpu.memory_space<semaphore_mem>>) {add = true}
      %dma_wait3A_499 = arith.constant 0 : i32
      %dma_wait3A_500 = arith.constant 0 : i32
      %dma_wait3A_501 = tpu.memref_slice %arg8[%run_scoped3A_180, %dma_wait3A_499, %dma_wait3A_500] : memref<2x128x128xf32, #tpu.memory_space<vmem>> -> memref<1x128x128xf32, #tpu.memory_space<vmem>>
      %dma_wait3A_502 = tpu.memref_squeeze %dma_wait3A_501 : memref<1x128x128xf32, #tpu.memory_space<vmem>> -> memref<128x128xf32, #tpu.memory_space<vmem>>
      %dma_wait3A_503 = arith.constant 0 : i32
      %dma_wait3A_504 = tpu.memref_slice %arg7[%run_scoped3A_181, %dma_wait3A_503] : memref<4x128xi32, #tpu.memory_space<vmem>> -> memref<1x128xi32, #tpu.memory_space<vmem>>
      %dma_wait3A_505 = tpu.memref_squeeze %dma_wait3A_504 : memref<1x128xi32, #tpu.memory_space<vmem>> -> memref<128xi32, #tpu.memory_space<vmem>>
      %dma_wait3A_506 = arith.constant 0 : i32
      %dma_wait3A_507 = arith.constant 0 : i32
      %dma_wait3A_508 = tpu.memref_slice %arg9[%dma_wait3A_506, %dma_wait3A_507] : memref<8192x128xf32, #tpu.memory_space<vmem_shared>> -> memref<8192x128xf32, #tpu.memory_space<vmem_shared>>
      tpu.wait_indirect_dma semaphore(%run_scoped3A_488 : memref<!tpu.dma_semaphore, #tpu.memory_space<semaphore_mem>>) src(%dma_wait3A_502 : memref<128x128xf32, #tpu.memory_space<vmem>>) dst(%dma_wait3A_508 : memref<8192x128xf32, #tpu.memory_space<vmem_shared>>)
      tpu.yield
    }) : () -> ()
    %add3A_182 = arith.constant 256 : i32
    %add3A_183 = arith.addi %mul3A_0, %add3A_182 : i32
    %dma_start3A_184 = arith.constant 0 : i32
    %dma_start3A_185 = arith.constant 0 : i32
    %dma_start3A_186 = arith.constant 0 : i32
    %dma_start3A_187 = tpu.memref_slice %arg8[%dma_start3A_184, %dma_start3A_185, %dma_start3A_186] : memref<2x128x128xf32, #tpu.memory_space<vmem>> -> memref<1x128x128xf32, #tpu.memory_space<vmem>>
    %dma_start3A_188 = tpu.memref_squeeze %dma_start3A_187 : memref<1x128x128xf32, #tpu.memory_space<vmem>> -> memref<128x128xf32, #tpu.memory_space<vmem>>
    %dma_start3A_189 = tpu.memref_slice %arg2[%add3A_183, %mul3A_142] : memref<8192x1024xf32, #tpu.memory_space<hbm>> -> memref<128x128xf32, #tpu.memory_space<hbm>>
    %dma_start3A_190 = arith.constant 0 : i32
    %dma_start3A_191 = arith.constant 0 : i32
    %dma_start3A_192 = tpu.memref_slice %arg8[%dma_start3A_184, %dma_start3A_190, %dma_start3A_191] : memref<2x128x128xf32, #tpu.memory_space<vmem>> -> memref<1x128x128xf32, #tpu.memory_space<vmem>>
    %dma_start3A_193 = tpu.memref_squeeze %dma_start3A_192 : memref<1x128x128xf32, #tpu.memory_space<vmem>> -> memref<128x128xf32, #tpu.memory_space<vmem>>
    %dma_start3A_194 = tpu.memref_slice %arg2[%add3A_183, %mul3A_142] : memref<8192x1024xf32, #tpu.memory_space<hbm>> -> memref<128x128xf32, #tpu.memory_space<hbm>>
    tpu.enqueue_dma source(%dma_start3A_194 : memref<128x128xf32, #tpu.memory_space<hbm>>) target(%dma_start3A_193 : memref<128x128xf32, #tpu.memory_space<vmem>>) target_semaphore(%arg10 : memref<!tpu.dma_semaphore, #tpu.memory_space<semaphore_mem>>)
    %dma_wait3A_195 = arith.constant 1 : i32
    %dma_wait3A_196 = arith.constant 0 : i32
    %dma_wait3A_197 = arith.constant 0 : i32
    %dma_wait3A_198 = tpu.memref_slice %arg8[%dma_wait3A_195, %dma_wait3A_196, %dma_wait3A_197] : memref<2x128x128xf32, #tpu.memory_space<vmem>> -> memref<1x128x128xf32, #tpu.memory_space<vmem>>
    %dma_wait3A_199 = tpu.memref_squeeze %dma_wait3A_198 : memref<1x128x128xf32, #tpu.memory_space<vmem>> -> memref<128x128xf32, #tpu.memory_space<vmem>>
    %dma_wait3A_200 = tpu.memref_slice %arg2[%add3A_157, %mul3A_142] : memref<8192x1024xf32, #tpu.memory_space<hbm>> -> memref<128x128xf32, #tpu.memory_space<hbm>>
    %dma_wait3A_201 = arith.constant 0 : i32
    %dma_wait3A_202 = arith.constant 0 : i32
    %dma_wait3A_203 = tpu.memref_slice %arg8[%dma_wait3A_195, %dma_wait3A_201, %dma_wait3A_202] : memref<2x128x128xf32, #tpu.memory_space<vmem>> -> memref<1x128x128xf32, #tpu.memory_space<vmem>>
    %dma_wait3A_204 = tpu.memref_squeeze %dma_wait3A_203 : memref<1x128x128xf32, #tpu.memory_space<vmem>> -> memref<128x128xf32, #tpu.memory_space<vmem>>
    %dma_wait3A_205 = tpu.memref_slice %arg2[%add3A_157, %mul3A_142] : memref<8192x1024xf32, #tpu.memory_space<hbm>> -> memref<128x128xf32, #tpu.memory_space<hbm>>
    tpu.wait_dma2 semaphore(%arg11 : memref<!tpu.dma_semaphore, #tpu.memory_space<semaphore_mem>>) src(%dma_wait3A_205 : memref<128x128xf32, #tpu.memory_space<hbm>>) dst(%dma_wait3A_204 : memref<128x128xf32, #tpu.memory_space<vmem>>)
    %run_scoped3A_206 = arith.constant 1 : i32
    %run_scoped3A_207 = arith.constant 1 : i32
    "tpu.region"() ({
      %run_scoped3A_488 = tpu.sem_alloc : memref<!tpu.dma_semaphore, #tpu.memory_space<semaphore_mem>>
      %dma_start3A_489 = arith.constant 0 : i32
      %dma_start3A_490 = arith.constant 0 : i32
      %dma_start3A_491 = tpu.memref_slice %arg8[%run_scoped3A_206, %dma_start3A_489, %dma_start3A_490] : memref<2x128x128xf32, #tpu.memory_space<vmem>> -> memref<1x128x128xf32, #tpu.memory_space<vmem>>
      %dma_start3A_492 = tpu.memref_squeeze %dma_start3A_491 : memref<1x128x128xf32, #tpu.memory_space<vmem>> -> memref<128x128xf32, #tpu.memory_space<vmem>>
      %dma_start3A_493 = arith.constant 0 : i32
      %dma_start3A_494 = tpu.memref_slice %arg7[%run_scoped3A_207, %dma_start3A_493] : memref<4x128xi32, #tpu.memory_space<vmem>> -> memref<1x128xi32, #tpu.memory_space<vmem>>
      %dma_start3A_495 = tpu.memref_squeeze %dma_start3A_494 : memref<1x128xi32, #tpu.memory_space<vmem>> -> memref<128xi32, #tpu.memory_space<vmem>>
      %dma_start3A_496 = arith.constant 0 : i32
      %dma_start3A_497 = arith.constant 0 : i32
      %dma_start3A_498 = tpu.memref_slice %arg9[%dma_start3A_496, %dma_start3A_497] : memref<8192x128xf32, #tpu.memory_space<vmem_shared>> -> memref<8192x128xf32, #tpu.memory_space<vmem_shared>>
      tpu.enqueue_indirect_dma source(%dma_start3A_492 : memref<128x128xf32, #tpu.memory_space<vmem>>) target(%dma_start3A_498 : memref<8192x128xf32, #tpu.memory_space<vmem_shared>>) offsets(%dma_start3A_495 : memref<128xi32, #tpu.memory_space<vmem>>) semaphore(%run_scoped3A_488 : memref<!tpu.dma_semaphore, #tpu.memory_space<semaphore_mem>>) {add = true}
      %dma_wait3A_499 = arith.constant 0 : i32
      %dma_wait3A_500 = arith.constant 0 : i32
      %dma_wait3A_501 = tpu.memref_slice %arg8[%run_scoped3A_206, %dma_wait3A_499, %dma_wait3A_500] : memref<2x128x128xf32, #tpu.memory_space<vmem>> -> memref<1x128x128xf32, #tpu.memory_space<vmem>>
      %dma_wait3A_502 = tpu.memref_squeeze %dma_wait3A_501 : memref<1x128x128xf32, #tpu.memory_space<vmem>> -> memref<128x128xf32, #tpu.memory_space<vmem>>
      %dma_wait3A_503 = arith.constant 0 : i32
      %dma_wait3A_504 = tpu.memref_slice %arg7[%run_scoped3A_207, %dma_wait3A_503] : memref<4x128xi32, #tpu.memory_space<vmem>> -> memref<1x128xi32, #tpu.memory_space<vmem>>
      %dma_wait3A_505 = tpu.memref_squeeze %dma_wait3A_504 : memref<1x128xi32, #tpu.memory_space<vmem>> -> memref<128xi32, #tpu.memory_space<vmem>>
      %dma_wait3A_506 = arith.constant 0 : i32
      %dma_wait3A_507 = arith.constant 0 : i32
      %dma_wait3A_508 = tpu.memref_slice %arg9[%dma_wait3A_506, %dma_wait3A_507] : memref<8192x128xf32, #tpu.memory_space<vmem_shared>> -> memref<8192x128xf32, #tpu.memory_space<vmem_shared>>
      tpu.wait_indirect_dma semaphore(%run_scoped3A_488 : memref<!tpu.dma_semaphore, #tpu.memory_space<semaphore_mem>>) src(%dma_wait3A_502 : memref<128x128xf32, #tpu.memory_space<vmem>>) dst(%dma_wait3A_508 : memref<8192x128xf32, #tpu.memory_space<vmem_shared>>)
      tpu.yield
    }) : () -> ()
    %add3A_208 = arith.constant 384 : i32
    %add3A_209 = arith.addi %mul3A_0, %add3A_208 : i32
    %dma_start3A_210 = arith.constant 1 : i32
    %dma_start3A_211 = arith.constant 0 : i32
    %dma_start3A_212 = arith.constant 0 : i32
    %dma_start3A_213 = tpu.memref_slice %arg8[%dma_start3A_210, %dma_start3A_211, %dma_start3A_212] : memref<2x128x128xf32, #tpu.memory_space<vmem>> -> memref<1x128x128xf32, #tpu.memory_space<vmem>>
    %dma_start3A_214 = tpu.memref_squeeze %dma_start3A_213 : memref<1x128x128xf32, #tpu.memory_space<vmem>> -> memref<128x128xf32, #tpu.memory_space<vmem>>
    %dma_start3A_215 = tpu.memref_slice %arg2[%add3A_209, %mul3A_142] : memref<8192x1024xf32, #tpu.memory_space<hbm>> -> memref<128x128xf32, #tpu.memory_space<hbm>>
    %dma_start3A_216 = arith.constant 0 : i32
    %dma_start3A_217 = arith.constant 0 : i32
    %dma_start3A_218 = tpu.memref_slice %arg8[%dma_start3A_210, %dma_start3A_216, %dma_start3A_217] : memref<2x128x128xf32, #tpu.memory_space<vmem>> -> memref<1x128x128xf32, #tpu.memory_space<vmem>>
    %dma_start3A_219 = tpu.memref_squeeze %dma_start3A_218 : memref<1x128x128xf32, #tpu.memory_space<vmem>> -> memref<128x128xf32, #tpu.memory_space<vmem>>
    %dma_start3A_220 = tpu.memref_slice %arg2[%add3A_209, %mul3A_142] : memref<8192x1024xf32, #tpu.memory_space<hbm>> -> memref<128x128xf32, #tpu.memory_space<hbm>>
    tpu.enqueue_dma source(%dma_start3A_220 : memref<128x128xf32, #tpu.memory_space<hbm>>) target(%dma_start3A_219 : memref<128x128xf32, #tpu.memory_space<vmem>>) target_semaphore(%arg11 : memref<!tpu.dma_semaphore, #tpu.memory_space<semaphore_mem>>)
    %dma_wait3A_221 = arith.constant 0 : i32
    %dma_wait3A_222 = arith.constant 0 : i32
    %dma_wait3A_223 = arith.constant 0 : i32
    %dma_wait3A_224 = tpu.memref_slice %arg8[%dma_wait3A_221, %dma_wait3A_222, %dma_wait3A_223] : memref<2x128x128xf32, #tpu.memory_space<vmem>> -> memref<1x128x128xf32, #tpu.memory_space<vmem>>
    %dma_wait3A_225 = tpu.memref_squeeze %dma_wait3A_224 : memref<1x128x128xf32, #tpu.memory_space<vmem>> -> memref<128x128xf32, #tpu.memory_space<vmem>>
    %dma_wait3A_226 = tpu.memref_slice %arg2[%add3A_183, %mul3A_142] : memref<8192x1024xf32, #tpu.memory_space<hbm>> -> memref<128x128xf32, #tpu.memory_space<hbm>>
    %dma_wait3A_227 = arith.constant 0 : i32
    %dma_wait3A_228 = arith.constant 0 : i32
    %dma_wait3A_229 = tpu.memref_slice %arg8[%dma_wait3A_221, %dma_wait3A_227, %dma_wait3A_228] : memref<2x128x128xf32, #tpu.memory_space<vmem>> -> memref<1x128x128xf32, #tpu.memory_space<vmem>>
    %dma_wait3A_230 = tpu.memref_squeeze %dma_wait3A_229 : memref<1x128x128xf32, #tpu.memory_space<vmem>> -> memref<128x128xf32, #tpu.memory_space<vmem>>
    %dma_wait3A_231 = tpu.memref_slice %arg2[%add3A_183, %mul3A_142] : memref<8192x1024xf32, #tpu.memory_space<hbm>> -> memref<128x128xf32, #tpu.memory_space<hbm>>
    tpu.wait_dma2 semaphore(%arg10 : memref<!tpu.dma_semaphore, #tpu.memory_space<semaphore_mem>>) src(%dma_wait3A_231 : memref<128x128xf32, #tpu.memory_space<hbm>>) dst(%dma_wait3A_230 : memref<128x128xf32, #tpu.memory_space<vmem>>)
    %run_scoped3A_232 = arith.constant 0 : i32
    %run_scoped3A_233 = arith.constant 2 : i32
    "tpu.region"() ({
      %run_scoped3A_488 = tpu.sem_alloc : memref<!tpu.dma_semaphore, #tpu.memory_space<semaphore_mem>>
      %dma_start3A_489 = arith.constant 0 : i32
      %dma_start3A_490 = arith.constant 0 : i32
      %dma_start3A_491 = tpu.memref_slice %arg8[%run_scoped3A_232, %dma_start3A_489, %dma_start3A_490] : memref<2x128x128xf32, #tpu.memory_space<vmem>> -> memref<1x128x128xf32, #tpu.memory_space<vmem>>
      %dma_start3A_492 = tpu.memref_squeeze %dma_start3A_491 : memref<1x128x128xf32, #tpu.memory_space<vmem>> -> memref<128x128xf32, #tpu.memory_space<vmem>>
      %dma_start3A_493 = arith.constant 0 : i32
      %dma_start3A_494 = tpu.memref_slice %arg7[%run_scoped3A_233, %dma_start3A_493] : memref<4x128xi32, #tpu.memory_space<vmem>> -> memref<1x128xi32, #tpu.memory_space<vmem>>
      %dma_start3A_495 = tpu.memref_squeeze %dma_start3A_494 : memref<1x128xi32, #tpu.memory_space<vmem>> -> memref<128xi32, #tpu.memory_space<vmem>>
      %dma_start3A_496 = arith.constant 0 : i32
      %dma_start3A_497 = arith.constant 0 : i32
      %dma_start3A_498 = tpu.memref_slice %arg9[%dma_start3A_496, %dma_start3A_497] : memref<8192x128xf32, #tpu.memory_space<vmem_shared>> -> memref<8192x128xf32, #tpu.memory_space<vmem_shared>>
      tpu.enqueue_indirect_dma source(%dma_start3A_492 : memref<128x128xf32, #tpu.memory_space<vmem>>) target(%dma_start3A_498 : memref<8192x128xf32, #tpu.memory_space<vmem_shared>>) offsets(%dma_start3A_495 : memref<128xi32, #tpu.memory_space<vmem>>) semaphore(%run_scoped3A_488 : memref<!tpu.dma_semaphore, #tpu.memory_space<semaphore_mem>>) {add = true}
      %dma_wait3A_499 = arith.constant 0 : i32
      %dma_wait3A_500 = arith.constant 0 : i32
      %dma_wait3A_501 = tpu.memref_slice %arg8[%run_scoped3A_232, %dma_wait3A_499, %dma_wait3A_500] : memref<2x128x128xf32, #tpu.memory_space<vmem>> -> memref<1x128x128xf32, #tpu.memory_space<vmem>>
      %dma_wait3A_502 = tpu.memref_squeeze %dma_wait3A_501 : memref<1x128x128xf32, #tpu.memory_space<vmem>> -> memref<128x128xf32, #tpu.memory_space<vmem>>
      %dma_wait3A_503 = arith.constant 0 : i32
      %dma_wait3A_504 = tpu.memref_slice %arg7[%run_scoped3A_233, %dma_wait3A_503] : memref<4x128xi32, #tpu.memory_space<vmem>> -> memref<1x128xi32, #tpu.memory_space<vmem>>
      %dma_wait3A_505 = tpu.memref_squeeze %dma_wait3A_504 : memref<1x128xi32, #tpu.memory_space<vmem>> -> memref<128xi32, #tpu.memory_space<vmem>>
      %dma_wait3A_506 = arith.constant 0 : i32
      %dma_wait3A_507 = arith.constant 0 : i32
      %dma_wait3A_508 = tpu.memref_slice %arg9[%dma_wait3A_506, %dma_wait3A_507] : memref<8192x128xf32, #tpu.memory_space<vmem_shared>> -> memref<8192x128xf32, #tpu.memory_space<vmem_shared>>
      tpu.wait_indirect_dma semaphore(%run_scoped3A_488 : memref<!tpu.dma_semaphore, #tpu.memory_space<semaphore_mem>>) src(%dma_wait3A_502 : memref<128x128xf32, #tpu.memory_space<vmem>>) dst(%dma_wait3A_508 : memref<8192x128xf32, #tpu.memory_space<vmem_shared>>)
      tpu.yield
    }) : () -> ()
    %dma_wait3A_234 = arith.constant 1 : i32
    %dma_wait3A_235 = arith.constant 0 : i32
    %dma_wait3A_236 = arith.constant 0 : i32
    %dma_wait3A_237 = tpu.memref_slice %arg8[%dma_wait3A_234, %dma_wait3A_235, %dma_wait3A_236] : memref<2x128x128xf32, #tpu.memory_space<vmem>> -> memref<1x128x128xf32, #tpu.memory_space<vmem>>
    %dma_wait3A_238 = tpu.memref_squeeze %dma_wait3A_237 : memref<1x128x128xf32, #tpu.memory_space<vmem>> -> memref<128x128xf32, #tpu.memory_space<vmem>>
    %dma_wait3A_239 = tpu.memref_slice %arg2[%add3A_209, %mul3A_142] : memref<8192x1024xf32, #tpu.memory_space<hbm>> -> memref<128x128xf32, #tpu.memory_space<hbm>>
    %dma_wait3A_240 = arith.constant 0 : i32
    %dma_wait3A_241 = arith.constant 0 : i32
    %dma_wait3A_242 = tpu.memref_slice %arg8[%dma_wait3A_234, %dma_wait3A_240, %dma_wait3A_241] : memref<2x128x128xf32, #tpu.memory_space<vmem>> -> memref<1x128x128xf32, #tpu.memory_space<vmem>>
    %dma_wait3A_243 = tpu.memref_squeeze %dma_wait3A_242 : memref<1x128x128xf32, #tpu.memory_space<vmem>> -> memref<128x128xf32, #tpu.memory_space<vmem>>
    %dma_wait3A_244 = tpu.memref_slice %arg2[%add3A_209, %mul3A_142] : memref<8192x1024xf32, #tpu.memory_space<hbm>> -> memref<128x128xf32, #tpu.memory_space<hbm>>
    tpu.wait_dma2 semaphore(%arg11 : memref<!tpu.dma_semaphore, #tpu.memory_space<semaphore_mem>>) src(%dma_wait3A_244 : memref<128x128xf32, #tpu.memory_space<hbm>>) dst(%dma_wait3A_243 : memref<128x128xf32, #tpu.memory_space<vmem>>)
    %run_scoped3A_245 = arith.constant 1 : i32
    %run_scoped3A_246 = arith.constant 3 : i32
    "tpu.region"() ({
      %run_scoped3A_488 = tpu.sem_alloc : memref<!tpu.dma_semaphore, #tpu.memory_space<semaphore_mem>>
      %dma_start3A_489 = arith.constant 0 : i32
      %dma_start3A_490 = arith.constant 0 : i32
      %dma_start3A_491 = tpu.memref_slice %arg8[%run_scoped3A_245, %dma_start3A_489, %dma_start3A_490] : memref<2x128x128xf32, #tpu.memory_space<vmem>> -> memref<1x128x128xf32, #tpu.memory_space<vmem>>
      %dma_start3A_492 = tpu.memref_squeeze %dma_start3A_491 : memref<1x128x128xf32, #tpu.memory_space<vmem>> -> memref<128x128xf32, #tpu.memory_space<vmem>>
      %dma_start3A_493 = arith.constant 0 : i32
      %dma_start3A_494 = tpu.memref_slice %arg7[%run_scoped3A_246, %dma_start3A_493] : memref<4x128xi32, #tpu.memory_space<vmem>> -> memref<1x128xi32, #tpu.memory_space<vmem>>
      %dma_start3A_495 = tpu.memref_squeeze %dma_start3A_494 : memref<1x128xi32, #tpu.memory_space<vmem>> -> memref<128xi32, #tpu.memory_space<vmem>>
      %dma_start3A_496 = arith.constant 0 : i32
      %dma_start3A_497 = arith.constant 0 : i32
      %dma_start3A_498 = tpu.memref_slice %arg9[%dma_start3A_496, %dma_start3A_497] : memref<8192x128xf32, #tpu.memory_space<vmem_shared>> -> memref<8192x128xf32, #tpu.memory_space<vmem_shared>>
      tpu.enqueue_indirect_dma source(%dma_start3A_492 : memref<128x128xf32, #tpu.memory_space<vmem>>) target(%dma_start3A_498 : memref<8192x128xf32, #tpu.memory_space<vmem_shared>>) offsets(%dma_start3A_495 : memref<128xi32, #tpu.memory_space<vmem>>) semaphore(%run_scoped3A_488 : memref<!tpu.dma_semaphore, #tpu.memory_space<semaphore_mem>>) {add = true}
      %dma_wait3A_499 = arith.constant 0 : i32
      %dma_wait3A_500 = arith.constant 0 : i32
      %dma_wait3A_501 = tpu.memref_slice %arg8[%run_scoped3A_245, %dma_wait3A_499, %dma_wait3A_500] : memref<2x128x128xf32, #tpu.memory_space<vmem>> -> memref<1x128x128xf32, #tpu.memory_space<vmem>>
      %dma_wait3A_502 = tpu.memref_squeeze %dma_wait3A_501 : memref<1x128x128xf32, #tpu.memory_space<vmem>> -> memref<128x128xf32, #tpu.memory_space<vmem>>
      %dma_wait3A_503 = arith.constant 0 : i32
      %dma_wait3A_504 = tpu.memref_slice %arg7[%run_scoped3A_246, %dma_wait3A_503] : memref<4x128xi32, #tpu.memory_space<vmem>> -> memref<1x128xi32, #tpu.memory_space<vmem>>
      %dma_wait3A_505 = tpu.memref_squeeze %dma_wait3A_504 : memref<1x128xi32, #tpu.memory_space<vmem>> -> memref<128xi32, #tpu.memory_space<vmem>>
      %dma_wait3A_506 = arith.constant 0 : i32
      %dma_wait3A_507 = arith.constant 0 : i32
      %dma_wait3A_508 = tpu.memref_slice %arg9[%dma_wait3A_506, %dma_wait3A_507] : memref<8192x128xf32, #tpu.memory_space<vmem_shared>> -> memref<8192x128xf32, #tpu.memory_space<vmem_shared>>
      tpu.wait_indirect_dma semaphore(%run_scoped3A_488 : memref<!tpu.dma_semaphore, #tpu.memory_space<semaphore_mem>>) src(%dma_wait3A_502 : memref<128x128xf32, #tpu.memory_space<vmem>>) dst(%dma_wait3A_508 : memref<8192x128xf32, #tpu.memory_space<vmem_shared>>)
      tpu.yield
    }) : () -> ()
    %barrier3A_247 = arith.constant 0 : index
    tpu.barrier barrier_id(%barrier3A_247)
    "tpu.region"() ({
      %run_scoped3A_488 = tpu.sem_alloc : memref<!tpu.dma_semaphore, #tpu.memory_space<semaphore_mem>>
      %dma_start3A_489 = tpu.memref_slice %arg5[%mul3A_0, %mul3A_142] : memref<8192x1024xf32, #tpu.memory_space<hbm>> -> memref<512x128xf32, #tpu.memory_space<hbm>>
      %dma_start3A_490 = arith.constant 0 : i32
      %dma_start3A_491 = tpu.memref_slice %arg9[%mul3A_0, %dma_start3A_490] : memref<8192x128xf32, #tpu.memory_space<vmem_shared>> -> memref<512x128xf32, #tpu.memory_space<vmem_shared>>
      tpu.enqueue_dma source(%dma_start3A_491 : memref<512x128xf32, #tpu.memory_space<vmem_shared>>) target(%dma_start3A_489 : memref<512x128xf32, #tpu.memory_space<hbm>>) target_semaphore(%run_scoped3A_488 : memref<!tpu.dma_semaphore, #tpu.memory_space<semaphore_mem>>)
      %dma_wait3A_492 = tpu.memref_slice %arg5[%mul3A_0, %mul3A_142] : memref<8192x1024xf32, #tpu.memory_space<hbm>> -> memref<512x128xf32, #tpu.memory_space<hbm>>
      %dma_wait3A_493 = arith.constant 0 : i32
      %dma_wait3A_494 = tpu.memref_slice %arg9[%mul3A_0, %dma_wait3A_493] : memref<8192x128xf32, #tpu.memory_space<vmem_shared>> -> memref<512x128xf32, #tpu.memory_space<vmem_shared>>
      tpu.wait_dma2 semaphore(%run_scoped3A_488 : memref<!tpu.dma_semaphore, #tpu.memory_space<semaphore_mem>>) src(%dma_wait3A_494 : memref<512x128xf32, #tpu.memory_space<vmem_shared>>) dst(%dma_wait3A_492 : memref<512x128xf32, #tpu.memory_space<hbm>>)
      tpu.yield
    }) : () -> ()
    %add3A_248 = arith.constant 0 : i32
    %add3A_249 = arith.addi %mul3A_0, %add3A_248 : i32
    "tpu.region"() ({
      %run_scoped3A_488 = tpu.sem_alloc : memref<!tpu.dma_semaphore, #tpu.memory_space<semaphore_mem>>
      %dma_start3A_489 = arith.constant 0 : i32
      %dma_start3A_490 = tpu.memref_slice %arg9[%add3A_249, %dma_start3A_489] : memref<8192x128xf32, #tpu.memory_space<vmem_shared>> -> memref<128x128xf32, #tpu.memory_space<vmem_shared>>
      %dma_start3A_491 = arith.constant 0 : i32
      %dma_start3A_492 = tpu.memref_slice %arg9[%add3A_249, %dma_start3A_491] : memref<8192x128xf32, #tpu.memory_space<vmem_shared>> -> memref<128x128xf32, #tpu.memory_space<vmem_shared>>
      tpu.enqueue_dma source(%arg6 : memref<128x128xf32, #tpu.memory_space<vmem>>) target(%dma_start3A_492 : memref<128x128xf32, #tpu.memory_space<vmem_shared>>) target_semaphore(%run_scoped3A_488 : memref<!tpu.dma_semaphore, #tpu.memory_space<semaphore_mem>>)
      %dma_wait3A_493 = arith.constant 0 : i32
      %dma_wait3A_494 = tpu.memref_slice %arg9[%add3A_249, %dma_wait3A_493] : memref<8192x128xf32, #tpu.memory_space<vmem_shared>> -> memref<128x128xf32, #tpu.memory_space<vmem_shared>>
      %dma_wait3A_495 = arith.constant 0 : i32
      %dma_wait3A_496 = tpu.memref_slice %arg9[%add3A_249, %dma_wait3A_495] : memref<8192x128xf32, #tpu.memory_space<vmem_shared>> -> memref<128x128xf32, #tpu.memory_space<vmem_shared>>
      tpu.wait_dma2 semaphore(%run_scoped3A_488 : memref<!tpu.dma_semaphore, #tpu.memory_space<semaphore_mem>>) src(%arg6 : memref<128x128xf32, #tpu.memory_space<vmem>>) dst(%dma_wait3A_496 : memref<128x128xf32, #tpu.memory_space<vmem_shared>>)
      tpu.yield
    }) : () -> ()
    %add3A_250 = arith.constant 128 : i32
    %add3A_251 = arith.addi %mul3A_0, %add3A_250 : i32
    "tpu.region"() ({
      %run_scoped3A_488 = tpu.sem_alloc : memref<!tpu.dma_semaphore, #tpu.memory_space<semaphore_mem>>
      %dma_start3A_489 = arith.constant 0 : i32
      %dma_start3A_490 = tpu.memref_slice %arg9[%add3A_251, %dma_start3A_489] : memref<8192x128xf32, #tpu.memory_space<vmem_shared>> -> memref<128x128xf32, #tpu.memory_space<vmem_shared>>
      %dma_start3A_491 = arith.constant 0 : i32
      %dma_start3A_492 = tpu.memref_slice %arg9[%add3A_251, %dma_start3A_491] : memref<8192x128xf32, #tpu.memory_space<vmem_shared>> -> memref<128x128xf32, #tpu.memory_space<vmem_shared>>
      tpu.enqueue_dma source(%arg6 : memref<128x128xf32, #tpu.memory_space<vmem>>) target(%dma_start3A_492 : memref<128x128xf32, #tpu.memory_space<vmem_shared>>) target_semaphore(%run_scoped3A_488 : memref<!tpu.dma_semaphore, #tpu.memory_space<semaphore_mem>>)
      %dma_wait3A_493 = arith.constant 0 : i32
      %dma_wait3A_494 = tpu.memref_slice %arg9[%add3A_251, %dma_wait3A_493] : memref<8192x128xf32, #tpu.memory_space<vmem_shared>> -> memref<128x128xf32, #tpu.memory_space<vmem_shared>>
      %dma_wait3A_495 = arith.constant 0 : i32
      %dma_wait3A_496 = tpu.memref_slice %arg9[%add3A_251, %dma_wait3A_495] : memref<8192x128xf32, #tpu.memory_space<vmem_shared>> -> memref<128x128xf32, #tpu.memory_space<vmem_shared>>
      tpu.wait_dma2 semaphore(%run_scoped3A_488 : memref<!tpu.dma_semaphore, #tpu.memory_space<semaphore_mem>>) src(%arg6 : memref<128x128xf32, #tpu.memory_space<vmem>>) dst(%dma_wait3A_496 : memref<128x128xf32, #tpu.memory_space<vmem_shared>>)
      tpu.yield
    }) : () -> ()
    %add3A_252 = arith.constant 256 : i32
    %add3A_253 = arith.addi %mul3A_0, %add3A_252 : i32
    "tpu.region"() ({
      %run_scoped3A_488 = tpu.sem_alloc : memref<!tpu.dma_semaphore, #tpu.memory_space<semaphore_mem>>
      %dma_start3A_489 = arith.constant 0 : i32
      %dma_start3A_490 = tpu.memref_slice %arg9[%add3A_253, %dma_start3A_489] : memref<8192x128xf32, #tpu.memory_space<vmem_shared>> -> memref<128x128xf32, #tpu.memory_space<vmem_shared>>
      %dma_start3A_491 = arith.constant 0 : i32
      %dma_start3A_492 = tpu.memref_slice %arg9[%add3A_253, %dma_start3A_491] : memref<8192x128xf32, #tpu.memory_space<vmem_shared>> -> memref<128x128xf32, #tpu.memory_space<vmem_shared>>
      tpu.enqueue_dma source(%arg6 : memref<128x128xf32, #tpu.memory_space<vmem>>) target(%dma_start3A_492 : memref<128x128xf32, #tpu.memory_space<vmem_shared>>) target_semaphore(%run_scoped3A_488 : memref<!tpu.dma_semaphore, #tpu.memory_space<semaphore_mem>>)
      %dma_wait3A_493 = arith.constant 0 : i32
      %dma_wait3A_494 = tpu.memref_slice %arg9[%add3A_253, %dma_wait3A_493] : memref<8192x128xf32, #tpu.memory_space<vmem_shared>> -> memref<128x128xf32, #tpu.memory_space<vmem_shared>>
      %dma_wait3A_495 = arith.constant 0 : i32
      %dma_wait3A_496 = tpu.memref_slice %arg9[%add3A_253, %dma_wait3A_495] : memref<8192x128xf32, #tpu.memory_space<vmem_shared>> -> memref<128x128xf32, #tpu.memory_space<vmem_shared>>
      tpu.wait_dma2 semaphore(%run_scoped3A_488 : memref<!tpu.dma_semaphore, #tpu.memory_space<semaphore_mem>>) src(%arg6 : memref<128x128xf32, #tpu.memory_space<vmem>>) dst(%dma_wait3A_496 : memref<128x128xf32, #tpu.memory_space<vmem_shared>>)
      tpu.yield
    }) : () -> ()
    %add3A_254 = arith.constant 384 : i32
    %add3A_255 = arith.addi %mul3A_0, %add3A_254 : i32
    "tpu.region"() ({
      %run_scoped3A_488 = tpu.sem_alloc : memref<!tpu.dma_semaphore, #tpu.memory_space<semaphore_mem>>
      %dma_start3A_489 = arith.constant 0 : i32
      %dma_start3A_490 = tpu.memref_slice %arg9[%add3A_255, %dma_start3A_489] : memref<8192x128xf32, #tpu.memory_space<vmem_shared>> -> memref<128x128xf32, #tpu.memory_space<vmem_shared>>
      %dma_start3A_491 = arith.constant 0 : i32
      %dma_start3A_492 = tpu.memref_slice %arg9[%add3A_255, %dma_start3A_491] : memref<8192x128xf32, #tpu.memory_space<vmem_shared>> -> memref<128x128xf32, #tpu.memory_space<vmem_shared>>
      tpu.enqueue_dma source(%arg6 : memref<128x128xf32, #tpu.memory_space<vmem>>) target(%dma_start3A_492 : memref<128x128xf32, #tpu.memory_space<vmem_shared>>) target_semaphore(%run_scoped3A_488 : memref<!tpu.dma_semaphore, #tpu.memory_space<semaphore_mem>>)
      %dma_wait3A_493 = arith.constant 0 : i32
      %dma_wait3A_494 = tpu.memref_slice %arg9[%add3A_255, %dma_wait3A_493] : memref<8192x128xf32, #tpu.memory_space<vmem_shared>> -> memref<128x128xf32, #tpu.memory_space<vmem_shared>>
      %dma_wait3A_495 = arith.constant 0 : i32
      %dma_wait3A_496 = tpu.memref_slice %arg9[%add3A_255, %dma_wait3A_495] : memref<8192x128xf32, #tpu.memory_space<vmem_shared>> -> memref<128x128xf32, #tpu.memory_space<vmem_shared>>
      tpu.wait_dma2 semaphore(%run_scoped3A_488 : memref<!tpu.dma_semaphore, #tpu.memory_space<semaphore_mem>>) src(%arg6 : memref<128x128xf32, #tpu.memory_space<vmem>>) dst(%dma_wait3A_496 : memref<128x128xf32, #tpu.memory_space<vmem_shared>>)
      tpu.yield
    }) : () -> ()
    %barrier3A_256 = arith.constant 0 : index
    tpu.barrier barrier_id(%barrier3A_256)
    %mul3A_257 = arith.constant 4 : i32
    %mul3A_258 = arith.muli %arg0, %mul3A_257 : i32
    %add3A_259 = arith.constant 2 : i32
    %add3A_260 = arith.addi %mul3A_258, %add3A_259 : i32
    %mul3A_261 = arith.constant 128 : i32
    %mul3A_262 = arith.muli %add3A_260, %mul3A_261 : i32
    %add3A_263 = arith.constant 0 : i32
    %add3A_264 = arith.addi %mul3A_0, %add3A_263 : i32
    %dma_start3A_265 = arith.constant 0 : i32
    %dma_start3A_266 = arith.constant 0 : i32
    %dma_start3A_267 = arith.constant 0 : i32
    %dma_start3A_268 = tpu.memref_slice %arg8[%dma_start3A_265, %dma_start3A_266, %dma_start3A_267] : memref<2x128x128xf32, #tpu.memory_space<vmem>> -> memref<1x128x128xf32, #tpu.memory_space<vmem>>
    %dma_start3A_269 = tpu.memref_squeeze %dma_start3A_268 : memref<1x128x128xf32, #tpu.memory_space<vmem>> -> memref<128x128xf32, #tpu.memory_space<vmem>>
    %dma_start3A_270 = tpu.memref_slice %arg2[%add3A_264, %mul3A_262] : memref<8192x1024xf32, #tpu.memory_space<hbm>> -> memref<128x128xf32, #tpu.memory_space<hbm>>
    %dma_start3A_271 = arith.constant 0 : i32
    %dma_start3A_272 = arith.constant 0 : i32
    %dma_start3A_273 = tpu.memref_slice %arg8[%dma_start3A_265, %dma_start3A_271, %dma_start3A_272] : memref<2x128x128xf32, #tpu.memory_space<vmem>> -> memref<1x128x128xf32, #tpu.memory_space<vmem>>
    %dma_start3A_274 = tpu.memref_squeeze %dma_start3A_273 : memref<1x128x128xf32, #tpu.memory_space<vmem>> -> memref<128x128xf32, #tpu.memory_space<vmem>>
    %dma_start3A_275 = tpu.memref_slice %arg2[%add3A_264, %mul3A_262] : memref<8192x1024xf32, #tpu.memory_space<hbm>> -> memref<128x128xf32, #tpu.memory_space<hbm>>
    tpu.enqueue_dma source(%dma_start3A_275 : memref<128x128xf32, #tpu.memory_space<hbm>>) target(%dma_start3A_274 : memref<128x128xf32, #tpu.memory_space<vmem>>) target_semaphore(%arg10 : memref<!tpu.dma_semaphore, #tpu.memory_space<semaphore_mem>>)
    %add3A_276 = arith.constant 128 : i32
    %add3A_277 = arith.addi %mul3A_0, %add3A_276 : i32
    %dma_start3A_278 = arith.constant 1 : i32
    %dma_start3A_279 = arith.constant 0 : i32
    %dma_start3A_280 = arith.constant 0 : i32
    %dma_start3A_281 = tpu.memref_slice %arg8[%dma_start3A_278, %dma_start3A_279, %dma_start3A_280] : memref<2x128x128xf32, #tpu.memory_space<vmem>> -> memref<1x128x128xf32, #tpu.memory_space<vmem>>
    %dma_start3A_282 = tpu.memref_squeeze %dma_start3A_281 : memref<1x128x128xf32, #tpu.memory_space<vmem>> -> memref<128x128xf32, #tpu.memory_space<vmem>>
    %dma_start3A_283 = tpu.memref_slice %arg2[%add3A_277, %mul3A_262] : memref<8192x1024xf32, #tpu.memory_space<hbm>> -> memref<128x128xf32, #tpu.memory_space<hbm>>
    %dma_start3A_284 = arith.constant 0 : i32
    %dma_start3A_285 = arith.constant 0 : i32
    %dma_start3A_286 = tpu.memref_slice %arg8[%dma_start3A_278, %dma_start3A_284, %dma_start3A_285] : memref<2x128x128xf32, #tpu.memory_space<vmem>> -> memref<1x128x128xf32, #tpu.memory_space<vmem>>
    %dma_start3A_287 = tpu.memref_squeeze %dma_start3A_286 : memref<1x128x128xf32, #tpu.memory_space<vmem>> -> memref<128x128xf32, #tpu.memory_space<vmem>>
    %dma_start3A_288 = tpu.memref_slice %arg2[%add3A_277, %mul3A_262] : memref<8192x1024xf32, #tpu.memory_space<hbm>> -> memref<128x128xf32, #tpu.memory_space<hbm>>
    tpu.enqueue_dma source(%dma_start3A_288 : memref<128x128xf32, #tpu.memory_space<hbm>>) target(%dma_start3A_287 : memref<128x128xf32, #tpu.memory_space<vmem>>) target_semaphore(%arg11 : memref<!tpu.dma_semaphore, #tpu.memory_space<semaphore_mem>>)
    %dma_wait3A_289 = arith.constant 0 : i32
    %dma_wait3A_290 = arith.constant 0 : i32
    %dma_wait3A_291 = arith.constant 0 : i32
    %dma_wait3A_292 = tpu.memref_slice %arg8[%dma_wait3A_289, %dma_wait3A_290, %dma_wait3A_291] : memref<2x128x128xf32, #tpu.memory_space<vmem>> -> memref<1x128x128xf32, #tpu.memory_space<vmem>>
    %dma_wait3A_293 = tpu.memref_squeeze %dma_wait3A_292 : memref<1x128x128xf32, #tpu.memory_space<vmem>> -> memref<128x128xf32, #tpu.memory_space<vmem>>
    %dma_wait3A_294 = tpu.memref_slice %arg2[%add3A_264, %mul3A_262] : memref<8192x1024xf32, #tpu.memory_space<hbm>> -> memref<128x128xf32, #tpu.memory_space<hbm>>
    %dma_wait3A_295 = arith.constant 0 : i32
    %dma_wait3A_296 = arith.constant 0 : i32
    %dma_wait3A_297 = tpu.memref_slice %arg8[%dma_wait3A_289, %dma_wait3A_295, %dma_wait3A_296] : memref<2x128x128xf32, #tpu.memory_space<vmem>> -> memref<1x128x128xf32, #tpu.memory_space<vmem>>
    %dma_wait3A_298 = tpu.memref_squeeze %dma_wait3A_297 : memref<1x128x128xf32, #tpu.memory_space<vmem>> -> memref<128x128xf32, #tpu.memory_space<vmem>>
    %dma_wait3A_299 = tpu.memref_slice %arg2[%add3A_264, %mul3A_262] : memref<8192x1024xf32, #tpu.memory_space<hbm>> -> memref<128x128xf32, #tpu.memory_space<hbm>>
    tpu.wait_dma2 semaphore(%arg10 : memref<!tpu.dma_semaphore, #tpu.memory_space<semaphore_mem>>) src(%dma_wait3A_299 : memref<128x128xf32, #tpu.memory_space<hbm>>) dst(%dma_wait3A_298 : memref<128x128xf32, #tpu.memory_space<vmem>>)
    %run_scoped3A_300 = arith.constant 0 : i32
    %run_scoped3A_301 = arith.constant 0 : i32
    "tpu.region"() ({
      %run_scoped3A_488 = tpu.sem_alloc : memref<!tpu.dma_semaphore, #tpu.memory_space<semaphore_mem>>
      %dma_start3A_489 = arith.constant 0 : i32
      %dma_start3A_490 = arith.constant 0 : i32
      %dma_start3A_491 = tpu.memref_slice %arg8[%run_scoped3A_300, %dma_start3A_489, %dma_start3A_490] : memref<2x128x128xf32, #tpu.memory_space<vmem>> -> memref<1x128x128xf32, #tpu.memory_space<vmem>>
      %dma_start3A_492 = tpu.memref_squeeze %dma_start3A_491 : memref<1x128x128xf32, #tpu.memory_space<vmem>> -> memref<128x128xf32, #tpu.memory_space<vmem>>
      %dma_start3A_493 = arith.constant 0 : i32
      %dma_start3A_494 = tpu.memref_slice %arg7[%run_scoped3A_301, %dma_start3A_493] : memref<4x128xi32, #tpu.memory_space<vmem>> -> memref<1x128xi32, #tpu.memory_space<vmem>>
      %dma_start3A_495 = tpu.memref_squeeze %dma_start3A_494 : memref<1x128xi32, #tpu.memory_space<vmem>> -> memref<128xi32, #tpu.memory_space<vmem>>
      %dma_start3A_496 = arith.constant 0 : i32
      %dma_start3A_497 = arith.constant 0 : i32
      %dma_start3A_498 = tpu.memref_slice %arg9[%dma_start3A_496, %dma_start3A_497] : memref<8192x128xf32, #tpu.memory_space<vmem_shared>> -> memref<8192x128xf32, #tpu.memory_space<vmem_shared>>
      tpu.enqueue_indirect_dma source(%dma_start3A_492 : memref<128x128xf32, #tpu.memory_space<vmem>>) target(%dma_start3A_498 : memref<8192x128xf32, #tpu.memory_space<vmem_shared>>) offsets(%dma_start3A_495 : memref<128xi32, #tpu.memory_space<vmem>>) semaphore(%run_scoped3A_488 : memref<!tpu.dma_semaphore, #tpu.memory_space<semaphore_mem>>) {add = true}
      %dma_wait3A_499 = arith.constant 0 : i32
      %dma_wait3A_500 = arith.constant 0 : i32
      %dma_wait3A_501 = tpu.memref_slice %arg8[%run_scoped3A_300, %dma_wait3A_499, %dma_wait3A_500] : memref<2x128x128xf32, #tpu.memory_space<vmem>> -> memref<1x128x128xf32, #tpu.memory_space<vmem>>
      %dma_wait3A_502 = tpu.memref_squeeze %dma_wait3A_501 : memref<1x128x128xf32, #tpu.memory_space<vmem>> -> memref<128x128xf32, #tpu.memory_space<vmem>>
      %dma_wait3A_503 = arith.constant 0 : i32
      %dma_wait3A_504 = tpu.memref_slice %arg7[%run_scoped3A_301, %dma_wait3A_503] : memref<4x128xi32, #tpu.memory_space<vmem>> -> memref<1x128xi32, #tpu.memory_space<vmem>>
      %dma_wait3A_505 = tpu.memref_squeeze %dma_wait3A_504 : memref<1x128xi32, #tpu.memory_space<vmem>> -> memref<128xi32, #tpu.memory_space<vmem>>
      %dma_wait3A_506 = arith.constant 0 : i32
      %dma_wait3A_507 = arith.constant 0 : i32
      %dma_wait3A_508 = tpu.memref_slice %arg9[%dma_wait3A_506, %dma_wait3A_507] : memref<8192x128xf32, #tpu.memory_space<vmem_shared>> -> memref<8192x128xf32, #tpu.memory_space<vmem_shared>>
      tpu.wait_indirect_dma semaphore(%run_scoped3A_488 : memref<!tpu.dma_semaphore, #tpu.memory_space<semaphore_mem>>) src(%dma_wait3A_502 : memref<128x128xf32, #tpu.memory_space<vmem>>) dst(%dma_wait3A_508 : memref<8192x128xf32, #tpu.memory_space<vmem_shared>>)
      tpu.yield
    }) : () -> ()
    %add3A_302 = arith.constant 256 : i32
    %add3A_303 = arith.addi %mul3A_0, %add3A_302 : i32
    %dma_start3A_304 = arith.constant 0 : i32
    %dma_start3A_305 = arith.constant 0 : i32
    %dma_start3A_306 = arith.constant 0 : i32
    %dma_start3A_307 = tpu.memref_slice %arg8[%dma_start3A_304, %dma_start3A_305, %dma_start3A_306] : memref<2x128x128xf32, #tpu.memory_space<vmem>> -> memref<1x128x128xf32, #tpu.memory_space<vmem>>
    %dma_start3A_308 = tpu.memref_squeeze %dma_start3A_307 : memref<1x128x128xf32, #tpu.memory_space<vmem>> -> memref<128x128xf32, #tpu.memory_space<vmem>>
    %dma_start3A_309 = tpu.memref_slice %arg2[%add3A_303, %mul3A_262] : memref<8192x1024xf32, #tpu.memory_space<hbm>> -> memref<128x128xf32, #tpu.memory_space<hbm>>
    %dma_start3A_310 = arith.constant 0 : i32
    %dma_start3A_311 = arith.constant 0 : i32
    %dma_start3A_312 = tpu.memref_slice %arg8[%dma_start3A_304, %dma_start3A_310, %dma_start3A_311] : memref<2x128x128xf32, #tpu.memory_space<vmem>> -> memref<1x128x128xf32, #tpu.memory_space<vmem>>
    %dma_start3A_313 = tpu.memref_squeeze %dma_start3A_312 : memref<1x128x128xf32, #tpu.memory_space<vmem>> -> memref<128x128xf32, #tpu.memory_space<vmem>>
    %dma_start3A_314 = tpu.memref_slice %arg2[%add3A_303, %mul3A_262] : memref<8192x1024xf32, #tpu.memory_space<hbm>> -> memref<128x128xf32, #tpu.memory_space<hbm>>
    tpu.enqueue_dma source(%dma_start3A_314 : memref<128x128xf32, #tpu.memory_space<hbm>>) target(%dma_start3A_313 : memref<128x128xf32, #tpu.memory_space<vmem>>) target_semaphore(%arg10 : memref<!tpu.dma_semaphore, #tpu.memory_space<semaphore_mem>>)
    %dma_wait3A_315 = arith.constant 1 : i32
    %dma_wait3A_316 = arith.constant 0 : i32
    %dma_wait3A_317 = arith.constant 0 : i32
    %dma_wait3A_318 = tpu.memref_slice %arg8[%dma_wait3A_315, %dma_wait3A_316, %dma_wait3A_317] : memref<2x128x128xf32, #tpu.memory_space<vmem>> -> memref<1x128x128xf32, #tpu.memory_space<vmem>>
    %dma_wait3A_319 = tpu.memref_squeeze %dma_wait3A_318 : memref<1x128x128xf32, #tpu.memory_space<vmem>> -> memref<128x128xf32, #tpu.memory_space<vmem>>
    %dma_wait3A_320 = tpu.memref_slice %arg2[%add3A_277, %mul3A_262] : memref<8192x1024xf32, #tpu.memory_space<hbm>> -> memref<128x128xf32, #tpu.memory_space<hbm>>
    %dma_wait3A_321 = arith.constant 0 : i32
    %dma_wait3A_322 = arith.constant 0 : i32
    %dma_wait3A_323 = tpu.memref_slice %arg8[%dma_wait3A_315, %dma_wait3A_321, %dma_wait3A_322] : memref<2x128x128xf32, #tpu.memory_space<vmem>> -> memref<1x128x128xf32, #tpu.memory_space<vmem>>
    %dma_wait3A_324 = tpu.memref_squeeze %dma_wait3A_323 : memref<1x128x128xf32, #tpu.memory_space<vmem>> -> memref<128x128xf32, #tpu.memory_space<vmem>>
    %dma_wait3A_325 = tpu.memref_slice %arg2[%add3A_277, %mul3A_262] : memref<8192x1024xf32, #tpu.memory_space<hbm>> -> memref<128x128xf32, #tpu.memory_space<hbm>>
    tpu.wait_dma2 semaphore(%arg11 : memref<!tpu.dma_semaphore, #tpu.memory_space<semaphore_mem>>) src(%dma_wait3A_325 : memref<128x128xf32, #tpu.memory_space<hbm>>) dst(%dma_wait3A_324 : memref<128x128xf32, #tpu.memory_space<vmem>>)
    %run_scoped3A_326 = arith.constant 1 : i32
    %run_scoped3A_327 = arith.constant 1 : i32
    "tpu.region"() ({
      %run_scoped3A_488 = tpu.sem_alloc : memref<!tpu.dma_semaphore, #tpu.memory_space<semaphore_mem>>
      %dma_start3A_489 = arith.constant 0 : i32
      %dma_start3A_490 = arith.constant 0 : i32
      %dma_start3A_491 = tpu.memref_slice %arg8[%run_scoped3A_326, %dma_start3A_489, %dma_start3A_490] : memref<2x128x128xf32, #tpu.memory_space<vmem>> -> memref<1x128x128xf32, #tpu.memory_space<vmem>>
      %dma_start3A_492 = tpu.memref_squeeze %dma_start3A_491 : memref<1x128x128xf32, #tpu.memory_space<vmem>> -> memref<128x128xf32, #tpu.memory_space<vmem>>
      %dma_start3A_493 = arith.constant 0 : i32
      %dma_start3A_494 = tpu.memref_slice %arg7[%run_scoped3A_327, %dma_start3A_493] : memref<4x128xi32, #tpu.memory_space<vmem>> -> memref<1x128xi32, #tpu.memory_space<vmem>>
      %dma_start3A_495 = tpu.memref_squeeze %dma_start3A_494 : memref<1x128xi32, #tpu.memory_space<vmem>> -> memref<128xi32, #tpu.memory_space<vmem>>
      %dma_start3A_496 = arith.constant 0 : i32
      %dma_start3A_497 = arith.constant 0 : i32
      %dma_start3A_498 = tpu.memref_slice %arg9[%dma_start3A_496, %dma_start3A_497] : memref<8192x128xf32, #tpu.memory_space<vmem_shared>> -> memref<8192x128xf32, #tpu.memory_space<vmem_shared>>
      tpu.enqueue_indirect_dma source(%dma_start3A_492 : memref<128x128xf32, #tpu.memory_space<vmem>>) target(%dma_start3A_498 : memref<8192x128xf32, #tpu.memory_space<vmem_shared>>) offsets(%dma_start3A_495 : memref<128xi32, #tpu.memory_space<vmem>>) semaphore(%run_scoped3A_488 : memref<!tpu.dma_semaphore, #tpu.memory_space<semaphore_mem>>) {add = true}
      %dma_wait3A_499 = arith.constant 0 : i32
      %dma_wait3A_500 = arith.constant 0 : i32
      %dma_wait3A_501 = tpu.memref_slice %arg8[%run_scoped3A_326, %dma_wait3A_499, %dma_wait3A_500] : memref<2x128x128xf32, #tpu.memory_space<vmem>> -> memref<1x128x128xf32, #tpu.memory_space<vmem>>
      %dma_wait3A_502 = tpu.memref_squeeze %dma_wait3A_501 : memref<1x128x128xf32, #tpu.memory_space<vmem>> -> memref<128x128xf32, #tpu.memory_space<vmem>>
      %dma_wait3A_503 = arith.constant 0 : i32
      %dma_wait3A_504 = tpu.memref_slice %arg7[%run_scoped3A_327, %dma_wait3A_503] : memref<4x128xi32, #tpu.memory_space<vmem>> -> memref<1x128xi32, #tpu.memory_space<vmem>>
      %dma_wait3A_505 = tpu.memref_squeeze %dma_wait3A_504 : memref<1x128xi32, #tpu.memory_space<vmem>> -> memref<128xi32, #tpu.memory_space<vmem>>
      %dma_wait3A_506 = arith.constant 0 : i32
      %dma_wait3A_507 = arith.constant 0 : i32
      %dma_wait3A_508 = tpu.memref_slice %arg9[%dma_wait3A_506, %dma_wait3A_507] : memref<8192x128xf32, #tpu.memory_space<vmem_shared>> -> memref<8192x128xf32, #tpu.memory_space<vmem_shared>>
      tpu.wait_indirect_dma semaphore(%run_scoped3A_488 : memref<!tpu.dma_semaphore, #tpu.memory_space<semaphore_mem>>) src(%dma_wait3A_502 : memref<128x128xf32, #tpu.memory_space<vmem>>) dst(%dma_wait3A_508 : memref<8192x128xf32, #tpu.memory_space<vmem_shared>>)
      tpu.yield
    }) : () -> ()
    %add3A_328 = arith.constant 384 : i32
    %add3A_329 = arith.addi %mul3A_0, %add3A_328 : i32
    %dma_start3A_330 = arith.constant 1 : i32
    %dma_start3A_331 = arith.constant 0 : i32
    %dma_start3A_332 = arith.constant 0 : i32
    %dma_start3A_333 = tpu.memref_slice %arg8[%dma_start3A_330, %dma_start3A_331, %dma_start3A_332] : memref<2x128x128xf32, #tpu.memory_space<vmem>> -> memref<1x128x128xf32, #tpu.memory_space<vmem>>
    %dma_start3A_334 = tpu.memref_squeeze %dma_start3A_333 : memref<1x128x128xf32, #tpu.memory_space<vmem>> -> memref<128x128xf32, #tpu.memory_space<vmem>>
    %dma_start3A_335 = tpu.memref_slice %arg2[%add3A_329, %mul3A_262] : memref<8192x1024xf32, #tpu.memory_space<hbm>> -> memref<128x128xf32, #tpu.memory_space<hbm>>
    %dma_start3A_336 = arith.constant 0 : i32
    %dma_start3A_337 = arith.constant 0 : i32
    %dma_start3A_338 = tpu.memref_slice %arg8[%dma_start3A_330, %dma_start3A_336, %dma_start3A_337] : memref<2x128x128xf32, #tpu.memory_space<vmem>> -> memref<1x128x128xf32, #tpu.memory_space<vmem>>
    %dma_start3A_339 = tpu.memref_squeeze %dma_start3A_338 : memref<1x128x128xf32, #tpu.memory_space<vmem>> -> memref<128x128xf32, #tpu.memory_space<vmem>>
    %dma_start3A_340 = tpu.memref_slice %arg2[%add3A_329, %mul3A_262] : memref<8192x1024xf32, #tpu.memory_space<hbm>> -> memref<128x128xf32, #tpu.memory_space<hbm>>
    tpu.enqueue_dma source(%dma_start3A_340 : memref<128x128xf32, #tpu.memory_space<hbm>>) target(%dma_start3A_339 : memref<128x128xf32, #tpu.memory_space<vmem>>) target_semaphore(%arg11 : memref<!tpu.dma_semaphore, #tpu.memory_space<semaphore_mem>>)
    %dma_wait3A_341 = arith.constant 0 : i32
    %dma_wait3A_342 = arith.constant 0 : i32
    %dma_wait3A_343 = arith.constant 0 : i32
    %dma_wait3A_344 = tpu.memref_slice %arg8[%dma_wait3A_341, %dma_wait3A_342, %dma_wait3A_343] : memref<2x128x128xf32, #tpu.memory_space<vmem>> -> memref<1x128x128xf32, #tpu.memory_space<vmem>>
    %dma_wait3A_345 = tpu.memref_squeeze %dma_wait3A_344 : memref<1x128x128xf32, #tpu.memory_space<vmem>> -> memref<128x128xf32, #tpu.memory_space<vmem>>
    %dma_wait3A_346 = tpu.memref_slice %arg2[%add3A_303, %mul3A_262] : memref<8192x1024xf32, #tpu.memory_space<hbm>> -> memref<128x128xf32, #tpu.memory_space<hbm>>
    %dma_wait3A_347 = arith.constant 0 : i32
    %dma_wait3A_348 = arith.constant 0 : i32
    %dma_wait3A_349 = tpu.memref_slice %arg8[%dma_wait3A_341, %dma_wait3A_347, %dma_wait3A_348] : memref<2x128x128xf32, #tpu.memory_space<vmem>> -> memref<1x128x128xf32, #tpu.memory_space<vmem>>
    %dma_wait3A_350 = tpu.memref_squeeze %dma_wait3A_349 : memref<1x128x128xf32, #tpu.memory_space<vmem>> -> memref<128x128xf32, #tpu.memory_space<vmem>>
    %dma_wait3A_351 = tpu.memref_slice %arg2[%add3A_303, %mul3A_262] : memref<8192x1024xf32, #tpu.memory_space<hbm>> -> memref<128x128xf32, #tpu.memory_space<hbm>>
    tpu.wait_dma2 semaphore(%arg10 : memref<!tpu.dma_semaphore, #tpu.memory_space<semaphore_mem>>) src(%dma_wait3A_351 : memref<128x128xf32, #tpu.memory_space<hbm>>) dst(%dma_wait3A_350 : memref<128x128xf32, #tpu.memory_space<vmem>>)
    %run_scoped3A_352 = arith.constant 0 : i32
    %run_scoped3A_353 = arith.constant 2 : i32
    "tpu.region"() ({
      %run_scoped3A_488 = tpu.sem_alloc : memref<!tpu.dma_semaphore, #tpu.memory_space<semaphore_mem>>
      %dma_start3A_489 = arith.constant 0 : i32
      %dma_start3A_490 = arith.constant 0 : i32
      %dma_start3A_491 = tpu.memref_slice %arg8[%run_scoped3A_352, %dma_start3A_489, %dma_start3A_490] : memref<2x128x128xf32, #tpu.memory_space<vmem>> -> memref<1x128x128xf32, #tpu.memory_space<vmem>>
      %dma_start3A_492 = tpu.memref_squeeze %dma_start3A_491 : memref<1x128x128xf32, #tpu.memory_space<vmem>> -> memref<128x128xf32, #tpu.memory_space<vmem>>
      %dma_start3A_493 = arith.constant 0 : i32
      %dma_start3A_494 = tpu.memref_slice %arg7[%run_scoped3A_353, %dma_start3A_493] : memref<4x128xi32, #tpu.memory_space<vmem>> -> memref<1x128xi32, #tpu.memory_space<vmem>>
      %dma_start3A_495 = tpu.memref_squeeze %dma_start3A_494 : memref<1x128xi32, #tpu.memory_space<vmem>> -> memref<128xi32, #tpu.memory_space<vmem>>
      %dma_start3A_496 = arith.constant 0 : i32
      %dma_start3A_497 = arith.constant 0 : i32
      %dma_start3A_498 = tpu.memref_slice %arg9[%dma_start3A_496, %dma_start3A_497] : memref<8192x128xf32, #tpu.memory_space<vmem_shared>> -> memref<8192x128xf32, #tpu.memory_space<vmem_shared>>
      tpu.enqueue_indirect_dma source(%dma_start3A_492 : memref<128x128xf32, #tpu.memory_space<vmem>>) target(%dma_start3A_498 : memref<8192x128xf32, #tpu.memory_space<vmem_shared>>) offsets(%dma_start3A_495 : memref<128xi32, #tpu.memory_space<vmem>>) semaphore(%run_scoped3A_488 : memref<!tpu.dma_semaphore, #tpu.memory_space<semaphore_mem>>) {add = true}
      %dma_wait3A_499 = arith.constant 0 : i32
      %dma_wait3A_500 = arith.constant 0 : i32
      %dma_wait3A_501 = tpu.memref_slice %arg8[%run_scoped3A_352, %dma_wait3A_499, %dma_wait3A_500] : memref<2x128x128xf32, #tpu.memory_space<vmem>> -> memref<1x128x128xf32, #tpu.memory_space<vmem>>
      %dma_wait3A_502 = tpu.memref_squeeze %dma_wait3A_501 : memref<1x128x128xf32, #tpu.memory_space<vmem>> -> memref<128x128xf32, #tpu.memory_space<vmem>>
      %dma_wait3A_503 = arith.constant 0 : i32
      %dma_wait3A_504 = tpu.memref_slice %arg7[%run_scoped3A_353, %dma_wait3A_503] : memref<4x128xi32, #tpu.memory_space<vmem>> -> memref<1x128xi32, #tpu.memory_space<vmem>>
      %dma_wait3A_505 = tpu.memref_squeeze %dma_wait3A_504 : memref<1x128xi32, #tpu.memory_space<vmem>> -> memref<128xi32, #tpu.memory_space<vmem>>
      %dma_wait3A_506 = arith.constant 0 : i32
      %dma_wait3A_507 = arith.constant 0 : i32
      %dma_wait3A_508 = tpu.memref_slice %arg9[%dma_wait3A_506, %dma_wait3A_507] : memref<8192x128xf32, #tpu.memory_space<vmem_shared>> -> memref<8192x128xf32, #tpu.memory_space<vmem_shared>>
      tpu.wait_indirect_dma semaphore(%run_scoped3A_488 : memref<!tpu.dma_semaphore, #tpu.memory_space<semaphore_mem>>) src(%dma_wait3A_502 : memref<128x128xf32, #tpu.memory_space<vmem>>) dst(%dma_wait3A_508 : memref<8192x128xf32, #tpu.memory_space<vmem_shared>>)
      tpu.yield
    }) : () -> ()
    %dma_wait3A_354 = arith.constant 1 : i32
    %dma_wait3A_355 = arith.constant 0 : i32
    %dma_wait3A_356 = arith.constant 0 : i32
    %dma_wait3A_357 = tpu.memref_slice %arg8[%dma_wait3A_354, %dma_wait3A_355, %dma_wait3A_356] : memref<2x128x128xf32, #tpu.memory_space<vmem>> -> memref<1x128x128xf32, #tpu.memory_space<vmem>>
    %dma_wait3A_358 = tpu.memref_squeeze %dma_wait3A_357 : memref<1x128x128xf32, #tpu.memory_space<vmem>> -> memref<128x128xf32, #tpu.memory_space<vmem>>
    %dma_wait3A_359 = tpu.memref_slice %arg2[%add3A_329, %mul3A_262] : memref<8192x1024xf32, #tpu.memory_space<hbm>> -> memref<128x128xf32, #tpu.memory_space<hbm>>
    %dma_wait3A_360 = arith.constant 0 : i32
    %dma_wait3A_361 = arith.constant 0 : i32
    %dma_wait3A_362 = tpu.memref_slice %arg8[%dma_wait3A_354, %dma_wait3A_360, %dma_wait3A_361] : memref<2x128x128xf32, #tpu.memory_space<vmem>> -> memref<1x128x128xf32, #tpu.memory_space<vmem>>
    %dma_wait3A_363 = tpu.memref_squeeze %dma_wait3A_362 : memref<1x128x128xf32, #tpu.memory_space<vmem>> -> memref<128x128xf32, #tpu.memory_space<vmem>>
    %dma_wait3A_364 = tpu.memref_slice %arg2[%add3A_329, %mul3A_262] : memref<8192x1024xf32, #tpu.memory_space<hbm>> -> memref<128x128xf32, #tpu.memory_space<hbm>>
    tpu.wait_dma2 semaphore(%arg11 : memref<!tpu.dma_semaphore, #tpu.memory_space<semaphore_mem>>) src(%dma_wait3A_364 : memref<128x128xf32, #tpu.memory_space<hbm>>) dst(%dma_wait3A_363 : memref<128x128xf32, #tpu.memory_space<vmem>>)
    %run_scoped3A_365 = arith.constant 1 : i32
    %run_scoped3A_366 = arith.constant 3 : i32
    "tpu.region"() ({
      %run_scoped3A_488 = tpu.sem_alloc : memref<!tpu.dma_semaphore, #tpu.memory_space<semaphore_mem>>
      %dma_start3A_489 = arith.constant 0 : i32
      %dma_start3A_490 = arith.constant 0 : i32
      %dma_start3A_491 = tpu.memref_slice %arg8[%run_scoped3A_365, %dma_start3A_489, %dma_start3A_490] : memref<2x128x128xf32, #tpu.memory_space<vmem>> -> memref<1x128x128xf32, #tpu.memory_space<vmem>>
      %dma_start3A_492 = tpu.memref_squeeze %dma_start3A_491 : memref<1x128x128xf32, #tpu.memory_space<vmem>> -> memref<128x128xf32, #tpu.memory_space<vmem>>
      %dma_start3A_493 = arith.constant 0 : i32
      %dma_start3A_494 = tpu.memref_slice %arg7[%run_scoped3A_366, %dma_start3A_493] : memref<4x128xi32, #tpu.memory_space<vmem>> -> memref<1x128xi32, #tpu.memory_space<vmem>>
      %dma_start3A_495 = tpu.memref_squeeze %dma_start3A_494 : memref<1x128xi32, #tpu.memory_space<vmem>> -> memref<128xi32, #tpu.memory_space<vmem>>
      %dma_start3A_496 = arith.constant 0 : i32
      %dma_start3A_497 = arith.constant 0 : i32
      %dma_start3A_498 = tpu.memref_slice %arg9[%dma_start3A_496, %dma_start3A_497] : memref<8192x128xf32, #tpu.memory_space<vmem_shared>> -> memref<8192x128xf32, #tpu.memory_space<vmem_shared>>
      tpu.enqueue_indirect_dma source(%dma_start3A_492 : memref<128x128xf32, #tpu.memory_space<vmem>>) target(%dma_start3A_498 : memref<8192x128xf32, #tpu.memory_space<vmem_shared>>) offsets(%dma_start3A_495 : memref<128xi32, #tpu.memory_space<vmem>>) semaphore(%run_scoped3A_488 : memref<!tpu.dma_semaphore, #tpu.memory_space<semaphore_mem>>) {add = true}
      %dma_wait3A_499 = arith.constant 0 : i32
      %dma_wait3A_500 = arith.constant 0 : i32
      %dma_wait3A_501 = tpu.memref_slice %arg8[%run_scoped3A_365, %dma_wait3A_499, %dma_wait3A_500] : memref<2x128x128xf32, #tpu.memory_space<vmem>> -> memref<1x128x128xf32, #tpu.memory_space<vmem>>
      %dma_wait3A_502 = tpu.memref_squeeze %dma_wait3A_501 : memref<1x128x128xf32, #tpu.memory_space<vmem>> -> memref<128x128xf32, #tpu.memory_space<vmem>>
      %dma_wait3A_503 = arith.constant 0 : i32
      %dma_wait3A_504 = tpu.memref_slice %arg7[%run_scoped3A_366, %dma_wait3A_503] : memref<4x128xi32, #tpu.memory_space<vmem>> -> memref<1x128xi32, #tpu.memory_space<vmem>>
      %dma_wait3A_505 = tpu.memref_squeeze %dma_wait3A_504 : memref<1x128xi32, #tpu.memory_space<vmem>> -> memref<128xi32, #tpu.memory_space<vmem>>
      %dma_wait3A_506 = arith.constant 0 : i32
      %dma_wait3A_507 = arith.constant 0 : i32
      %dma_wait3A_508 = tpu.memref_slice %arg9[%dma_wait3A_506, %dma_wait3A_507] : memref<8192x128xf32, #tpu.memory_space<vmem_shared>> -> memref<8192x128xf32, #tpu.memory_space<vmem_shared>>
      tpu.wait_indirect_dma semaphore(%run_scoped3A_488 : memref<!tpu.dma_semaphore, #tpu.memory_space<semaphore_mem>>) src(%dma_wait3A_502 : memref<128x128xf32, #tpu.memory_space<vmem>>) dst(%dma_wait3A_508 : memref<8192x128xf32, #tpu.memory_space<vmem_shared>>)
      tpu.yield
    }) : () -> ()
    %barrier3A_367 = arith.constant 0 : index
    tpu.barrier barrier_id(%barrier3A_367)
    "tpu.region"() ({
      %run_scoped3A_488 = tpu.sem_alloc : memref<!tpu.dma_semaphore, #tpu.memory_space<semaphore_mem>>
      %dma_start3A_489 = tpu.memref_slice %arg5[%mul3A_0, %mul3A_262] : memref<8192x1024xf32, #tpu.memory_space<hbm>> -> memref<512x128xf32, #tpu.memory_space<hbm>>
      %dma_start3A_490 = arith.constant 0 : i32
      %dma_start3A_491 = tpu.memref_slice %arg9[%mul3A_0, %dma_start3A_490] : memref<8192x128xf32, #tpu.memory_space<vmem_shared>> -> memref<512x128xf32, #tpu.memory_space<vmem_shared>>
      tpu.enqueue_dma source(%dma_start3A_491 : memref<512x128xf32, #tpu.memory_space<vmem_shared>>) target(%dma_start3A_489 : memref<512x128xf32, #tpu.memory_space<hbm>>) target_semaphore(%run_scoped3A_488 : memref<!tpu.dma_semaphore, #tpu.memory_space<semaphore_mem>>)
      %dma_wait3A_492 = tpu.memref_slice %arg5[%mul3A_0, %mul3A_262] : memref<8192x1024xf32, #tpu.memory_space<hbm>> -> memref<512x128xf32, #tpu.memory_space<hbm>>
      %dma_wait3A_493 = arith.constant 0 : i32
      %dma_wait3A_494 = tpu.memref_slice %arg9[%mul3A_0, %dma_wait3A_493] : memref<8192x128xf32, #tpu.memory_space<vmem_shared>> -> memref<512x128xf32, #tpu.memory_space<vmem_shared>>
      tpu.wait_dma2 semaphore(%run_scoped3A_488 : memref<!tpu.dma_semaphore, #tpu.memory_space<semaphore_mem>>) src(%dma_wait3A_494 : memref<512x128xf32, #tpu.memory_space<vmem_shared>>) dst(%dma_wait3A_492 : memref<512x128xf32, #tpu.memory_space<hbm>>)
      tpu.yield
    }) : () -> ()
    %add3A_368 = arith.constant 0 : i32
    %add3A_369 = arith.addi %mul3A_0, %add3A_368 : i32
    "tpu.region"() ({
      %run_scoped3A_488 = tpu.sem_alloc : memref<!tpu.dma_semaphore, #tpu.memory_space<semaphore_mem>>
      %dma_start3A_489 = arith.constant 0 : i32
      %dma_start3A_490 = tpu.memref_slice %arg9[%add3A_369, %dma_start3A_489] : memref<8192x128xf32, #tpu.memory_space<vmem_shared>> -> memref<128x128xf32, #tpu.memory_space<vmem_shared>>
      %dma_start3A_491 = arith.constant 0 : i32
      %dma_start3A_492 = tpu.memref_slice %arg9[%add3A_369, %dma_start3A_491] : memref<8192x128xf32, #tpu.memory_space<vmem_shared>> -> memref<128x128xf32, #tpu.memory_space<vmem_shared>>
      tpu.enqueue_dma source(%arg6 : memref<128x128xf32, #tpu.memory_space<vmem>>) target(%dma_start3A_492 : memref<128x128xf32, #tpu.memory_space<vmem_shared>>) target_semaphore(%run_scoped3A_488 : memref<!tpu.dma_semaphore, #tpu.memory_space<semaphore_mem>>)
      %dma_wait3A_493 = arith.constant 0 : i32
      %dma_wait3A_494 = tpu.memref_slice %arg9[%add3A_369, %dma_wait3A_493] : memref<8192x128xf32, #tpu.memory_space<vmem_shared>> -> memref<128x128xf32, #tpu.memory_space<vmem_shared>>
      %dma_wait3A_495 = arith.constant 0 : i32
      %dma_wait3A_496 = tpu.memref_slice %arg9[%add3A_369, %dma_wait3A_495] : memref<8192x128xf32, #tpu.memory_space<vmem_shared>> -> memref<128x128xf32, #tpu.memory_space<vmem_shared>>
      tpu.wait_dma2 semaphore(%run_scoped3A_488 : memref<!tpu.dma_semaphore, #tpu.memory_space<semaphore_mem>>) src(%arg6 : memref<128x128xf32, #tpu.memory_space<vmem>>) dst(%dma_wait3A_496 : memref<128x128xf32, #tpu.memory_space<vmem_shared>>)
      tpu.yield
    }) : () -> ()
    %add3A_370 = arith.constant 128 : i32
    %add3A_371 = arith.addi %mul3A_0, %add3A_370 : i32
    "tpu.region"() ({
      %run_scoped3A_488 = tpu.sem_alloc : memref<!tpu.dma_semaphore, #tpu.memory_space<semaphore_mem>>
      %dma_start3A_489 = arith.constant 0 : i32
      %dma_start3A_490 = tpu.memref_slice %arg9[%add3A_371, %dma_start3A_489] : memref<8192x128xf32, #tpu.memory_space<vmem_shared>> -> memref<128x128xf32, #tpu.memory_space<vmem_shared>>
      %dma_start3A_491 = arith.constant 0 : i32
      %dma_start3A_492 = tpu.memref_slice %arg9[%add3A_371, %dma_start3A_491] : memref<8192x128xf32, #tpu.memory_space<vmem_shared>> -> memref<128x128xf32, #tpu.memory_space<vmem_shared>>
      tpu.enqueue_dma source(%arg6 : memref<128x128xf32, #tpu.memory_space<vmem>>) target(%dma_start3A_492 : memref<128x128xf32, #tpu.memory_space<vmem_shared>>) target_semaphore(%run_scoped3A_488 : memref<!tpu.dma_semaphore, #tpu.memory_space<semaphore_mem>>)
      %dma_wait3A_493 = arith.constant 0 : i32
      %dma_wait3A_494 = tpu.memref_slice %arg9[%add3A_371, %dma_wait3A_493] : memref<8192x128xf32, #tpu.memory_space<vmem_shared>> -> memref<128x128xf32, #tpu.memory_space<vmem_shared>>
      %dma_wait3A_495 = arith.constant 0 : i32
      %dma_wait3A_496 = tpu.memref_slice %arg9[%add3A_371, %dma_wait3A_495] : memref<8192x128xf32, #tpu.memory_space<vmem_shared>> -> memref<128x128xf32, #tpu.memory_space<vmem_shared>>
      tpu.wait_dma2 semaphore(%run_scoped3A_488 : memref<!tpu.dma_semaphore, #tpu.memory_space<semaphore_mem>>) src(%arg6 : memref<128x128xf32, #tpu.memory_space<vmem>>) dst(%dma_wait3A_496 : memref<128x128xf32, #tpu.memory_space<vmem_shared>>)
      tpu.yield
    }) : () -> ()
    %add3A_372 = arith.constant 256 : i32
    %add3A_373 = arith.addi %mul3A_0, %add3A_372 : i32
    "tpu.region"() ({
      %run_scoped3A_488 = tpu.sem_alloc : memref<!tpu.dma_semaphore, #tpu.memory_space<semaphore_mem>>
      %dma_start3A_489 = arith.constant 0 : i32
      %dma_start3A_490 = tpu.memref_slice %arg9[%add3A_373, %dma_start3A_489] : memref<8192x128xf32, #tpu.memory_space<vmem_shared>> -> memref<128x128xf32, #tpu.memory_space<vmem_shared>>
      %dma_start3A_491 = arith.constant 0 : i32
      %dma_start3A_492 = tpu.memref_slice %arg9[%add3A_373, %dma_start3A_491] : memref<8192x128xf32, #tpu.memory_space<vmem_shared>> -> memref<128x128xf32, #tpu.memory_space<vmem_shared>>
      tpu.enqueue_dma source(%arg6 : memref<128x128xf32, #tpu.memory_space<vmem>>) target(%dma_start3A_492 : memref<128x128xf32, #tpu.memory_space<vmem_shared>>) target_semaphore(%run_scoped3A_488 : memref<!tpu.dma_semaphore, #tpu.memory_space<semaphore_mem>>)
      %dma_wait3A_493 = arith.constant 0 : i32
      %dma_wait3A_494 = tpu.memref_slice %arg9[%add3A_373, %dma_wait3A_493] : memref<8192x128xf32, #tpu.memory_space<vmem_shared>> -> memref<128x128xf32, #tpu.memory_space<vmem_shared>>
      %dma_wait3A_495 = arith.constant 0 : i32
      %dma_wait3A_496 = tpu.memref_slice %arg9[%add3A_373, %dma_wait3A_495] : memref<8192x128xf32, #tpu.memory_space<vmem_shared>> -> memref<128x128xf32, #tpu.memory_space<vmem_shared>>
      tpu.wait_dma2 semaphore(%run_scoped3A_488 : memref<!tpu.dma_semaphore, #tpu.memory_space<semaphore_mem>>) src(%arg6 : memref<128x128xf32, #tpu.memory_space<vmem>>) dst(%dma_wait3A_496 : memref<128x128xf32, #tpu.memory_space<vmem_shared>>)
      tpu.yield
    }) : () -> ()
    %add3A_374 = arith.constant 384 : i32
    %add3A_375 = arith.addi %mul3A_0, %add3A_374 : i32
    "tpu.region"() ({
      %run_scoped3A_488 = tpu.sem_alloc : memref<!tpu.dma_semaphore, #tpu.memory_space<semaphore_mem>>
      %dma_start3A_489 = arith.constant 0 : i32
      %dma_start3A_490 = tpu.memref_slice %arg9[%add3A_375, %dma_start3A_489] : memref<8192x128xf32, #tpu.memory_space<vmem_shared>> -> memref<128x128xf32, #tpu.memory_space<vmem_shared>>
      %dma_start3A_491 = arith.constant 0 : i32
      %dma_start3A_492 = tpu.memref_slice %arg9[%add3A_375, %dma_start3A_491] : memref<8192x128xf32, #tpu.memory_space<vmem_shared>> -> memref<128x128xf32, #tpu.memory_space<vmem_shared>>
      tpu.enqueue_dma source(%arg6 : memref<128x128xf32, #tpu.memory_space<vmem>>) target(%dma_start3A_492 : memref<128x128xf32, #tpu.memory_space<vmem_shared>>) target_semaphore(%run_scoped3A_488 : memref<!tpu.dma_semaphore, #tpu.memory_space<semaphore_mem>>)
      %dma_wait3A_493 = arith.constant 0 : i32
      %dma_wait3A_494 = tpu.memref_slice %arg9[%add3A_375, %dma_wait3A_493] : memref<8192x128xf32, #tpu.memory_space<vmem_shared>> -> memref<128x128xf32, #tpu.memory_space<vmem_shared>>
      %dma_wait3A_495 = arith.constant 0 : i32
      %dma_wait3A_496 = tpu.memref_slice %arg9[%add3A_375, %dma_wait3A_495] : memref<8192x128xf32, #tpu.memory_space<vmem_shared>> -> memref<128x128xf32, #tpu.memory_space<vmem_shared>>
      tpu.wait_dma2 semaphore(%run_scoped3A_488 : memref<!tpu.dma_semaphore, #tpu.memory_space<semaphore_mem>>) src(%arg6 : memref<128x128xf32, #tpu.memory_space<vmem>>) dst(%dma_wait3A_496 : memref<128x128xf32, #tpu.memory_space<vmem_shared>>)
      tpu.yield
    }) : () -> ()
    %barrier3A_376 = arith.constant 0 : index
    tpu.barrier barrier_id(%barrier3A_376)
    %mul3A_377 = arith.constant 4 : i32
    %mul3A_378 = arith.muli %arg0, %mul3A_377 : i32
    %add3A_379 = arith.constant 3 : i32
    %add3A_380 = arith.addi %mul3A_378, %add3A_379 : i32
    %mul3A_381 = arith.constant 128 : i32
    %mul3A_382 = arith.muli %add3A_380, %mul3A_381 : i32
    %add3A_383 = arith.constant 0 : i32
    %add3A_384 = arith.addi %mul3A_0, %add3A_383 : i32
    %dma_start3A_385 = arith.constant 0 : i32
    %dma_start3A_386 = arith.constant 0 : i32
    %dma_start3A_387 = arith.constant 0 : i32
    %dma_start3A_388 = tpu.memref_slice %arg8[%dma_start3A_385, %dma_start3A_386, %dma_start3A_387] : memref<2x128x128xf32, #tpu.memory_space<vmem>> -> memref<1x128x128xf32, #tpu.memory_space<vmem>>
    %dma_start3A_389 = tpu.memref_squeeze %dma_start3A_388 : memref<1x128x128xf32, #tpu.memory_space<vmem>> -> memref<128x128xf32, #tpu.memory_space<vmem>>
    %dma_start3A_390 = tpu.memref_slice %arg2[%add3A_384, %mul3A_382] : memref<8192x1024xf32, #tpu.memory_space<hbm>> -> memref<128x128xf32, #tpu.memory_space<hbm>>
    %dma_start3A_391 = arith.constant 0 : i32
    %dma_start3A_392 = arith.constant 0 : i32
    %dma_start3A_393 = tpu.memref_slice %arg8[%dma_start3A_385, %dma_start3A_391, %dma_start3A_392] : memref<2x128x128xf32, #tpu.memory_space<vmem>> -> memref<1x128x128xf32, #tpu.memory_space<vmem>>
    %dma_start3A_394 = tpu.memref_squeeze %dma_start3A_393 : memref<1x128x128xf32, #tpu.memory_space<vmem>> -> memref<128x128xf32, #tpu.memory_space<vmem>>
    %dma_start3A_395 = tpu.memref_slice %arg2[%add3A_384, %mul3A_382] : memref<8192x1024xf32, #tpu.memory_space<hbm>> -> memref<128x128xf32, #tpu.memory_space<hbm>>
    tpu.enqueue_dma source(%dma_start3A_395 : memref<128x128xf32, #tpu.memory_space<hbm>>) target(%dma_start3A_394 : memref<128x128xf32, #tpu.memory_space<vmem>>) target_semaphore(%arg10 : memref<!tpu.dma_semaphore, #tpu.memory_space<semaphore_mem>>)
    %add3A_396 = arith.constant 128 : i32
    %add3A_397 = arith.addi %mul3A_0, %add3A_396 : i32
    %dma_start3A_398 = arith.constant 1 : i32
    %dma_start3A_399 = arith.constant 0 : i32
    %dma_start3A_400 = arith.constant 0 : i32
    %dma_start3A_401 = tpu.memref_slice %arg8[%dma_start3A_398, %dma_start3A_399, %dma_start3A_400] : memref<2x128x128xf32, #tpu.memory_space<vmem>> -> memref<1x128x128xf32, #tpu.memory_space<vmem>>
    %dma_start3A_402 = tpu.memref_squeeze %dma_start3A_401 : memref<1x128x128xf32, #tpu.memory_space<vmem>> -> memref<128x128xf32, #tpu.memory_space<vmem>>
    %dma_start3A_403 = tpu.memref_slice %arg2[%add3A_397, %mul3A_382] : memref<8192x1024xf32, #tpu.memory_space<hbm>> -> memref<128x128xf32, #tpu.memory_space<hbm>>
    %dma_start3A_404 = arith.constant 0 : i32
    %dma_start3A_405 = arith.constant 0 : i32
    %dma_start3A_406 = tpu.memref_slice %arg8[%dma_start3A_398, %dma_start3A_404, %dma_start3A_405] : memref<2x128x128xf32, #tpu.memory_space<vmem>> -> memref<1x128x128xf32, #tpu.memory_space<vmem>>
    %dma_start3A_407 = tpu.memref_squeeze %dma_start3A_406 : memref<1x128x128xf32, #tpu.memory_space<vmem>> -> memref<128x128xf32, #tpu.memory_space<vmem>>
    %dma_start3A_408 = tpu.memref_slice %arg2[%add3A_397, %mul3A_382] : memref<8192x1024xf32, #tpu.memory_space<hbm>> -> memref<128x128xf32, #tpu.memory_space<hbm>>
    tpu.enqueue_dma source(%dma_start3A_408 : memref<128x128xf32, #tpu.memory_space<hbm>>) target(%dma_start3A_407 : memref<128x128xf32, #tpu.memory_space<vmem>>) target_semaphore(%arg11 : memref<!tpu.dma_semaphore, #tpu.memory_space<semaphore_mem>>)
    %dma_wait3A_409 = arith.constant 0 : i32
    %dma_wait3A_410 = arith.constant 0 : i32
    %dma_wait3A_411 = arith.constant 0 : i32
    %dma_wait3A_412 = tpu.memref_slice %arg8[%dma_wait3A_409, %dma_wait3A_410, %dma_wait3A_411] : memref<2x128x128xf32, #tpu.memory_space<vmem>> -> memref<1x128x128xf32, #tpu.memory_space<vmem>>
    %dma_wait3A_413 = tpu.memref_squeeze %dma_wait3A_412 : memref<1x128x128xf32, #tpu.memory_space<vmem>> -> memref<128x128xf32, #tpu.memory_space<vmem>>
    %dma_wait3A_414 = tpu.memref_slice %arg2[%add3A_384, %mul3A_382] : memref<8192x1024xf32, #tpu.memory_space<hbm>> -> memref<128x128xf32, #tpu.memory_space<hbm>>
    %dma_wait3A_415 = arith.constant 0 : i32
    %dma_wait3A_416 = arith.constant 0 : i32
    %dma_wait3A_417 = tpu.memref_slice %arg8[%dma_wait3A_409, %dma_wait3A_415, %dma_wait3A_416] : memref<2x128x128xf32, #tpu.memory_space<vmem>> -> memref<1x128x128xf32, #tpu.memory_space<vmem>>
    %dma_wait3A_418 = tpu.memref_squeeze %dma_wait3A_417 : memref<1x128x128xf32, #tpu.memory_space<vmem>> -> memref<128x128xf32, #tpu.memory_space<vmem>>
    %dma_wait3A_419 = tpu.memref_slice %arg2[%add3A_384, %mul3A_382] : memref<8192x1024xf32, #tpu.memory_space<hbm>> -> memref<128x128xf32, #tpu.memory_space<hbm>>
    tpu.wait_dma2 semaphore(%arg10 : memref<!tpu.dma_semaphore, #tpu.memory_space<semaphore_mem>>) src(%dma_wait3A_419 : memref<128x128xf32, #tpu.memory_space<hbm>>) dst(%dma_wait3A_418 : memref<128x128xf32, #tpu.memory_space<vmem>>)
    %run_scoped3A_420 = arith.constant 0 : i32
    %run_scoped3A_421 = arith.constant 0 : i32
    "tpu.region"() ({
      %run_scoped3A_488 = tpu.sem_alloc : memref<!tpu.dma_semaphore, #tpu.memory_space<semaphore_mem>>
      %dma_start3A_489 = arith.constant 0 : i32
      %dma_start3A_490 = arith.constant 0 : i32
      %dma_start3A_491 = tpu.memref_slice %arg8[%run_scoped3A_420, %dma_start3A_489, %dma_start3A_490] : memref<2x128x128xf32, #tpu.memory_space<vmem>> -> memref<1x128x128xf32, #tpu.memory_space<vmem>>
      %dma_start3A_492 = tpu.memref_squeeze %dma_start3A_491 : memref<1x128x128xf32, #tpu.memory_space<vmem>> -> memref<128x128xf32, #tpu.memory_space<vmem>>
      %dma_start3A_493 = arith.constant 0 : i32
      %dma_start3A_494 = tpu.memref_slice %arg7[%run_scoped3A_421, %dma_start3A_493] : memref<4x128xi32, #tpu.memory_space<vmem>> -> memref<1x128xi32, #tpu.memory_space<vmem>>
      %dma_start3A_495 = tpu.memref_squeeze %dma_start3A_494 : memref<1x128xi32, #tpu.memory_space<vmem>> -> memref<128xi32, #tpu.memory_space<vmem>>
      %dma_start3A_496 = arith.constant 0 : i32
      %dma_start3A_497 = arith.constant 0 : i32
      %dma_start3A_498 = tpu.memref_slice %arg9[%dma_start3A_496, %dma_start3A_497] : memref<8192x128xf32, #tpu.memory_space<vmem_shared>> -> memref<8192x128xf32, #tpu.memory_space<vmem_shared>>
      tpu.enqueue_indirect_dma source(%dma_start3A_492 : memref<128x128xf32, #tpu.memory_space<vmem>>) target(%dma_start3A_498 : memref<8192x128xf32, #tpu.memory_space<vmem_shared>>) offsets(%dma_start3A_495 : memref<128xi32, #tpu.memory_space<vmem>>) semaphore(%run_scoped3A_488 : memref<!tpu.dma_semaphore, #tpu.memory_space<semaphore_mem>>) {add = true}
      %dma_wait3A_499 = arith.constant 0 : i32
      %dma_wait3A_500 = arith.constant 0 : i32
      %dma_wait3A_501 = tpu.memref_slice %arg8[%run_scoped3A_420, %dma_wait3A_499, %dma_wait3A_500] : memref<2x128x128xf32, #tpu.memory_space<vmem>> -> memref<1x128x128xf32, #tpu.memory_space<vmem>>
      %dma_wait3A_502 = tpu.memref_squeeze %dma_wait3A_501 : memref<1x128x128xf32, #tpu.memory_space<vmem>> -> memref<128x128xf32, #tpu.memory_space<vmem>>
      %dma_wait3A_503 = arith.constant 0 : i32
      %dma_wait3A_504 = tpu.memref_slice %arg7[%run_scoped3A_421, %dma_wait3A_503] : memref<4x128xi32, #tpu.memory_space<vmem>> -> memref<1x128xi32, #tpu.memory_space<vmem>>
      %dma_wait3A_505 = tpu.memref_squeeze %dma_wait3A_504 : memref<1x128xi32, #tpu.memory_space<vmem>> -> memref<128xi32, #tpu.memory_space<vmem>>
      %dma_wait3A_506 = arith.constant 0 : i32
      %dma_wait3A_507 = arith.constant 0 : i32
      %dma_wait3A_508 = tpu.memref_slice %arg9[%dma_wait3A_506, %dma_wait3A_507] : memref<8192x128xf32, #tpu.memory_space<vmem_shared>> -> memref<8192x128xf32, #tpu.memory_space<vmem_shared>>
      tpu.wait_indirect_dma semaphore(%run_scoped3A_488 : memref<!tpu.dma_semaphore, #tpu.memory_space<semaphore_mem>>) src(%dma_wait3A_502 : memref<128x128xf32, #tpu.memory_space<vmem>>) dst(%dma_wait3A_508 : memref<8192x128xf32, #tpu.memory_space<vmem_shared>>)
      tpu.yield
    }) : () -> ()
    %add3A_422 = arith.constant 256 : i32
    %add3A_423 = arith.addi %mul3A_0, %add3A_422 : i32
    %dma_start3A_424 = arith.constant 0 : i32
    %dma_start3A_425 = arith.constant 0 : i32
    %dma_start3A_426 = arith.constant 0 : i32
    %dma_start3A_427 = tpu.memref_slice %arg8[%dma_start3A_424, %dma_start3A_425, %dma_start3A_426] : memref<2x128x128xf32, #tpu.memory_space<vmem>> -> memref<1x128x128xf32, #tpu.memory_space<vmem>>
    %dma_start3A_428 = tpu.memref_squeeze %dma_start3A_427 : memref<1x128x128xf32, #tpu.memory_space<vmem>> -> memref<128x128xf32, #tpu.memory_space<vmem>>
    %dma_start3A_429 = tpu.memref_slice %arg2[%add3A_423, %mul3A_382] : memref<8192x1024xf32, #tpu.memory_space<hbm>> -> memref<128x128xf32, #tpu.memory_space<hbm>>
    %dma_start3A_430 = arith.constant 0 : i32
    %dma_start3A_431 = arith.constant 0 : i32
    %dma_start3A_432 = tpu.memref_slice %arg8[%dma_start3A_424, %dma_start3A_430, %dma_start3A_431] : memref<2x128x128xf32, #tpu.memory_space<vmem>> -> memref<1x128x128xf32, #tpu.memory_space<vmem>>
    %dma_start3A_433 = tpu.memref_squeeze %dma_start3A_432 : memref<1x128x128xf32, #tpu.memory_space<vmem>> -> memref<128x128xf32, #tpu.memory_space<vmem>>
    %dma_start3A_434 = tpu.memref_slice %arg2[%add3A_423, %mul3A_382] : memref<8192x1024xf32, #tpu.memory_space<hbm>> -> memref<128x128xf32, #tpu.memory_space<hbm>>
    tpu.enqueue_dma source(%dma_start3A_434 : memref<128x128xf32, #tpu.memory_space<hbm>>) target(%dma_start3A_433 : memref<128x128xf32, #tpu.memory_space<vmem>>) target_semaphore(%arg10 : memref<!tpu.dma_semaphore, #tpu.memory_space<semaphore_mem>>)
    %dma_wait3A_435 = arith.constant 1 : i32
    %dma_wait3A_436 = arith.constant 0 : i32
    %dma_wait3A_437 = arith.constant 0 : i32
    %dma_wait3A_438 = tpu.memref_slice %arg8[%dma_wait3A_435, %dma_wait3A_436, %dma_wait3A_437] : memref<2x128x128xf32, #tpu.memory_space<vmem>> -> memref<1x128x128xf32, #tpu.memory_space<vmem>>
    %dma_wait3A_439 = tpu.memref_squeeze %dma_wait3A_438 : memref<1x128x128xf32, #tpu.memory_space<vmem>> -> memref<128x128xf32, #tpu.memory_space<vmem>>
    %dma_wait3A_440 = tpu.memref_slice %arg2[%add3A_397, %mul3A_382] : memref<8192x1024xf32, #tpu.memory_space<hbm>> -> memref<128x128xf32, #tpu.memory_space<hbm>>
    %dma_wait3A_441 = arith.constant 0 : i32
    %dma_wait3A_442 = arith.constant 0 : i32
    %dma_wait3A_443 = tpu.memref_slice %arg8[%dma_wait3A_435, %dma_wait3A_441, %dma_wait3A_442] : memref<2x128x128xf32, #tpu.memory_space<vmem>> -> memref<1x128x128xf32, #tpu.memory_space<vmem>>
    %dma_wait3A_444 = tpu.memref_squeeze %dma_wait3A_443 : memref<1x128x128xf32, #tpu.memory_space<vmem>> -> memref<128x128xf32, #tpu.memory_space<vmem>>
    %dma_wait3A_445 = tpu.memref_slice %arg2[%add3A_397, %mul3A_382] : memref<8192x1024xf32, #tpu.memory_space<hbm>> -> memref<128x128xf32, #tpu.memory_space<hbm>>
    tpu.wait_dma2 semaphore(%arg11 : memref<!tpu.dma_semaphore, #tpu.memory_space<semaphore_mem>>) src(%dma_wait3A_445 : memref<128x128xf32, #tpu.memory_space<hbm>>) dst(%dma_wait3A_444 : memref<128x128xf32, #tpu.memory_space<vmem>>)
    %run_scoped3A_446 = arith.constant 1 : i32
    %run_scoped3A_447 = arith.constant 1 : i32
    "tpu.region"() ({
      %run_scoped3A_488 = tpu.sem_alloc : memref<!tpu.dma_semaphore, #tpu.memory_space<semaphore_mem>>
      %dma_start3A_489 = arith.constant 0 : i32
      %dma_start3A_490 = arith.constant 0 : i32
      %dma_start3A_491 = tpu.memref_slice %arg8[%run_scoped3A_446, %dma_start3A_489, %dma_start3A_490] : memref<2x128x128xf32, #tpu.memory_space<vmem>> -> memref<1x128x128xf32, #tpu.memory_space<vmem>>
      %dma_start3A_492 = tpu.memref_squeeze %dma_start3A_491 : memref<1x128x128xf32, #tpu.memory_space<vmem>> -> memref<128x128xf32, #tpu.memory_space<vmem>>
      %dma_start3A_493 = arith.constant 0 : i32
      %dma_start3A_494 = tpu.memref_slice %arg7[%run_scoped3A_447, %dma_start3A_493] : memref<4x128xi32, #tpu.memory_space<vmem>> -> memref<1x128xi32, #tpu.memory_space<vmem>>
      %dma_start3A_495 = tpu.memref_squeeze %dma_start3A_494 : memref<1x128xi32, #tpu.memory_space<vmem>> -> memref<128xi32, #tpu.memory_space<vmem>>
      %dma_start3A_496 = arith.constant 0 : i32
      %dma_start3A_497 = arith.constant 0 : i32
      %dma_start3A_498 = tpu.memref_slice %arg9[%dma_start3A_496, %dma_start3A_497] : memref<8192x128xf32, #tpu.memory_space<vmem_shared>> -> memref<8192x128xf32, #tpu.memory_space<vmem_shared>>
      tpu.enqueue_indirect_dma source(%dma_start3A_492 : memref<128x128xf32, #tpu.memory_space<vmem>>) target(%dma_start3A_498 : memref<8192x128xf32, #tpu.memory_space<vmem_shared>>) offsets(%dma_start3A_495 : memref<128xi32, #tpu.memory_space<vmem>>) semaphore(%run_scoped3A_488 : memref<!tpu.dma_semaphore, #tpu.memory_space<semaphore_mem>>) {add = true}
      %dma_wait3A_499 = arith.constant 0 : i32
      %dma_wait3A_500 = arith.constant 0 : i32
      %dma_wait3A_501 = tpu.memref_slice %arg8[%run_scoped3A_446, %dma_wait3A_499, %dma_wait3A_500] : memref<2x128x128xf32, #tpu.memory_space<vmem>> -> memref<1x128x128xf32, #tpu.memory_space<vmem>>
      %dma_wait3A_502 = tpu.memref_squeeze %dma_wait3A_501 : memref<1x128x128xf32, #tpu.memory_space<vmem>> -> memref<128x128xf32, #tpu.memory_space<vmem>>
      %dma_wait3A_503 = arith.constant 0 : i32
      %dma_wait3A_504 = tpu.memref_slice %arg7[%run_scoped3A_447, %dma_wait3A_503] : memref<4x128xi32, #tpu.memory_space<vmem>> -> memref<1x128xi32, #tpu.memory_space<vmem>>
      %dma_wait3A_505 = tpu.memref_squeeze %dma_wait3A_504 : memref<1x128xi32, #tpu.memory_space<vmem>> -> memref<128xi32, #tpu.memory_space<vmem>>
      %dma_wait3A_506 = arith.constant 0 : i32
      %dma_wait3A_507 = arith.constant 0 : i32
      %dma_wait3A_508 = tpu.memref_slice %arg9[%dma_wait3A_506, %dma_wait3A_507] : memref<8192x128xf32, #tpu.memory_space<vmem_shared>> -> memref<8192x128xf32, #tpu.memory_space<vmem_shared>>
      tpu.wait_indirect_dma semaphore(%run_scoped3A_488 : memref<!tpu.dma_semaphore, #tpu.memory_space<semaphore_mem>>) src(%dma_wait3A_502 : memref<128x128xf32, #tpu.memory_space<vmem>>) dst(%dma_wait3A_508 : memref<8192x128xf32, #tpu.memory_space<vmem_shared>>)
      tpu.yield
    }) : () -> ()
    %add3A_448 = arith.constant 384 : i32
    %add3A_449 = arith.addi %mul3A_0, %add3A_448 : i32
    %dma_start3A_450 = arith.constant 1 : i32
    %dma_start3A_451 = arith.constant 0 : i32
    %dma_start3A_452 = arith.constant 0 : i32
    %dma_start3A_453 = tpu.memref_slice %arg8[%dma_start3A_450, %dma_start3A_451, %dma_start3A_452] : memref<2x128x128xf32, #tpu.memory_space<vmem>> -> memref<1x128x128xf32, #tpu.memory_space<vmem>>
    %dma_start3A_454 = tpu.memref_squeeze %dma_start3A_453 : memref<1x128x128xf32, #tpu.memory_space<vmem>> -> memref<128x128xf32, #tpu.memory_space<vmem>>
    %dma_start3A_455 = tpu.memref_slice %arg2[%add3A_449, %mul3A_382] : memref<8192x1024xf32, #tpu.memory_space<hbm>> -> memref<128x128xf32, #tpu.memory_space<hbm>>
    %dma_start3A_456 = arith.constant 0 : i32
    %dma_start3A_457 = arith.constant 0 : i32
    %dma_start3A_458 = tpu.memref_slice %arg8[%dma_start3A_450, %dma_start3A_456, %dma_start3A_457] : memref<2x128x128xf32, #tpu.memory_space<vmem>> -> memref<1x128x128xf32, #tpu.memory_space<vmem>>
    %dma_start3A_459 = tpu.memref_squeeze %dma_start3A_458 : memref<1x128x128xf32, #tpu.memory_space<vmem>> -> memref<128x128xf32, #tpu.memory_space<vmem>>
    %dma_start3A_460 = tpu.memref_slice %arg2[%add3A_449, %mul3A_382] : memref<8192x1024xf32, #tpu.memory_space<hbm>> -> memref<128x128xf32, #tpu.memory_space<hbm>>
    tpu.enqueue_dma source(%dma_start3A_460 : memref<128x128xf32, #tpu.memory_space<hbm>>) target(%dma_start3A_459 : memref<128x128xf32, #tpu.memory_space<vmem>>) target_semaphore(%arg11 : memref<!tpu.dma_semaphore, #tpu.memory_space<semaphore_mem>>)
    %dma_wait3A_461 = arith.constant 0 : i32
    %dma_wait3A_462 = arith.constant 0 : i32
    %dma_wait3A_463 = arith.constant 0 : i32
    %dma_wait3A_464 = tpu.memref_slice %arg8[%dma_wait3A_461, %dma_wait3A_462, %dma_wait3A_463] : memref<2x128x128xf32, #tpu.memory_space<vmem>> -> memref<1x128x128xf32, #tpu.memory_space<vmem>>
    %dma_wait3A_465 = tpu.memref_squeeze %dma_wait3A_464 : memref<1x128x128xf32, #tpu.memory_space<vmem>> -> memref<128x128xf32, #tpu.memory_space<vmem>>
    %dma_wait3A_466 = tpu.memref_slice %arg2[%add3A_423, %mul3A_382] : memref<8192x1024xf32, #tpu.memory_space<hbm>> -> memref<128x128xf32, #tpu.memory_space<hbm>>
    %dma_wait3A_467 = arith.constant 0 : i32
    %dma_wait3A_468 = arith.constant 0 : i32
    %dma_wait3A_469 = tpu.memref_slice %arg8[%dma_wait3A_461, %dma_wait3A_467, %dma_wait3A_468] : memref<2x128x128xf32, #tpu.memory_space<vmem>> -> memref<1x128x128xf32, #tpu.memory_space<vmem>>
    %dma_wait3A_470 = tpu.memref_squeeze %dma_wait3A_469 : memref<1x128x128xf32, #tpu.memory_space<vmem>> -> memref<128x128xf32, #tpu.memory_space<vmem>>
    %dma_wait3A_471 = tpu.memref_slice %arg2[%add3A_423, %mul3A_382] : memref<8192x1024xf32, #tpu.memory_space<hbm>> -> memref<128x128xf32, #tpu.memory_space<hbm>>
    tpu.wait_dma2 semaphore(%arg10 : memref<!tpu.dma_semaphore, #tpu.memory_space<semaphore_mem>>) src(%dma_wait3A_471 : memref<128x128xf32, #tpu.memory_space<hbm>>) dst(%dma_wait3A_470 : memref<128x128xf32, #tpu.memory_space<vmem>>)
    %run_scoped3A_472 = arith.constant 0 : i32
    %run_scoped3A_473 = arith.constant 2 : i32
    "tpu.region"() ({
      %run_scoped3A_488 = tpu.sem_alloc : memref<!tpu.dma_semaphore, #tpu.memory_space<semaphore_mem>>
      %dma_start3A_489 = arith.constant 0 : i32
      %dma_start3A_490 = arith.constant 0 : i32
      %dma_start3A_491 = tpu.memref_slice %arg8[%run_scoped3A_472, %dma_start3A_489, %dma_start3A_490] : memref<2x128x128xf32, #tpu.memory_space<vmem>> -> memref<1x128x128xf32, #tpu.memory_space<vmem>>
      %dma_start3A_492 = tpu.memref_squeeze %dma_start3A_491 : memref<1x128x128xf32, #tpu.memory_space<vmem>> -> memref<128x128xf32, #tpu.memory_space<vmem>>
      %dma_start3A_493 = arith.constant 0 : i32
      %dma_start3A_494 = tpu.memref_slice %arg7[%run_scoped3A_473, %dma_start3A_493] : memref<4x128xi32, #tpu.memory_space<vmem>> -> memref<1x128xi32, #tpu.memory_space<vmem>>
      %dma_start3A_495 = tpu.memref_squeeze %dma_start3A_494 : memref<1x128xi32, #tpu.memory_space<vmem>> -> memref<128xi32, #tpu.memory_space<vmem>>
      %dma_start3A_496 = arith.constant 0 : i32
      %dma_start3A_497 = arith.constant 0 : i32
      %dma_start3A_498 = tpu.memref_slice %arg9[%dma_start3A_496, %dma_start3A_497] : memref<8192x128xf32, #tpu.memory_space<vmem_shared>> -> memref<8192x128xf32, #tpu.memory_space<vmem_shared>>
      tpu.enqueue_indirect_dma source(%dma_start3A_492 : memref<128x128xf32, #tpu.memory_space<vmem>>) target(%dma_start3A_498 : memref<8192x128xf32, #tpu.memory_space<vmem_shared>>) offsets(%dma_start3A_495 : memref<128xi32, #tpu.memory_space<vmem>>) semaphore(%run_scoped3A_488 : memref<!tpu.dma_semaphore, #tpu.memory_space<semaphore_mem>>) {add = true}
      %dma_wait3A_499 = arith.constant 0 : i32
      %dma_wait3A_500 = arith.constant 0 : i32
      %dma_wait3A_501 = tpu.memref_slice %arg8[%run_scoped3A_472, %dma_wait3A_499, %dma_wait3A_500] : memref<2x128x128xf32, #tpu.memory_space<vmem>> -> memref<1x128x128xf32, #tpu.memory_space<vmem>>
      %dma_wait3A_502 = tpu.memref_squeeze %dma_wait3A_501 : memref<1x128x128xf32, #tpu.memory_space<vmem>> -> memref<128x128xf32, #tpu.memory_space<vmem>>
      %dma_wait3A_503 = arith.constant 0 : i32
      %dma_wait3A_504 = tpu.memref_slice %arg7[%run_scoped3A_473, %dma_wait3A_503] : memref<4x128xi32, #tpu.memory_space<vmem>> -> memref<1x128xi32, #tpu.memory_space<vmem>>
      %dma_wait3A_505 = tpu.memref_squeeze %dma_wait3A_504 : memref<1x128xi32, #tpu.memory_space<vmem>> -> memref<128xi32, #tpu.memory_space<vmem>>
      %dma_wait3A_506 = arith.constant 0 : i32
      %dma_wait3A_507 = arith.constant 0 : i32
      %dma_wait3A_508 = tpu.memref_slice %arg9[%dma_wait3A_506, %dma_wait3A_507] : memref<8192x128xf32, #tpu.memory_space<vmem_shared>> -> memref<8192x128xf32, #tpu.memory_space<vmem_shared>>
      tpu.wait_indirect_dma semaphore(%run_scoped3A_488 : memref<!tpu.dma_semaphore, #tpu.memory_space<semaphore_mem>>) src(%dma_wait3A_502 : memref<128x128xf32, #tpu.memory_space<vmem>>) dst(%dma_wait3A_508 : memref<8192x128xf32, #tpu.memory_space<vmem_shared>>)
      tpu.yield
    }) : () -> ()
    %dma_wait3A_474 = arith.constant 1 : i32
    %dma_wait3A_475 = arith.constant 0 : i32
    %dma_wait3A_476 = arith.constant 0 : i32
    %dma_wait3A_477 = tpu.memref_slice %arg8[%dma_wait3A_474, %dma_wait3A_475, %dma_wait3A_476] : memref<2x128x128xf32, #tpu.memory_space<vmem>> -> memref<1x128x128xf32, #tpu.memory_space<vmem>>
    %dma_wait3A_478 = tpu.memref_squeeze %dma_wait3A_477 : memref<1x128x128xf32, #tpu.memory_space<vmem>> -> memref<128x128xf32, #tpu.memory_space<vmem>>
    %dma_wait3A_479 = tpu.memref_slice %arg2[%add3A_449, %mul3A_382] : memref<8192x1024xf32, #tpu.memory_space<hbm>> -> memref<128x128xf32, #tpu.memory_space<hbm>>
    %dma_wait3A_480 = arith.constant 0 : i32
    %dma_wait3A_481 = arith.constant 0 : i32
    %dma_wait3A_482 = tpu.memref_slice %arg8[%dma_wait3A_474, %dma_wait3A_480, %dma_wait3A_481] : memref<2x128x128xf32, #tpu.memory_space<vmem>> -> memref<1x128x128xf32, #tpu.memory_space<vmem>>
    %dma_wait3A_483 = tpu.memref_squeeze %dma_wait3A_482 : memref<1x128x128xf32, #tpu.memory_space<vmem>> -> memref<128x128xf32, #tpu.memory_space<vmem>>
    %dma_wait3A_484 = tpu.memref_slice %arg2[%add3A_449, %mul3A_382] : memref<8192x1024xf32, #tpu.memory_space<hbm>> -> memref<128x128xf32, #tpu.memory_space<hbm>>
    tpu.wait_dma2 semaphore(%arg11 : memref<!tpu.dma_semaphore, #tpu.memory_space<semaphore_mem>>) src(%dma_wait3A_484 : memref<128x128xf32, #tpu.memory_space<hbm>>) dst(%dma_wait3A_483 : memref<128x128xf32, #tpu.memory_space<vmem>>)
    %run_scoped3A_485 = arith.constant 1 : i32
    %run_scoped3A_486 = arith.constant 3 : i32
    "tpu.region"() ({
      %run_scoped3A_488 = tpu.sem_alloc : memref<!tpu.dma_semaphore, #tpu.memory_space<semaphore_mem>>
      %dma_start3A_489 = arith.constant 0 : i32
      %dma_start3A_490 = arith.constant 0 : i32
      %dma_start3A_491 = tpu.memref_slice %arg8[%run_scoped3A_485, %dma_start3A_489, %dma_start3A_490] : memref<2x128x128xf32, #tpu.memory_space<vmem>> -> memref<1x128x128xf32, #tpu.memory_space<vmem>>
      %dma_start3A_492 = tpu.memref_squeeze %dma_start3A_491 : memref<1x128x128xf32, #tpu.memory_space<vmem>> -> memref<128x128xf32, #tpu.memory_space<vmem>>
      %dma_start3A_493 = arith.constant 0 : i32
      %dma_start3A_494 = tpu.memref_slice %arg7[%run_scoped3A_486, %dma_start3A_493] : memref<4x128xi32, #tpu.memory_space<vmem>> -> memref<1x128xi32, #tpu.memory_space<vmem>>
      %dma_start3A_495 = tpu.memref_squeeze %dma_start3A_494 : memref<1x128xi32, #tpu.memory_space<vmem>> -> memref<128xi32, #tpu.memory_space<vmem>>
      %dma_start3A_496 = arith.constant 0 : i32
      %dma_start3A_497 = arith.constant 0 : i32
      %dma_start3A_498 = tpu.memref_slice %arg9[%dma_start3A_496, %dma_start3A_497] : memref<8192x128xf32, #tpu.memory_space<vmem_shared>> -> memref<8192x128xf32, #tpu.memory_space<vmem_shared>>
      tpu.enqueue_indirect_dma source(%dma_start3A_492 : memref<128x128xf32, #tpu.memory_space<vmem>>) target(%dma_start3A_498 : memref<8192x128xf32, #tpu.memory_space<vmem_shared>>) offsets(%dma_start3A_495 : memref<128xi32, #tpu.memory_space<vmem>>) semaphore(%run_scoped3A_488 : memref<!tpu.dma_semaphore, #tpu.memory_space<semaphore_mem>>) {add = true}
      %dma_wait3A_499 = arith.constant 0 : i32
      %dma_wait3A_500 = arith.constant 0 : i32
      %dma_wait3A_501 = tpu.memref_slice %arg8[%run_scoped3A_485, %dma_wait3A_499, %dma_wait3A_500] : memref<2x128x128xf32, #tpu.memory_space<vmem>> -> memref<1x128x128xf32, #tpu.memory_space<vmem>>
      %dma_wait3A_502 = tpu.memref_squeeze %dma_wait3A_501 : memref<1x128x128xf32, #tpu.memory_space<vmem>> -> memref<128x128xf32, #tpu.memory_space<vmem>>
      %dma_wait3A_503 = arith.constant 0 : i32
      %dma_wait3A_504 = tpu.memref_slice %arg7[%run_scoped3A_486, %dma_wait3A_503] : memref<4x128xi32, #tpu.memory_space<vmem>> -> memref<1x128xi32, #tpu.memory_space<vmem>>
      %dma_wait3A_505 = tpu.memref_squeeze %dma_wait3A_504 : memref<1x128xi32, #tpu.memory_space<vmem>> -> memref<128xi32, #tpu.memory_space<vmem>>
      %dma_wait3A_506 = arith.constant 0 : i32
      %dma_wait3A_507 = arith.constant 0 : i32
      %dma_wait3A_508 = tpu.memref_slice %arg9[%dma_wait3A_506, %dma_wait3A_507] : memref<8192x128xf32, #tpu.memory_space<vmem_shared>> -> memref<8192x128xf32, #tpu.memory_space<vmem_shared>>
      tpu.wait_indirect_dma semaphore(%run_scoped3A_488 : memref<!tpu.dma_semaphore, #tpu.memory_space<semaphore_mem>>) src(%dma_wait3A_502 : memref<128x128xf32, #tpu.memory_space<vmem>>) dst(%dma_wait3A_508 : memref<8192x128xf32, #tpu.memory_space<vmem_shared>>)
      tpu.yield
    }) : () -> ()
    %barrier3A_487 = arith.constant 0 : index
    tpu.barrier barrier_id(%barrier3A_487)
    "tpu.region"() ({
      %run_scoped3A_488 = tpu.sem_alloc : memref<!tpu.dma_semaphore, #tpu.memory_space<semaphore_mem>>
      %dma_start3A_489 = tpu.memref_slice %arg5[%mul3A_0, %mul3A_382] : memref<8192x1024xf32, #tpu.memory_space<hbm>> -> memref<512x128xf32, #tpu.memory_space<hbm>>
      %dma_start3A_490 = arith.constant 0 : i32
      %dma_start3A_491 = tpu.memref_slice %arg9[%mul3A_0, %dma_start3A_490] : memref<8192x128xf32, #tpu.memory_space<vmem_shared>> -> memref<512x128xf32, #tpu.memory_space<vmem_shared>>
      tpu.enqueue_dma source(%dma_start3A_491 : memref<512x128xf32, #tpu.memory_space<vmem_shared>>) target(%dma_start3A_489 : memref<512x128xf32, #tpu.memory_space<hbm>>) target_semaphore(%run_scoped3A_488 : memref<!tpu.dma_semaphore, #tpu.memory_space<semaphore_mem>>)
      %dma_wait3A_492 = tpu.memref_slice %arg5[%mul3A_0, %mul3A_382] : memref<8192x1024xf32, #tpu.memory_space<hbm>> -> memref<512x128xf32, #tpu.memory_space<hbm>>
      %dma_wait3A_493 = arith.constant 0 : i32
      %dma_wait3A_494 = tpu.memref_slice %arg9[%mul3A_0, %dma_wait3A_493] : memref<8192x128xf32, #tpu.memory_space<vmem_shared>> -> memref<512x128xf32, #tpu.memory_space<vmem_shared>>
      tpu.wait_dma2 semaphore(%run_scoped3A_488 : memref<!tpu.dma_semaphore, #tpu.memory_space<semaphore_mem>>) src(%dma_wait3A_494 : memref<512x128xf32, #tpu.memory_space<vmem_shared>>) dst(%dma_wait3A_492 : memref<512x128xf32, #tpu.memory_space<hbm>>)
      tpu.yield
    }) : () -> ()
    return
  }
}

#map = affine_map<(d0, d1) -> (0, 0)>
#map1 = affine_map<(d0, d1) -> (0)>
module attributes {stable_mosaic.version = 14 : i64} {
  func.func @g(%arg0: i32, %arg1: i32, %arg2: memref<8192x1024xf32, #tpu.memory_space<hbm>>, %arg3: memref<8192xi32, #tpu.memory_space<hbm>>, %arg4: memref<8192x1024xf32, #tpu.memory_space<hbm>>, %arg5: memref<256xi32, #tpu.memory_space<vmem>>, %arg6: memref<2x32x1024xf32, #tpu.memory_space<vmem>>, %arg7: memref<!tpu.dma_semaphore, #tpu.memory_space<semaphore_mem>>, %arg8: memref<!tpu.dma_semaphore, #tpu.memory_space<semaphore_mem>>) attributes {dimension_semantics = [#tpu.dimension_semantics<core_parallel>, #tpu.dimension_semantics<subcore_parallel>], iteration_bounds = array<i64: 2, 16>, scalar_prefetch = 0 : i64, scratch_operands = 4 : i64, tpu.core_type = #tpu.core_type<sc_vector_subcore>, window_params = [{transform_indices = #map}, {transform_indices = #map1}, {transform_indices = #map}]} {
    %mul3A = arith.constant 2 : i32
    %mul3A_0 = arith.muli %arg1, %mul3A : i32
    %add3A = arith.addi %mul3A_0, %arg0 : i32
    %mul3A_1 = arith.constant 256 : i32
    %mul3A_2 = arith.muli %add3A, %mul3A_1 : i32
    "tpu.region"() ({
      %run_scoped3A_200 = tpu.sem_alloc : memref<!tpu.dma_semaphore, #tpu.memory_space<semaphore_mem>>
      %dma_start3A_201 = tpu.memref_slice %arg3[%mul3A_2] : memref<8192xi32, #tpu.memory_space<hbm>> -> memref<256xi32, #tpu.memory_space<hbm>>
      %dma_start3A_202 = tpu.memref_slice %arg3[%mul3A_2] : memref<8192xi32, #tpu.memory_space<hbm>> -> memref<256xi32, #tpu.memory_space<hbm>>
      tpu.enqueue_dma source(%dma_start3A_202 : memref<256xi32, #tpu.memory_space<hbm>>) target(%arg5 : memref<256xi32, #tpu.memory_space<vmem>>) target_semaphore(%run_scoped3A_200 : memref<!tpu.dma_semaphore, #tpu.memory_space<semaphore_mem>>)
      %dma_wait3A_203 = tpu.memref_slice %arg3[%mul3A_2] : memref<8192xi32, #tpu.memory_space<hbm>> -> memref<256xi32, #tpu.memory_space<hbm>>
      %dma_wait3A_204 = tpu.memref_slice %arg3[%mul3A_2] : memref<8192xi32, #tpu.memory_space<hbm>> -> memref<256xi32, #tpu.memory_space<hbm>>
      tpu.wait_dma2 semaphore(%run_scoped3A_200 : memref<!tpu.dma_semaphore, #tpu.memory_space<semaphore_mem>>) src(%dma_wait3A_204 : memref<256xi32, #tpu.memory_space<hbm>>) dst(%arg5 : memref<256xi32, #tpu.memory_space<vmem>>)
      tpu.yield
    }) : () -> ()
    %dma_start3A = arith.constant 0 : i32
    %dma_start3A_3 = arith.constant 0 : i32
    %dma_start3A_4 = arith.constant 0 : i32
    %dma_start3A_5 = tpu.memref_slice %arg6[%dma_start3A, %dma_start3A_3, %dma_start3A_4] : memref<2x32x1024xf32, #tpu.memory_space<vmem>> -> memref<1x32x1024xf32, #tpu.memory_space<vmem>>
    %dma_start3A_6 = tpu.memref_squeeze %dma_start3A_5 : memref<1x32x1024xf32, #tpu.memory_space<vmem>> -> memref<32x1024xf32, #tpu.memory_space<vmem>>
    %dma_start3A_7 = arith.constant 0 : i32
    %dma_start3A_8 = tpu.memref_slice %arg5[%dma_start3A_7] : memref<256xi32, #tpu.memory_space<vmem>> -> memref<32xi32, #tpu.memory_space<vmem>>
    %dma_start3A_9 = arith.constant 0 : i32
    %dma_start3A_10 = arith.constant 0 : i32
    %dma_start3A_11 = tpu.memref_slice %arg2[%dma_start3A_9, %dma_start3A_10] : memref<8192x1024xf32, #tpu.memory_space<hbm>> -> memref<8192x1024xf32, #tpu.memory_space<hbm>>
    tpu.enqueue_indirect_dma source(%dma_start3A_11 : memref<8192x1024xf32, #tpu.memory_space<hbm>>) target(%dma_start3A_6 : memref<32x1024xf32, #tpu.memory_space<vmem>>) offsets(%dma_start3A_8 : memref<32xi32, #tpu.memory_space<vmem>>) semaphore(%arg7 : memref<!tpu.dma_semaphore, #tpu.memory_space<semaphore_mem>>)
    %dma_start3A_12 = arith.constant 1 : i32
    %dma_start3A_13 = arith.constant 0 : i32
    %dma_start3A_14 = arith.constant 0 : i32
    %dma_start3A_15 = tpu.memref_slice %arg6[%dma_start3A_12, %dma_start3A_13, %dma_start3A_14] : memref<2x32x1024xf32, #tpu.memory_space<vmem>> -> memref<1x32x1024xf32, #tpu.memory_space<vmem>>
    %dma_start3A_16 = tpu.memref_squeeze %dma_start3A_15 : memref<1x32x1024xf32, #tpu.memory_space<vmem>> -> memref<32x1024xf32, #tpu.memory_space<vmem>>
    %dma_start3A_17 = arith.constant 32 : i32
    %dma_start3A_18 = tpu.memref_slice %arg5[%dma_start3A_17] : memref<256xi32, #tpu.memory_space<vmem>> -> memref<32xi32, #tpu.memory_space<vmem>>
    %dma_start3A_19 = arith.constant 0 : i32
    %dma_start3A_20 = arith.constant 0 : i32
    %dma_start3A_21 = tpu.memref_slice %arg2[%dma_start3A_19, %dma_start3A_20] : memref<8192x1024xf32, #tpu.memory_space<hbm>> -> memref<8192x1024xf32, #tpu.memory_space<hbm>>
    tpu.enqueue_indirect_dma source(%dma_start3A_21 : memref<8192x1024xf32, #tpu.memory_space<hbm>>) target(%dma_start3A_16 : memref<32x1024xf32, #tpu.memory_space<vmem>>) offsets(%dma_start3A_18 : memref<32xi32, #tpu.memory_space<vmem>>) semaphore(%arg8 : memref<!tpu.dma_semaphore, #tpu.memory_space<semaphore_mem>>)
    %dma_wait3A = arith.constant 0 : i32
    %dma_wait3A_22 = arith.constant 0 : i32
    %dma_wait3A_23 = arith.constant 0 : i32
    %dma_wait3A_24 = tpu.memref_slice %arg6[%dma_wait3A, %dma_wait3A_22, %dma_wait3A_23] : memref<2x32x1024xf32, #tpu.memory_space<vmem>> -> memref<1x32x1024xf32, #tpu.memory_space<vmem>>
    %dma_wait3A_25 = tpu.memref_squeeze %dma_wait3A_24 : memref<1x32x1024xf32, #tpu.memory_space<vmem>> -> memref<32x1024xf32, #tpu.memory_space<vmem>>
    %dma_wait3A_26 = arith.constant 0 : i32
    %dma_wait3A_27 = tpu.memref_slice %arg5[%dma_wait3A_26] : memref<256xi32, #tpu.memory_space<vmem>> -> memref<32xi32, #tpu.memory_space<vmem>>
    %dma_wait3A_28 = arith.constant 0 : i32
    %dma_wait3A_29 = arith.constant 0 : i32
    %dma_wait3A_30 = tpu.memref_slice %arg2[%dma_wait3A_28, %dma_wait3A_29] : memref<8192x1024xf32, #tpu.memory_space<hbm>> -> memref<8192x1024xf32, #tpu.memory_space<hbm>>
    tpu.wait_indirect_dma semaphore(%arg7 : memref<!tpu.dma_semaphore, #tpu.memory_space<semaphore_mem>>) src(%dma_wait3A_30 : memref<8192x1024xf32, #tpu.memory_space<hbm>>) dst(%dma_wait3A_25 : memref<32x1024xf32, #tpu.memory_space<vmem>>)
    %mul3A_31 = arith.constant 256 : i32
    %mul3A_32 = arith.muli %add3A, %mul3A_31 : i32
    %add3A_33 = arith.constant 0 : i32
    %add3A_34 = arith.addi %mul3A_32, %add3A_33 : i32
    %run_scoped3A = arith.constant 0 : i32
    "tpu.region"() ({
      %run_scoped3A_200 = tpu.sem_alloc : memref<!tpu.dma_semaphore, #tpu.memory_space<semaphore_mem>>
      %dma_start3A_201 = arith.constant 0 : i32
      %dma_start3A_202 = arith.constant 0 : i32
      %dma_start3A_203 = tpu.memref_slice %arg6[%run_scoped3A, %dma_start3A_201, %dma_start3A_202] : memref<2x32x1024xf32, #tpu.memory_space<vmem>> -> memref<1x32x1024xf32, #tpu.memory_space<vmem>>
      %dma_start3A_204 = tpu.memref_squeeze %dma_start3A_203 : memref<1x32x1024xf32, #tpu.memory_space<vmem>> -> memref<32x1024xf32, #tpu.memory_space<vmem>>
      %dma_start3A_205 = arith.constant 0 : i32
      %dma_start3A_206 = tpu.memref_slice %arg4[%add3A_34, %dma_start3A_205] : memref<8192x1024xf32, #tpu.memory_space<hbm>> -> memref<32x1024xf32, #tpu.memory_space<hbm>>
      %dma_start3A_207 = arith.constant 0 : i32
      %dma_start3A_208 = tpu.memref_slice %arg4[%add3A_34, %dma_start3A_207] : memref<8192x1024xf32, #tpu.memory_space<hbm>> -> memref<32x1024xf32, #tpu.memory_space<hbm>>
      %dma_start3A_209 = arith.constant 0 : i32
      %dma_start3A_210 = arith.constant 0 : i32
      %dma_start3A_211 = tpu.memref_slice %arg6[%run_scoped3A, %dma_start3A_209, %dma_start3A_210] : memref<2x32x1024xf32, #tpu.memory_space<vmem>> -> memref<1x32x1024xf32, #tpu.memory_space<vmem>>
      %dma_start3A_212 = tpu.memref_squeeze %dma_start3A_211 : memref<1x32x1024xf32, #tpu.memory_space<vmem>> -> memref<32x1024xf32, #tpu.memory_space<vmem>>
      tpu.enqueue_dma source(%dma_start3A_212 : memref<32x1024xf32, #tpu.memory_space<vmem>>) target(%dma_start3A_208 : memref<32x1024xf32, #tpu.memory_space<hbm>>) target_semaphore(%run_scoped3A_200 : memref<!tpu.dma_semaphore, #tpu.memory_space<semaphore_mem>>)
      %dma_wait3A_213 = arith.constant 0 : i32
      %dma_wait3A_214 = arith.constant 0 : i32
      %dma_wait3A_215 = tpu.memref_slice %arg6[%run_scoped3A, %dma_wait3A_213, %dma_wait3A_214] : memref<2x32x1024xf32, #tpu.memory_space<vmem>> -> memref<1x32x1024xf32, #tpu.memory_space<vmem>>
      %dma_wait3A_216 = tpu.memref_squeeze %dma_wait3A_215 : memref<1x32x1024xf32, #tpu.memory_space<vmem>> -> memref<32x1024xf32, #tpu.memory_space<vmem>>
      %dma_wait3A_217 = arith.constant 0 : i32
      %dma_wait3A_218 = tpu.memref_slice %arg4[%add3A_34, %dma_wait3A_217] : memref<8192x1024xf32, #tpu.memory_space<hbm>> -> memref<32x1024xf32, #tpu.memory_space<hbm>>
      %dma_wait3A_219 = arith.constant 0 : i32
      %dma_wait3A_220 = tpu.memref_slice %arg4[%add3A_34, %dma_wait3A_219] : memref<8192x1024xf32, #tpu.memory_space<hbm>> -> memref<32x1024xf32, #tpu.memory_space<hbm>>
      %dma_wait3A_221 = arith.constant 0 : i32
      %dma_wait3A_222 = arith.constant 0 : i32
      %dma_wait3A_223 = tpu.memref_slice %arg6[%run_scoped3A, %dma_wait3A_221, %dma_wait3A_222] : memref<2x32x1024xf32, #tpu.memory_space<vmem>> -> memref<1x32x1024xf32, #tpu.memory_space<vmem>>
      %dma_wait3A_224 = tpu.memref_squeeze %dma_wait3A_223 : memref<1x32x1024xf32, #tpu.memory_space<vmem>> -> memref<32x1024xf32, #tpu.memory_space<vmem>>
      tpu.wait_dma2 semaphore(%run_scoped3A_200 : memref<!tpu.dma_semaphore, #tpu.memory_space<semaphore_mem>>) src(%dma_wait3A_224 : memref<32x1024xf32, #tpu.memory_space<vmem>>) dst(%dma_wait3A_220 : memref<32x1024xf32, #tpu.memory_space<hbm>>)
      tpu.yield
    }) : () -> ()
    %dma_start3A_35 = arith.constant 0 : i32
    %dma_start3A_36 = arith.constant 0 : i32
    %dma_start3A_37 = arith.constant 0 : i32
    %dma_start3A_38 = tpu.memref_slice %arg6[%dma_start3A_35, %dma_start3A_36, %dma_start3A_37] : memref<2x32x1024xf32, #tpu.memory_space<vmem>> -> memref<1x32x1024xf32, #tpu.memory_space<vmem>>
    %dma_start3A_39 = tpu.memref_squeeze %dma_start3A_38 : memref<1x32x1024xf32, #tpu.memory_space<vmem>> -> memref<32x1024xf32, #tpu.memory_space<vmem>>
    %dma_start3A_40 = arith.constant 64 : i32
    %dma_start3A_41 = tpu.memref_slice %arg5[%dma_start3A_40] : memref<256xi32, #tpu.memory_space<vmem>> -> memref<32xi32, #tpu.memory_space<vmem>>
    %dma_start3A_42 = arith.constant 0 : i32
    %dma_start3A_43 = arith.constant 0 : i32
    %dma_start3A_44 = tpu.memref_slice %arg2[%dma_start3A_42, %dma_start3A_43] : memref<8192x1024xf32, #tpu.memory_space<hbm>> -> memref<8192x1024xf32, #tpu.memory_space<hbm>>
    tpu.enqueue_indirect_dma source(%dma_start3A_44 : memref<8192x1024xf32, #tpu.memory_space<hbm>>) target(%dma_start3A_39 : memref<32x1024xf32, #tpu.memory_space<vmem>>) offsets(%dma_start3A_41 : memref<32xi32, #tpu.memory_space<vmem>>) semaphore(%arg7 : memref<!tpu.dma_semaphore, #tpu.memory_space<semaphore_mem>>)
    %dma_wait3A_45 = arith.constant 1 : i32
    %dma_wait3A_46 = arith.constant 0 : i32
    %dma_wait3A_47 = arith.constant 0 : i32
    %dma_wait3A_48 = tpu.memref_slice %arg6[%dma_wait3A_45, %dma_wait3A_46, %dma_wait3A_47] : memref<2x32x1024xf32, #tpu.memory_space<vmem>> -> memref<1x32x1024xf32, #tpu.memory_space<vmem>>
    %dma_wait3A_49 = tpu.memref_squeeze %dma_wait3A_48 : memref<1x32x1024xf32, #tpu.memory_space<vmem>> -> memref<32x1024xf32, #tpu.memory_space<vmem>>
    %dma_wait3A_50 = arith.constant 32 : i32
    %dma_wait3A_51 = tpu.memref_slice %arg5[%dma_wait3A_50] : memref<256xi32, #tpu.memory_space<vmem>> -> memref<32xi32, #tpu.memory_space<vmem>>
    %dma_wait3A_52 = arith.constant 0 : i32
    %dma_wait3A_53 = arith.constant 0 : i32
    %dma_wait3A_54 = tpu.memref_slice %arg2[%dma_wait3A_52, %dma_wait3A_53] : memref<8192x1024xf32, #tpu.memory_space<hbm>> -> memref<8192x1024xf32, #tpu.memory_space<hbm>>
    tpu.wait_indirect_dma semaphore(%arg8 : memref<!tpu.dma_semaphore, #tpu.memory_space<semaphore_mem>>) src(%dma_wait3A_54 : memref<8192x1024xf32, #tpu.memory_space<hbm>>) dst(%dma_wait3A_49 : memref<32x1024xf32, #tpu.memory_space<vmem>>)
    %mul3A_55 = arith.constant 256 : i32
    %mul3A_56 = arith.muli %add3A, %mul3A_55 : i32
    %add3A_57 = arith.constant 32 : i32
    %add3A_58 = arith.addi %mul3A_56, %add3A_57 : i32
    %run_scoped3A_59 = arith.constant 1 : i32
    "tpu.region"() ({
      %run_scoped3A_200 = tpu.sem_alloc : memref<!tpu.dma_semaphore, #tpu.memory_space<semaphore_mem>>
      %dma_start3A_201 = arith.constant 0 : i32
      %dma_start3A_202 = arith.constant 0 : i32
      %dma_start3A_203 = tpu.memref_slice %arg6[%run_scoped3A_59, %dma_start3A_201, %dma_start3A_202] : memref<2x32x1024xf32, #tpu.memory_space<vmem>> -> memref<1x32x1024xf32, #tpu.memory_space<vmem>>
      %dma_start3A_204 = tpu.memref_squeeze %dma_start3A_203 : memref<1x32x1024xf32, #tpu.memory_space<vmem>> -> memref<32x1024xf32, #tpu.memory_space<vmem>>
      %dma_start3A_205 = arith.constant 0 : i32
      %dma_start3A_206 = tpu.memref_slice %arg4[%add3A_58, %dma_start3A_205] : memref<8192x1024xf32, #tpu.memory_space<hbm>> -> memref<32x1024xf32, #tpu.memory_space<hbm>>
      %dma_start3A_207 = arith.constant 0 : i32
      %dma_start3A_208 = tpu.memref_slice %arg4[%add3A_58, %dma_start3A_207] : memref<8192x1024xf32, #tpu.memory_space<hbm>> -> memref<32x1024xf32, #tpu.memory_space<hbm>>
      %dma_start3A_209 = arith.constant 0 : i32
      %dma_start3A_210 = arith.constant 0 : i32
      %dma_start3A_211 = tpu.memref_slice %arg6[%run_scoped3A_59, %dma_start3A_209, %dma_start3A_210] : memref<2x32x1024xf32, #tpu.memory_space<vmem>> -> memref<1x32x1024xf32, #tpu.memory_space<vmem>>
      %dma_start3A_212 = tpu.memref_squeeze %dma_start3A_211 : memref<1x32x1024xf32, #tpu.memory_space<vmem>> -> memref<32x1024xf32, #tpu.memory_space<vmem>>
      tpu.enqueue_dma source(%dma_start3A_212 : memref<32x1024xf32, #tpu.memory_space<vmem>>) target(%dma_start3A_208 : memref<32x1024xf32, #tpu.memory_space<hbm>>) target_semaphore(%run_scoped3A_200 : memref<!tpu.dma_semaphore, #tpu.memory_space<semaphore_mem>>)
      %dma_wait3A_213 = arith.constant 0 : i32
      %dma_wait3A_214 = arith.constant 0 : i32
      %dma_wait3A_215 = tpu.memref_slice %arg6[%run_scoped3A_59, %dma_wait3A_213, %dma_wait3A_214] : memref<2x32x1024xf32, #tpu.memory_space<vmem>> -> memref<1x32x1024xf32, #tpu.memory_space<vmem>>
      %dma_wait3A_216 = tpu.memref_squeeze %dma_wait3A_215 : memref<1x32x1024xf32, #tpu.memory_space<vmem>> -> memref<32x1024xf32, #tpu.memory_space<vmem>>
      %dma_wait3A_217 = arith.constant 0 : i32
      %dma_wait3A_218 = tpu.memref_slice %arg4[%add3A_58, %dma_wait3A_217] : memref<8192x1024xf32, #tpu.memory_space<hbm>> -> memref<32x1024xf32, #tpu.memory_space<hbm>>
      %dma_wait3A_219 = arith.constant 0 : i32
      %dma_wait3A_220 = tpu.memref_slice %arg4[%add3A_58, %dma_wait3A_219] : memref<8192x1024xf32, #tpu.memory_space<hbm>> -> memref<32x1024xf32, #tpu.memory_space<hbm>>
      %dma_wait3A_221 = arith.constant 0 : i32
      %dma_wait3A_222 = arith.constant 0 : i32
      %dma_wait3A_223 = tpu.memref_slice %arg6[%run_scoped3A_59, %dma_wait3A_221, %dma_wait3A_222] : memref<2x32x1024xf32, #tpu.memory_space<vmem>> -> memref<1x32x1024xf32, #tpu.memory_space<vmem>>
      %dma_wait3A_224 = tpu.memref_squeeze %dma_wait3A_223 : memref<1x32x1024xf32, #tpu.memory_space<vmem>> -> memref<32x1024xf32, #tpu.memory_space<vmem>>
      tpu.wait_dma2 semaphore(%run_scoped3A_200 : memref<!tpu.dma_semaphore, #tpu.memory_space<semaphore_mem>>) src(%dma_wait3A_224 : memref<32x1024xf32, #tpu.memory_space<vmem>>) dst(%dma_wait3A_220 : memref<32x1024xf32, #tpu.memory_space<hbm>>)
      tpu.yield
    }) : () -> ()
    %dma_start3A_60 = arith.constant 1 : i32
    %dma_start3A_61 = arith.constant 0 : i32
    %dma_start3A_62 = arith.constant 0 : i32
    %dma_start3A_63 = tpu.memref_slice %arg6[%dma_start3A_60, %dma_start3A_61, %dma_start3A_62] : memref<2x32x1024xf32, #tpu.memory_space<vmem>> -> memref<1x32x1024xf32, #tpu.memory_space<vmem>>
    %dma_start3A_64 = tpu.memref_squeeze %dma_start3A_63 : memref<1x32x1024xf32, #tpu.memory_space<vmem>> -> memref<32x1024xf32, #tpu.memory_space<vmem>>
    %dma_start3A_65 = arith.constant 96 : i32
    %dma_start3A_66 = tpu.memref_slice %arg5[%dma_start3A_65] : memref<256xi32, #tpu.memory_space<vmem>> -> memref<32xi32, #tpu.memory_space<vmem>>
    %dma_start3A_67 = arith.constant 0 : i32
    %dma_start3A_68 = arith.constant 0 : i32
    %dma_start3A_69 = tpu.memref_slice %arg2[%dma_start3A_67, %dma_start3A_68] : memref<8192x1024xf32, #tpu.memory_space<hbm>> -> memref<8192x1024xf32, #tpu.memory_space<hbm>>
    tpu.enqueue_indirect_dma source(%dma_start3A_69 : memref<8192x1024xf32, #tpu.memory_space<hbm>>) target(%dma_start3A_64 : memref<32x1024xf32, #tpu.memory_space<vmem>>) offsets(%dma_start3A_66 : memref<32xi32, #tpu.memory_space<vmem>>) semaphore(%arg8 : memref<!tpu.dma_semaphore, #tpu.memory_space<semaphore_mem>>)
    %dma_wait3A_70 = arith.constant 0 : i32
    %dma_wait3A_71 = arith.constant 0 : i32
    %dma_wait3A_72 = arith.constant 0 : i32
    %dma_wait3A_73 = tpu.memref_slice %arg6[%dma_wait3A_70, %dma_wait3A_71, %dma_wait3A_72] : memref<2x32x1024xf32, #tpu.memory_space<vmem>> -> memref<1x32x1024xf32, #tpu.memory_space<vmem>>
    %dma_wait3A_74 = tpu.memref_squeeze %dma_wait3A_73 : memref<1x32x1024xf32, #tpu.memory_space<vmem>> -> memref<32x1024xf32, #tpu.memory_space<vmem>>
    %dma_wait3A_75 = arith.constant 64 : i32
    %dma_wait3A_76 = tpu.memref_slice %arg5[%dma_wait3A_75] : memref<256xi32, #tpu.memory_space<vmem>> -> memref<32xi32, #tpu.memory_space<vmem>>
    %dma_wait3A_77 = arith.constant 0 : i32
    %dma_wait3A_78 = arith.constant 0 : i32
    %dma_wait3A_79 = tpu.memref_slice %arg2[%dma_wait3A_77, %dma_wait3A_78] : memref<8192x1024xf32, #tpu.memory_space<hbm>> -> memref<8192x1024xf32, #tpu.memory_space<hbm>>
    tpu.wait_indirect_dma semaphore(%arg7 : memref<!tpu.dma_semaphore, #tpu.memory_space<semaphore_mem>>) src(%dma_wait3A_79 : memref<8192x1024xf32, #tpu.memory_space<hbm>>) dst(%dma_wait3A_74 : memref<32x1024xf32, #tpu.memory_space<vmem>>)
    %mul3A_80 = arith.constant 256 : i32
    %mul3A_81 = arith.muli %add3A, %mul3A_80 : i32
    %add3A_82 = arith.constant 64 : i32
    %add3A_83 = arith.addi %mul3A_81, %add3A_82 : i32
    %run_scoped3A_84 = arith.constant 0 : i32
    "tpu.region"() ({
      %run_scoped3A_200 = tpu.sem_alloc : memref<!tpu.dma_semaphore, #tpu.memory_space<semaphore_mem>>
      %dma_start3A_201 = arith.constant 0 : i32
      %dma_start3A_202 = arith.constant 0 : i32
      %dma_start3A_203 = tpu.memref_slice %arg6[%run_scoped3A_84, %dma_start3A_201, %dma_start3A_202] : memref<2x32x1024xf32, #tpu.memory_space<vmem>> -> memref<1x32x1024xf32, #tpu.memory_space<vmem>>
      %dma_start3A_204 = tpu.memref_squeeze %dma_start3A_203 : memref<1x32x1024xf32, #tpu.memory_space<vmem>> -> memref<32x1024xf32, #tpu.memory_space<vmem>>
      %dma_start3A_205 = arith.constant 0 : i32
      %dma_start3A_206 = tpu.memref_slice %arg4[%add3A_83, %dma_start3A_205] : memref<8192x1024xf32, #tpu.memory_space<hbm>> -> memref<32x1024xf32, #tpu.memory_space<hbm>>
      %dma_start3A_207 = arith.constant 0 : i32
      %dma_start3A_208 = tpu.memref_slice %arg4[%add3A_83, %dma_start3A_207] : memref<8192x1024xf32, #tpu.memory_space<hbm>> -> memref<32x1024xf32, #tpu.memory_space<hbm>>
      %dma_start3A_209 = arith.constant 0 : i32
      %dma_start3A_210 = arith.constant 0 : i32
      %dma_start3A_211 = tpu.memref_slice %arg6[%run_scoped3A_84, %dma_start3A_209, %dma_start3A_210] : memref<2x32x1024xf32, #tpu.memory_space<vmem>> -> memref<1x32x1024xf32, #tpu.memory_space<vmem>>
      %dma_start3A_212 = tpu.memref_squeeze %dma_start3A_211 : memref<1x32x1024xf32, #tpu.memory_space<vmem>> -> memref<32x1024xf32, #tpu.memory_space<vmem>>
      tpu.enqueue_dma source(%dma_start3A_212 : memref<32x1024xf32, #tpu.memory_space<vmem>>) target(%dma_start3A_208 : memref<32x1024xf32, #tpu.memory_space<hbm>>) target_semaphore(%run_scoped3A_200 : memref<!tpu.dma_semaphore, #tpu.memory_space<semaphore_mem>>)
      %dma_wait3A_213 = arith.constant 0 : i32
      %dma_wait3A_214 = arith.constant 0 : i32
      %dma_wait3A_215 = tpu.memref_slice %arg6[%run_scoped3A_84, %dma_wait3A_213, %dma_wait3A_214] : memref<2x32x1024xf32, #tpu.memory_space<vmem>> -> memref<1x32x1024xf32, #tpu.memory_space<vmem>>
      %dma_wait3A_216 = tpu.memref_squeeze %dma_wait3A_215 : memref<1x32x1024xf32, #tpu.memory_space<vmem>> -> memref<32x1024xf32, #tpu.memory_space<vmem>>
      %dma_wait3A_217 = arith.constant 0 : i32
      %dma_wait3A_218 = tpu.memref_slice %arg4[%add3A_83, %dma_wait3A_217] : memref<8192x1024xf32, #tpu.memory_space<hbm>> -> memref<32x1024xf32, #tpu.memory_space<hbm>>
      %dma_wait3A_219 = arith.constant 0 : i32
      %dma_wait3A_220 = tpu.memref_slice %arg4[%add3A_83, %dma_wait3A_219] : memref<8192x1024xf32, #tpu.memory_space<hbm>> -> memref<32x1024xf32, #tpu.memory_space<hbm>>
      %dma_wait3A_221 = arith.constant 0 : i32
      %dma_wait3A_222 = arith.constant 0 : i32
      %dma_wait3A_223 = tpu.memref_slice %arg6[%run_scoped3A_84, %dma_wait3A_221, %dma_wait3A_222] : memref<2x32x1024xf32, #tpu.memory_space<vmem>> -> memref<1x32x1024xf32, #tpu.memory_space<vmem>>
      %dma_wait3A_224 = tpu.memref_squeeze %dma_wait3A_223 : memref<1x32x1024xf32, #tpu.memory_space<vmem>> -> memref<32x1024xf32, #tpu.memory_space<vmem>>
      tpu.wait_dma2 semaphore(%run_scoped3A_200 : memref<!tpu.dma_semaphore, #tpu.memory_space<semaphore_mem>>) src(%dma_wait3A_224 : memref<32x1024xf32, #tpu.memory_space<vmem>>) dst(%dma_wait3A_220 : memref<32x1024xf32, #tpu.memory_space<hbm>>)
      tpu.yield
    }) : () -> ()
    %dma_start3A_85 = arith.constant 0 : i32
    %dma_start3A_86 = arith.constant 0 : i32
    %dma_start3A_87 = arith.constant 0 : i32
    %dma_start3A_88 = tpu.memref_slice %arg6[%dma_start3A_85, %dma_start3A_86, %dma_start3A_87] : memref<2x32x1024xf32, #tpu.memory_space<vmem>> -> memref<1x32x1024xf32, #tpu.memory_space<vmem>>
    %dma_start3A_89 = tpu.memref_squeeze %dma_start3A_88 : memref<1x32x1024xf32, #tpu.memory_space<vmem>> -> memref<32x1024xf32, #tpu.memory_space<vmem>>
    %dma_start3A_90 = arith.constant 128 : i32
    %dma_start3A_91 = tpu.memref_slice %arg5[%dma_start3A_90] : memref<256xi32, #tpu.memory_space<vmem>> -> memref<32xi32, #tpu.memory_space<vmem>>
    %dma_start3A_92 = arith.constant 0 : i32
    %dma_start3A_93 = arith.constant 0 : i32
    %dma_start3A_94 = tpu.memref_slice %arg2[%dma_start3A_92, %dma_start3A_93] : memref<8192x1024xf32, #tpu.memory_space<hbm>> -> memref<8192x1024xf32, #tpu.memory_space<hbm>>
    tpu.enqueue_indirect_dma source(%dma_start3A_94 : memref<8192x1024xf32, #tpu.memory_space<hbm>>) target(%dma_start3A_89 : memref<32x1024xf32, #tpu.memory_space<vmem>>) offsets(%dma_start3A_91 : memref<32xi32, #tpu.memory_space<vmem>>) semaphore(%arg7 : memref<!tpu.dma_semaphore, #tpu.memory_space<semaphore_mem>>)
    %dma_wait3A_95 = arith.constant 1 : i32
    %dma_wait3A_96 = arith.constant 0 : i32
    %dma_wait3A_97 = arith.constant 0 : i32
    %dma_wait3A_98 = tpu.memref_slice %arg6[%dma_wait3A_95, %dma_wait3A_96, %dma_wait3A_97] : memref<2x32x1024xf32, #tpu.memory_space<vmem>> -> memref<1x32x1024xf32, #tpu.memory_space<vmem>>
    %dma_wait3A_99 = tpu.memref_squeeze %dma_wait3A_98 : memref<1x32x1024xf32, #tpu.memory_space<vmem>> -> memref<32x1024xf32, #tpu.memory_space<vmem>>
    %dma_wait3A_100 = arith.constant 96 : i32
    %dma_wait3A_101 = tpu.memref_slice %arg5[%dma_wait3A_100] : memref<256xi32, #tpu.memory_space<vmem>> -> memref<32xi32, #tpu.memory_space<vmem>>
    %dma_wait3A_102 = arith.constant 0 : i32
    %dma_wait3A_103 = arith.constant 0 : i32
    %dma_wait3A_104 = tpu.memref_slice %arg2[%dma_wait3A_102, %dma_wait3A_103] : memref<8192x1024xf32, #tpu.memory_space<hbm>> -> memref<8192x1024xf32, #tpu.memory_space<hbm>>
    tpu.wait_indirect_dma semaphore(%arg8 : memref<!tpu.dma_semaphore, #tpu.memory_space<semaphore_mem>>) src(%dma_wait3A_104 : memref<8192x1024xf32, #tpu.memory_space<hbm>>) dst(%dma_wait3A_99 : memref<32x1024xf32, #tpu.memory_space<vmem>>)
    %mul3A_105 = arith.constant 256 : i32
    %mul3A_106 = arith.muli %add3A, %mul3A_105 : i32
    %add3A_107 = arith.constant 96 : i32
    %add3A_108 = arith.addi %mul3A_106, %add3A_107 : i32
    %run_scoped3A_109 = arith.constant 1 : i32
    "tpu.region"() ({
      %run_scoped3A_200 = tpu.sem_alloc : memref<!tpu.dma_semaphore, #tpu.memory_space<semaphore_mem>>
      %dma_start3A_201 = arith.constant 0 : i32
      %dma_start3A_202 = arith.constant 0 : i32
      %dma_start3A_203 = tpu.memref_slice %arg6[%run_scoped3A_109, %dma_start3A_201, %dma_start3A_202] : memref<2x32x1024xf32, #tpu.memory_space<vmem>> -> memref<1x32x1024xf32, #tpu.memory_space<vmem>>
      %dma_start3A_204 = tpu.memref_squeeze %dma_start3A_203 : memref<1x32x1024xf32, #tpu.memory_space<vmem>> -> memref<32x1024xf32, #tpu.memory_space<vmem>>
      %dma_start3A_205 = arith.constant 0 : i32
      %dma_start3A_206 = tpu.memref_slice %arg4[%add3A_108, %dma_start3A_205] : memref<8192x1024xf32, #tpu.memory_space<hbm>> -> memref<32x1024xf32, #tpu.memory_space<hbm>>
      %dma_start3A_207 = arith.constant 0 : i32
      %dma_start3A_208 = tpu.memref_slice %arg4[%add3A_108, %dma_start3A_207] : memref<8192x1024xf32, #tpu.memory_space<hbm>> -> memref<32x1024xf32, #tpu.memory_space<hbm>>
      %dma_start3A_209 = arith.constant 0 : i32
      %dma_start3A_210 = arith.constant 0 : i32
      %dma_start3A_211 = tpu.memref_slice %arg6[%run_scoped3A_109, %dma_start3A_209, %dma_start3A_210] : memref<2x32x1024xf32, #tpu.memory_space<vmem>> -> memref<1x32x1024xf32, #tpu.memory_space<vmem>>
      %dma_start3A_212 = tpu.memref_squeeze %dma_start3A_211 : memref<1x32x1024xf32, #tpu.memory_space<vmem>> -> memref<32x1024xf32, #tpu.memory_space<vmem>>
      tpu.enqueue_dma source(%dma_start3A_212 : memref<32x1024xf32, #tpu.memory_space<vmem>>) target(%dma_start3A_208 : memref<32x1024xf32, #tpu.memory_space<hbm>>) target_semaphore(%run_scoped3A_200 : memref<!tpu.dma_semaphore, #tpu.memory_space<semaphore_mem>>)
      %dma_wait3A_213 = arith.constant 0 : i32
      %dma_wait3A_214 = arith.constant 0 : i32
      %dma_wait3A_215 = tpu.memref_slice %arg6[%run_scoped3A_109, %dma_wait3A_213, %dma_wait3A_214] : memref<2x32x1024xf32, #tpu.memory_space<vmem>> -> memref<1x32x1024xf32, #tpu.memory_space<vmem>>
      %dma_wait3A_216 = tpu.memref_squeeze %dma_wait3A_215 : memref<1x32x1024xf32, #tpu.memory_space<vmem>> -> memref<32x1024xf32, #tpu.memory_space<vmem>>
      %dma_wait3A_217 = arith.constant 0 : i32
      %dma_wait3A_218 = tpu.memref_slice %arg4[%add3A_108, %dma_wait3A_217] : memref<8192x1024xf32, #tpu.memory_space<hbm>> -> memref<32x1024xf32, #tpu.memory_space<hbm>>
      %dma_wait3A_219 = arith.constant 0 : i32
      %dma_wait3A_220 = tpu.memref_slice %arg4[%add3A_108, %dma_wait3A_219] : memref<8192x1024xf32, #tpu.memory_space<hbm>> -> memref<32x1024xf32, #tpu.memory_space<hbm>>
      %dma_wait3A_221 = arith.constant 0 : i32
      %dma_wait3A_222 = arith.constant 0 : i32
      %dma_wait3A_223 = tpu.memref_slice %arg6[%run_scoped3A_109, %dma_wait3A_221, %dma_wait3A_222] : memref<2x32x1024xf32, #tpu.memory_space<vmem>> -> memref<1x32x1024xf32, #tpu.memory_space<vmem>>
      %dma_wait3A_224 = tpu.memref_squeeze %dma_wait3A_223 : memref<1x32x1024xf32, #tpu.memory_space<vmem>> -> memref<32x1024xf32, #tpu.memory_space<vmem>>
      tpu.wait_dma2 semaphore(%run_scoped3A_200 : memref<!tpu.dma_semaphore, #tpu.memory_space<semaphore_mem>>) src(%dma_wait3A_224 : memref<32x1024xf32, #tpu.memory_space<vmem>>) dst(%dma_wait3A_220 : memref<32x1024xf32, #tpu.memory_space<hbm>>)
      tpu.yield
    }) : () -> ()
    %dma_start3A_110 = arith.constant 1 : i32
    %dma_start3A_111 = arith.constant 0 : i32
    %dma_start3A_112 = arith.constant 0 : i32
    %dma_start3A_113 = tpu.memref_slice %arg6[%dma_start3A_110, %dma_start3A_111, %dma_start3A_112] : memref<2x32x1024xf32, #tpu.memory_space<vmem>> -> memref<1x32x1024xf32, #tpu.memory_space<vmem>>
    %dma_start3A_114 = tpu.memref_squeeze %dma_start3A_113 : memref<1x32x1024xf32, #tpu.memory_space<vmem>> -> memref<32x1024xf32, #tpu.memory_space<vmem>>
    %dma_start3A_115 = arith.constant 160 : i32
    %dma_start3A_116 = tpu.memref_slice %arg5[%dma_start3A_115] : memref<256xi32, #tpu.memory_space<vmem>> -> memref<32xi32, #tpu.memory_space<vmem>>
    %dma_start3A_117 = arith.constant 0 : i32
    %dma_start3A_118 = arith.constant 0 : i32
    %dma_start3A_119 = tpu.memref_slice %arg2[%dma_start3A_117, %dma_start3A_118] : memref<8192x1024xf32, #tpu.memory_space<hbm>> -> memref<8192x1024xf32, #tpu.memory_space<hbm>>
    tpu.enqueue_indirect_dma source(%dma_start3A_119 : memref<8192x1024xf32, #tpu.memory_space<hbm>>) target(%dma_start3A_114 : memref<32x1024xf32, #tpu.memory_space<vmem>>) offsets(%dma_start3A_116 : memref<32xi32, #tpu.memory_space<vmem>>) semaphore(%arg8 : memref<!tpu.dma_semaphore, #tpu.memory_space<semaphore_mem>>)
    %dma_wait3A_120 = arith.constant 0 : i32
    %dma_wait3A_121 = arith.constant 0 : i32
    %dma_wait3A_122 = arith.constant 0 : i32
    %dma_wait3A_123 = tpu.memref_slice %arg6[%dma_wait3A_120, %dma_wait3A_121, %dma_wait3A_122] : memref<2x32x1024xf32, #tpu.memory_space<vmem>> -> memref<1x32x1024xf32, #tpu.memory_space<vmem>>
    %dma_wait3A_124 = tpu.memref_squeeze %dma_wait3A_123 : memref<1x32x1024xf32, #tpu.memory_space<vmem>> -> memref<32x1024xf32, #tpu.memory_space<vmem>>
    %dma_wait3A_125 = arith.constant 128 : i32
    %dma_wait3A_126 = tpu.memref_slice %arg5[%dma_wait3A_125] : memref<256xi32, #tpu.memory_space<vmem>> -> memref<32xi32, #tpu.memory_space<vmem>>
    %dma_wait3A_127 = arith.constant 0 : i32
    %dma_wait3A_128 = arith.constant 0 : i32
    %dma_wait3A_129 = tpu.memref_slice %arg2[%dma_wait3A_127, %dma_wait3A_128] : memref<8192x1024xf32, #tpu.memory_space<hbm>> -> memref<8192x1024xf32, #tpu.memory_space<hbm>>
    tpu.wait_indirect_dma semaphore(%arg7 : memref<!tpu.dma_semaphore, #tpu.memory_space<semaphore_mem>>) src(%dma_wait3A_129 : memref<8192x1024xf32, #tpu.memory_space<hbm>>) dst(%dma_wait3A_124 : memref<32x1024xf32, #tpu.memory_space<vmem>>)
    %mul3A_130 = arith.constant 256 : i32
    %mul3A_131 = arith.muli %add3A, %mul3A_130 : i32
    %add3A_132 = arith.constant 128 : i32
    %add3A_133 = arith.addi %mul3A_131, %add3A_132 : i32
    %run_scoped3A_134 = arith.constant 0 : i32
    "tpu.region"() ({
      %run_scoped3A_200 = tpu.sem_alloc : memref<!tpu.dma_semaphore, #tpu.memory_space<semaphore_mem>>
      %dma_start3A_201 = arith.constant 0 : i32
      %dma_start3A_202 = arith.constant 0 : i32
      %dma_start3A_203 = tpu.memref_slice %arg6[%run_scoped3A_134, %dma_start3A_201, %dma_start3A_202] : memref<2x32x1024xf32, #tpu.memory_space<vmem>> -> memref<1x32x1024xf32, #tpu.memory_space<vmem>>
      %dma_start3A_204 = tpu.memref_squeeze %dma_start3A_203 : memref<1x32x1024xf32, #tpu.memory_space<vmem>> -> memref<32x1024xf32, #tpu.memory_space<vmem>>
      %dma_start3A_205 = arith.constant 0 : i32
      %dma_start3A_206 = tpu.memref_slice %arg4[%add3A_133, %dma_start3A_205] : memref<8192x1024xf32, #tpu.memory_space<hbm>> -> memref<32x1024xf32, #tpu.memory_space<hbm>>
      %dma_start3A_207 = arith.constant 0 : i32
      %dma_start3A_208 = tpu.memref_slice %arg4[%add3A_133, %dma_start3A_207] : memref<8192x1024xf32, #tpu.memory_space<hbm>> -> memref<32x1024xf32, #tpu.memory_space<hbm>>
      %dma_start3A_209 = arith.constant 0 : i32
      %dma_start3A_210 = arith.constant 0 : i32
      %dma_start3A_211 = tpu.memref_slice %arg6[%run_scoped3A_134, %dma_start3A_209, %dma_start3A_210] : memref<2x32x1024xf32, #tpu.memory_space<vmem>> -> memref<1x32x1024xf32, #tpu.memory_space<vmem>>
      %dma_start3A_212 = tpu.memref_squeeze %dma_start3A_211 : memref<1x32x1024xf32, #tpu.memory_space<vmem>> -> memref<32x1024xf32, #tpu.memory_space<vmem>>
      tpu.enqueue_dma source(%dma_start3A_212 : memref<32x1024xf32, #tpu.memory_space<vmem>>) target(%dma_start3A_208 : memref<32x1024xf32, #tpu.memory_space<hbm>>) target_semaphore(%run_scoped3A_200 : memref<!tpu.dma_semaphore, #tpu.memory_space<semaphore_mem>>)
      %dma_wait3A_213 = arith.constant 0 : i32
      %dma_wait3A_214 = arith.constant 0 : i32
      %dma_wait3A_215 = tpu.memref_slice %arg6[%run_scoped3A_134, %dma_wait3A_213, %dma_wait3A_214] : memref<2x32x1024xf32, #tpu.memory_space<vmem>> -> memref<1x32x1024xf32, #tpu.memory_space<vmem>>
      %dma_wait3A_216 = tpu.memref_squeeze %dma_wait3A_215 : memref<1x32x1024xf32, #tpu.memory_space<vmem>> -> memref<32x1024xf32, #tpu.memory_space<vmem>>
      %dma_wait3A_217 = arith.constant 0 : i32
      %dma_wait3A_218 = tpu.memref_slice %arg4[%add3A_133, %dma_wait3A_217] : memref<8192x1024xf32, #tpu.memory_space<hbm>> -> memref<32x1024xf32, #tpu.memory_space<hbm>>
      %dma_wait3A_219 = arith.constant 0 : i32
      %dma_wait3A_220 = tpu.memref_slice %arg4[%add3A_133, %dma_wait3A_219] : memref<8192x1024xf32, #tpu.memory_space<hbm>> -> memref<32x1024xf32, #tpu.memory_space<hbm>>
      %dma_wait3A_221 = arith.constant 0 : i32
      %dma_wait3A_222 = arith.constant 0 : i32
      %dma_wait3A_223 = tpu.memref_slice %arg6[%run_scoped3A_134, %dma_wait3A_221, %dma_wait3A_222] : memref<2x32x1024xf32, #tpu.memory_space<vmem>> -> memref<1x32x1024xf32, #tpu.memory_space<vmem>>
      %dma_wait3A_224 = tpu.memref_squeeze %dma_wait3A_223 : memref<1x32x1024xf32, #tpu.memory_space<vmem>> -> memref<32x1024xf32, #tpu.memory_space<vmem>>
      tpu.wait_dma2 semaphore(%run_scoped3A_200 : memref<!tpu.dma_semaphore, #tpu.memory_space<semaphore_mem>>) src(%dma_wait3A_224 : memref<32x1024xf32, #tpu.memory_space<vmem>>) dst(%dma_wait3A_220 : memref<32x1024xf32, #tpu.memory_space<hbm>>)
      tpu.yield
    }) : () -> ()
    %dma_start3A_135 = arith.constant 0 : i32
    %dma_start3A_136 = arith.constant 0 : i32
    %dma_start3A_137 = arith.constant 0 : i32
    %dma_start3A_138 = tpu.memref_slice %arg6[%dma_start3A_135, %dma_start3A_136, %dma_start3A_137] : memref<2x32x1024xf32, #tpu.memory_space<vmem>> -> memref<1x32x1024xf32, #tpu.memory_space<vmem>>
    %dma_start3A_139 = tpu.memref_squeeze %dma_start3A_138 : memref<1x32x1024xf32, #tpu.memory_space<vmem>> -> memref<32x1024xf32, #tpu.memory_space<vmem>>
    %dma_start3A_140 = arith.constant 192 : i32
    %dma_start3A_141 = tpu.memref_slice %arg5[%dma_start3A_140] : memref<256xi32, #tpu.memory_space<vmem>> -> memref<32xi32, #tpu.memory_space<vmem>>
    %dma_start3A_142 = arith.constant 0 : i32
    %dma_start3A_143 = arith.constant 0 : i32
    %dma_start3A_144 = tpu.memref_slice %arg2[%dma_start3A_142, %dma_start3A_143] : memref<8192x1024xf32, #tpu.memory_space<hbm>> -> memref<8192x1024xf32, #tpu.memory_space<hbm>>
    tpu.enqueue_indirect_dma source(%dma_start3A_144 : memref<8192x1024xf32, #tpu.memory_space<hbm>>) target(%dma_start3A_139 : memref<32x1024xf32, #tpu.memory_space<vmem>>) offsets(%dma_start3A_141 : memref<32xi32, #tpu.memory_space<vmem>>) semaphore(%arg7 : memref<!tpu.dma_semaphore, #tpu.memory_space<semaphore_mem>>)
    %dma_wait3A_145 = arith.constant 1 : i32
    %dma_wait3A_146 = arith.constant 0 : i32
    %dma_wait3A_147 = arith.constant 0 : i32
    %dma_wait3A_148 = tpu.memref_slice %arg6[%dma_wait3A_145, %dma_wait3A_146, %dma_wait3A_147] : memref<2x32x1024xf32, #tpu.memory_space<vmem>> -> memref<1x32x1024xf32, #tpu.memory_space<vmem>>
    %dma_wait3A_149 = tpu.memref_squeeze %dma_wait3A_148 : memref<1x32x1024xf32, #tpu.memory_space<vmem>> -> memref<32x1024xf32, #tpu.memory_space<vmem>>
    %dma_wait3A_150 = arith.constant 160 : i32
    %dma_wait3A_151 = tpu.memref_slice %arg5[%dma_wait3A_150] : memref<256xi32, #tpu.memory_space<vmem>> -> memref<32xi32, #tpu.memory_space<vmem>>
    %dma_wait3A_152 = arith.constant 0 : i32
    %dma_wait3A_153 = arith.constant 0 : i32
    %dma_wait3A_154 = tpu.memref_slice %arg2[%dma_wait3A_152, %dma_wait3A_153] : memref<8192x1024xf32, #tpu.memory_space<hbm>> -> memref<8192x1024xf32, #tpu.memory_space<hbm>>
    tpu.wait_indirect_dma semaphore(%arg8 : memref<!tpu.dma_semaphore, #tpu.memory_space<semaphore_mem>>) src(%dma_wait3A_154 : memref<8192x1024xf32, #tpu.memory_space<hbm>>) dst(%dma_wait3A_149 : memref<32x1024xf32, #tpu.memory_space<vmem>>)
    %mul3A_155 = arith.constant 256 : i32
    %mul3A_156 = arith.muli %add3A, %mul3A_155 : i32
    %add3A_157 = arith.constant 160 : i32
    %add3A_158 = arith.addi %mul3A_156, %add3A_157 : i32
    %run_scoped3A_159 = arith.constant 1 : i32
    "tpu.region"() ({
      %run_scoped3A_200 = tpu.sem_alloc : memref<!tpu.dma_semaphore, #tpu.memory_space<semaphore_mem>>
      %dma_start3A_201 = arith.constant 0 : i32
      %dma_start3A_202 = arith.constant 0 : i32
      %dma_start3A_203 = tpu.memref_slice %arg6[%run_scoped3A_159, %dma_start3A_201, %dma_start3A_202] : memref<2x32x1024xf32, #tpu.memory_space<vmem>> -> memref<1x32x1024xf32, #tpu.memory_space<vmem>>
      %dma_start3A_204 = tpu.memref_squeeze %dma_start3A_203 : memref<1x32x1024xf32, #tpu.memory_space<vmem>> -> memref<32x1024xf32, #tpu.memory_space<vmem>>
      %dma_start3A_205 = arith.constant 0 : i32
      %dma_start3A_206 = tpu.memref_slice %arg4[%add3A_158, %dma_start3A_205] : memref<8192x1024xf32, #tpu.memory_space<hbm>> -> memref<32x1024xf32, #tpu.memory_space<hbm>>
      %dma_start3A_207 = arith.constant 0 : i32
      %dma_start3A_208 = tpu.memref_slice %arg4[%add3A_158, %dma_start3A_207] : memref<8192x1024xf32, #tpu.memory_space<hbm>> -> memref<32x1024xf32, #tpu.memory_space<hbm>>
      %dma_start3A_209 = arith.constant 0 : i32
      %dma_start3A_210 = arith.constant 0 : i32
      %dma_start3A_211 = tpu.memref_slice %arg6[%run_scoped3A_159, %dma_start3A_209, %dma_start3A_210] : memref<2x32x1024xf32, #tpu.memory_space<vmem>> -> memref<1x32x1024xf32, #tpu.memory_space<vmem>>
      %dma_start3A_212 = tpu.memref_squeeze %dma_start3A_211 : memref<1x32x1024xf32, #tpu.memory_space<vmem>> -> memref<32x1024xf32, #tpu.memory_space<vmem>>
      tpu.enqueue_dma source(%dma_start3A_212 : memref<32x1024xf32, #tpu.memory_space<vmem>>) target(%dma_start3A_208 : memref<32x1024xf32, #tpu.memory_space<hbm>>) target_semaphore(%run_scoped3A_200 : memref<!tpu.dma_semaphore, #tpu.memory_space<semaphore_mem>>)
      %dma_wait3A_213 = arith.constant 0 : i32
      %dma_wait3A_214 = arith.constant 0 : i32
      %dma_wait3A_215 = tpu.memref_slice %arg6[%run_scoped3A_159, %dma_wait3A_213, %dma_wait3A_214] : memref<2x32x1024xf32, #tpu.memory_space<vmem>> -> memref<1x32x1024xf32, #tpu.memory_space<vmem>>
      %dma_wait3A_216 = tpu.memref_squeeze %dma_wait3A_215 : memref<1x32x1024xf32, #tpu.memory_space<vmem>> -> memref<32x1024xf32, #tpu.memory_space<vmem>>
      %dma_wait3A_217 = arith.constant 0 : i32
      %dma_wait3A_218 = tpu.memref_slice %arg4[%add3A_158, %dma_wait3A_217] : memref<8192x1024xf32, #tpu.memory_space<hbm>> -> memref<32x1024xf32, #tpu.memory_space<hbm>>
      %dma_wait3A_219 = arith.constant 0 : i32
      %dma_wait3A_220 = tpu.memref_slice %arg4[%add3A_158, %dma_wait3A_219] : memref<8192x1024xf32, #tpu.memory_space<hbm>> -> memref<32x1024xf32, #tpu.memory_space<hbm>>
      %dma_wait3A_221 = arith.constant 0 : i32
      %dma_wait3A_222 = arith.constant 0 : i32
      %dma_wait3A_223 = tpu.memref_slice %arg6[%run_scoped3A_159, %dma_wait3A_221, %dma_wait3A_222] : memref<2x32x1024xf32, #tpu.memory_space<vmem>> -> memref<1x32x1024xf32, #tpu.memory_space<vmem>>
      %dma_wait3A_224 = tpu.memref_squeeze %dma_wait3A_223 : memref<1x32x1024xf32, #tpu.memory_space<vmem>> -> memref<32x1024xf32, #tpu.memory_space<vmem>>
      tpu.wait_dma2 semaphore(%run_scoped3A_200 : memref<!tpu.dma_semaphore, #tpu.memory_space<semaphore_mem>>) src(%dma_wait3A_224 : memref<32x1024xf32, #tpu.memory_space<vmem>>) dst(%dma_wait3A_220 : memref<32x1024xf32, #tpu.memory_space<hbm>>)
      tpu.yield
    }) : () -> ()
    %dma_start3A_160 = arith.constant 1 : i32
    %dma_start3A_161 = arith.constant 0 : i32
    %dma_start3A_162 = arith.constant 0 : i32
    %dma_start3A_163 = tpu.memref_slice %arg6[%dma_start3A_160, %dma_start3A_161, %dma_start3A_162] : memref<2x32x1024xf32, #tpu.memory_space<vmem>> -> memref<1x32x1024xf32, #tpu.memory_space<vmem>>
    %dma_start3A_164 = tpu.memref_squeeze %dma_start3A_163 : memref<1x32x1024xf32, #tpu.memory_space<vmem>> -> memref<32x1024xf32, #tpu.memory_space<vmem>>
    %dma_start3A_165 = arith.constant 224 : i32
    %dma_start3A_166 = tpu.memref_slice %arg5[%dma_start3A_165] : memref<256xi32, #tpu.memory_space<vmem>> -> memref<32xi32, #tpu.memory_space<vmem>>
    %dma_start3A_167 = arith.constant 0 : i32
    %dma_start3A_168 = arith.constant 0 : i32
    %dma_start3A_169 = tpu.memref_slice %arg2[%dma_start3A_167, %dma_start3A_168] : memref<8192x1024xf32, #tpu.memory_space<hbm>> -> memref<8192x1024xf32, #tpu.memory_space<hbm>>
    tpu.enqueue_indirect_dma source(%dma_start3A_169 : memref<8192x1024xf32, #tpu.memory_space<hbm>>) target(%dma_start3A_164 : memref<32x1024xf32, #tpu.memory_space<vmem>>) offsets(%dma_start3A_166 : memref<32xi32, #tpu.memory_space<vmem>>) semaphore(%arg8 : memref<!tpu.dma_semaphore, #tpu.memory_space<semaphore_mem>>)
    %dma_wait3A_170 = arith.constant 0 : i32
    %dma_wait3A_171 = arith.constant 0 : i32
    %dma_wait3A_172 = arith.constant 0 : i32
    %dma_wait3A_173 = tpu.memref_slice %arg6[%dma_wait3A_170, %dma_wait3A_171, %dma_wait3A_172] : memref<2x32x1024xf32, #tpu.memory_space<vmem>> -> memref<1x32x1024xf32, #tpu.memory_space<vmem>>
    %dma_wait3A_174 = tpu.memref_squeeze %dma_wait3A_173 : memref<1x32x1024xf32, #tpu.memory_space<vmem>> -> memref<32x1024xf32, #tpu.memory_space<vmem>>
    %dma_wait3A_175 = arith.constant 192 : i32
    %dma_wait3A_176 = tpu.memref_slice %arg5[%dma_wait3A_175] : memref<256xi32, #tpu.memory_space<vmem>> -> memref<32xi32, #tpu.memory_space<vmem>>
    %dma_wait3A_177 = arith.constant 0 : i32
    %dma_wait3A_178 = arith.constant 0 : i32
    %dma_wait3A_179 = tpu.memref_slice %arg2[%dma_wait3A_177, %dma_wait3A_178] : memref<8192x1024xf32, #tpu.memory_space<hbm>> -> memref<8192x1024xf32, #tpu.memory_space<hbm>>
    tpu.wait_indirect_dma semaphore(%arg7 : memref<!tpu.dma_semaphore, #tpu.memory_space<semaphore_mem>>) src(%dma_wait3A_179 : memref<8192x1024xf32, #tpu.memory_space<hbm>>) dst(%dma_wait3A_174 : memref<32x1024xf32, #tpu.memory_space<vmem>>)
    %mul3A_180 = arith.constant 256 : i32
    %mul3A_181 = arith.muli %add3A, %mul3A_180 : i32
    %add3A_182 = arith.constant 192 : i32
    %add3A_183 = arith.addi %mul3A_181, %add3A_182 : i32
    %run_scoped3A_184 = arith.constant 0 : i32
    "tpu.region"() ({
      %run_scoped3A_200 = tpu.sem_alloc : memref<!tpu.dma_semaphore, #tpu.memory_space<semaphore_mem>>
      %dma_start3A_201 = arith.constant 0 : i32
      %dma_start3A_202 = arith.constant 0 : i32
      %dma_start3A_203 = tpu.memref_slice %arg6[%run_scoped3A_184, %dma_start3A_201, %dma_start3A_202] : memref<2x32x1024xf32, #tpu.memory_space<vmem>> -> memref<1x32x1024xf32, #tpu.memory_space<vmem>>
      %dma_start3A_204 = tpu.memref_squeeze %dma_start3A_203 : memref<1x32x1024xf32, #tpu.memory_space<vmem>> -> memref<32x1024xf32, #tpu.memory_space<vmem>>
      %dma_start3A_205 = arith.constant 0 : i32
      %dma_start3A_206 = tpu.memref_slice %arg4[%add3A_183, %dma_start3A_205] : memref<8192x1024xf32, #tpu.memory_space<hbm>> -> memref<32x1024xf32, #tpu.memory_space<hbm>>
      %dma_start3A_207 = arith.constant 0 : i32
      %dma_start3A_208 = tpu.memref_slice %arg4[%add3A_183, %dma_start3A_207] : memref<8192x1024xf32, #tpu.memory_space<hbm>> -> memref<32x1024xf32, #tpu.memory_space<hbm>>
      %dma_start3A_209 = arith.constant 0 : i32
      %dma_start3A_210 = arith.constant 0 : i32
      %dma_start3A_211 = tpu.memref_slice %arg6[%run_scoped3A_184, %dma_start3A_209, %dma_start3A_210] : memref<2x32x1024xf32, #tpu.memory_space<vmem>> -> memref<1x32x1024xf32, #tpu.memory_space<vmem>>
      %dma_start3A_212 = tpu.memref_squeeze %dma_start3A_211 : memref<1x32x1024xf32, #tpu.memory_space<vmem>> -> memref<32x1024xf32, #tpu.memory_space<vmem>>
      tpu.enqueue_dma source(%dma_start3A_212 : memref<32x1024xf32, #tpu.memory_space<vmem>>) target(%dma_start3A_208 : memref<32x1024xf32, #tpu.memory_space<hbm>>) target_semaphore(%run_scoped3A_200 : memref<!tpu.dma_semaphore, #tpu.memory_space<semaphore_mem>>)
      %dma_wait3A_213 = arith.constant 0 : i32
      %dma_wait3A_214 = arith.constant 0 : i32
      %dma_wait3A_215 = tpu.memref_slice %arg6[%run_scoped3A_184, %dma_wait3A_213, %dma_wait3A_214] : memref<2x32x1024xf32, #tpu.memory_space<vmem>> -> memref<1x32x1024xf32, #tpu.memory_space<vmem>>
      %dma_wait3A_216 = tpu.memref_squeeze %dma_wait3A_215 : memref<1x32x1024xf32, #tpu.memory_space<vmem>> -> memref<32x1024xf32, #tpu.memory_space<vmem>>
      %dma_wait3A_217 = arith.constant 0 : i32
      %dma_wait3A_218 = tpu.memref_slice %arg4[%add3A_183, %dma_wait3A_217] : memref<8192x1024xf32, #tpu.memory_space<hbm>> -> memref<32x1024xf32, #tpu.memory_space<hbm>>
      %dma_wait3A_219 = arith.constant 0 : i32
      %dma_wait3A_220 = tpu.memref_slice %arg4[%add3A_183, %dma_wait3A_219] : memref<8192x1024xf32, #tpu.memory_space<hbm>> -> memref<32x1024xf32, #tpu.memory_space<hbm>>
      %dma_wait3A_221 = arith.constant 0 : i32
      %dma_wait3A_222 = arith.constant 0 : i32
      %dma_wait3A_223 = tpu.memref_slice %arg6[%run_scoped3A_184, %dma_wait3A_221, %dma_wait3A_222] : memref<2x32x1024xf32, #tpu.memory_space<vmem>> -> memref<1x32x1024xf32, #tpu.memory_space<vmem>>
      %dma_wait3A_224 = tpu.memref_squeeze %dma_wait3A_223 : memref<1x32x1024xf32, #tpu.memory_space<vmem>> -> memref<32x1024xf32, #tpu.memory_space<vmem>>
      tpu.wait_dma2 semaphore(%run_scoped3A_200 : memref<!tpu.dma_semaphore, #tpu.memory_space<semaphore_mem>>) src(%dma_wait3A_224 : memref<32x1024xf32, #tpu.memory_space<vmem>>) dst(%dma_wait3A_220 : memref<32x1024xf32, #tpu.memory_space<hbm>>)
      tpu.yield
    }) : () -> ()
    %dma_wait3A_185 = arith.constant 1 : i32
    %dma_wait3A_186 = arith.constant 0 : i32
    %dma_wait3A_187 = arith.constant 0 : i32
    %dma_wait3A_188 = tpu.memref_slice %arg6[%dma_wait3A_185, %dma_wait3A_186, %dma_wait3A_187] : memref<2x32x1024xf32, #tpu.memory_space<vmem>> -> memref<1x32x1024xf32, #tpu.memory_space<vmem>>
    %dma_wait3A_189 = tpu.memref_squeeze %dma_wait3A_188 : memref<1x32x1024xf32, #tpu.memory_space<vmem>> -> memref<32x1024xf32, #tpu.memory_space<vmem>>
    %dma_wait3A_190 = arith.constant 224 : i32
    %dma_wait3A_191 = tpu.memref_slice %arg5[%dma_wait3A_190] : memref<256xi32, #tpu.memory_space<vmem>> -> memref<32xi32, #tpu.memory_space<vmem>>
    %dma_wait3A_192 = arith.constant 0 : i32
    %dma_wait3A_193 = arith.constant 0 : i32
    %dma_wait3A_194 = tpu.memref_slice %arg2[%dma_wait3A_192, %dma_wait3A_193] : memref<8192x1024xf32, #tpu.memory_space<hbm>> -> memref<8192x1024xf32, #tpu.memory_space<hbm>>
    tpu.wait_indirect_dma semaphore(%arg8 : memref<!tpu.dma_semaphore, #tpu.memory_space<semaphore_mem>>) src(%dma_wait3A_194 : memref<8192x1024xf32, #tpu.memory_space<hbm>>) dst(%dma_wait3A_189 : memref<32x1024xf32, #tpu.memory_space<vmem>>)
    %mul3A_195 = arith.constant 256 : i32
    %mul3A_196 = arith.muli %add3A, %mul3A_195 : i32
    %add3A_197 = arith.constant 224 : i32
    %add3A_198 = arith.addi %mul3A_196, %add3A_197 : i32
    %run_scoped3A_199 = arith.constant 1 : i32
    "tpu.region"() ({
      %run_scoped3A_200 = tpu.sem_alloc : memref<!tpu.dma_semaphore, #tpu.memory_space<semaphore_mem>>
      %dma_start3A_201 = arith.constant 0 : i32
      %dma_start3A_202 = arith.constant 0 : i32
      %dma_start3A_203 = tpu.memref_slice %arg6[%run_scoped3A_199, %dma_start3A_201, %dma_start3A_202] : memref<2x32x1024xf32, #tpu.memory_space<vmem>> -> memref<1x32x1024xf32, #tpu.memory_space<vmem>>
      %dma_start3A_204 = tpu.memref_squeeze %dma_start3A_203 : memref<1x32x1024xf32, #tpu.memory_space<vmem>> -> memref<32x1024xf32, #tpu.memory_space<vmem>>
      %dma_start3A_205 = arith.constant 0 : i32
      %dma_start3A_206 = tpu.memref_slice %arg4[%add3A_198, %dma_start3A_205] : memref<8192x1024xf32, #tpu.memory_space<hbm>> -> memref<32x1024xf32, #tpu.memory_space<hbm>>
      %dma_start3A_207 = arith.constant 0 : i32
      %dma_start3A_208 = tpu.memref_slice %arg4[%add3A_198, %dma_start3A_207] : memref<8192x1024xf32, #tpu.memory_space<hbm>> -> memref<32x1024xf32, #tpu.memory_space<hbm>>
      %dma_start3A_209 = arith.constant 0 : i32
      %dma_start3A_210 = arith.constant 0 : i32
      %dma_start3A_211 = tpu.memref_slice %arg6[%run_scoped3A_199, %dma_start3A_209, %dma_start3A_210] : memref<2x32x1024xf32, #tpu.memory_space<vmem>> -> memref<1x32x1024xf32, #tpu.memory_space<vmem>>
      %dma_start3A_212 = tpu.memref_squeeze %dma_start3A_211 : memref<1x32x1024xf32, #tpu.memory_space<vmem>> -> memref<32x1024xf32, #tpu.memory_space<vmem>>
      tpu.enqueue_dma source(%dma_start3A_212 : memref<32x1024xf32, #tpu.memory_space<vmem>>) target(%dma_start3A_208 : memref<32x1024xf32, #tpu.memory_space<hbm>>) target_semaphore(%run_scoped3A_200 : memref<!tpu.dma_semaphore, #tpu.memory_space<semaphore_mem>>)
      %dma_wait3A_213 = arith.constant 0 : i32
      %dma_wait3A_214 = arith.constant 0 : i32
      %dma_wait3A_215 = tpu.memref_slice %arg6[%run_scoped3A_199, %dma_wait3A_213, %dma_wait3A_214] : memref<2x32x1024xf32, #tpu.memory_space<vmem>> -> memref<1x32x1024xf32, #tpu.memory_space<vmem>>
      %dma_wait3A_216 = tpu.memref_squeeze %dma_wait3A_215 : memref<1x32x1024xf32, #tpu.memory_space<vmem>> -> memref<32x1024xf32, #tpu.memory_space<vmem>>
      %dma_wait3A_217 = arith.constant 0 : i32
      %dma_wait3A_218 = tpu.memref_slice %arg4[%add3A_198, %dma_wait3A_217] : memref<8192x1024xf32, #tpu.memory_space<hbm>> -> memref<32x1024xf32, #tpu.memory_space<hbm>>
      %dma_wait3A_219 = arith.constant 0 : i32
      %dma_wait3A_220 = tpu.memref_slice %arg4[%add3A_198, %dma_wait3A_219] : memref<8192x1024xf32, #tpu.memory_space<hbm>> -> memref<32x1024xf32, #tpu.memory_space<hbm>>
      %dma_wait3A_221 = arith.constant 0 : i32
      %dma_wait3A_222 = arith.constant 0 : i32
      %dma_wait3A_223 = tpu.memref_slice %arg6[%run_scoped3A_199, %dma_wait3A_221, %dma_wait3A_222] : memref<2x32x1024xf32, #tpu.memory_space<vmem>> -> memref<1x32x1024xf32, #tpu.memory_space<vmem>>
      %dma_wait3A_224 = tpu.memref_squeeze %dma_wait3A_223 : memref<1x32x1024xf32, #tpu.memory_space<vmem>> -> memref<32x1024xf32, #tpu.memory_space<vmem>>
      tpu.wait_dma2 semaphore(%run_scoped3A_200 : memref<!tpu.dma_semaphore, #tpu.memory_space<semaphore_mem>>) src(%dma_wait3A_224 : memref<32x1024xf32, #tpu.memory_space<vmem>>) dst(%dma_wait3A_220 : memref<32x1024xf32, #tpu.memory_space<hbm>>)
      tpu.yield
    }) : () -> ()
    return
  }
}

#map = affine_map<(d0, d1) -> (0, 0)>
module attributes {stable_mosaic.version = 14 : i64} {
  func.func @_compact(%arg0: i32, %arg1: i32, %arg2: memref<16x8192xf32, #tpu.memory_space<hbm>>, %arg3: memref<16x128xi32, #tpu.memory_space<hbm>>, %arg4: memref<16x128xi32, #tpu.memory_space<hbm>>, %arg5: memref<16x512xi32, #tpu.memory_space<hbm>>, %arg6: memref<16x512xf32, #tpu.memory_space<hbm>>, %arg7: memref<8192xf32, #tpu.memory_space<vmem>>, %arg8: memref<512xi32, #tpu.memory_space<vmem>>, %arg9: memref<512xf32, #tpu.memory_space<vmem>>, %arg10: memref<16xi32, #tpu.memory_space<vmem>>, %arg11: memref<16xi32, #tpu.memory_space<vmem>>) attributes {dimension_semantics = [#tpu.dimension_semantics<core_parallel>, #tpu.dimension_semantics<subcore_parallel>], iteration_bounds = array<i64: 2, 16>, scalar_prefetch = 0 : i64, scratch_operands = 5 : i64, tpu.core_type = #tpu.core_type<sc_vector_subcore>, window_params = [{transform_indices = #map}, {transform_indices = #map}, {transform_indices = #map}, {transform_indices = #map}, {transform_indices = #map}]} {
    %mul3A = arith.constant 2 : i32
    %mul3A_0 = arith.muli %arg1, %mul3A : i32
    %add3A = arith.addi %mul3A_0, %arg0 : i32
    %lt3A = arith.constant 16 : i32
    %lt3A_1 = arith.cmpi slt, %add3A, %lt3A : i32
    %convert_element_type3A = arith.extui %lt3A_1 : i1 to i32
    %cond3A = arith.constant 0 : i32
    %cond3A_2 = arith.cmpi ne, %convert_element_type3A, %cond3A : i32
    scf.if %cond3A_2 {
      "tpu.region"() ({
        %run_scoped3A = tpu.sem_alloc : memref<!tpu.dma_semaphore, #tpu.memory_space<semaphore_mem>>
        %dma_start3A = arith.constant 0 : i32
        %dma_start3A_12 = tpu.memref_slice %arg2[%add3A, %dma_start3A] : memref<16x8192xf32, #tpu.memory_space<hbm>> -> memref<1x8192xf32, #tpu.memory_space<hbm>>
        %dma_start3A_13 = tpu.memref_squeeze %dma_start3A_12 : memref<1x8192xf32, #tpu.memory_space<hbm>> -> memref<8192xf32, #tpu.memory_space<hbm>>
        %dma_start3A_14 = arith.constant 0 : i32
        %dma_start3A_15 = tpu.memref_slice %arg2[%add3A, %dma_start3A_14] : memref<16x8192xf32, #tpu.memory_space<hbm>> -> memref<1x8192xf32, #tpu.memory_space<hbm>>
        %dma_start3A_16 = tpu.memref_squeeze %dma_start3A_15 : memref<1x8192xf32, #tpu.memory_space<hbm>> -> memref<8192xf32, #tpu.memory_space<hbm>>
        tpu.enqueue_dma source(%dma_start3A_16 : memref<8192xf32, #tpu.memory_space<hbm>>) target(%arg7 : memref<8192xf32, #tpu.memory_space<vmem>>) target_semaphore(%run_scoped3A : memref<!tpu.dma_semaphore, #tpu.memory_space<semaphore_mem>>)
        %dma_wait3A = arith.constant 0 : i32
        %dma_wait3A_17 = tpu.memref_slice %arg2[%add3A, %dma_wait3A] : memref<16x8192xf32, #tpu.memory_space<hbm>> -> memref<1x8192xf32, #tpu.memory_space<hbm>>
        %dma_wait3A_18 = tpu.memref_squeeze %dma_wait3A_17 : memref<1x8192xf32, #tpu.memory_space<hbm>> -> memref<8192xf32, #tpu.memory_space<hbm>>
        %dma_wait3A_19 = arith.constant 0 : i32
        %dma_wait3A_20 = tpu.memref_slice %arg2[%add3A, %dma_wait3A_19] : memref<16x8192xf32, #tpu.memory_space<hbm>> -> memref<1x8192xf32, #tpu.memory_space<hbm>>
        %dma_wait3A_21 = tpu.memref_squeeze %dma_wait3A_20 : memref<1x8192xf32, #tpu.memory_space<hbm>> -> memref<8192xf32, #tpu.memory_space<hbm>>
        tpu.wait_dma2 semaphore(%run_scoped3A : memref<!tpu.dma_semaphore, #tpu.memory_space<semaphore_mem>>) src(%dma_wait3A_21 : memref<8192xf32, #tpu.memory_space<hbm>>) dst(%arg7 : memref<8192xf32, #tpu.memory_space<vmem>>)
        tpu.yield
      }) : () -> ()
      "tpu.region"() ({
        %run_scoped3A = tpu.sem_alloc : memref<!tpu.dma_semaphore, #tpu.memory_space<semaphore_mem>>
        %dma_start3A = arith.constant 0 : i32
        %dma_start3A_12 = tpu.memref_slice %arg3[%add3A, %dma_start3A] : memref<16x128xi32, #tpu.memory_space<hbm>> -> memref<1x16xi32, #tpu.memory_space<hbm>>
        %dma_start3A_13 = tpu.memref_squeeze %dma_start3A_12 : memref<1x16xi32, #tpu.memory_space<hbm>> -> memref<16xi32, #tpu.memory_space<hbm>>
        %dma_start3A_14 = arith.constant 0 : i32
        %dma_start3A_15 = tpu.memref_slice %arg3[%add3A, %dma_start3A_14] : memref<16x128xi32, #tpu.memory_space<hbm>> -> memref<1x16xi32, #tpu.memory_space<hbm>>
        %dma_start3A_16 = tpu.memref_squeeze %dma_start3A_15 : memref<1x16xi32, #tpu.memory_space<hbm>> -> memref<16xi32, #tpu.memory_space<hbm>>
        tpu.enqueue_dma source(%dma_start3A_16 : memref<16xi32, #tpu.memory_space<hbm>>) target(%arg10 : memref<16xi32, #tpu.memory_space<vmem>>) target_semaphore(%run_scoped3A : memref<!tpu.dma_semaphore, #tpu.memory_space<semaphore_mem>>)
        %dma_wait3A = arith.constant 0 : i32
        %dma_wait3A_17 = tpu.memref_slice %arg3[%add3A, %dma_wait3A] : memref<16x128xi32, #tpu.memory_space<hbm>> -> memref<1x16xi32, #tpu.memory_space<hbm>>
        %dma_wait3A_18 = tpu.memref_squeeze %dma_wait3A_17 : memref<1x16xi32, #tpu.memory_space<hbm>> -> memref<16xi32, #tpu.memory_space<hbm>>
        %dma_wait3A_19 = arith.constant 0 : i32
        %dma_wait3A_20 = tpu.memref_slice %arg3[%add3A, %dma_wait3A_19] : memref<16x128xi32, #tpu.memory_space<hbm>> -> memref<1x16xi32, #tpu.memory_space<hbm>>
        %dma_wait3A_21 = tpu.memref_squeeze %dma_wait3A_20 : memref<1x16xi32, #tpu.memory_space<hbm>> -> memref<16xi32, #tpu.memory_space<hbm>>
        tpu.wait_dma2 semaphore(%run_scoped3A : memref<!tpu.dma_semaphore, #tpu.memory_space<semaphore_mem>>) src(%dma_wait3A_21 : memref<16xi32, #tpu.memory_space<hbm>>) dst(%arg10 : memref<16xi32, #tpu.memory_space<vmem>>)
        tpu.yield
      }) : () -> ()
      "tpu.region"() ({
        %run_scoped3A = tpu.sem_alloc : memref<!tpu.dma_semaphore, #tpu.memory_space<semaphore_mem>>
        %dma_start3A = arith.constant 0 : i32
        %dma_start3A_12 = tpu.memref_slice %arg4[%add3A, %dma_start3A] : memref<16x128xi32, #tpu.memory_space<hbm>> -> memref<1x16xi32, #tpu.memory_space<hbm>>
        %dma_start3A_13 = tpu.memref_squeeze %dma_start3A_12 : memref<1x16xi32, #tpu.memory_space<hbm>> -> memref<16xi32, #tpu.memory_space<hbm>>
        %dma_start3A_14 = arith.constant 0 : i32
        %dma_start3A_15 = tpu.memref_slice %arg4[%add3A, %dma_start3A_14] : memref<16x128xi32, #tpu.memory_space<hbm>> -> memref<1x16xi32, #tpu.memory_space<hbm>>
        %dma_start3A_16 = tpu.memref_squeeze %dma_start3A_15 : memref<1x16xi32, #tpu.memory_space<hbm>> -> memref<16xi32, #tpu.memory_space<hbm>>
        tpu.enqueue_dma source(%dma_start3A_16 : memref<16xi32, #tpu.memory_space<hbm>>) target(%arg11 : memref<16xi32, #tpu.memory_space<vmem>>) target_semaphore(%run_scoped3A : memref<!tpu.dma_semaphore, #tpu.memory_space<semaphore_mem>>)
        %dma_wait3A = arith.constant 0 : i32
        %dma_wait3A_17 = tpu.memref_slice %arg4[%add3A, %dma_wait3A] : memref<16x128xi32, #tpu.memory_space<hbm>> -> memref<1x16xi32, #tpu.memory_space<hbm>>
        %dma_wait3A_18 = tpu.memref_squeeze %dma_wait3A_17 : memref<1x16xi32, #tpu.memory_space<hbm>> -> memref<16xi32, #tpu.memory_space<hbm>>
        %dma_wait3A_19 = arith.constant 0 : i32
        %dma_wait3A_20 = tpu.memref_slice %arg4[%add3A, %dma_wait3A_19] : memref<16x128xi32, #tpu.memory_space<hbm>> -> memref<1x16xi32, #tpu.memory_space<hbm>>
        %dma_wait3A_21 = tpu.memref_squeeze %dma_wait3A_20 : memref<1x16xi32, #tpu.memory_space<hbm>> -> memref<16xi32, #tpu.memory_space<hbm>>
        tpu.wait_dma2 semaphore(%run_scoped3A : memref<!tpu.dma_semaphore, #tpu.memory_space<semaphore_mem>>) src(%dma_wait3A_21 : memref<16xi32, #tpu.memory_space<hbm>>) dst(%arg11 : memref<16xi32, #tpu.memory_space<vmem>>)
        tpu.yield
      }) : () -> ()
      %iota3A = tpu.iota {dimensions = array<i32: 0>} : vector<16xi32>
      %get3A = arith.constant 0 : index
      %get3A_3 = tpu.vector_load %arg10[%get3A] {strides = array<i32>} : memref<16xi32, #tpu.memory_space<vmem>>, vector<16xi32>,
      %get3A_4 = arith.constant 0 : index
      %get3A_5 = tpu.vector_load %arg11[%get3A_4] {strides = array<i32>} : memref<16xi32, #tpu.memory_space<vmem>>, vector<16xi32>,
      %broadcast_in_dim3A = arith.constant 0 : i32
      %broadcast_in_dim3A_6 = vector.broadcast %broadcast_in_dim3A : i32 to vector<16xi32>
      %scan3A = arith.constant 0 : i32
      %scan3A_7 = arith.constant 512 : i32
      %scan3A_8 = arith.addi %scan3A, %scan3A_7 : i32
      %scan3A_9 = arith.constant 1 : i32
      %scan3A_10:2 = scf.for %scan3A_12 = %scan3A to %scan3A_8 step %scan3A_9 iter_args(%scan3A_13 = %broadcast_in_dim3A_6, %scan3A_14 = %get3A_5) -> (vector<16xi32>, vector<16xi32>)  : i32 {
        %mul3A_15 = arith.constant 16 : i32
        %mul3A_16 = arith.muli %scan3A_12, %mul3A_15 : i32
        %get3A_17 = arith.index_cast %mul3A_16 : i32 to index
        %get3A_18 = tpu.vector_load %arg7[%get3A_17] {strides = array<i32>} : memref<8192xf32, #tpu.memory_space<vmem>>, vector<16xf32>,
        %bitcast3A = vector.bitcast %get3A_18 : vector<16xf32> to vector<16xi32>
        %gt3A = arith.cmpi sgt, %bitcast3A, %get3A_3 : vector<16xi32>
        %eq3A = arith.cmpi eq, %bitcast3A, %get3A_3 : vector<16xi32>
        %jit3A = arith.constant 1 : i32
        %jit3A_19 = arith.constant 0 : i32
        %broadcast_in_dim3A_20 = vector.broadcast %jit3A : i32 to vector<16xi32>
        %broadcast_in_dim3A_21 = vector.broadcast %jit3A_19 : i32 to vector<16xi32>
        %select_n3A = arith.select %eq3A, %broadcast_in_dim3A_20, %broadcast_in_dim3A_21 : vector<16xi1>, vector<16xi32>
        %broadcast_in_dim3A_22 = arith.constant true
        %broadcast_in_dim3A_23 = vector.broadcast %broadcast_in_dim3A_22 : i1 to vector<16xi1>
        %masked_cumsum3A = tpu.scan <sum>, %select_n3A masked %broadcast_in_dim3A_23 : vector<16xi32>, vector<16xi1> -> vector<16xi32>
        %le3A = arith.cmpi sle, %masked_cumsum3A, %scan3A_14 : vector<16xi32>
        %and3A = arith.andi %eq3A, %le3A : vector<16xi1>
        %or3A = arith.ori %gt3A, %and3A : vector<16xi1>
        %jit3A_24 = arith.constant 1 : i32
        %jit3A_25 = arith.constant 0 : i32
        %broadcast_in_dim3A_26 = vector.broadcast %jit3A_24 : i32 to vector<16xi32>
        %broadcast_in_dim3A_27 = vector.broadcast %jit3A_25 : i32 to vector<16xi32>
        %select_n3A_28 = arith.select %or3A, %broadcast_in_dim3A_26, %broadcast_in_dim3A_27 : vector<16xi1>, vector<16xi32>
        %broadcast_in_dim3A_29 = arith.constant true
        %broadcast_in_dim3A_30 = vector.broadcast %broadcast_in_dim3A_29 : i1 to vector<16xi1>
        %masked_cumsum3A_31 = tpu.scan <sum>, %select_n3A_28 masked %broadcast_in_dim3A_30 : vector<16xi32>, vector<16xi1> -> vector<16xi32>
        %add3A_32 = arith.addi %scan3A_13, %masked_cumsum3A_31 : vector<16xi32>
        %sub3A = arith.constant 1 : i32
        %sub3A_33 = vector.broadcast %sub3A : i32 to vector<16xi32>
        %sub3A_34 = arith.subi %add3A_32, %sub3A_33 : vector<16xi32>
        %mul3A_35 = arith.constant 16 : i32
        %mul3A_36 = arith.muli %scan3A_12, %mul3A_35 : i32
        %add3A_37 = vector.broadcast %mul3A_36 : i32 to vector<16xi32>
        %add3A_38 = arith.addi %add3A_37, %iota3A : vector<16xi32>
        tpu.vector_store_idx %arg8[%sub3A_34], %add3A_38 masked %or3A : memref<512xi32, #tpu.memory_space<vmem>>[vector<16xi32>], vector<16xi32>, vector<16xi1>
        tpu.vector_store_idx %arg9[%sub3A_34], %get3A_18 masked %or3A : memref<512xf32, #tpu.memory_space<vmem>>[vector<16xi32>], vector<16xf32>, vector<16xi1>
        %all_reduce_population_count3A = tpu.all_reduce %or3A {dim = 0 : i64, kind = #tpu.reduction_kind<sum>} : vector<16xi1> -> vector<16xi32>
        %all_reduce_population_count3A_39 = tpu.all_reduce %and3A {dim = 0 : i64, kind = #tpu.reduction_kind<sum>} : vector<16xi1> -> vector<16xi32>
        %add3A_40 = arith.addi %scan3A_13, %all_reduce_population_count3A : vector<16xi32>
        %sub3A_41 = arith.subi %scan3A_14, %all_reduce_population_count3A_39 : vector<16xi32>
        scf.yield %add3A_40, %sub3A_41 : vector<16xi32>, vector<16xi32>
      }
      %scan3A_11 = arith.constant 512 : i32
      "tpu.region"() ({
        %run_scoped3A = tpu.sem_alloc : memref<!tpu.dma_semaphore, #tpu.memory_space<semaphore_mem>>
        %dma_start3A = arith.constant 0 : i32
        %dma_start3A_12 = tpu.memref_slice %arg5[%add3A, %dma_start3A] : memref<16x512xi32, #tpu.memory_space<hbm>> -> memref<1x512xi32, #tpu.memory_space<hbm>>
        %dma_start3A_13 = tpu.memref_squeeze %dma_start3A_12 : memref<1x512xi32, #tpu.memory_space<hbm>> -> memref<512xi32, #tpu.memory_space<hbm>>
        %dma_start3A_14 = arith.constant 0 : i32
        %dma_start3A_15 = tpu.memref_slice %arg5[%add3A, %dma_start3A_14] : memref<16x512xi32, #tpu.memory_space<hbm>> -> memref<1x512xi32, #tpu.memory_space<hbm>>
        %dma_start3A_16 = tpu.memref_squeeze %dma_start3A_15 : memref<1x512xi32, #tpu.memory_space<hbm>> -> memref<512xi32, #tpu.memory_space<hbm>>
        tpu.enqueue_dma source(%arg8 : memref<512xi32, #tpu.memory_space<vmem>>) target(%dma_start3A_16 : memref<512xi32, #tpu.memory_space<hbm>>) target_semaphore(%run_scoped3A : memref<!tpu.dma_semaphore, #tpu.memory_space<semaphore_mem>>)
        %dma_wait3A = arith.constant 0 : i32
        %dma_wait3A_17 = tpu.memref_slice %arg5[%add3A, %dma_wait3A] : memref<16x512xi32, #tpu.memory_space<hbm>> -> memref<1x512xi32, #tpu.memory_space<hbm>>
        %dma_wait3A_18 = tpu.memref_squeeze %dma_wait3A_17 : memref<1x512xi32, #tpu.memory_space<hbm>> -> memref<512xi32, #tpu.memory_space<hbm>>
        %dma_wait3A_19 = arith.constant 0 : i32
        %dma_wait3A_20 = tpu.memref_slice %arg5[%add3A, %dma_wait3A_19] : memref<16x512xi32, #tpu.memory_space<hbm>> -> memref<1x512xi32, #tpu.memory_space<hbm>>
        %dma_wait3A_21 = tpu.memref_squeeze %dma_wait3A_20 : memref<1x512xi32, #tpu.memory_space<hbm>> -> memref<512xi32, #tpu.memory_space<hbm>>
        tpu.wait_dma2 semaphore(%run_scoped3A : memref<!tpu.dma_semaphore, #tpu.memory_space<semaphore_mem>>) src(%arg8 : memref<512xi32, #tpu.memory_space<vmem>>) dst(%dma_wait3A_21 : memref<512xi32, #tpu.memory_space<hbm>>)
        tpu.yield
      }) : () -> ()
      "tpu.region"() ({
        %run_scoped3A = tpu.sem_alloc : memref<!tpu.dma_semaphore, #tpu.memory_space<semaphore_mem>>
        %dma_start3A = arith.constant 0 : i32
        %dma_start3A_12 = tpu.memref_slice %arg6[%add3A, %dma_start3A] : memref<16x512xf32, #tpu.memory_space<hbm>> -> memref<1x512xf32, #tpu.memory_space<hbm>>
        %dma_start3A_13 = tpu.memref_squeeze %dma_start3A_12 : memref<1x512xf32, #tpu.memory_space<hbm>> -> memref<512xf32, #tpu.memory_space<hbm>>
        %dma_start3A_14 = arith.constant 0 : i32
        %dma_start3A_15 = tpu.memref_slice %arg6[%add3A, %dma_start3A_14] : memref<16x512xf32, #tpu.memory_space<hbm>> -> memref<1x512xf32, #tpu.memory_space<hbm>>
        %dma_start3A_16 = tpu.memref_squeeze %dma_start3A_15 : memref<1x512xf32, #tpu.memory_space<hbm>> -> memref<512xf32, #tpu.memory_space<hbm>>
        tpu.enqueue_dma source(%arg9 : memref<512xf32, #tpu.memory_space<vmem>>) target(%dma_start3A_16 : memref<512xf32, #tpu.memory_space<hbm>>) target_semaphore(%run_scoped3A : memref<!tpu.dma_semaphore, #tpu.memory_space<semaphore_mem>>)
        %dma_wait3A = arith.constant 0 : i32
        %dma_wait3A_17 = tpu.memref_slice %arg6[%add3A, %dma_wait3A] : memref<16x512xf32, #tpu.memory_space<hbm>> -> memref<1x512xf32, #tpu.memory_space<hbm>>
        %dma_wait3A_18 = tpu.memref_squeeze %dma_wait3A_17 : memref<1x512xf32, #tpu.memory_space<hbm>> -> memref<512xf32, #tpu.memory_space<hbm>>
        %dma_wait3A_19 = arith.constant 0 : i32
        %dma_wait3A_20 = tpu.memref_slice %arg6[%add3A, %dma_wait3A_19] : memref<16x512xf32, #tpu.memory_space<hbm>> -> memref<1x512xf32, #tpu.memory_space<hbm>>
        %dma_wait3A_21 = tpu.memref_squeeze %dma_wait3A_20 : memref<1x512xf32, #tpu.memory_space<hbm>> -> memref<512xf32, #tpu.memory_space<hbm>>
        tpu.wait_dma2 semaphore(%run_scoped3A : memref<!tpu.dma_semaphore, #tpu.memory_space<semaphore_mem>>) src(%arg9 : memref<512xf32, #tpu.memory_space<vmem>>) dst(%dma_wait3A_21 : memref<512xf32, #tpu.memory_space<hbm>>)
        tpu.yield
      }) : () -> ()
    } else {
    }
    return
  }
}

module attributes {stable_mosaic.version = 14 : i64} {
  func.func @_router_body(%arg0: i32, %arg1: memref<1024x1024xf32, #tpu.memory_space<vmem>>, %arg2: memref<1024x16xf32, #tpu.memory_space<vmem>>, %arg3: memref<16x1xf32, #tpu.memory_space<vmem>>, %arg4: memref<16x1024xf32, #tpu.memory_space<vmem>>) attributes {dimension_semantics = [#tpu.dimension_semantics<arbitrary>], iteration_bounds = array<i64: 8>, scalar_prefetch = 0 : i64, scratch_operands = 0 : i64, tpu.core_type = #tpu.core_type<tc>, window_params = [{transform_indices = @transform_0, window_bounds = array<i64: 1024, 1024>}, {pipeline_mode = #tpu.pipeline_mode<synchronous>, transform_indices = @transform_1, window_bounds = array<i64: 1024, 16>}, {pipeline_mode = #tpu.pipeline_mode<synchronous>, transform_indices = @transform_2, window_bounds = array<i64: 16, 1>}, {transform_indices = @transform_3, window_bounds = array<i64: 16, 1024>}]} {
    %get3A = arith.constant 0 : index
    %get3A_0 = arith.constant 0 : index
    %get3A_1 = vector.load %arg2[%get3A, %get3A_0] : memref<1024x16xf32, #tpu.memory_space<vmem>>, vector<1024x16xf32>
    %get3A_2 = arith.constant 0 : index
    %get3A_3 = arith.constant 0 : index
    %get3A_4 = vector.load %arg1[%get3A_2, %get3A_3] : memref<1024x1024xf32, #tpu.memory_space<vmem>>, vector<1024x1024xf32>
    %dot_general3A = arith.constant dense<0.000000e+00> : vector<16x1024xf32>
    %dot_general3A_5 = tpu.matmul %get3A_1, %get3A_4, %dot_general3A {dimension_numbers = #tpu.dot_dimension_numbers<[0], [1], [1], [0], [0, 1, 1, 0], [], []>, transpose_lhs_hint = false} : vector<1024x16xf32>, vector<1024x1024xf32>, vector<16x1024xf32> -> vector<16x1024xf32>
    %get3A_6 = arith.constant 0 : index
    %get3A_7 = arith.constant 0 : index
    %get3A_8 = vector.load %arg3[%get3A_6, %get3A_7] : memref<16x1xf32, #tpu.memory_space<vmem>>, vector<16x1xf32>
    %add3A = vector.broadcast %get3A_8 : vector<16x1xf32> to vector<16x1024xf32>
    %add3A_9 = arith.addf %dot_general3A_5, %add3A : vector<16x1024xf32>
    %reduce_max3A = arith.constant dense<0xFF800000> : vector<1024xf32>
    %reduce_max3A_10 = vector.multi_reduction <maximumf>, %add3A_9, %reduce_max3A [0] : vector<16x1024xf32> to vector<1024xf32>
    %broadcast_in_dim3A = vector.shape_cast %reduce_max3A_10 : vector<1024xf32> to vector<1x1024xf32>
    %sub3A = vector.broadcast %broadcast_in_dim3A : vector<1x1024xf32> to vector<16x1024xf32>
    %sub3A_11 = arith.subf %add3A_9, %sub3A : vector<16x1024xf32>
    %exp3A = math.exp %sub3A_11 : vector<16x1024xf32>
    %reduce_sum3A = arith.constant dense<0.000000e+00> : vector<1024xf32>
    %reduce_sum3A_12 = vector.multi_reduction <add>, %exp3A, %reduce_sum3A [0] : vector<16x1024xf32> to vector<1024xf32>
    %broadcast_in_dim3A_13 = vector.shape_cast %reduce_sum3A_12 : vector<1024xf32> to vector<1x1024xf32>
    %div3A = vector.broadcast %broadcast_in_dim3A_13 : vector<1x1024xf32> to vector<16x1024xf32>
    %div3A_14 = arith.divf %exp3A, %div3A : vector<16x1024xf32>
    %swap3A = arith.constant 0 : index
    %swap3A_15 = arith.constant 0 : index
    %swap3A_16 = vector.load %arg4[%swap3A, %swap3A_15] : memref<16x1024xf32, #tpu.memory_space<vmem>>, vector<16x1024xf32>
    tpu.vector_store %arg4[%swap3A, %swap3A_15], %div3A_14 {strides = array<i32>} : memref<16x1024xf32, #tpu.memory_space<vmem>>, vector<16x1024xf32>,
    return
  }
  func.func @transform_0(%arg0: i32) -> (i32, i32) {
    %c0_i32 = arith.constant 0 : i32
    %c0_i32_0 = arith.constant 0 : i32
    return %arg0, %c0_i32 : i32, i32
  }
  func.func @transform_1(%arg0: i32) -> (i32, i32) {
    %c0_i32 = arith.constant 0 : i32
    %c0_i32_0 = arith.constant 0 : i32
    %c0_i32_1 = arith.constant 0 : i32
    return %c0_i32, %c0_i32_0 : i32, i32
  }
  func.func @transform_2(%arg0: i32) -> (i32, i32) {
    %c0_i32 = arith.constant 0 : i32
    %c0_i32_0 = arith.constant 0 : i32
    %c0_i32_1 = arith.constant 0 : i32
    return %c0_i32, %c0_i32_0 : i32, i32
  }
  func.func @transform_3(%arg0: i32) -> (i32, i32) {
    %c0_i32 = arith.constant 0 : i32
    %c0_i32_0 = arith.constant 0 : i32
    return %c0_i32, %arg0 : i32, i32
  }
}

module attributes {stable_mosaic.version = 14 : i64} {
  func.func @_thresh_body(%arg0: memref<16x8192xf32, #tpu.memory_space<vmem>>, %arg1: memref<16x128xi32, #tpu.memory_space<vmem>>, %arg2: memref<16x128xi32, #tpu.memory_space<vmem>>) attributes {dimension_semantics = [], scalar_prefetch = 0 : i64, scratch_operands = 0 : i64, tpu.core_type = #tpu.core_type<tc>} {
    %get3A = arith.constant 0 : index
    %get3A_0 = arith.constant 0 : index
    %get3A_1 = vector.load %arg0[%get3A, %get3A_0] : memref<16x8192xf32, #tpu.memory_space<vmem>>, vector<16x8192xf32>
    %bitcast_convert_type3A = tpu.bitcast %get3A_1 : vector<16x8192xf32> -> vector<16x8192xi32>
    %broadcast_in_dim3A = arith.constant 0 : i32
    %broadcast_in_dim3A_2 = vector.broadcast %broadcast_in_dim3A : i32 to vector<16x1xi32>
    %broadcast_in_dim3A_3 = arith.constant 1065353217 : i32
    %broadcast_in_dim3A_4 = vector.broadcast %broadcast_in_dim3A_3 : i32 to vector<16x1xi32>
    %scan3A = arith.constant 0 : i32
    %scan3A_5 = arith.constant 31 : i32
    %scan3A_6 = arith.addi %scan3A, %scan3A_5 : i32
    %scan3A_7 = arith.constant 1 : i32
    %scan3A_8:2 = scf.for %scan3A_23 = %scan3A to %scan3A_6 step %scan3A_7 iter_args(%scan3A_24 = %broadcast_in_dim3A_2, %scan3A_25 = %broadcast_in_dim3A_4) -> (vector<16x1xi32>, vector<16x1xi32>)  : i32 {
      %sub3A_26 = arith.subi %scan3A_25, %scan3A_24 : vector<16x1xi32>
      %add3A = arith.constant 1 : i32
      %add3A_27 = vector.broadcast %add3A : i32 to vector<16x1xi32>
      %add3A_28 = arith.addi %sub3A_26, %add3A_27 : vector<16x1xi32>
      %div3A = arith.constant 2 : i32
      %div3A_29 = vector.broadcast %div3A : i32 to vector<16x1xi32>
      %div3A_30 = arith.divsi %add3A_28, %div3A_29 : vector<16x1xi32>
      %add3A_31 = arith.addi %scan3A_24, %div3A_30 : vector<16x1xi32>
      %ge3A = vector.broadcast %add3A_31 : vector<16x1xi32> to vector<16x8192xi32>
      %ge3A_32 = arith.cmpi sge, %bitcast_convert_type3A, %ge3A : vector<16x8192xi32>
      %convert_element_type3A_33 = arith.extui %ge3A_32 : vector<16x8192xi1> to vector<16x8192xi32>
      %reduce_sum3A_34 = arith.constant dense<0> : vector<16xi32>
      %reduce_sum3A_35 = vector.multi_reduction <add>, %convert_element_type3A_33, %reduce_sum3A_34 [1] : vector<16x8192xi32> to vector<16xi32>
      %broadcast_in_dim3A_36 = vector.shape_cast %reduce_sum3A_35 : vector<16xi32> to vector<16x1xi32>
      %ge3A_37 = arith.constant 512 : i32
      %ge3A_38 = vector.broadcast %ge3A_37 : i32 to vector<16x1xi32>
      %ge3A_39 = arith.cmpi sge, %broadcast_in_dim3A_36, %ge3A_38 : vector<16x1xi32>
      %select_n3A = arith.select %ge3A_39, %add3A_31, %scan3A_24 : vector<16x1xi1>, vector<16x1xi32>
      %sub3A_40 = arith.constant 1 : i32
      %sub3A_41 = vector.broadcast %sub3A_40 : i32 to vector<16x1xi32>
      %sub3A_42 = arith.subi %add3A_31, %sub3A_41 : vector<16x1xi32>
      %select_n3A_43 = arith.select %ge3A_39, %scan3A_25, %sub3A_42 : vector<16x1xi1>, vector<16x1xi32>
      scf.yield %select_n3A, %select_n3A_43 : vector<16x1xi32>, vector<16x1xi32>
    }
    %gt3A = vector.broadcast %scan3A_8#0 : vector<16x1xi32> to vector<16x8192xi32>
    %gt3A_9 = arith.cmpi sgt, %bitcast_convert_type3A, %gt3A : vector<16x8192xi32>
    %convert_element_type3A = arith.extui %gt3A_9 : vector<16x8192xi1> to vector<16x8192xi32>
    %reduce_sum3A = arith.constant dense<0> : vector<16xi32>
    %reduce_sum3A_10 = vector.multi_reduction <add>, %convert_element_type3A, %reduce_sum3A [1] : vector<16x8192xi32> to vector<16xi32>
    %broadcast_in_dim3A_11 = vector.shape_cast %reduce_sum3A_10 : vector<16xi32> to vector<16x1xi32>
    %broadcast_in_dim3A_12 = vector.shape_cast %scan3A_8#0 : vector<16x1xi32> to vector<16x1xi32>
    %broadcast_in_dim3A_13 = vector.broadcast %broadcast_in_dim3A_12 : vector<16x1xi32> to vector<16x128xi32>
    %swap3A = arith.constant 0 : index
    %swap3A_14 = arith.constant 0 : index
    %swap3A_15 = vector.load %arg1[%swap3A, %swap3A_14] : memref<16x128xi32, #tpu.memory_space<vmem>>, vector<16x128xi32>
    tpu.vector_store %arg1[%swap3A, %swap3A_14], %broadcast_in_dim3A_13 {strides = array<i32>} : memref<16x128xi32, #tpu.memory_space<vmem>>, vector<16x128xi32>,
    %sub3A = arith.constant 512 : i32
    %sub3A_16 = vector.broadcast %sub3A : i32 to vector<16x1xi32>
    %sub3A_17 = arith.subi %sub3A_16, %broadcast_in_dim3A_11 : vector<16x1xi32>
    %broadcast_in_dim3A_18 = vector.shape_cast %sub3A_17 : vector<16x1xi32> to vector<16x1xi32>
    %broadcast_in_dim3A_19 = vector.broadcast %broadcast_in_dim3A_18 : vector<16x1xi32> to vector<16x128xi32>
    %swap3A_20 = arith.constant 0 : index
    %swap3A_21 = arith.constant 0 : index
    %swap3A_22 = vector.load %arg2[%swap3A_20, %swap3A_21] : memref<16x128xi32, #tpu.memory_space<vmem>>, vector<16x128xi32>
    tpu.vector_store %arg2[%swap3A_20, %swap3A_21], %broadcast_in_dim3A_19 {strides = array<i32>} : memref<16x128xi32, #tpu.memory_space<vmem>>, vector<16x128xi32>,
    return
  }
}

module attributes {stable_mosaic.version = 14 : i64} {
  func.func @_ffn_body(%arg0: i32, %arg1: memref<1x512x1024xf32, #tpu.memory_space<vmem>>, %arg2: memref<1x1024x1024xf32, #tpu.memory_space<vmem>>, %arg3: memref<1x1x1024xf32, #tpu.memory_space<vmem>>, %arg4: memref<1x1024x1024xf32, #tpu.memory_space<vmem>>, %arg5: memref<1x1x1024xf32, #tpu.memory_space<vmem>>, %arg6: memref<1x512x1xf32, #tpu.memory_space<vmem>>, %arg7: memref<1x512x1024xf32, #tpu.memory_space<vmem>>) attributes {dimension_semantics = [#tpu.dimension_semantics<arbitrary>], iteration_bounds = array<i64: 16>, scalar_prefetch = 0 : i64, scratch_operands = 0 : i64, tpu.core_type = #tpu.core_type<tc>, window_params = [{transform_indices = @transform_0, window_bounds = array<i64: 1, 512, 1024>}, {transform_indices = @transform_1, window_bounds = array<i64: 1, 1024, 1024>}, {transform_indices = @transform_2, window_bounds = array<i64: 1, 1, 1024>}, {transform_indices = @transform_3, window_bounds = array<i64: 1, 1024, 1024>}, {transform_indices = @transform_4, window_bounds = array<i64: 1, 1, 1024>}, {transform_indices = @transform_5, window_bounds = array<i64: 1, 512, 1>}, {transform_indices = @transform_6, window_bounds = array<i64: 1, 512, 1024>}]} {
    %get3A = arith.constant 0 : index
    %get3A_0 = arith.constant 0 : index
    %get3A_1 = arith.constant 0 : index
    %get3A_2 = vector.load %arg1[%get3A, %get3A_0, %get3A_1] : memref<1x512x1024xf32, #tpu.memory_space<vmem>>, vector<1x512x1024xf32>
    %get3A_3 = vector.shape_cast %get3A_2 : vector<1x512x1024xf32> to vector<512x1024xf32>
    %convert_element_type3A = arith.truncf %get3A_3 : vector<512x1024xf32> to vector<512x1024xbf16>
    %get3A_4 = arith.constant 0 : index
    %get3A_5 = arith.constant 0 : index
    %get3A_6 = arith.constant 0 : index
    %get3A_7 = vector.load %arg2[%get3A_4, %get3A_5, %get3A_6] : memref<1x1024x1024xf32, #tpu.memory_space<vmem>>, vector<1x1024x1024xf32>
    %get3A_8 = vector.shape_cast %get3A_7 : vector<1x1024x1024xf32> to vector<1024x1024xf32>
    %convert_element_type3A_9 = arith.truncf %get3A_8 : vector<1024x1024xf32> to vector<1024x1024xbf16>
    %dot_general3A = arith.constant dense<0.000000e+00> : vector<512x1024xf32>
    %dot_general3A_10 = tpu.matmul %convert_element_type3A, %convert_element_type3A_9, %dot_general3A {dimension_numbers = #tpu.dot_dimension_numbers<[1], [0], [0], [1], [0, 0, 1, 1], [], []>, transpose_lhs_hint = false} : vector<512x1024xbf16>, vector<1024x1024xbf16>, vector<512x1024xf32> -> vector<512x1024xf32>
    %get3A_11 = arith.constant 0 : index
    %get3A_12 = arith.constant 0 : index
    %get3A_13 = arith.constant 0 : index
    %get3A_14 = vector.load %arg3[%get3A_11, %get3A_12, %get3A_13] : memref<1x1x1024xf32, #tpu.memory_space<vmem>>, vector<1x1x1024xf32>
    %get3A_15 = vector.shape_cast %get3A_14 : vector<1x1x1024xf32> to vector<1x1024xf32>
    %add3A = vector.broadcast %get3A_15 : vector<1x1024xf32> to vector<512x1024xf32>
    %add3A_16 = arith.addf %dot_general3A_10, %add3A : vector<512x1024xf32>
    %integer_pow3A = arith.mulf %add3A_16, %add3A_16 : vector<512x1024xf32>
    %integer_pow3A_17 = arith.mulf %add3A_16, %integer_pow3A : vector<512x1024xf32>
    %mul3A = arith.constant 4.471500e-02 : f32
    %mul3A_18 = vector.broadcast %mul3A : f32 to vector<512x1024xf32>
    %mul3A_19 = arith.mulf %mul3A_18, %integer_pow3A_17 : vector<512x1024xf32>
    %add3A_20 = arith.addf %add3A_16, %mul3A_19 : vector<512x1024xf32>
    %mul3A_21 = arith.constant 0.797884583 : f32
    %mul3A_22 = vector.broadcast %mul3A_21 : f32 to vector<512x1024xf32>
    %mul3A_23 = arith.mulf %mul3A_22, %add3A_20 : vector<512x1024xf32>
    %tanh3A = math.tanh %mul3A_23 : vector<512x1024xf32>
    %add3A_24 = arith.constant 1.000000e+00 : f32
    %add3A_25 = vector.broadcast %add3A_24 : f32 to vector<512x1024xf32>
    %add3A_26 = arith.addf %add3A_25, %tanh3A : vector<512x1024xf32>
    %mul3A_27 = arith.constant 5.000000e-01 : f32
    %mul3A_28 = vector.broadcast %mul3A_27 : f32 to vector<512x1024xf32>
    %mul3A_29 = arith.mulf %mul3A_28, %add3A_26 : vector<512x1024xf32>
    %mul3A_30 = arith.mulf %add3A_16, %mul3A_29 : vector<512x1024xf32>
    %convert_element_type3A_31 = arith.truncf %mul3A_30 : vector<512x1024xf32> to vector<512x1024xbf16>
    %get3A_32 = arith.constant 0 : index
    %get3A_33 = arith.constant 0 : index
    %get3A_34 = arith.constant 0 : index
    %get3A_35 = vector.load %arg4[%get3A_32, %get3A_33, %get3A_34] : memref<1x1024x1024xf32, #tpu.memory_space<vmem>>, vector<1x1024x1024xf32>
    %get3A_36 = vector.shape_cast %get3A_35 : vector<1x1024x1024xf32> to vector<1024x1024xf32>
    %convert_element_type3A_37 = arith.truncf %get3A_36 : vector<1024x1024xf32> to vector<1024x1024xbf16>
    %dot_general3A_38 = arith.constant dense<0.000000e+00> : vector<512x1024xf32>
    %dot_general3A_39 = tpu.matmul %convert_element_type3A_31, %convert_element_type3A_37, %dot_general3A_38 {dimension_numbers = #tpu.dot_dimension_numbers<[1], [0], [0], [1], [0, 0, 1, 1], [], []>, transpose_lhs_hint = false} : vector<512x1024xbf16>, vector<1024x1024xbf16>, vector<512x1024xf32> -> vector<512x1024xf32>
    %get3A_40 = arith.constant 0 : index
    %get3A_41 = arith.constant 0 : index
    %get3A_42 = arith.constant 0 : index
    %get3A_43 = vector.load %arg5[%get3A_40, %get3A_41, %get3A_42] : memref<1x1x1024xf32, #tpu.memory_space<vmem>>, vector<1x1x1024xf32>
    %get3A_44 = vector.shape_cast %get3A_43 : vector<1x1x1024xf32> to vector<1x1024xf32>
    %add3A_45 = vector.broadcast %get3A_44 : vector<1x1024xf32> to vector<512x1024xf32>
    %add3A_46 = arith.addf %dot_general3A_39, %add3A_45 : vector<512x1024xf32>
    %get3A_47 = arith.constant 0 : index
    %get3A_48 = arith.constant 0 : index
    %get3A_49 = arith.constant 0 : index
    %get3A_50 = vector.load %arg6[%get3A_47, %get3A_48, %get3A_49] : memref<1x512x1xf32, #tpu.memory_space<vmem>>, vector<1x512x1xf32>
    %get3A_51 = vector.shape_cast %get3A_50 : vector<1x512x1xf32> to vector<512x1xf32>
    %mul3A_52 = vector.broadcast %get3A_51 : vector<512x1xf32> to vector<512x1024xf32>
    %mul3A_53 = arith.mulf %add3A_46, %mul3A_52 : vector<512x1024xf32>
    %broadcast_in_dim3A = vector.shape_cast %mul3A_53 : vector<512x1024xf32> to vector<1x512x1024xf32>
    %swap3A = arith.constant 0 : index
    %swap3A_54 = arith.constant 0 : index
    %swap3A_55 = arith.constant 0 : index
    %swap3A_56 = vector.load %arg7[%swap3A, %swap3A_54, %swap3A_55] : memref<1x512x1024xf32, #tpu.memory_space<vmem>>, vector<1x512x1024xf32>
    tpu.vector_store %arg7[%swap3A, %swap3A_54, %swap3A_55], %broadcast_in_dim3A {strides = array<i32>} : memref<1x512x1024xf32, #tpu.memory_space<vmem>>, vector<1x512x1024xf32>,
    return
  }
  func.func @transform_0(%arg0: i32) -> (i32, i32, i32) {
    %c0_i32 = arith.constant 0 : i32
    %c0_i32_0 = arith.constant 0 : i32
    %c0_i32_1 = arith.constant 0 : i32
    return %arg0, %c0_i32, %c0_i32_0 : i32, i32, i32
  }
  func.func @transform_1(%arg0: i32) -> (i32, i32, i32) {
    %c0_i32 = arith.constant 0 : i32
    %c0_i32_0 = arith.constant 0 : i32
    %c0_i32_1 = arith.constant 0 : i32
    return %arg0, %c0_i32, %c0_i32_0 : i32, i32, i32
  }
  func.func @transform_2(%arg0: i32) -> (i32, i32, i32) {
    %c0_i32 = arith.constant 0 : i32
    %c0_i32_0 = arith.constant 0 : i32
    %c0_i32_1 = arith.constant 0 : i32
    return %arg0, %c0_i32, %c0_i32_0 : i32, i32, i32
  }
  func.func @transform_3(%arg0: i32) -> (i32, i32, i32) {
    %c0_i32 = arith.constant 0 : i32
    %c0_i32_0 = arith.constant 0 : i32
    %c0_i32_1 = arith.constant 0 : i32
    return %arg0, %c0_i32, %c0_i32_0 : i32, i32, i32
  }
  func.func @transform_4(%arg0: i32) -> (i32, i32, i32) {
    %c0_i32 = arith.constant 0 : i32
    %c0_i32_0 = arith.constant 0 : i32
    %c0_i32_1 = arith.constant 0 : i32
    return %arg0, %c0_i32, %c0_i32_0 : i32, i32, i32
  }
  func.func @transform_5(%arg0: i32) -> (i32, i32, i32) {
    %c0_i32 = arith.constant 0 : i32
    %c0_i32_0 = arith.constant 0 : i32
    %c0_i32_1 = arith.constant 0 : i32
    return %arg0, %c0_i32, %c0_i32_0 : i32, i32, i32
  }
  func.func @transform_6(%arg0: i32) -> (i32, i32, i32) {
    %c0_i32 = arith.constant 0 : i32
    %c0_i32_0 = arith.constant 0 : i32
    %c0_i32_1 = arith.constant 0 : i32
    return %arg0, %c0_i32, %c0_i32_0 : i32, i32, i32
  }
}

</mosaic_0001>

<sc_bundles>
// kernel: kernel.11.cloned.1.call-start
scs
__scs_entry_jumppad:
0x0: {  	(pc) =	sbr.rel $0x88, $3  }
0x1: {  	(tag) =	ssettag $0x0;
	lr =	simm.s32 $0x1  }
0x2: {  	[smem:$0x3F9A] =	sst lr;
	_ =	strace $0xD0000000  }
0x3: {  	_ = 	snop  }
0x4: {  	_ = 	snop  }
0x5: {  	_ = 	snop  }
0x6: {  	_ = 	snop  }
0x7: {  	_ = 	snop  }
__scs_overlays_trampoline_lowered:
0x8: {  	[smem:$0x3FA9] =	sst s0  }
0x9: {  	[smem:$0x3FAA] =	sst s1  }
0xa: {  	[smem:$0x3FAB] =	sst s2  }
0xb: {  	[smem:$0x3FAC] =	sst s3  }
0xc: {  	[smem:$0x3FAD] =	sst s4  }
0xd: {  	[smem:$0x3FAE] =	sst s5  }
0xe: {  	[smem:$0x3FAF] =	sst s6  }
0xf: {  	[smem:$0x3FB0] =	sst s7  }
0x10: {  	[smem:$0x3FB1] =	sst s8  }
0x11: {  	[smem:$0x3FB2] =	sst s9;
	s0 =	simm.s32 @!p0 $0x0  }
0x12: {  	s1 =	sld [smem:$0x3F98];
	s0 =	simm.s32 @p0 $0x1  }
0x13: {  	[smem:$0x3FB3] =	sst s0;
	s0 =	simm.s32 @!p1 $0x0  }
0x14: {  	s2 =	sld [smem:$0x3F97];
	s0 =	simm.s32 @p1 $0x1  }
0x15: {  	[smem:$0x3FB4] =	sst s0;
	s0 =	simm.s32 @!p2 $0x0  }
0x16: {  	s3 =	sld [smem:$0x3FDB];
	s0 =	simm.s32 @p2 $0x1  }
0x17: {  	s4 =	simm.s32 $0x1BF5;
	[smem:$0x3FB6] =	sst s0  }
0x18: {  	s0 =	sld [smem:$0x3F99];
	_ =	swait.ge [sflag:s4], $0x0  }
0x19: {  	s7 =	sld [smem:$0x3F9A]  }
0x1a: {  	s8 =	sadd.s32 $0xFFFFE003, lr  }
0x1b: {  	s9 =	sadd.s32 $0xFFFFFEF7, lr;
	s5 =	simm.s32 $0xFFFFFFFF;
	p2 =	slt.u32 s8, $0xFFFFF086  }
0x1c: {  	p1 =	slt.u32 s9, $0xF7A;
	s5 =	simm.s32 @!p2 $0x0  }
0x1d: {  	s5 =	simm.s32 @p1 $0x1;
	p0 =	seq.s32 s7, s2  }
0x1e: {  	s7 =	smul.u32 @!p0 $0xF7A, s2;
	p2 =	seq.s32 @!p0 s5, $0x0  }
0x1f: {  	s9 =	smul.u32 $0xF7A, s1;
	s8 =	simm.s32 @!p0 $0x1BF5;
	p2 =	por !p2, p0  }
0x20: {  	[sflag:s8] =	ssyncset.s32 @!p0 $0xFFFFF086;
	s6 =	sadd.s32 @!p0 s3, s7;
	s7 =	simm.s32 @!p0 $0x108  }
0x21: {  	s3 =	sadd.s32 s3, s9;
	s6 =	sadd.s32 @!p0 $0x88, s6;
	s7 =	simm.s32 @p2 $0x1082  }
0x22: {  	[simem:s7], [sflag:s8] =	dma.local @!p0 [hbm:s6], $0xF7A  }
0x23: {  	s9 =	sor.u32 $0xD0000000, s2;
	s6 =	simm.s32 $0x108;
	_ =	swait.ge @!p0 [sflag:s8], $0x0  }
0x24: {  	s3 =	sadd.s32 $0x88, s3;
	s6 =	simm.s32 @!p1 $0x1082;
	[sflag:s4] =	ssyncset.s32 $0xFFFFF086  }
0x25: {  	[simem:s6], [sflag:s4] =	dma.local [hbm:s3], $0xF7A  }
0x26: {  	[smem:$0x3F9A] =	sst s1;
	(tag) =	ssettag s2;
	_ =	strace s9  }
0x27: {  	s1 =	sld [smem:$0x3FAA]  }
0x28: {  	s2 =	sld [smem:$0x3FAB]  }
0x29: {  	s4 =	sld [smem:$0x3FAD]  }
0x2a: {  	p0 =	seq.s32 s5, $0x0;
	s5 =	sld [smem:$0x3FAE]  }
0x2b: {  	s6 =	sld [smem:$0x3FAF]  }
0x2c: {  	s7 =	sld [smem:$0x3FB0]  }
0x2d: {  	s3 =	simm.s32 $0x108;
	s8 =	sld [smem:$0x3FB1]  }
0x2e: {  	s3 =	simm.s32 @!p0 $0x1082;
	s9 =	sld [smem:$0x3FB2]  }
0x2f: {  	lr =	sadd.s32 s0, s3;
	s0 =	sld [smem:$0x3FA9]  }
0x30: {  	s3 =	sld [smem:$0x3FAC]  }
0x31: {  	[smem:$0x3FB5] =	sst s10  }
0x32: {  	s10 =	sld [smem:$0x3FB3];
	_ =	sdelay $0x3  }
0x33: {  	p0 =	seq.s32 s10, $0x1;
	s10 =	sld [smem:$0x3FB5];
	_ =	sdelay $0x3  }
0x34: {  	[smem:$0x3FB5] =	sst s10  }
0x35: {  	s10 =	sld [smem:$0x3FB4];
	_ =	sdelay $0x3  }
0x36: {  	p1 =	seq.s32 s10, $0x1;
	s10 =	sld [smem:$0x3FB5];
	_ =	sdelay $0x3  }
0x37: {  	[smem:$0x3FB5] =	sst s10  }
0x38: {  	s10 =	sld [smem:$0x3FB6]  }
0x39: {  	_ = 	snop;
	(pc) =	sbr.ind lr, $3  }
0x3a: {  	_ = 	snop  }
0x3b: {  	_ = 	snop  }
0x3c: {  	p2 =	seq.s32 s10, $0x1;
	s10 =	sld [smem:$0x3FB5]  }
0x3d: {  	_ =	shalt  }
0x3e: {  	_ =	shalt  }
0x3f: {  	_ =	shalt  }
0x40: {  	_ =	shalt  }
0x41: {  	_ =	shalt  }
0x42: {  	_ =	shalt  }
0x43: {  	_ =	shalt  }
0x44: {  	_ =	shalt  }
0x45: {  	_ =	shalt  }
0x46: {  	_ =	shalt  }
0x47: {  	_ =	shalt  }
0x48: {  	_ =	shalt  }
0x49: {  	_ =	shalt  }
0x4a: {  	_ =	shalt  }
0x4b: {  	_ =	shalt  }
0x4c: {  	_ =	shalt  }
0x4d: {  	_ =	shalt  }
0x4e: {  	_ =	shalt  }
0x4f: {  	_ =	shalt  }
0x50: {  	_ =	shalt  }
0x51: {  	_ =	shalt  }
0x52: {  	_ =	shalt  }
0x53: {  	_ =	shalt  }
0x54: {  	_ =	shalt  }
0x55: {  	_ =	shalt  }
0x56: {  	_ =	shalt  }
0x57: {  	_ =	shalt  }
0x58: {  	_ =	shalt  }
0x59: {  	_ =	shalt  }
0x5a: {  	_ =	shalt  }
0x5b: {  	_ =	shalt  }
0x5c: {  	_ =	shalt  }
0x5d: {  	_ =	shalt  }
0x5e: {  	_ =	shalt  }
0x5f: {  	_ =	shalt  }
0x60: {  	_ =	shalt  }
0x61: {  	_ =	shalt  }
0x62: {  	_ =	shalt  }
0x63: {  	_ =	shalt  }
0x64: {  	_ =	shalt  }
0x65: {  	_ =	shalt  }
0x66: {  	_ =	shalt  }
0x67: {  	_ =	shalt  }
0x68: {  	_ =	shalt  }
0x69: {  	_ =	shalt  }
0x6a: {  	_ =	shalt  }
0x6b: {  	_ =	shalt  }
0x6c: {  	_ =	shalt  }
0x6d: {  	_ =	shalt  }
0x6e: {  	_ =	shalt  }
0x6f: {  	_ =	shalt  }
0x70: {  	_ =	shalt  }
0x71: {  	_ =	shalt  }
0x72: {  	_ =	shalt  }
0x73: {  	_ =	shalt  }
0x74: {  	_ =	shalt  }
0x75: {  	_ =	shalt  }
0x76: {  	_ =	shalt  }
0x77: {  	_ =	shalt  }
0x78: {  	_ =	shalt  }
0x79: {  	_ =	shalt  }
0x7a: {  	_ =	shalt  }
0x7b: {  	_ =	shalt  }
0x7c: {  	_ =	shalt  }
0x7d: {  	_ =	shalt  }
0x7e: {  	_ =	shalt  }
0x7f: {  	_ =	shalt  }
0x80: {  	_ =	shalt  }
0x81: {  	_ =	shalt  }
0x82: {  	_ =	shalt  }
0x83: {  	_ =	shalt  }
0x84: {  	_ =	shalt  }
0x85: {  	_ =	shalt  }
0x86: {  	_ =	shalt  }
0x87: {  	_ =	shalt  }
.Lfunc_end0:
.L_simem_size_0:
called_computation.1_lowered:
.L_overlay_start_0:
0x88: {  	s2 =	sld [smem:$0x3FD9]  }
0x89: {  	s3 =	sld [smem:$0x3FFE];
	_ =	sdelay $0x1  }
0x8a: {  	s1 =	srdreg.scid  }
0x8b: {  	s0 =	sand.u32 $0x1, s1  }
0x8c: {  	s17 =	sshll.u32 s0, $0xA;
	s2 =	sadd.s32 s3, s2  }
0x8d: {  	s2 =	sadd.s32 s2, s17  }
0x8e: {  	[smem:$0x3FC1] =	sst s2  }
0x8f: {  	_ = 	snop  }
0x90: {  	s2 =	sld [smem:$0x3FC9]  }
0x91: {  	s18 =	sld [smem:$0x3FD0];
	(tm) =	ssettm $0x1  }
0x92: {  	s4 =	sld [smem:$0x3FFB];
	_ =	sdelay $0x3  }
0x93: {  	_ =	strace s4  }
0x94: {  	s4 =	sld [smem:$0x3FFC];
	_ =	sdelay $0x3  }
0x95: {  	_ =	strace s4  }
0x96: {  	s4 =	sld [smem:$0x3FFD];
	_ =	sdelay $0x3  }
0x97: {  	_ =	strace s4  }
0x98: {  	_ =	strace $0x8FFFFFFF  }
0x99: {  	s19 =	sld [smem:$0x3FDB];
	_ =	sdelay $0x1  }
0x9a: {  	s5 =	simm.s32 $_scs_section_size  }
0x9b: {  	s6 =	simm.s32 $_size__tile_overlayer_lowered;
	s7 =	simm.s32 $_tile_overlayer_lowered  }
0x9c: {  	s22 =	simm.s32 $0x1BFF;
	s21 =	sshll.u32 s7, $0x1;
	s4 =	sadd.s32 s5, s19  }
0x9d: {  	s8 =	simm.s32 $0x0;
	s20 =	sshll.u32 s6, $0x1;
	s6 =	sadd.s32 s21, s4  }
0x9e: {  	[timem:s8], [sflag:s22] =	dma.local [hbm:s6], s20  }
0x9f: {  	_ =	swait.ge [sflag:s22], s20  }
0xa0: {  	s5 =	ssub.s32 $0x0, s20;
	[sflag:s22] =	ssyncset.done $0x0  }
0xa1: {  	[sflag:s22] =	ssyncadd.s32 s5;
	_ =	sdelay $0x1  }
0xa2: {  	s23 =	simm.s32 $0x1B8B  }
0xa3: {  	_ =	swait.ge [sflag:s23], $0x1  }
0xa4: {  	[sflag:s23] =	ssyncset.done $0x0  }
0xa5: {  	s25 =	simm.s32 $0x1B8E;
	s24 =	sld [smem:$0x3FFE];
	[sflag:s23] =	ssyncadd.s32 $0xFFFFFFFF  }
0xa6: {  	s26 =	simm.s32 $execute0_lowered;
	[smem:$0x3FD2] =	sst s25  }
0xa7: {  	s6 =	sshll.u32 s26, $0x1;
	_ =	strace $0x80000049;
	[dreg:$0x1] =	wrdreg $0xFFFFFFFF  }
0xa8: {  	s28 =	simm.s32 $_size_execute0_lowered;
	s4 =	sadd.s32 s4, s6;
	[dreg:$0x0] =	wrdreg $0x0  }
0xa9: {  	s6 =	sshll.u32 s28, $0x1;
	[dreg:$0x2] =	wrdreg s4  }
0xaa: {  	[dreg:$0x3] =	wrdreg s6  }
0xab: {  	[dreg:$0x4] =	wrdreg $0xC0  }
0xac: {  	_ =	task [dreg:s8], $0x5FFFF  }
0xad: {  	[dreg:$0x1] =	wrdreg $0xFFFFFFFF  }
0xae: {  	[dreg:$0x0] =	wrdreg $0x60  }
0xaf: {  	[dreg:$0x2] =	wrdreg s2  }
0xb0: {  	[dreg:$0x3] =	wrdreg s24  }
0xb1: {  	[dreg:$0x4] =	wrdreg s18  }
0xb2: {  	[dreg:$0x5] =	wrdreg $0x9  }
0xb3: {  	_ =	task.clear_ibuf [dreg:s8], $0x6FFFF;
	_ =	strace $0x90000049  }
0xb4: {  	s29 =	simm.s32 $0x9;
	_ =	strace $0x8000004B  }
0xb5: {  	_ =	swait.ge [sflag:s29], $0x1  }
0xb6: {  	[sflag:s29] =	ssyncadd.s32 $0xFFFFFFFF  }
0xb7: {  	_ =	strace $0x9000004B  }
0xb8: {  	_ =	sfence  }
0xb9: {  	s30 =	sld [smem:$0x0];
	_ =	sdelay $0x2  }
0xba: {  	s31 =	sshll.u32 s1, $0xD;
	s1 =	sshrl.u32 s1, $0x2  }
0xbb: {  	s3 =	sand.u32 $0x4000, s31;
	s1 =	sadd.s32 s1, s30  }
0xbc: {  	s0 =	sor.u32 s3, s0;
	s1 =	sshll.u32 s1, $0x11  }
0xbd: {  	s0 =	sor.u32 s1, s0  }
0xbe: {  	s0 =	sadd.s32 $0x8F2B, s0  }
0xbf: {  	[sflag:s0] =	ssyncadd.remote.s32 $0x1  }
0xc0: {  	_ =	sfence.sel $0xFFFF  }
0xc1: {  	[dreg:$0x0] =	wrdreg $0xFFFFFFFF;
	(pc) =	sbr.abs _section_cstart, $3  }
0xc2: {  	[dreg:$0x1] =	wrdreg $0xFFFFFFFF  }
0xc3: {  	_ =	task.clear_ibuf [dreg:s8], $0x2FFFF;
	_ =	strace $0x9FFFFFFF  }
0xc4: {  	(tm) =	ssettm $0x7FFFFFFF  }
0xc5: {  	_ =	shalt  }
tec
execute0_lowered:
.L_overlay_start_1:
0x0: {  	(tag) =	ssettag $0x1  }
0x1: {  	s1 =	rddreg [dreg:$0x0]  }
0x2: {  	s0 =	srdreg.scid;
	s2 =	rddreg [dreg:$0x1]  }
0x3: {  	s3 =	stileid.u32;
	s5 =	rddreg [dreg:$0x2]  }
0x4: {  	s9 =	simm.s32 $0x3;
	s10 =	simm.s32 $0x100;
	s28 =	simm.s32 $0x2900  }
0x5: {  	s29 =	simm.s32 $0x3100;
	s30 =	simm.s32 $0x3900;
	s31 =	simm.s32 $0x4100  }
0x6: {  	s17 =	simm.s32 $0x4900;
	s16 =	simm.s32 $0x5100;
	s0 =	sand.u32 $0x1, s0  }
0x7: {  	s11 =	simm.s32 $0x6100;
	s3 =	sshll.u32 s3, $0x9;
	s4 =	sshll.u32 s0, $0x8  }
0x8: {  	s12 =	simm.s32 $0x6900;
	s13 =	simm.s32 $0x7100;
	s4 =	sor.u32 s4, s3  }
0x9: {  	s3 =	simm.s32 $0x0;
	s6 =	sshrl.u32 s4, $0x3;
	s4 =	sshll.u32 s4, $0x7  }
0xa: {  	[smem:$0x7FF] =	sst s3;
	s2 =	sadd.s32 s6, s2;
	s18 =	sadd.s32 s5, s4  }
0xb: {  	_ =	strace $0x8000004A;
	s2 =	sadd.s32 $0x2A00, s2;
	[dreg:$0xc] =	wrdreg s18  }
0xc: {  	s14 =	simm.s32 $0x7900;
	s19 =	sadd.s32 $0x1000, s18;
	[dreg:$0x4] =	wrdreg s2  }
0xd: {  	s7 =	sadd.s32 $0x300, s1;
	s20 =	sadd.s32 $0x2000, s18;
	[dreg:$0x5] =	wrdreg s19  }
0xe: {  	s0 =	ssub.s32 $0x2, s0;
	s21 =	sadd.s32 $0x3000, s18;
	[dreg:$0x6] =	wrdreg s20  }
0xf: {  	s23 =	sshrl.u32 s0, $0x1;
	s22 =	sadd.s32 $0x4000, s18;
	[dreg:$0x7] =	wrdreg s21  }
0x10: {  	s0 =	ssub.s32 s0, s23;
	s24 =	sadd.s32 $0x5000, s18;
	[dreg:$0x8] =	wrdreg s22  }
0x11: {  	s23 =	simm.s32 $0x1100;
	s25 =	sadd.s32 $0x6000, s18;
	[dreg:$0x9] =	wrdreg s24  }
0x12: {  	s5 =	sadd.s32 $0x100, s1;
	s26 =	sadd.s32 $0x7000, s18;
	[dreg:$0xa] =	wrdreg s25  }
0x13: {  	v2 =	vlaneseq.u32;
	s6 =	sadd.s32 $0x200, s1;
	s8 =	smax.u32 s0, $0x1;
	[dreg:$0xb] =	wrdreg s26  }
0x14: {  	vm0 =	vmmov $0xffff;
	v1 =	vshrl.u32 v2, $0x3;
	s26 =	simm.s32 $0x8100;
	s19 =	simm.s32 $0x1;
	s20 =	simm.s32 $0x2  }
0x15: {  	v0 =	vand.u32 $0x7, v2;
	v2 =	vor.u32 $0x8, v2;
	v1 =	vmul.u32 $0x8, v1;
	s22 =	simm.s32 $0x900;
	s24 =	simm.s32 $0x1900;
	s25 =	simm.s32 $0x2100  }
.LBB2_1:
0x16: {  	s21 =	rddreg [dreg:$0x4]  }
0x17: {  	[tilespmem:s3], [sflag:$0x3] =	stream.linear.gather [hbm4b:s21+s3], $0x100, $0x38;
	[tilespmem:$0x10100] =	vst v63  }
0x18: {  	_ =	swait.ge [sflag:s9], $0x100  }
0x19: {  	[sflag:s9] =	ssyncset.done $0x0  }
0x1a: {  	[sflag:s9] =	ssyncadd.s32 $0xFFFFFF00  }
0x1b: {  	v3 =	vld [tilespmem:$0x0];
	_ =	sdelay $0x4  }
0x1c: {  	v4 =	vshll.u32 v3, $0x3  }
0x1d: {  	v3 =	vand.u32 $0x7, v3;
	v4 =	vand.u32 $0xFFFFFFC0, v4  }
0x1e: {  	v3 =	vor.u32 v3, v4  }
0x1f: {  	v4 =	vperm.xlane v3, v0;
	_ =	sdelay $0x1  }
0x20: {  	v4 =	vadd.s32 v1, v4;
	_ =	sdelay $0x4  }
0x21: {  	[tilespmem:s10], [sflag:$0x1] =	stream.indirect_vreg.gather [hbm4b:s1+s3], $0x80, v4, vm0, $0xb8;
	[tilespmem:$0x10100] =	vst v63  }
0x22: {  	v3 =	vperm.xlane v3, v2  }
0x23: {  	[tilespmem:s22], [sflag:$0x1] =	stream.indirect_vreg.gather [hbm4b:s5+s3], $0x80, v4, vm0, $0xb8;
	[tilespmem:$0x10100] =	vst v63  }
0x24: {  	v3 =	vadd.s32 v1, v3  }
0x25: {  	[tilespmem:s23], [sflag:$0x1] =	stream.indirect_vreg.gather [hbm4b:s6+s3], $0x80, v4, vm0, $0xb8;
	[tilespmem:$0x10100] =	vst v63  }
0x26: {  	_ = 	snop  }
0x27: {  	[tilespmem:s24], [sflag:$0x1] =	stream.indirect_vreg.gather [hbm4b:s7+s3], $0x80, v4, vm0, $0xb8;
	[tilespmem:$0x10100] =	vst v63  }
0x28: {  	_ = 	snop  }
0x29: {  	[tilespmem:s25], [sflag:$0x1] =	stream.indirect_vreg.gather [hbm4b:s1+s3], $0x80, v3, vm0, $0xb8;
	[tilespmem:$0x10100] =	vst v63  }
0x2a: {  	_ = 	snop  }
0x2b: {  	[tilespmem:s28], [sflag:$0x1] =	stream.indirect_vreg.gather [hbm4b:s5+s3], $0x80, v3, vm0, $0xb8;
	[tilespmem:$0x10100] =	vst v63  }
0x2c: {  	_ = 	snop  }
0x2d: {  	[tilespmem:s29], [sflag:$0x1] =	stream.indirect_vreg.gather [hbm4b:s6+s3], $0x80, v3, vm0, $0xb8;
	[tilespmem:$0x10100] =	vst v63  }
0x2e: {  	_ = 	snop  }
0x2f: {  	[tilespmem:s30], [sflag:$0x1] =	stream.indirect_vreg.gather [hbm4b:s7+s3], $0x80, v3, vm0, $0xb8;
	[tilespmem:$0x10100] =	vst v63  }
0x30: {  	v3 =	vld [tilespmem:$0x10];
	_ =	sdelay $0x4  }
0x31: {  	v49 =	vshll.u32 v3, $0x3  }
0x32: {  	v3 =	vand.u32 $0x7, v3;
	v4 =	vand.u32 $0xFFFFFFC0, v49  }
0x33: {  	v3 =	vor.u32 v3, v4  }
0x34: {  	v4 =	vperm.xlane v3, v0;
	_ =	sdelay $0x1  }
0x35: {  	v4 =	vadd.s32 v1, v4;
	_ =	sdelay $0x4  }
0x36: {  	[tilespmem:s31], [sflag:$0x1] =	stream.indirect_vreg.gather [hbm4b:s1+s3], $0x80, v4, vm0, $0xb8;
	[tilespmem:$0x10100] =	vst v63  }
0x37: {  	v3 =	vperm.xlane v3, v2  }
0x38: {  	[tilespmem:s17], [sflag:$0x1] =	stream.indirect_vreg.gather [hbm4b:s5+s3], $0x80, v4, vm0, $0xb8;
	[tilespmem:$0x10100] =	vst v63  }
0x39: {  	v3 =	vadd.s32 v1, v3  }
0x3a: {  	[tilespmem:s16], [sflag:$0x1] =	stream.indirect_vreg.gather [hbm4b:s6+s3], $0x80, v4, vm0, $0xb8;
	[tilespmem:$0x10100] =	vst v63  }
0x3b: {  	s4 =	simm.s32 $0x5900  }
0x3c: {  	[tilespmem:s4], [sflag:$0x1] =	stream.indirect_vreg.gather [hbm4b:s7+s3], $0x80, v4, vm0, $0xb8;
	[tilespmem:$0x10100] =	vst v63  }
0x3d: {  	_ = 	snop  }
0x3e: {  	[tilespmem:s11], [sflag:$0x1] =	stream.indirect_vreg.gather [hbm4b:s1+s3], $0x80, v3, vm0, $0xb8;
	[tilespmem:$0x10100] =	vst v63  }
0x3f: {  	_ = 	snop  }
0x40: {  	[tilespmem:s12], [sflag:$0x1] =	stream.indirect_vreg.gather [hbm4b:s5+s3], $0x80, v3, vm0, $0xb8;
	[tilespmem:$0x10100] =	vst v63  }
0x41: {  	_ = 	snop  }
0x42: {  	[tilespmem:s13], [sflag:$0x1] =	stream.indirect_vreg.gather [hbm4b:s6+s3], $0x80, v3, vm0, $0xb8;
	[tilespmem:$0x10100] =	vst v63  }
0x43: {  	_ = 	snop  }
0x44: {  	[tilespmem:s14], [sflag:$0x1] =	stream.indirect_vreg.gather [hbm4b:s7+s3], $0x80, v3, vm0, $0xb8;
	[tilespmem:$0x10100] =	vst v63  }
0x45: {  	v3 =	vld [tilespmem:$0x20];
	_ =	sdelay $0x4  }
0x46: {  	v50 =	vshll.u32 v3, $0x3  }
0x47: {  	v3 =	vand.u32 $0x7, v3;
	v4 =	vand.u32 $0xFFFFFFC0, v50  }
0x48: {  	v3 =	vor.u32 v3, v4  }
0x49: {  	v4 =	vperm.xlane v3, v0;
	_ =	sdelay $0x1  }
0x4a: {  	v4 =	vadd.s32 v1, v4;
	_ =	sdelay $0x4  }
0x4b: {  	[tilespmem:s26], [sflag:$0x2] =	stream.indirect_vreg.gather [hbm4b:s1+s3], $0x80, v4, vm0, $0xb8;
	[tilespmem:$0x10100] =	vst v63  }
0x4c: {  	s15 =	simm.s32 $0x8900;
	v3 =	vperm.xlane v3, v2  }
0x4d: {  	[tilespmem:s15], [sflag:$0x2] =	stream.indirect_vreg.gather [hbm4b:s5+s3], $0x80, v4, vm0, $0xb8;
	[tilespmem:$0x10100] =	vst v63  }
0x4e: {  	s18 =	simm.s32 $0x9100;
	v3 =	vadd.s32 v1, v3  }
0x4f: {  	[tilespmem:s18], [sflag:$0x2] =	stream.indirect_vreg.gather [hbm4b:s6+s3], $0x80, v4, vm0, $0xb8;
	[tilespmem:$0x10100] =	vst v63  }
0x50: {  	s21 =	simm.s32 $0x9900  }
0x51: {  	[tilespmem:s21], [sflag:$0x2] =	stream.indirect_vreg.gather [hbm4b:s7+s3], $0x80, v4, vm0, $0xb8;
	[tilespmem:$0x10100] =	vst v63  }
0x52: {  	s2 =	simm.s32 $0xA100  }
0x53: {  	[tilespmem:s2], [sflag:$0x2] =	stream.indirect_vreg.gather [hbm4b:s1+s3], $0x80, v3, vm0, $0xb8;
	[tilespmem:$0x10100] =	vst v63  }
0x54: {  	s18 =	simm.s32 $0xA900  }
0x55: {  	[tilespmem:s18], [sflag:$0x2] =	stream.indirect_vreg.gather [hbm4b:s5+s3], $0x80, v3, vm0, $0xb8;
	[tilespmem:$0x10100] =	vst v63  }
0x56: {  	s2 =	simm.s32 $0xB100  }
0x57: {  	[tilespmem:s2], [sflag:$0x2] =	stream.indirect_vreg.gather [hbm4b:s6+s3], $0x80, v3, vm0, $0xb8;
	[tilespmem:$0x10100] =	vst v63  }
0x58: {  	s15 =	simm.s32 $0xB900  }
0x59: {  	[tilespmem:s15], [sflag:$0x2] =	stream.indirect_vreg.gather [hbm4b:s7+s3], $0x80, v3, vm0, $0xb8;
	[tilespmem:$0x10100] =	vst v63  }
0x5a: {  	v3 =	vld [tilespmem:$0x30];
	_ =	sdelay $0x4  }
0x5b: {  	v51 =	vshll.u32 v3, $0x3  }
0x5c: {  	v3 =	vand.u32 $0x7, v3;
	v4 =	vand.u32 $0xFFFFFFC0, v51  }
0x5d: {  	v3 =	vor.u32 v3, v4  }
0x5e: {  	v4 =	vperm.xlane v3, v0;
	_ =	sdelay $0x1  }
0x5f: {  	v4 =	vadd.s32 v1, v4;
	_ =	sdelay $0x3  }
0x60: {  	s18 =	simm.s32 $0xC100  }
0x61: {  	[tilespmem:s18], [sflag:$0x2] =	stream.indirect_vreg.gather [hbm4b:s1+s3], $0x80, v4, vm0, $0xb8;
	[tilespmem:$0x10100] =	vst v63  }
0x62: {  	s2 =	simm.s32 $0xC900;
	v3 =	vperm.xlane v3, v2  }
0x63: {  	[tilespmem:s2], [sflag:$0x2] =	stream.indirect_vreg.gather [hbm4b:s5+s3], $0x80, v4, vm0, $0xb8;
	[tilespmem:$0x10100] =	vst v63  }
0x64: {  	v3 =	vadd.s32 v1, v3;
	s2 =	simm.s32 $0xD100  }
0x65: {  	[tilespmem:s2], [sflag:$0x2] =	stream.indirect_vreg.gather [hbm4b:s6+s3], $0x80, v4, vm0, $0xb8;
	[tilespmem:$0x10100] =	vst v63  }
0x66: {  	s2 =	simm.s32 $0xD900  }
0x67: {  	[tilespmem:s2], [sflag:$0x2] =	stream.indirect_vreg.gather [hbm4b:s7+s3], $0x80, v4, vm0, $0xb8;
	[tilespmem:$0x10100] =	vst v63  }
0x68: {  	s2 =	simm.s32 $0xE100  }
0x69: {  	[tilespmem:s2], [sflag:$0x2] =	stream.indirect_vreg.gather [hbm4b:s1+s3], $0x80, v3, vm0, $0xb8;
	[tilespmem:$0x10100] =	vst v63  }
0x6a: {  	s2 =	simm.s32 $0xE900  }
0x6b: {  	[tilespmem:s2], [sflag:$0x2] =	stream.indirect_vreg.gather [hbm4b:s5+s3], $0x80, v3, vm0, $0xb8;
	[tilespmem:$0x10100] =	vst v63  }
0x6c: {  	s2 =	simm.s32 $0xF100  }
0x6d: {  	[tilespmem:s2], [sflag:$0x2] =	stream.indirect_vreg.gather [hbm4b:s6+s3], $0x80, v3, vm0, $0xb8;
	[tilespmem:$0x10100] =	vst v63  }
0x6e: {  	s2 =	simm.s32 $0xF900  }
0x6f: {  	[tilespmem:s2], [sflag:$0x2] =	stream.indirect_vreg.gather [hbm4b:s7+s3], $0x80, v3, vm0, $0xb8;
	[tilespmem:$0x10100] =	vst v63  }
0x70: {  	_ =	swait.ge [sflag:s19], $0x8000  }
0x71: {  	[sflag:s19] =	ssyncset.done $0x0  }
0x72: {  	s2 =	rddreg [dreg:$0xc];
	[sflag:s19] =	ssyncadd.s32 $0xFFFF8000  }
0x73: {  	[hbm4b:s2+s3] =	stream.linear.scatter [tilespmem:s10], [sflag:$0x3], $0x8000, $0x38;
	[tilespmem:$0x10100] =	vst v63  }
0x74: {  	_ =	swait.ge [sflag:s9], $0x8000  }
0x75: {  	[sflag:s9] =	ssyncset.done $0x0  }
0x76: {  	[sflag:s9] =	ssyncadd.s32 $0xFFFF8000  }
0x77: {  	v3 =	vld [tilespmem:$0x40];
	_ =	sdelay $0x4  }
0x78: {  	v52 =	vshll.u32 v3, $0x3  }
0x79: {  	v3 =	vand.u32 $0x7, v3;
	v4 =	vand.u32 $0xFFFFFFC0, v52  }
0x7a: {  	v3 =	vor.u32 v3, v4  }
0x7b: {  	v4 =	vperm.xlane v3, v0;
	_ =	sdelay $0x1  }
0x7c: {  	v4 =	vadd.s32 v1, v4;
	_ =	sdelay $0x4  }
0x7d: {  	[tilespmem:s10], [sflag:$0x1] =	stream.indirect_vreg.gather [hbm4b:s1+s3], $0x80, v4, vm0, $0xb8;
	[tilespmem:$0x10100] =	vst v63  }
0x7e: {  	v3 =	vperm.xlane v3, v2  }
0x7f: {  	[tilespmem:s22], [sflag:$0x1] =	stream.indirect_vreg.gather [hbm4b:s5+s3], $0x80, v4, vm0, $0xb8;
	[tilespmem:$0x10100] =	vst v63  }
0x80: {  	v3 =	vadd.s32 v1, v3  }
0x81: {  	[tilespmem:s23], [sflag:$0x1] =	stream.indirect_vreg.gather [hbm4b:s6+s3], $0x80, v4, vm0, $0xb8;
	[tilespmem:$0x10100] =	vst v63  }
0x82: {  	_ = 	snop  }
0x83: {  	[tilespmem:s24], [sflag:$0x1] =	stream.indirect_vreg.gather [hbm4b:s7+s3], $0x80, v4, vm0, $0xb8;
	[tilespmem:$0x10100] =	vst v63  }
0x84: {  	_ = 	snop  }
0x85: {  	[tilespmem:s25], [sflag:$0x1] =	stream.indirect_vreg.gather [hbm4b:s1+s3], $0x80, v3, vm0, $0xb8;
	[tilespmem:$0x10100] =	vst v63  }
0x86: {  	_ = 	snop  }
0x87: {  	[tilespmem:s28], [sflag:$0x1] =	stream.indirect_vreg.gather [hbm4b:s5+s3], $0x80, v3, vm0, $0xb8;
	[tilespmem:$0x10100] =	vst v63  }
0x88: {  	_ = 	snop  }
0x89: {  	[tilespmem:s29], [sflag:$0x1] =	stream.indirect_vreg.gather [hbm4b:s6+s3], $0x80, v3, vm0, $0xb8;
	[tilespmem:$0x10100] =	vst v63  }
0x8a: {  	_ = 	snop  }
0x8b: {  	[tilespmem:s30], [sflag:$0x1] =	stream.indirect_vreg.gather [hbm4b:s7+s3], $0x80, v3, vm0, $0xb8;
	[tilespmem:$0x10100] =	vst v63  }
0x8c: {  	v3 =	vld [tilespmem:$0x50];
	_ =	sdelay $0x4  }
0x8d: {  	v53 =	vshll.u32 v3, $0x3  }
0x8e: {  	v3 =	vand.u32 $0x7, v3;
	v4 =	vand.u32 $0xFFFFFFC0, v53  }
0x8f: {  	v3 =	vor.u32 v3, v4  }
0x90: {  	v4 =	vperm.xlane v3, v0;
	_ =	sdelay $0x1  }
0x91: {  	v4 =	vadd.s32 v1, v4;
	_ =	sdelay $0x4  }
0x92: {  	[tilespmem:s31], [sflag:$0x1] =	stream.indirect_vreg.gather [hbm4b:s1+s3], $0x80, v4, vm0, $0xb8;
	[tilespmem:$0x10100] =	vst v63  }
0x93: {  	v3 =	vperm.xlane v3, v2  }
0x94: {  	[tilespmem:s17], [sflag:$0x1] =	stream.indirect_vreg.gather [hbm4b:s5+s3], $0x80, v4, vm0, $0xb8;
	[tilespmem:$0x10100] =	vst v63  }
0x95: {  	v3 =	vadd.s32 v1, v3  }
0x96: {  	[tilespmem:s16], [sflag:$0x1] =	stream.indirect_vreg.gather [hbm4b:s6+s3], $0x80, v4, vm0, $0xb8;
	[tilespmem:$0x10100] =	vst v63  }
0x97: {  	_ = 	snop  }
0x98: {  	[tilespmem:s4], [sflag:$0x1] =	stream.indirect_vreg.gather [hbm4b:s7+s3], $0x80, v4, vm0, $0xb8;
	[tilespmem:$0x10100] =	vst v63  }
0x99: {  	_ = 	snop  }
0x9a: {  	[tilespmem:s11], [sflag:$0x1] =	stream.indirect_vreg.gather [hbm4b:s1+s3], $0x80, v3, vm0, $0xb8;
	[tilespmem:$0x10100] =	vst v63  }
0x9b: {  	_ = 	snop  }
0x9c: {  	[tilespmem:s12], [sflag:$0x1] =	stream.indirect_vreg.gather [hbm4b:s5+s3], $0x80, v3, vm0, $0xb8;
	[tilespmem:$0x10100] =	vst v63  }
0x9d: {  	_ = 	snop  }
0x9e: {  	[tilespmem:s13], [sflag:$0x1] =	stream.indirect_vreg.gather [hbm4b:s6+s3], $0x80, v3, vm0, $0xb8;
	[tilespmem:$0x10100] =	vst v63  }
0x9f: {  	_ = 	snop  }
0xa0: {  	[tilespmem:s14], [sflag:$0x1] =	stream.indirect_vreg.gather [hbm4b:s7+s3], $0x80, v3, vm0, $0xb8;
	[tilespmem:$0x10100] =	vst v63  }
0xa1: {  	_ =	swait.ge [sflag:s20], $0x8000  }
0xa2: {  	[sflag:s20] =	ssyncset.done $0x0  }
0xa3: {  	s2 =	rddreg [dreg:$0x5];
	[sflag:s20] =	ssyncadd.s32 $0xFFFF8000  }
0xa4: {  	[hbm4b:s2+s3] =	stream.linear.scatter [tilespmem:s26], [sflag:$0x3], $0x8000, $0x38;
	[tilespmem:$0x10100] =	vst v63  }
0xa5: {  	_ =	swait.ge [sflag:s9], $0x8000  }
0xa6: {  	[sflag:s9] =	ssyncset.done $0x0  }
0xa7: {  	[sflag:s9] =	ssyncadd.s32 $0xFFFF8000  }
0xa8: {  	v3 =	vld [tilespmem:$0x60];
	_ =	sdelay $0x4  }
0xa9: {  	v54 =	vshll.u32 v3, $0x3  }
0xaa: {  	v3 =	vand.u32 $0x7, v3;
	v4 =	vand.u32 $0xFFFFFFC0, v54  }
0xab: {  	v3 =	vor.u32 v3, v4  }
0xac: {  	v4 =	vperm.xlane v3, v0;
	_ =	sdelay $0x1  }
0xad: {  	v4 =	vadd.s32 v1, v4;
	_ =	sdelay $0x4  }
0xae: {  	[tilespmem:s26], [sflag:$0x2] =	stream.indirect_vreg.gather [hbm4b:s1+s3], $0x80, v4, vm0, $0xb8;
	[tilespmem:$0x10100] =	vst v63  }
0xaf: {  	s0 =	simm.s32 $0x8900;
	v3 =	vperm.xlane v3, v2  }
0xb0: {  	[tilespmem:s0], [sflag:$0x2] =	stream.indirect_vreg.gather [hbm4b:s5+s3], $0x80, v4, vm0, $0xb8;
	[tilespmem:$0x10100] =	vst v63  }
0xb1: {  	v3 =	vadd.s32 v1, v3;
	s0 =	simm.s32 $0x9100  }
0xb2: {  	[tilespmem:s0], [sflag:$0x2] =	stream.indirect_vreg.gather [hbm4b:s6+s3], $0x80, v4, vm0, $0xb8;
	[tilespmem:$0x10100] =	vst v63  }
0xb3: {  	s2 =	simm.s32 $0x9900  }
0xb4: {  	[tilespmem:s2], [sflag:$0x2] =	stream.indirect_vreg.gather [hbm4b:s7+s3], $0x80, v4, vm0, $0xb8;
	[tilespmem:$0x10100] =	vst v63  }
0xb5: {  	s21 =	simm.s32 $0xA100  }
0xb6: {  	[tilespmem:s21], [sflag:$0x2] =	stream.indirect_vreg.gather [hbm4b:s1+s3], $0x80, v3, vm0, $0xb8;
	[tilespmem:$0x10100] =	vst v63  }
0xb7: {  	s21 =	simm.s32 $0xA900  }
0xb8: {  	[tilespmem:s21], [sflag:$0x2] =	stream.indirect_vreg.gather [hbm4b:s5+s3], $0x80, v3, vm0, $0xb8;
	[tilespmem:$0x10100] =	vst v63  }
0xb9: {  	s21 =	simm.s32 $0xB100  }
0xba: {  	[tilespmem:s21], [sflag:$0x2] =	stream.indirect_vreg.gather [hbm4b:s6+s3], $0x80, v3, vm0, $0xb8;
	[tilespmem:$0x10100] =	vst v63  }
0xbb: {  	s15 =	simm.s32 $0xB900  }
0xbc: {  	[tilespmem:s15], [sflag:$0x2] =	stream.indirect_vreg.gather [hbm4b:s7+s3], $0x80, v3, vm0, $0xb8;
	[tilespmem:$0x10100] =	vst v63  }
0xbd: {  	v3 =	vld [tilespmem:$0x70];
	_ =	sdelay $0x4  }
0xbe: {  	v55 =	vshll.u32 v3, $0x3  }
0xbf: {  	v3 =	vand.u32 $0x7, v3;
	v4 =	vand.u32 $0xFFFFFFC0, v55  }
0xc0: {  	v3 =	vor.u32 v3, v4  }
0xc1: {  	v4 =	vperm.xlane v3, v0;
	_ =	sdelay $0x1  }
0xc2: {  	v4 =	vadd.s32 v1, v4;
	_ =	sdelay $0x3  }
0xc3: {  	s18 =	simm.s32 $0xC100  }
0xc4: {  	[tilespmem:s18], [sflag:$0x2] =	stream.indirect_vreg.gather [hbm4b:s1+s3], $0x80, v4, vm0, $0xb8;
	[tilespmem:$0x10100] =	vst v63  }
0xc5: {  	s21 =	simm.s32 $0xC900;
	v3 =	vperm.xlane v3, v2  }
0xc6: {  	[tilespmem:s21], [sflag:$0x2] =	stream.indirect_vreg.gather [hbm4b:s5+s3], $0x80, v4, vm0, $0xb8;
	[tilespmem:$0x10100] =	vst v63  }
0xc7: {  	v3 =	vadd.s32 v1, v3;
	s18 =	simm.s32 $0xD100  }
0xc8: {  	[tilespmem:s18], [sflag:$0x2] =	stream.indirect_vreg.gather [hbm4b:s6+s3], $0x80, v4, vm0, $0xb8;
	[tilespmem:$0x10100] =	vst v63  }
0xc9: {  	s21 =	simm.s32 $0xD900  }
0xca: {  	[tilespmem:s21], [sflag:$0x2] =	stream.indirect_vreg.gather [hbm4b:s7+s3], $0x80, v4, vm0, $0xb8;
	[tilespmem:$0x10100] =	vst v63  }
0xcb: {  	s18 =	simm.s32 $0xE100  }
0xcc: {  	[tilespmem:s18], [sflag:$0x2] =	stream.indirect_vreg.gather [hbm4b:s1+s3], $0x80, v3, vm0, $0xb8;
	[tilespmem:$0x10100] =	vst v63  }
0xcd: {  	s21 =	simm.s32 $0xE900  }
0xce: {  	[tilespmem:s21], [sflag:$0x2] =	stream.indirect_vreg.gather [hbm4b:s5+s3], $0x80, v3, vm0, $0xb8;
	[tilespmem:$0x10100] =	vst v63  }
0xcf: {  	s18 =	simm.s32 $0xF100  }
0xd0: {  	[tilespmem:s18], [sflag:$0x2] =	stream.indirect_vreg.gather [hbm4b:s6+s3], $0x80, v3, vm0, $0xb8;
	[tilespmem:$0x10100] =	vst v63  }
0xd1: {  	s21 =	simm.s32 $0xF900  }
0xd2: {  	[tilespmem:s21], [sflag:$0x2] =	stream.indirect_vreg.gather [hbm4b:s7+s3], $0x80, v3, vm0, $0xb8;
	[tilespmem:$0x10100] =	vst v63  }
0xd3: {  	_ =	swait.ge [sflag:s19], $0x8000  }
0xd4: {  	[sflag:s19] =	ssyncset.done $0x0  }
0xd5: {  	s18 =	rddreg [dreg:$0x6];
	[sflag:s19] =	ssyncadd.s32 $0xFFFF8000  }
0xd6: {  	[hbm4b:s18+s3] =	stream.linear.scatter [tilespmem:s10], [sflag:$0x3], $0x8000, $0x38;
	[tilespmem:$0x10100] =	vst v63  }
0xd7: {  	_ =	swait.ge [sflag:s9], $0x8000  }
0xd8: {  	[sflag:s9] =	ssyncset.done $0x0  }
0xd9: {  	[sflag:s9] =	ssyncadd.s32 $0xFFFF8000  }
0xda: {  	v3 =	vld [tilespmem:$0x80];
	_ =	sdelay $0x4  }
0xdb: {  	v56 =	vshll.u32 v3, $0x3  }
0xdc: {  	v3 =	vand.u32 $0x7, v3;
	v4 =	vand.u32 $0xFFFFFFC0, v56  }
0xdd: {  	v3 =	vor.u32 v3, v4  }
0xde: {  	v4 =	vperm.xlane v3, v0;
	_ =	sdelay $0x1  }
0xdf: {  	v4 =	vadd.s32 v1, v4;
	_ =	sdelay $0x4  }
0xe0: {  	[tilespmem:s10], [sflag:$0x1] =	stream.indirect_vreg.gather [hbm4b:s1+s3], $0x80, v4, vm0, $0xb8;
	[tilespmem:$0x10100] =	vst v63  }
0xe1: {  	v3 =	vperm.xlane v3, v2  }
0xe2: {  	[tilespmem:s22], [sflag:$0x1] =	stream.indirect_vreg.gather [hbm4b:s5+s3], $0x80, v4, vm0, $0xb8;
	[tilespmem:$0x10100] =	vst v63  }
0xe3: {  	v3 =	vadd.s32 v1, v3  }
0xe4: {  	[tilespmem:s23], [sflag:$0x1] =	stream.indirect_vreg.gather [hbm4b:s6+s3], $0x80, v4, vm0, $0xb8;
	[tilespmem:$0x10100] =	vst v63  }
0xe5: {  	_ = 	snop  }
0xe6: {  	[tilespmem:s24], [sflag:$0x1] =	stream.indirect_vreg.gather [hbm4b:s7+s3], $0x80, v4, vm0, $0xb8;
	[tilespmem:$0x10100] =	vst v63  }
0xe7: {  	_ = 	snop  }
0xe8: {  	[tilespmem:s25], [sflag:$0x1] =	stream.indirect_vreg.gather [hbm4b:s1+s3], $0x80, v3, vm0, $0xb8;
	[tilespmem:$0x10100] =	vst v63  }
0xe9: {  	_ = 	snop  }
0xea: {  	[tilespmem:s28], [sflag:$0x1] =	stream.indirect_vreg.gather [hbm4b:s5+s3], $0x80, v3, vm0, $0xb8;
	[tilespmem:$0x10100] =	vst v63  }
0xeb: {  	_ = 	snop  }
0xec: {  	[tilespmem:s29], [sflag:$0x1] =	stream.indirect_vreg.gather [hbm4b:s6+s3], $0x80, v3, vm0, $0xb8;
	[tilespmem:$0x10100] =	vst v63  }
0xed: {  	_ = 	snop  }
0xee: {  	[tilespmem:s30], [sflag:$0x1] =	stream.indirect_vreg.gather [hbm4b:s7+s3], $0x80, v3, vm0, $0xb8;
	[tilespmem:$0x10100] =	vst v63  }
0xef: {  	v3 =	vld [tilespmem:$0x90];
	_ =	sdelay $0x4  }
0xf0: {  	v57 =	vshll.u32 v3, $0x3  }
0xf1: {  	v3 =	vand.u32 $0x7, v3;
	v4 =	vand.u32 $0xFFFFFFC0, v57  }
0xf2: {  	v3 =	vor.u32 v3, v4  }
0xf3: {  	v4 =	vperm.xlane v3, v0;
	_ =	sdelay $0x1  }
0xf4: {  	v4 =	vadd.s32 v1, v4;
	_ =	sdelay $0x4  }
0xf5: {  	[tilespmem:s31], [sflag:$0x1] =	stream.indirect_vreg.gather [hbm4b:s1+s3], $0x80, v4, vm0, $0xb8;
	[tilespmem:$0x10100] =	vst v63  }
0xf6: {  	v3 =	vperm.xlane v3, v2  }
0xf7: {  	[tilespmem:s17], [sflag:$0x1] =	stream.indirect_vreg.gather [hbm4b:s5+s3], $0x80, v4, vm0, $0xb8;
	[tilespmem:$0x10100] =	vst v63  }
0xf8: {  	v3 =	vadd.s32 v1, v3  }
0xf9: {  	[tilespmem:s16], [sflag:$0x1] =	stream.indirect_vreg.gather [hbm4b:s6+s3], $0x80, v4, vm0, $0xb8;
	[tilespmem:$0x10100] =	vst v63  }
0xfa: {  	_ = 	snop  }
0xfb: {  	[tilespmem:s4], [sflag:$0x1] =	stream.indirect_vreg.gather [hbm4b:s7+s3], $0x80, v4, vm0, $0xb8;
	[tilespmem:$0x10100] =	vst v63  }
0xfc: {  	_ = 	snop  }
0xfd: {  	[tilespmem:s11], [sflag:$0x1] =	stream.indirect_vreg.gather [hbm4b:s1+s3], $0x80, v3, vm0, $0xb8;
	[tilespmem:$0x10100] =	vst v63  }
0xfe: {  	_ = 	snop  }
0xff: {  	[tilespmem:s12], [sflag:$0x1] =	stream.indirect_vreg.gather [hbm4b:s5+s3], $0x80, v3, vm0, $0xb8;
	[tilespmem:$0x10100] =	vst v63  }
0x100: {  	_ = 	snop  }
0x101: {  	[tilespmem:s13], [sflag:$0x1] =	stream.indirect_vreg.gather [hbm4b:s6+s3], $0x80, v3, vm0, $0xb8;
	[tilespmem:$0x10100] =	vst v63  }
0x102: {  	_ = 	snop  }
0x103: {  	[tilespmem:s14], [sflag:$0x1] =	stream.indirect_vreg.gather [hbm4b:s7+s3], $0x80, v3, vm0, $0xb8;
	[tilespmem:$0x10100] =	vst v63  }
0x104: {  	_ =	swait.ge [sflag:s20], $0x8000  }
0x105: {  	[sflag:s20] =	ssyncset.done $0x0  }
0x106: {  	s15 =	rddreg [dreg:$0x7];
	[sflag:s20] =	ssyncadd.s32 $0xFFFF8000  }
0x107: {  	[hbm4b:s15+s3] =	stream.linear.scatter [tilespmem:s26], [sflag:$0x3], $0x8000, $0x38;
	[tilespmem:$0x10100] =	vst v63  }
0x108: {  	_ =	swait.ge [sflag:s9], $0x8000  }
0x109: {  	[sflag:s9] =	ssyncset.done $0x0  }
0x10a: {  	[sflag:s9] =	ssyncadd.s32 $0xFFFF8000  }
0x10b: {  	v3 =	vld [tilespmem:$0xA0];
	_ =	sdelay $0x4  }
0x10c: {  	v58 =	vshll.u32 v3, $0x3  }
0x10d: {  	v3 =	vand.u32 $0x7, v3;
	v4 =	vand.u32 $0xFFFFFFC0, v58  }
0x10e: {  	v3 =	vor.u32 v3, v4  }
0x10f: {  	v4 =	vperm.xlane v3, v0;
	_ =	sdelay $0x1  }
0x110: {  	v4 =	vadd.s32 v1, v4;
	_ =	sdelay $0x4  }
0x111: {  	[tilespmem:s26], [sflag:$0x2] =	stream.indirect_vreg.gather [hbm4b:s1+s3], $0x80, v4, vm0, $0xb8;
	[tilespmem:$0x10100] =	vst v63  }
0x112: {  	s18 =	simm.s32 $0x8900;
	v3 =	vperm.xlane v3, v2  }
0x113: {  	[tilespmem:s18], [sflag:$0x2] =	stream.indirect_vreg.gather [hbm4b:s5+s3], $0x80, v4, vm0, $0xb8;
	[tilespmem:$0x10100] =	vst v63  }
0x114: {  	v3 =	vadd.s32 v1, v3  }
0x115: {  	[tilespmem:s0], [sflag:$0x2] =	stream.indirect_vreg.gather [hbm4b:s6+s3], $0x80, v4, vm0, $0xb8;
	[tilespmem:$0x10100] =	vst v63  }
0x116: {  	_ = 	snop  }
0x117: {  	[tilespmem:s2], [sflag:$0x2] =	stream.indirect_vreg.gather [hbm4b:s7+s3], $0x80, v4, vm0, $0xb8;
	[tilespmem:$0x10100] =	vst v63  }
0x118: {  	s21 =	simm.s32 $0xA100  }
0x119: {  	[tilespmem:s21], [sflag:$0x2] =	stream.indirect_vreg.gather [hbm4b:s1+s3], $0x80, v3, vm0, $0xb8;
	[tilespmem:$0x10100] =	vst v63  }
0x11a: {  	s18 =	simm.s32 $0xA900  }
0x11b: {  	[tilespmem:s18], [sflag:$0x2] =	stream.indirect_vreg.gather [hbm4b:s5+s3], $0x80, v3, vm0, $0xb8;
	[tilespmem:$0x10100] =	vst v63  }
0x11c: {  	s21 =	simm.s32 $0xB100  }
0x11d: {  	[tilespmem:s21], [sflag:$0x2] =	stream.indirect_vreg.gather [hbm4b:s6+s3], $0x80, v3, vm0, $0xb8;
	[tilespmem:$0x10100] =	vst v63  }
0x11e: {  	s21 =	simm.s32 $0xB900  }
0x11f: {  	[tilespmem:s21], [sflag:$0x2] =	stream.indirect_vreg.gather [hbm4b:s7+s3], $0x80, v3, vm0, $0xb8;
	[tilespmem:$0x10100] =	vst v63  }
0x120: {  	v3 =	vld [tilespmem:$0xB0];
	_ =	sdelay $0x4  }
0x121: {  	v59 =	vshll.u32 v3, $0x3  }
0x122: {  	v3 =	vand.u32 $0x7, v3;
	v4 =	vand.u32 $0xFFFFFFC0, v59  }
0x123: {  	v3 =	vor.u32 v3, v4  }
0x124: {  	v4 =	vperm.xlane v3, v0;
	_ =	sdelay $0x1  }
0x125: {  	v4 =	vadd.s32 v1, v4;
	_ =	sdelay $0x3  }
0x126: {  	s21 =	simm.s32 $0xC100  }
0x127: {  	[tilespmem:s21], [sflag:$0x2] =	stream.indirect_vreg.gather [hbm4b:s1+s3], $0x80, v4, vm0, $0xb8;
	[tilespmem:$0x10100] =	vst v63  }
0x128: {  	v3 =	vperm.xlane v3, v2;
	s21 =	simm.s32 $0xC900  }
0x129: {  	[tilespmem:s21], [sflag:$0x2] =	stream.indirect_vreg.gather [hbm4b:s5+s3], $0x80, v4, vm0, $0xb8;
	[tilespmem:$0x10100] =	vst v63  }
0x12a: {  	v3 =	vadd.s32 v1, v3;
	s21 =	simm.s32 $0xD100  }
0x12b: {  	[tilespmem:s21], [sflag:$0x2] =	stream.indirect_vreg.gather [hbm4b:s6+s3], $0x80, v4, vm0, $0xb8;
	[tilespmem:$0x10100] =	vst v63  }
0x12c: {  	s21 =	simm.s32 $0xD900  }
0x12d: {  	[tilespmem:s21], [sflag:$0x2] =	stream.indirect_vreg.gather [hbm4b:s7+s3], $0x80, v4, vm0, $0xb8;
	[tilespmem:$0x10100] =	vst v63  }
0x12e: {  	s21 =	simm.s32 $0xE100  }
0x12f: {  	[tilespmem:s21], [sflag:$0x2] =	stream.indirect_vreg.gather [hbm4b:s1+s3], $0x80, v3, vm0, $0xb8;
	[tilespmem:$0x10100] =	vst v63  }
0x130: {  	s21 =	simm.s32 $0xE900  }
0x131: {  	[tilespmem:s21], [sflag:$0x2] =	stream.indirect_vreg.gather [hbm4b:s5+s3], $0x80, v3, vm0, $0xb8;
	[tilespmem:$0x10100] =	vst v63  }
0x132: {  	s21 =	simm.s32 $0xF100  }
0x133: {  	[tilespmem:s21], [sflag:$0x2] =	stream.indirect_vreg.gather [hbm4b:s6+s3], $0x80, v3, vm0, $0xb8;
	[tilespmem:$0x10100] =	vst v63  }
0x134: {  	s21 =	simm.s32 $0xF900  }
0x135: {  	[tilespmem:s21], [sflag:$0x2] =	stream.indirect_vreg.gather [hbm4b:s7+s3], $0x80, v3, vm0, $0xb8;
	[tilespmem:$0x10100] =	vst v63  }
0x136: {  	_ =	swait.ge [sflag:s19], $0x8000  }
0x137: {  	[sflag:s19] =	ssyncset.done $0x0  }
0x138: {  	s21 =	rddreg [dreg:$0x8];
	[sflag:s19] =	ssyncadd.s32 $0xFFFF8000  }
0x139: {  	[hbm4b:s21+s3] =	stream.linear.scatter [tilespmem:s10], [sflag:$0x3], $0x8000, $0x38;
	[tilespmem:$0x10100] =	vst v63  }
0x13a: {  	_ =	swait.ge [sflag:s9], $0x8000  }
0x13b: {  	[sflag:s9] =	ssyncset.done $0x0  }
0x13c: {  	[sflag:s9] =	ssyncadd.s32 $0xFFFF8000  }
0x13d: {  	v3 =	vld [tilespmem:$0xC0];
	_ =	sdelay $0x4  }
0x13e: {  	v60 =	vshll.u32 v3, $0x3  }
0x13f: {  	v3 =	vand.u32 $0x7, v3;
	v4 =	vand.u32 $0xFFFFFFC0, v60  }
0x140: {  	v3 =	vor.u32 v3, v4  }
0x141: {  	v4 =	vperm.xlane v3, v0;
	_ =	sdelay $0x1  }
0x142: {  	v4 =	vadd.s32 v1, v4;
	_ =	sdelay $0x4  }
0x143: {  	[tilespmem:s10], [sflag:$0x1] =	stream.indirect_vreg.gather [hbm4b:s1+s3], $0x80, v4, vm0, $0xb8;
	[tilespmem:$0x10100] =	vst v63  }
0x144: {  	v3 =	vperm.xlane v3, v2  }
0x145: {  	[tilespmem:s22], [sflag:$0x1] =	stream.indirect_vreg.gather [hbm4b:s5+s3], $0x80, v4, vm0, $0xb8;
	[tilespmem:$0x10100] =	vst v63  }
0x146: {  	v3 =	vadd.s32 v1, v3  }
0x147: {  	[tilespmem:s23], [sflag:$0x1] =	stream.indirect_vreg.gather [hbm4b:s6+s3], $0x80, v4, vm0, $0xb8;
	[tilespmem:$0x10100] =	vst v63  }
0x148: {  	_ = 	snop  }
0x149: {  	[tilespmem:s24], [sflag:$0x1] =	stream.indirect_vreg.gather [hbm4b:s7+s3], $0x80, v4, vm0, $0xb8;
	[tilespmem:$0x10100] =	vst v63  }
0x14a: {  	_ = 	snop  }
0x14b: {  	[tilespmem:s25], [sflag:$0x1] =	stream.indirect_vreg.gather [hbm4b:s1+s3], $0x80, v3, vm0, $0xb8;
	[tilespmem:$0x10100] =	vst v63  }
0x14c: {  	_ = 	snop  }
0x14d: {  	[tilespmem:s28], [sflag:$0x1] =	stream.indirect_vreg.gather [hbm4b:s5+s3], $0x80, v3, vm0, $0xb8;
	[tilespmem:$0x10100] =	vst v63  }
0x14e: {  	_ = 	snop  }
0x14f: {  	[tilespmem:s29], [sflag:$0x1] =	stream.indirect_vreg.gather [hbm4b:s6+s3], $0x80, v3, vm0, $0xb8;
	[tilespmem:$0x10100] =	vst v63  }
0x150: {  	_ = 	snop  }
0x151: {  	[tilespmem:s30], [sflag:$0x1] =	stream.indirect_vreg.gather [hbm4b:s7+s3], $0x80, v3, vm0, $0xb8;
	[tilespmem:$0x10100] =	vst v63  }
0x152: {  	v3 =	vld [tilespmem:$0xD0];
	_ =	sdelay $0x4  }
0x153: {  	v61 =	vshll.u32 v3, $0x3  }
0x154: {  	v3 =	vand.u32 $0x7, v3;
	v4 =	vand.u32 $0xFFFFFFC0, v61  }
0x155: {  	v3 =	vor.u32 v3, v4  }
0x156: {  	v4 =	vperm.xlane v3, v0;
	_ =	sdelay $0x1  }
0x157: {  	v4 =	vadd.s32 v1, v4;
	_ =	sdelay $0x4  }
0x158: {  	[tilespmem:s31], [sflag:$0x1] =	stream.indirect_vreg.gather [hbm4b:s1+s3], $0x80, v4, vm0, $0xb8;
	[tilespmem:$0x10100] =	vst v63  }
0x159: {  	v3 =	vperm.xlane v3, v2  }
0x15a: {  	[tilespmem:s17], [sflag:$0x1] =	stream.indirect_vreg.gather [hbm4b:s5+s3], $0x80, v4, vm0, $0xb8;
	[tilespmem:$0x10100] =	vst v63  }
0x15b: {  	v3 =	vadd.s32 v1, v3  }
0x15c: {  	[tilespmem:s16], [sflag:$0x1] =	stream.indirect_vreg.gather [hbm4b:s6+s3], $0x80, v4, vm0, $0xb8;
	[tilespmem:$0x10100] =	vst v63  }
0x15d: {  	_ = 	snop  }
0x15e: {  	[tilespmem:s4], [sflag:$0x1] =	stream.indirect_vreg.gather [hbm4b:s7+s3], $0x80, v4, vm0, $0xb8;
	[tilespmem:$0x10100] =	vst v63  }
0x15f: {  	_ = 	snop  }
0x160: {  	[tilespmem:s11], [sflag:$0x1] =	stream.indirect_vreg.gather [hbm4b:s1+s3], $0x80, v3, vm0, $0xb8;
	[tilespmem:$0x10100] =	vst v63  }
0x161: {  	_ = 	snop  }
0x162: {  	[tilespmem:s12], [sflag:$0x1] =	stream.indirect_vreg.gather [hbm4b:s5+s3], $0x80, v3, vm0, $0xb8;
	[tilespmem:$0x10100] =	vst v63  }
0x163: {  	_ = 	snop  }
0x164: {  	[tilespmem:s13], [sflag:$0x1] =	stream.indirect_vreg.gather [hbm4b:s6+s3], $0x80, v3, vm0, $0xb8;
	[tilespmem:$0x10100] =	vst v63  }
0x165: {  	_ = 	snop  }
0x166: {  	[tilespmem:s14], [sflag:$0x1] =	stream.indirect_vreg.gather [hbm4b:s7+s3], $0x80, v3, vm0, $0xb8;
	[tilespmem:$0x10100] =	vst v63  }
0x167: {  	_ =	swait.ge [sflag:s20], $0x8000  }
0x168: {  	[sflag:s20] =	ssyncset.done $0x0  }
0x169: {  	s4 =	rddreg [dreg:$0x9];
	[sflag:s20] =	ssyncadd.s32 $0xFFFF8000  }
0x16a: {  	[hbm4b:s4+s3] =	stream.linear.scatter [tilespmem:s26], [sflag:$0x3], $0x8000, $0x38;
	[tilespmem:$0x10100] =	vst v63  }
0x16b: {  	_ =	swait.ge [sflag:s9], $0x8000  }
0x16c: {  	[sflag:s9] =	ssyncset.done $0x0  }
0x16d: {  	[sflag:s9] =	ssyncadd.s32 $0xFFFF8000  }
0x16e: {  	v3 =	vld [tilespmem:$0xE0];
	_ =	sdelay $0x4  }
0x16f: {  	v62 =	vshll.u32 v3, $0x3  }
0x170: {  	v3 =	vand.u32 $0x7, v3;
	v4 =	vand.u32 $0xFFFFFFC0, v62  }
0x171: {  	v3 =	vor.u32 v3, v4  }
0x172: {  	v4 =	vperm.xlane v3, v0;
	_ =	sdelay $0x1  }
0x173: {  	v4 =	vadd.s32 v1, v4;
	_ =	sdelay $0x4  }
0x174: {  	[tilespmem:s26], [sflag:$0x2] =	stream.indirect_vreg.gather [hbm4b:s1+s3], $0x80, v4, vm0, $0xb8;
	[tilespmem:$0x10100] =	vst v63  }
0x175: {  	s21 =	simm.s32 $0x8900;
	v3 =	vperm.xlane v3, v2  }
0x176: {  	[tilespmem:s21], [sflag:$0x2] =	stream.indirect_vreg.gather [hbm4b:s5+s3], $0x80, v4, vm0, $0xb8;
	[tilespmem:$0x10100] =	vst v63  }
0x177: {  	s0 =	simm.s32 $0x9100;
	v3 =	vadd.s32 v1, v3  }
0x178: {  	[tilespmem:s0], [sflag:$0x2] =	stream.indirect_vreg.gather [hbm4b:s6+s3], $0x80, v4, vm0, $0xb8;
	[tilespmem:$0x10100] =	vst v63  }
0x179: {  	s2 =	simm.s32 $0x9900  }
0x17a: {  	[tilespmem:s2], [sflag:$0x2] =	stream.indirect_vreg.gather [hbm4b:s7+s3], $0x80, v4, vm0, $0xb8;
	[tilespmem:$0x10100] =	vst v63  }
0x17b: {  	s4 =	simm.s32 $0xA100  }
0x17c: {  	[tilespmem:s4], [sflag:$0x2] =	stream.indirect_vreg.gather [hbm4b:s1+s3], $0x80, v3, vm0, $0xb8;
	[tilespmem:$0x10100] =	vst v63  }
0x17d: {  	s15 =	simm.s32 $0xA900  }
0x17e: {  	[tilespmem:s15], [sflag:$0x2] =	stream.indirect_vreg.gather [hbm4b:s5+s3], $0x80, v3, vm0, $0xb8;
	[tilespmem:$0x10100] =	vst v63  }
0x17f: {  	s18 =	simm.s32 $0xB100  }
0x180: {  	[tilespmem:s18], [sflag:$0x2] =	stream.indirect_vreg.gather [hbm4b:s6+s3], $0x80, v3, vm0, $0xb8;
	[tilespmem:$0x10100] =	vst v63  }
0x181: {  	s18 =	simm.s32 $0xB900  }
0x182: {  	[tilespmem:s18], [sflag:$0x2] =	stream.indirect_vreg.gather [hbm4b:s7+s3], $0x80, v3, vm0, $0xb8;
	[tilespmem:$0x10100] =	vst v63  }
0x183: {  	v3 =	vld [tilespmem:$0xF0];
	_ =	sdelay $0x4  }
0x184: {  	v63 =	vshll.u32 v3, $0x3  }
0x185: {  	v3 =	vand.u32 $0x7, v3;
	v4 =	vand.u32 $0xFFFFFFC0, v63  }
0x186: {  	v3 =	vor.u32 v3, v4  }
0x187: {  	v4 =	vperm.xlane v3, v0;
	_ =	sdelay $0x1  }
0x188: {  	v4 =	vadd.s32 v1, v4;
	_ =	sdelay $0x3  }
0x189: {  	s21 =	simm.s32 $0xC100  }
0x18a: {  	[tilespmem:s21], [sflag:$0x2] =	stream.indirect_vreg.gather [hbm4b:s1+s3], $0x80, v4, vm0, $0xb8;
	[tilespmem:$0x10100] =	vst v63  }
0x18b: {  	s2 =	simm.s32 $0xC900;
	v3 =	vperm.xlane v3, v2  }
0x18c: {  	[tilespmem:s2], [sflag:$0x2] =	stream.indirect_vreg.gather [hbm4b:s5+s3], $0x80, v4, vm0, $0xb8;
	[tilespmem:$0x10100] =	vst v63  }
0x18d: {  	s4 =	simm.s32 $0xD100;
	v3 =	vadd.s32 v1, v3  }
0x18e: {  	[tilespmem:s4], [sflag:$0x2] =	stream.indirect_vreg.gather [hbm4b:s6+s3], $0x80, v4, vm0, $0xb8;
	[tilespmem:$0x10100] =	vst v63  }
0x18f: {  	s15 =	simm.s32 $0xD900  }
0x190: {  	[tilespmem:s15], [sflag:$0x2] =	stream.indirect_vreg.gather [hbm4b:s7+s3], $0x80, v4, vm0, $0xb8;
	[tilespmem:$0x10100] =	vst v63  }
0x191: {  	s18 =	simm.s32 $0xE100  }
0x192: {  	[tilespmem:s18], [sflag:$0x2] =	stream.indirect_vreg.gather [hbm4b:s1+s3], $0x80, v3, vm0, $0xb8;
	[tilespmem:$0x10100] =	vst v63  }
0x193: {  	s21 =	simm.s32 $0xE900  }
0x194: {  	[tilespmem:s21], [sflag:$0x2] =	stream.indirect_vreg.gather [hbm4b:s5+s3], $0x80, v3, vm0, $0xb8;
	[tilespmem:$0x10100] =	vst v63  }
0x195: {  	s2 =	simm.s32 $0xF100  }
0x196: {  	[tilespmem:s2], [sflag:$0x2] =	stream.indirect_vreg.gather [hbm4b:s6+s3], $0x80, v3, vm0, $0xb8;
	[tilespmem:$0x10100] =	vst v63  }
0x197: {  	s4 =	simm.s32 $0xF900  }
0x198: {  	[tilespmem:s4], [sflag:$0x2] =	stream.indirect_vreg.gather [hbm4b:s7+s3], $0x80, v3, vm0, $0xb8;
	[tilespmem:$0x10100] =	vst v63  }
0x199: {  	_ =	swait.ge [sflag:s19], $0x8000  }
0x19a: {  	[sflag:s19] =	ssyncset.done $0x0  }
0x19b: {  	s15 =	rddreg [dreg:$0xa];
	[sflag:s19] =	ssyncadd.s32 $0xFFFF8000  }
0x19c: {  	[hbm4b:s15+s3] =	stream.linear.scatter [tilespmem:s10], [sflag:$0x3], $0x8000, $0x38;
	[tilespmem:$0x10100] =	vst v63  }
0x19d: {  	_ =	swait.ge [sflag:s9], $0x8000  }
0x19e: {  	[sflag:s9] =	ssyncset.done $0x0  }
0x19f: {  	[sflag:s9] =	ssyncadd.s32 $0xFFFF8000  }
0x1a0: {  	_ =	swait.ge [sflag:s20], $0x8000  }
0x1a1: {  	p0 =	sne.s32 s8, $0x1;
	[sflag:s20] =	ssyncset.done $0x0  }
.Ltmp0:
0x1a2: {  	s18 =	rddreg [dreg:$0xb];
	[sflag:s20] =	ssyncadd.s32 $0xFFFF8000;
	(pc) =	sbr.rel @p0 .LBB2_1-.Ltmp0, $4  }
0x1a3: {  	[hbm4b:s18+s3] =	stream.linear.scatter [tilespmem:s26], [sflag:$0x3], $0x8000, $0x38;
	[tilespmem:$0x10100] =	vst v63  }
0x1a4: {  	_ =	swait.ge [sflag:s9], $0x8000  }
0x1a5: {  	[sflag:s9] =	ssyncset.done $0x0  }
0x1a6: {  	s8 =	sadd.s32 $0xFFFFFFFF, s8;
	[sflag:s9] =	ssyncadd.s32 $0xFFFF8000  }
0x1a7: {  	_ =	sfence.sel $0x180000  }
0x1a8: {  	[bflag:$0x0] =	sbarrier.arrive $0xFFFF  }
0x1a9: {  	_ =	strace $0x9000004A  }
0x1aa: {  	s0 =	stileid.u32;
	[bflag:$0x2] =	sbarrier.arrive $0xFFFF  }
0x1ab: {  	p0 =	sne.s32 s0, $0x0;
	s0 =	rddreg [dreg:$0x3]  }
0x1ac: {  	s0 =	sadd.s32 @!p0 $0x100000, s0  }
0x1ad: {  	[sflag:s0] =	ssyncadd.tile.s32 @!p0 $0x1;
	_ =	shalt  }
.Lfunc_end2:
_tile_overlayer_lowered:
.L_overlay_start_2:
0x1ae: {  	(tag) =	ssettag $0x2  }
0x1af: {  	s0 =	rddreg [dreg:$0x0];
	s2 =	stileid.u32  }
0x1b0: {  	s1 =	rddreg [dreg:$0x1];
	p0 =	sne.s32 s2, $0x0  }
0x1b1: {  	s3 =	rddreg [dreg:$0x2];
	[bflag:$0x3] =	sbarrier.arrive $0xFFFF;
	s2 =	simm.s32 @!p0 $0x1C03  }
0x1b2: {  	[timem:s3], [sflag:s2] =	dma.local @!p0 [hbm:s0], s1  }
0x1b3: {  	s0 =	simm.s32 @!p0 $0x3  }
0x1b4: {  	_ =	swait.ge @!p0 [sflag:s0], s1  }
0x1b5: {  	s1 =	ssub.s32 @!p0 $0x0, s1;
	[sflag:s0] =	ssyncset.done @!p0 $0x0  }
0x1b6: {  	[sflag:s0] =	ssyncadd.s32 @!p0 s1  }
0x1b7: {  	[bflag:$0x3] =	sbarrier.arrive $0xFFFF  }
0x1b8: {  	_ =	shalt  }

// kernel: kernel.14.cloned.1.call-start
scs
__scs_entry_jumppad:
0x0: {  	(pc) =	sbr.rel $0x88, $3  }
0x1: {  	(tag) =	ssettag $0x0;
	lr =	simm.s32 $0x1  }
0x2: {  	[smem:$0x3F9A] =	sst lr;
	_ =	strace $0xD0000000  }
0x3: {  	_ = 	snop  }
0x4: {  	_ = 	snop  }
0x5: {  	_ = 	snop  }
0x6: {  	_ = 	snop  }
0x7: {  	_ = 	snop  }
__scs_overlays_trampoline_lowered:
0x8: {  	[smem:$0x3FA9] =	sst s0  }
0x9: {  	[smem:$0x3FAA] =	sst s1  }
0xa: {  	[smem:$0x3FAB] =	sst s2  }
0xb: {  	[smem:$0x3FAC] =	sst s3  }
0xc: {  	[smem:$0x3FAD] =	sst s4  }
0xd: {  	[smem:$0x3FAE] =	sst s5  }
0xe: {  	[smem:$0x3FAF] =	sst s6  }
0xf: {  	[smem:$0x3FB0] =	sst s7  }
0x10: {  	[smem:$0x3FB1] =	sst s8  }
0x11: {  	[smem:$0x3FB2] =	sst s9;
	s0 =	simm.s32 @!p0 $0x0  }
0x12: {  	s1 =	sld [smem:$0x3F98];
	s0 =	simm.s32 @p0 $0x1  }
0x13: {  	[smem:$0x3FB3] =	sst s0;
	s0 =	simm.s32 @!p1 $0x0  }
0x14: {  	s2 =	sld [smem:$0x3F97];
	s0 =	simm.s32 @p1 $0x1  }
0x15: {  	[smem:$0x3FB4] =	sst s0;
	s0 =	simm.s32 @!p2 $0x0  }
0x16: {  	s3 =	sld [smem:$0x3FDB];
	s0 =	simm.s32 @p2 $0x1  }
0x17: {  	s4 =	simm.s32 $0x1BF5;
	[smem:$0x3FB6] =	sst s0  }
0x18: {  	s0 =	sld [smem:$0x3F99];
	_ =	swait.ge [sflag:s4], $0x0  }
0x19: {  	s7 =	sld [smem:$0x3F9A]  }
0x1a: {  	s8 =	sadd.s32 $0xFFFFE003, lr  }
0x1b: {  	s9 =	sadd.s32 $0xFFFFFEF7, lr;
	s5 =	simm.s32 $0xFFFFFFFF;
	p2 =	slt.u32 s8, $0xFFFFF086  }
0x1c: {  	p1 =	slt.u32 s9, $0xF7A;
	s5 =	simm.s32 @!p2 $0x0  }
0x1d: {  	s5 =	simm.s32 @p1 $0x1;
	p0 =	seq.s32 s7, s2  }
0x1e: {  	s7 =	smul.u32 @!p0 $0xF7A, s2;
	p2 =	seq.s32 @!p0 s5, $0x0  }
0x1f: {  	s9 =	smul.u32 $0xF7A, s1;
	s8 =	simm.s32 @!p0 $0x1BF5;
	p2 =	por !p2, p0  }
0x20: {  	[sflag:s8] =	ssyncset.s32 @!p0 $0xFFFFF086;
	s6 =	sadd.s32 @!p0 s3, s7;
	s7 =	simm.s32 @!p0 $0x108  }
0x21: {  	s3 =	sadd.s32 s3, s9;
	s6 =	sadd.s32 @!p0 $0x88, s6;
	s7 =	simm.s32 @p2 $0x1082  }
0x22: {  	[simem:s7], [sflag:s8] =	dma.local @!p0 [hbm:s6], $0xF7A  }
0x23: {  	s9 =	sor.u32 $0xD0000000, s2;
	s6 =	simm.s32 $0x108;
	_ =	swait.ge @!p0 [sflag:s8], $0x0  }
0x24: {  	s3 =	sadd.s32 $0x88, s3;
	s6 =	simm.s32 @!p1 $0x1082;
	[sflag:s4] =	ssyncset.s32 $0xFFFFF086  }
0x25: {  	[simem:s6], [sflag:s4] =	dma.local [hbm:s3], $0xF7A  }
0x26: {  	[smem:$0x3F9A] =	sst s1;
	(tag) =	ssettag s2;
	_ =	strace s9  }
0x27: {  	s1 =	sld [smem:$0x3FAA]  }
0x28: {  	s2 =	sld [smem:$0x3FAB]  }
0x29: {  	s4 =	sld [smem:$0x3FAD]  }
0x2a: {  	p0 =	seq.s32 s5, $0x0;
	s5 =	sld [smem:$0x3FAE]  }
0x2b: {  	s6 =	sld [smem:$0x3FAF]  }
0x2c: {  	s7 =	sld [smem:$0x3FB0]  }
0x2d: {  	s3 =	simm.s32 $0x108;
	s8 =	sld [smem:$0x3FB1]  }
0x2e: {  	s3 =	simm.s32 @!p0 $0x1082;
	s9 =	sld [smem:$0x3FB2]  }
0x2f: {  	lr =	sadd.s32 s0, s3;
	s0 =	sld [smem:$0x3FA9]  }
0x30: {  	s3 =	sld [smem:$0x3FAC]  }
0x31: {  	[smem:$0x3FB5] =	sst s10  }
0x32: {  	s10 =	sld [smem:$0x3FB3];
	_ =	sdelay $0x3  }
0x33: {  	p0 =	seq.s32 s10, $0x1;
	s10 =	sld [smem:$0x3FB5];
	_ =	sdelay $0x3  }
0x34: {  	[smem:$0x3FB5] =	sst s10  }
0x35: {  	s10 =	sld [smem:$0x3FB4];
	_ =	sdelay $0x3  }
0x36: {  	p1 =	seq.s32 s10, $0x1;
	s10 =	sld [smem:$0x3FB5];
	_ =	sdelay $0x3  }
0x37: {  	[smem:$0x3FB5] =	sst s10  }
0x38: {  	s10 =	sld [smem:$0x3FB6]  }
0x39: {  	_ = 	snop;
	(pc) =	sbr.ind lr, $3  }
0x3a: {  	_ = 	snop  }
0x3b: {  	_ = 	snop  }
0x3c: {  	p2 =	seq.s32 s10, $0x1;
	s10 =	sld [smem:$0x3FB5]  }
0x3d: {  	_ =	shalt  }
0x3e: {  	_ =	shalt  }
0x3f: {  	_ =	shalt  }
0x40: {  	_ =	shalt  }
0x41: {  	_ =	shalt  }
0x42: {  	_ =	shalt  }
0x43: {  	_ =	shalt  }
0x44: {  	_ =	shalt  }
0x45: {  	_ =	shalt  }
0x46: {  	_ =	shalt  }
0x47: {  	_ =	shalt  }
0x48: {  	_ =	shalt  }
0x49: {  	_ =	shalt  }
0x4a: {  	_ =	shalt  }
0x4b: {  	_ =	shalt  }
0x4c: {  	_ =	shalt  }
0x4d: {  	_ =	shalt  }
0x4e: {  	_ =	shalt  }
0x4f: {  	_ =	shalt  }
0x50: {  	_ =	shalt  }
0x51: {  	_ =	shalt  }
0x52: {  	_ =	shalt  }
0x53: {  	_ =	shalt  }
0x54: {  	_ =	shalt  }
0x55: {  	_ =	shalt  }
0x56: {  	_ =	shalt  }
0x57: {  	_ =	shalt  }
0x58: {  	_ =	shalt  }
0x59: {  	_ =	shalt  }
0x5a: {  	_ =	shalt  }
0x5b: {  	_ =	shalt  }
0x5c: {  	_ =	shalt  }
0x5d: {  	_ =	shalt  }
0x5e: {  	_ =	shalt  }
0x5f: {  	_ =	shalt  }
0x60: {  	_ =	shalt  }
0x61: {  	_ =	shalt  }
0x62: {  	_ =	shalt  }
0x63: {  	_ =	shalt  }
0x64: {  	_ =	shalt  }
0x65: {  	_ =	shalt  }
0x66: {  	_ =	shalt  }
0x67: {  	_ =	shalt  }
0x68: {  	_ =	shalt  }
0x69: {  	_ =	shalt  }
0x6a: {  	_ =	shalt  }
0x6b: {  	_ =	shalt  }
0x6c: {  	_ =	shalt  }
0x6d: {  	_ =	shalt  }
0x6e: {  	_ =	shalt  }
0x6f: {  	_ =	shalt  }
0x70: {  	_ =	shalt  }
0x71: {  	_ =	shalt  }
0x72: {  	_ =	shalt  }
0x73: {  	_ =	shalt  }
0x74: {  	_ =	shalt  }
0x75: {  	_ =	shalt  }
0x76: {  	_ =	shalt  }
0x77: {  	_ =	shalt  }
0x78: {  	_ =	shalt  }
0x79: {  	_ =	shalt  }
0x7a: {  	_ =	shalt  }
0x7b: {  	_ =	shalt  }
0x7c: {  	_ =	shalt  }
0x7d: {  	_ =	shalt  }
0x7e: {  	_ =	shalt  }
0x7f: {  	_ =	shalt  }
0x80: {  	_ =	shalt  }
0x81: {  	_ =	shalt  }
0x82: {  	_ =	shalt  }
0x83: {  	_ =	shalt  }
0x84: {  	_ =	shalt  }
0x85: {  	_ =	shalt  }
0x86: {  	_ =	shalt  }
0x87: {  	_ =	shalt  }
.Lfunc_end0:
.L_simem_size_0:
called_computation.2_lowered:
.L_overlay_start_0:
0x88: {  	s2 =	sld [smem:$0x3FD9]  }
0x89: {  	s3 =	sld [smem:$0x3FFE];
	_ =	sdelay $0x1  }
0x8a: {  	s1 =	srdreg.scid  }
0x8b: {  	s0 =	sand.u32 $0x1, s1  }
0x8c: {  	s17 =	sshll.u32 s0, $0xA;
	s2 =	sadd.s32 s3, s2  }
0x8d: {  	s2 =	sadd.s32 s2, s17  }
0x8e: {  	[smem:$0x3FC1] =	sst s2  }
0x8f: {  	_ = 	snop  }
0x90: {  	s2 =	sld [smem:$0x3FD0];
	(tm) =	ssettm $0x1  }
0x91: {  	s18 =	sld [smem:$0x3FFB];
	_ =	sdelay $0x3  }
0x92: {  	_ =	strace s18  }
0x93: {  	s3 =	sld [smem:$0x3FFC];
	_ =	sdelay $0x3  }
0x94: {  	_ =	strace s3  }
0x95: {  	s3 =	sld [smem:$0x3FFD];
	_ =	sdelay $0x3  }
0x96: {  	_ =	strace s3  }
0x97: {  	_ =	strace $0x8FFFFFFF  }
0x98: {  	s19 =	sld [smem:$0x3FDB];
	_ =	sdelay $0x1  }
0x99: {  	s4 =	simm.s32 $_scs_section_size  }
0x9a: {  	s5 =	simm.s32 $_size__tile_overlayer_lowered;
	s6 =	simm.s32 $_tile_overlayer_lowered  }
0x9b: {  	s22 =	simm.s32 $0x1BFF;
	s21 =	sshll.u32 s6, $0x1;
	s3 =	sadd.s32 s4, s19  }
0x9c: {  	s7 =	simm.s32 $0x0;
	s20 =	sshll.u32 s5, $0x1;
	s5 =	sadd.s32 s21, s3  }
0x9d: {  	[timem:s7], [sflag:s22] =	dma.local [hbm:s5], s20  }
0x9e: {  	_ =	swait.ge [sflag:s22], s20  }
0x9f: {  	s4 =	ssub.s32 $0x0, s20;
	[sflag:s22] =	ssyncset.done $0x0  }
0xa0: {  	[sflag:s22] =	ssyncadd.s32 s4;
	_ =	sdelay $0x1  }
0xa1: {  	s23 =	simm.s32 $0x1B8B  }
0xa2: {  	_ =	swait.ge [sflag:s23], $0x1  }
0xa3: {  	[sflag:s23] =	ssyncset.done $0x0  }
0xa4: {  	s25 =	simm.s32 $0x1B8E;
	s24 =	sld [smem:$0x3FFE];
	[sflag:s23] =	ssyncadd.s32 $0xFFFFFFFF  }
0xa5: {  	s26 =	simm.s32 $execute0_lowered;
	[smem:$0x3FD2] =	sst s25  }
0xa6: {  	s5 =	sshll.u32 s26, $0x1;
	_ =	strace $0x8000004C;
	[dreg:$0x1] =	wrdreg $0xFFFFFFFF  }
0xa7: {  	s28 =	simm.s32 $_size_execute0_lowered;
	s3 =	sadd.s32 s3, s5;
	[dreg:$0x0] =	wrdreg $0x0  }
0xa8: {  	s5 =	sshll.u32 s28, $0x1;
	[dreg:$0x2] =	wrdreg s3  }
0xa9: {  	[dreg:$0x3] =	wrdreg s5  }
0xaa: {  	[dreg:$0x4] =	wrdreg $0xC0  }
0xab: {  	_ =	task [dreg:s7], $0x5FFFF  }
0xac: {  	[dreg:$0x1] =	wrdreg $0xFFFFFFFF  }
0xad: {  	[dreg:$0x0] =	wrdreg $0x60  }
0xae: {  	[dreg:$0x2] =	wrdreg s24  }
0xaf: {  	[dreg:$0x3] =	wrdreg s2  }
0xb0: {  	[dreg:$0x4] =	wrdreg $0xC2000  }
0xb1: {  	[dreg:$0x5] =	wrdreg $0x9  }
0xb2: {  	_ =	task.clear_ibuf [dreg:s7], $0x6FFFF;
	_ =	strace $0x9000004C  }
0xb3: {  	s29 =	simm.s32 $0x9;
	_ =	strace $0x8000004E  }
0xb4: {  	_ =	swait.ge [sflag:s29], $0x1  }
0xb5: {  	[sflag:s29] =	ssyncadd.s32 $0xFFFFFFFF  }
0xb6: {  	_ =	strace $0x9000004E  }
0xb7: {  	_ =	sfence  }
0xb8: {  	s30 =	sld [smem:$0x0];
	_ =	sdelay $0x2  }
0xb9: {  	s31 =	sshll.u32 s1, $0xD;
	s1 =	sshrl.u32 s1, $0x2  }
0xba: {  	s3 =	sand.u32 $0x4000, s31;
	s1 =	sadd.s32 s1, s30  }
0xbb: {  	s0 =	sor.u32 s3, s0;
	s1 =	sshll.u32 s1, $0x11  }
0xbc: {  	s0 =	sor.u32 s1, s0  }
0xbd: {  	s0 =	sadd.s32 $0x8F2B, s0  }
0xbe: {  	[sflag:s0] =	ssyncadd.remote.s32 $0x1  }
0xbf: {  	_ =	sfence.sel $0xFFFF  }
0xc0: {  	[dreg:$0x0] =	wrdreg $0xFFFFFFFF;
	(pc) =	sbr.abs _section_cstart, $3  }
0xc1: {  	[dreg:$0x1] =	wrdreg $0xFFFFFFFF  }
0xc2: {  	_ =	task.clear_ibuf [dreg:s7], $0x2FFFF;
	_ =	strace $0x9FFFFFFF  }
0xc3: {  	(tm) =	ssettm $0x7FFFFFFF  }
tec
execute0_lowered:
.L_overlay_start_1:
0x0: {  	(tag) =	ssettag $0x1  }
0x1: {  	s1 =	rddreg [dreg:$0x0]  }
0x2: {  	s0 =	rddreg [dreg:$0x1]  }
0x3: {  	s2 =	rddreg [dreg:$0x2]  }
0x4: {  	s31 =	rddreg [dreg:$0x3]  }
0x5: {  	s3 =	simm.s32 $0x0;
	s5 =	srdreg.scid;
	s12 =	stileid.u32  }
0x6: {  	p0 =	por $0x0, $0x0;
	[smem:$0x7FF] =	sst s3;
	s4 =	sadd.s32 $0x1E00, s1  }
0x7: {  	s19 =	sadd.s32 $0x2A00, s1;
	s5 =	sand.u32 $0x1, s5;
	s6 =	sshll.u32 s12, $0x9  }
0x8: {  	s29 =	sshll.u32 s12, $0x6;
	s24 =	sshll.u32 s12, $0x10;
	_ =	strace $0x8000004D  }
0x9: {  	[dreg:$0x4] =	wrdreg s4;
	s8 =	ssub.s32 $0x2, s5;
	s7 =	sadd.s32 s19, s29  }
0xa: {  	s11 =	sor.u32 $0x80, s6;
	s13 =	sor.u32 $0x100, s6;
	s9 =	sor.u32 $0x180, s6  }
0xb: {  	s14 =	sshll.u32 s5, $0xC;
	s5 =	sadd.s32 s24, s2;
	[dreg:$0x5] =	wrdreg s7  }
0xc: {  	s20 =	sshrl.u32 s11, $0x3;
	s10 =	sshrl.u32 s13, $0x3;
	s22 =	sshrl.u32 s9, $0x3  }
0xd: {  	s23 =	sshrl.u32 s8, $0x1;
	s25 =	sshll.u32 s11, $0x7;
	s16 =	sshll.u32 s9, $0xA  }
0xe: {  	s17 =	sor.u32 $0x400, s14;
	s9 =	sshll.u32 s9, $0x7;
	s7 =	sadd.s32 s19, s20  }
0xf: {  	s21 =	sadd.s32 s19, s10;
	s4 =	sadd.s32 s19, s22;
	s6 =	ssub.s32 s8, s23  }
0x10: {  	s10 =	sshll.u32 s12, $0x13;
	s12 =	sshll.u32 s11, $0xA;
	[dreg:$0x6] =	wrdreg s7  }
0x11: {  	s8 =	sshll.u32 s13, $0x7;
	s13 =	sshll.u32 s13, $0xA;
	[dreg:$0x7] =	wrdreg s21  }
0x12: {  	s22 =	sor.u32 s14, s16;
	s7 =	sadd.s32 $0x2E00, s1;
	[dreg:$0x8] =	wrdreg s4  }
0x13: {  	s26 =	sor.u32 s14, s10;
	s4 =	sadd.s32 s25, s2;
	s15 =	sor.u32 s14, s12  }
0x14: {  	s20 =	sor.u32 s14, s13;
	s24 =	sor.u32 s10, s17;
	s8 =	sadd.s32 s8, s2  }
0x15: {  	s30 =	sshrl.u32 s26, $0x3;
	s19 =	sshrl.u32 s15, $0x3;
	s21 =	sshrl.u32 s20, $0x3  }
0x16: {  	s15 =	sshrl.u32 s22, $0x3;
	s25 =	sshrl.u32 s24, $0x3;
	s18 =	sadd.s32 s7, s30  }
0x17: {  	s11 =	sadd.s32 s7, s19;
	s23 =	sadd.s32 s7, s15;
	[dreg:$0x9] =	wrdreg s18  }
0x18: {  	s1 =	sadd.s32 s0, s30;
	s26 =	sadd.s32 s7, s25;
	[dreg:$0xa] =	wrdreg s11  }
0x19: {  	s30 =	sor.u32 s17, s12;
	s19 =	sor.u32 s17, s13;
	[dreg:$0xc] =	wrdreg s23  }
0x1a: {  	s17 =	sor.u32 s17, s16;
	s11 =	sadd.s32 s7, s21;
	[dreg:$0xd] =	wrdreg s1  }
0x1b: {  	[dreg:$0xe] =	wrdreg s26;
	s18 =	sshrl.u32 s30, $0x3;
	s15 =	sshrl.u32 s19, $0x3  }
0x1c: {  	s21 =	sshrl.u32 s17, $0x3;
	s23 =	sor.u32 $0x800, s14;
	s14 =	sor.u32 $0xC00, s14  }
0x1d: {  	[dreg:$0xb] =	wrdreg s11;
	s1 =	sadd.s32 s7, s18;
	s20 =	sadd.s32 s7, s15  }
0x1e: {  	s22 =	sadd.s32 s7, s21;
	s24 =	sor.u32 s10, s23;
	s11 =	sadd.s32 s0, s25  }
0x1f: {  	s25 =	sor.u32 s23, s12;
	s30 =	sor.u32 s23, s13;
	[dreg:$0xf] =	wrdreg s1  }
0x20: {  	s15 =	sor.u32 s23, s16;
	s10 =	sor.u32 s10, s14;
	[dreg:$0x10] =	wrdreg s20  }
0x21: {  	s19 =	sor.u32 s14, s12;
	s21 =	sor.u32 s14, s13;
	[dreg:$0x11] =	wrdreg s22  }
0x22: {  	s13 =	simm.s32 $0x8200;
	s1 =	sshrl.u32 s24, $0x3;
	[dreg:$0x12] =	wrdreg s11  }
0x23: {  	s17 =	sshrl.u32 s25, $0x3;
	s11 =	sadd.s32 s9, s2;
	s9 =	sshrl.u32 s30, $0x3  }
0x24: {  	s15 =	sshrl.u32 s15, $0x3;
	s22 =	sor.u32 s14, s16;
	s24 =	sshrl.u32 s21, $0x3  }
0x25: {  	s30 =	smax.u32 s6, $0x1;
	s6 =	simm.s32 $0x3;
	s21 =	simm.s32 $0x4080  }
0x26: {  	s14 =	simm.s32 $0x80;
	s16 =	simm.s32 $0x8;
	s26 =	sadd.s32 s7, s1  }
0x27: {  	s17 =	sadd.s32 s7, s17;
	s9 =	sadd.s32 s7, s9;
	s28 =	sadd.s32 s7, s15  }
0x28: {  	s25 =	sshrl.u32 s22, $0x3;
	s18 =	sadd.s32 s7, s24;
	[dreg:$0x13] =	wrdreg s26  }
0x29: {  	s15 =	simm.s32 $0x4100;
	s22 =	simm.s32 $0x2000;
	[dreg:$0x14] =	wrdreg s17  }
0x2a: {  	p1 =	sne.s32 s30, $0x1;
	s24 =	simm.s32 $0x1;
	[dreg:$0x15] =	wrdreg s9  }
.Ltmp0:
0x2b: {  	s17 =	sshrl.u32 s10, $0x3;
	s26 =	sadd.s32 s0, s1;
	(pc) =	sbr.rel @!p1 .LBB2_5-.Ltmp0, $4  }
0x2c: {  	s1 =	sshrl.u32 s19, $0x3;
	s12 =	sadd.s32 s7, s25;
	s25 =	simm.s32 $0x4000  }
0x2d: {  	s10 =	simm.s32 $0x4180;
	s9 =	simm.s32 $0x400;
	s19 =	simm.s32 $0x2  }
0x2e: {  	s20 =	sadd.s32 s7, s17;
	s23 =	sadd.s32 s7, s1;
	s7 =	sadd.s32 s0, s17  }
0x2f: {  	s17 =	simm.s32 $0x4200;
	s0 =	sadd.s32 $0xFFFFFFFF, s30;
	s1 =	rddreg [dreg:$0x4]  }
0x30: {  	[tilespmem:s3], [sflag:$0x3] =	stream.linear.gather [hbm4b:s1+s3], $0x4000, $0x38;
	[tilespmem:$0x1C200] =	vst v63  }
0x31: {  	_ =	swait.ge [sflag:s6], $0x4000  }
0x32: {  	[sflag:s6] =	ssyncset.done $0x0  }
0x33: {  	s1 =	rddreg [dreg:$0x5];
	[sflag:s6] =	ssyncadd.s32 $0xFFFFC000  }
0x34: {  	[tilespmem:s25], [sflag:$0x3] =	stream.linear.gather [hbm4b:s1+s3], $0x80, $0x38;
	[tilespmem:$0x1C200] =	vst v63  }
0x35: {  	_ =	swait.ge [sflag:s6], $0x80  }
0x36: {  	[sflag:s6] =	ssyncset.done $0x0  }
0x37: {  	s1 =	rddreg [dreg:$0x6];
	[sflag:s6] =	ssyncadd.s32 $0xFFFFFF80  }
0x38: {  	[tilespmem:s21], [sflag:$0x3] =	stream.linear.gather [hbm4b:s1+s3], $0x80, $0x38;
	[tilespmem:$0x1C200] =	vst v63  }
0x39: {  	_ =	swait.ge [sflag:s6], $0x80  }
0x3a: {  	[sflag:s6] =	ssyncset.done $0x0  }
0x3b: {  	s1 =	rddreg [dreg:$0x7];
	[sflag:s6] =	ssyncadd.s32 $0xFFFFFF80  }
0x3c: {  	[tilespmem:s15], [sflag:$0x3] =	stream.linear.gather [hbm4b:s1+s3], $0x80, $0x38;
	[tilespmem:$0x1C200] =	vst v63  }
0x3d: {  	_ =	swait.ge [sflag:s6], $0x80  }
0x3e: {  	[sflag:s6] =	ssyncset.done $0x0  }
0x3f: {  	s1 =	rddreg [dreg:$0x8];
	[sflag:s6] =	ssyncadd.s32 $0xFFFFFF80  }
0x40: {  	[tilespmem:s10], [sflag:$0x3] =	stream.linear.gather [hbm4b:s1+s3], $0x80, $0x38;
	[tilespmem:$0x1C200] =	vst v63  }
0x41: {  	_ =	swait.ge [sflag:s6], $0x80  }
0x42: {  	[sflag:s6] =	ssyncset.done $0x0  }
0x43: {  	[sflag:s6] =	ssyncadd.s32 $0xFFFFFF80  }
0x44: {  	[spmem:s5] =	stream.linear.scatter [tilespmem:s3], [sflag:$0x3], $0x4000, $0x38;
	[tilespmem:$0x1C200] =	vst v63  }
0x45: {  	_ =	swait.ge [sflag:s6], $0x4000  }
0x46: {  	[sflag:s6] =	ssyncset.done $0x0  }
0x47: {  	[sflag:s6] =	ssyncadd.s32 $0xFFFFC000  }
0x48: {  	[spmem:s4] =	stream.linear.scatter [tilespmem:s3], [sflag:$0x3], $0x4000, $0x38;
	[tilespmem:$0x1C200] =	vst v63  }
0x49: {  	_ =	swait.ge [sflag:s6], $0x4000  }
0x4a: {  	[sflag:s6] =	ssyncset.done $0x0  }
0x4b: {  	[sflag:s6] =	ssyncadd.s32 $0xFFFFC000  }
0x4c: {  	[spmem:s8] =	stream.linear.scatter [tilespmem:s3], [sflag:$0x3], $0x4000, $0x38;
	[tilespmem:$0x1C200] =	vst v63  }
0x4d: {  	_ =	swait.ge [sflag:s6], $0x4000  }
0x4e: {  	[sflag:s6] =	ssyncset.done $0x0  }
0x4f: {  	[sflag:s6] =	ssyncadd.s32 $0xFFFFC000  }
0x50: {  	[spmem:s11] =	stream.linear.scatter [tilespmem:s3], [sflag:$0x3], $0x4000, $0x38;
	[tilespmem:$0x1C200] =	vst v63  }
0x51: {  	_ =	swait.ge [sflag:s6], $0x4000  }
0x52: {  	[sflag:s6] =	ssyncset.done $0x0  }
0x53: {  	[sflag:s6] =	ssyncadd.s32 $0xFFFFC000  }
0x54: {  	[bflag:$0x0] =	sbarrier.arrive $0xFFFF  }
0x55: {  	s1 =	rddreg [dreg:$0x9]  }
0x56: {  	[tilespmem:s17], [sflag:$0x1] =	stream.strided.gather [hbm4b:s1+s9], $0x4000, s22, s9, $0x38;
	[tilespmem:$0x1C200] =	vst v63  }
0x57: {  	s30 =	rddreg [dreg:$0xa]  }
0x58: {  	[tilespmem:s13], [sflag:$0x2] =	stream.strided.gather [hbm4b:s30+s9], $0x4000, s22, s9, $0x38;
	[tilespmem:$0x1C200] =	vst v63  }
0x59: {  	_ =	swait.ge [sflag:s24], $0x4000  }
0x5a: {  	[sflag:s24] =	ssyncset.done $0x0  }
0x5b: {  	[sflag:s24] =	ssyncadd.s32 $0xFFFFC000  }
0x5c: {  	[spmem:s2] =	stream.indirect.scatter.add.f32 [tilespmem:s17], [sflag:$0x3], $0x80, s25, s14, $0xb8;
	[tilespmem:$0x1C200] =	vst v63  }
0x5d: {  	_ =	swait.ge [sflag:s6], $0x4000  }
0x5e: {  	[sflag:s6] =	ssyncset.done $0x0  }
0x5f: {  	s1 =	rddreg [dreg:$0xb];
	[sflag:s6] =	ssyncadd.s32 $0xFFFFC000  }
0x60: {  	[tilespmem:s17], [sflag:$0x1] =	stream.strided.gather [hbm4b:s1+s9], $0x4000, s22, s9, $0x38;
	[tilespmem:$0x1C200] =	vst v63  }
0x61: {  	_ =	swait.ge [sflag:s19], $0x4000  }
0x62: {  	[sflag:s19] =	ssyncset.done $0x0  }
0x63: {  	[sflag:s19] =	ssyncadd.s32 $0xFFFFC000  }
0x64: {  	[spmem:s2] =	stream.indirect.scatter.add.f32 [tilespmem:s13], [sflag:$0x3], $0x80, s21, s14, $0xb8;
	[tilespmem:$0x1C200] =	vst v63  }
0x65: {  	_ =	swait.ge [sflag:s6], $0x4000  }
0x66: {  	[sflag:s6] =	ssyncset.done $0x0  }
0x67: {  	s1 =	rddreg [dreg:$0xc];
	[sflag:s6] =	ssyncadd.s32 $0xFFFFC000  }
0x68: {  	[tilespmem:s13], [sflag:$0x2] =	stream.strided.gather [hbm4b:s1+s9], $0x4000, s22, s9, $0x38;
	[tilespmem:$0x1C200] =	vst v63  }
0x69: {  	_ =	swait.ge [sflag:s24], $0x4000  }
0x6a: {  	[sflag:s24] =	ssyncset.done $0x0  }
0x6b: {  	[sflag:s24] =	ssyncadd.s32 $0xFFFFC000  }
0x6c: {  	[spmem:s2] =	stream.indirect.scatter.add.f32 [tilespmem:s17], [sflag:$0x3], $0x80, s15, s14, $0xb8;
	[tilespmem:$0x1C200] =	vst v63  }
0x6d: {  	_ =	swait.ge [sflag:s6], $0x4000  }
0x6e: {  	[sflag:s6] =	ssyncset.done $0x0  }
0x6f: {  	[sflag:s6] =	ssyncadd.s32 $0xFFFFC000  }
0x70: {  	_ =	swait.ge [sflag:s19], $0x4000  }
0x71: {  	[sflag:s19] =	ssyncset.done $0x0  }
0x72: {  	[sflag:s19] =	ssyncadd.s32 $0xFFFFC000  }
0x73: {  	[spmem:s2] =	stream.indirect.scatter.add.f32 [tilespmem:s13], [sflag:$0x3], $0x80, s10, s14, $0xb8;
	[tilespmem:$0x1C200] =	vst v63  }
0x74: {  	_ =	swait.ge [sflag:s6], $0x4000  }
0x75: {  	[sflag:s6] =	ssyncset.done $0x0  }
0x76: {  	[sflag:s6] =	ssyncadd.s32 $0xFFFFC000  }
0x77: {  	[bflag:$0x0] =	sbarrier.arrive $0xFFFF  }
0x78: {  	s1 =	rddreg [dreg:$0xd]  }
0x79: {  	s31 =	sshrl.u32 s5, $0x3;
	s30 =	sor.u32 $0x1C03, s29;
	[dreg:$0x16] =	wrdreg s29  }
0x7a: {  	[hbm:s1@s9], [sflag:s30] =	dma.strided [spmem:s31@s14], $0x2000, s16, $0x10   }
0x7b: {  	_ =	swait.ge [sflag:s6], $0x2000  }
0x7c: {  	[sflag:s6] =	ssyncset.done $0x0  }
0x7d: {  	[sflag:s6] =	ssyncadd.s32 $0xFFFFE000  }
0x7e: {  	[spmem:s5] =	stream.linear.scatter [tilespmem:s3], [sflag:$0x3], $0x4000, $0x38;
	[tilespmem:$0x1C200] =	vst v63  }
0x7f: {  	_ =	swait.ge [sflag:s6], $0x4000  }
0x80: {  	[sflag:s6] =	ssyncset.done $0x0  }
0x81: {  	[sflag:s6] =	ssyncadd.s32 $0xFFFFC000  }
0x82: {  	[spmem:s4] =	stream.linear.scatter [tilespmem:s3], [sflag:$0x3], $0x4000, $0x38;
	[tilespmem:$0x1C200] =	vst v63  }
0x83: {  	_ =	swait.ge [sflag:s6], $0x4000  }
0x84: {  	[sflag:s6] =	ssyncset.done $0x0  }
0x85: {  	[sflag:s6] =	ssyncadd.s32 $0xFFFFC000  }
0x86: {  	[spmem:s8] =	stream.linear.scatter [tilespmem:s3], [sflag:$0x3], $0x4000, $0x38;
	[tilespmem:$0x1C200] =	vst v63  }
0x87: {  	_ =	swait.ge [sflag:s6], $0x4000  }
0x88: {  	[sflag:s6] =	ssyncset.done $0x0  }
0x89: {  	[sflag:s6] =	ssyncadd.s32 $0xFFFFC000  }
0x8a: {  	[spmem:s11] =	stream.linear.scatter [tilespmem:s3], [sflag:$0x3], $0x4000, $0x38;
	[tilespmem:$0x1C200] =	vst v63  }
0x8b: {  	_ =	swait.ge [sflag:s6], $0x4000  }
0x8c: {  	[sflag:s6] =	ssyncset.done $0x0  }
0x8d: {  	[sflag:s6] =	ssyncadd.s32 $0xFFFFC000  }
0x8e: {  	[bflag:$0x0] =	sbarrier.arrive $0xFFFF  }
0x8f: {  	s1 =	rddreg [dreg:$0xe]  }
0x90: {  	[tilespmem:s17], [sflag:$0x1] =	stream.strided.gather [hbm4b:s1+s9], $0x4000, s22, s9, $0x38;
	[tilespmem:$0x1C200] =	vst v63  }
0x91: {  	s29 =	rddreg [dreg:$0xf]  }
0x92: {  	[tilespmem:s13], [sflag:$0x2] =	stream.strided.gather [hbm4b:s29+s9], $0x4000, s22, s9, $0x38;
	[tilespmem:$0x1C200] =	vst v63  }
0x93: {  	_ =	swait.ge [sflag:s24], $0x4000  }
0x94: {  	[sflag:s24] =	ssyncset.done $0x0  }
0x95: {  	[sflag:s24] =	ssyncadd.s32 $0xFFFFC000  }
0x96: {  	[spmem:s2] =	stream.indirect.scatter.add.f32 [tilespmem:s17], [sflag:$0x3], $0x80, s25, s14, $0xb8;
	[tilespmem:$0x1C200] =	vst v63  }
0x97: {  	_ =	swait.ge [sflag:s6], $0x4000  }
0x98: {  	[sflag:s6] =	ssyncset.done $0x0  }
0x99: {  	s29 =	rddreg [dreg:$0x10];
	[sflag:s6] =	ssyncadd.s32 $0xFFFFC000  }
0x9a: {  	[tilespmem:s17], [sflag:$0x1] =	stream.strided.gather [hbm4b:s29+s9], $0x4000, s22, s9, $0x38;
	[tilespmem:$0x1C200] =	vst v63  }
0x9b: {  	_ =	swait.ge [sflag:s19], $0x4000  }
0x9c: {  	[sflag:s19] =	ssyncset.done $0x0  }
0x9d: {  	[sflag:s19] =	ssyncadd.s32 $0xFFFFC000  }
0x9e: {  	[spmem:s2] =	stream.indirect.scatter.add.f32 [tilespmem:s13], [sflag:$0x3], $0x80, s21, s14, $0xb8;
	[tilespmem:$0x1C200] =	vst v63  }
0x9f: {  	_ =	swait.ge [sflag:s6], $0x4000  }
0xa0: {  	[sflag:s6] =	ssyncset.done $0x0  }
0xa1: {  	s29 =	rddreg [dreg:$0x11];
	[sflag:s6] =	ssyncadd.s32 $0xFFFFC000  }
0xa2: {  	[tilespmem:s13], [sflag:$0x2] =	stream.strided.gather [hbm4b:s29+s9], $0x4000, s22, s9, $0x38;
	[tilespmem:$0x1C200] =	vst v63  }
0xa3: {  	_ =	swait.ge [sflag:s24], $0x4000  }
0xa4: {  	[sflag:s24] =	ssyncset.done $0x0  }
0xa5: {  	[sflag:s24] =	ssyncadd.s32 $0xFFFFC000  }
0xa6: {  	[spmem:s2] =	stream.indirect.scatter.add.f32 [tilespmem:s17], [sflag:$0x3], $0x80, s15, s14, $0xb8;
	[tilespmem:$0x1C200] =	vst v63  }
0xa7: {  	_ =	swait.ge [sflag:s6], $0x4000  }
0xa8: {  	[sflag:s6] =	ssyncset.done $0x0  }
0xa9: {  	[sflag:s6] =	ssyncadd.s32 $0xFFFFC000  }
0xaa: {  	_ =	swait.ge [sflag:s19], $0x4000  }
0xab: {  	[sflag:s19] =	ssyncset.done $0x0  }
0xac: {  	[sflag:s19] =	ssyncadd.s32 $0xFFFFC000  }
0xad: {  	[spmem:s2] =	stream.indirect.scatter.add.f32 [tilespmem:s13], [sflag:$0x3], $0x80, s10, s14, $0xb8;
	[tilespmem:$0x1C200] =	vst v63  }
0xae: {  	_ =	swait.ge [sflag:s6], $0x4000  }
0xaf: {  	[sflag:s6] =	ssyncset.done $0x0  }
0xb0: {  	[sflag:s6] =	ssyncadd.s32 $0xFFFFC000  }
0xb1: {  	[bflag:$0x0] =	sbarrier.arrive $0xFFFF  }
0xb2: {  	s29 =	rddreg [dreg:$0x12]  }
0xb3: {  	[hbm:s29@s9], [sflag:s30] =	dma.strided [spmem:s31@s14], $0x2000, s16, $0x10   }
0xb4: {  	_ =	swait.ge [sflag:s6], $0x2000  }
0xb5: {  	[sflag:s6] =	ssyncset.done $0x0  }
0xb6: {  	[sflag:s6] =	ssyncadd.s32 $0xFFFFE000  }
0xb7: {  	[spmem:s5] =	stream.linear.scatter [tilespmem:s3], [sflag:$0x3], $0x4000, $0x38;
	[tilespmem:$0x1C200] =	vst v63  }
0xb8: {  	_ =	swait.ge [sflag:s6], $0x4000  }
0xb9: {  	[sflag:s6] =	ssyncset.done $0x0  }
0xba: {  	[sflag:s6] =	ssyncadd.s32 $0xFFFFC000  }
0xbb: {  	[spmem:s4] =	stream.linear.scatter [tilespmem:s3], [sflag:$0x3], $0x4000, $0x38;
	[tilespmem:$0x1C200] =	vst v63  }
0xbc: {  	_ =	swait.ge [sflag:s6], $0x4000  }
0xbd: {  	[sflag:s6] =	ssyncset.done $0x0  }
0xbe: {  	[sflag:s6] =	ssyncadd.s32 $0xFFFFC000  }
0xbf: {  	[spmem:s8] =	stream.linear.scatter [tilespmem:s3], [sflag:$0x3], $0x4000, $0x38;
	[tilespmem:$0x1C200] =	vst v63  }
0xc0: {  	_ =	swait.ge [sflag:s6], $0x4000  }
0xc1: {  	[sflag:s6] =	ssyncset.done $0x0  }
0xc2: {  	[sflag:s6] =	ssyncadd.s32 $0xFFFFC000  }
0xc3: {  	[spmem:s11] =	stream.linear.scatter [tilespmem:s3], [sflag:$0x3], $0x4000, $0x38;
	[tilespmem:$0x1C200] =	vst v63  }
0xc4: {  	_ =	swait.ge [sflag:s6], $0x4000  }
0xc5: {  	[sflag:s6] =	ssyncset.done $0x0  }
0xc6: {  	[sflag:s6] =	ssyncadd.s32 $0xFFFFC000  }
0xc7: {  	[bflag:$0x0] =	sbarrier.arrive $0xFFFF  }
0xc8: {  	s1 =	rddreg [dreg:$0x13]  }
0xc9: {  	[tilespmem:s17], [sflag:$0x1] =	stream.strided.gather [hbm4b:s1+s9], $0x4000, s22, s9, $0x38;
	[tilespmem:$0x1C200] =	vst v63  }
0xca: {  	s29 =	rddreg [dreg:$0x14]  }
0xcb: {  	[tilespmem:s13], [sflag:$0x2] =	stream.strided.gather [hbm4b:s29+s9], $0x4000, s22, s9, $0x38;
	[tilespmem:$0x1C200] =	vst v63  }
0xcc: {  	_ =	swait.ge [sflag:s24], $0x4000  }
0xcd: {  	[sflag:s24] =	ssyncset.done $0x0  }
0xce: {  	[sflag:s24] =	ssyncadd.s32 $0xFFFFC000  }
0xcf: {  	[spmem:s2] =	stream.indirect.scatter.add.f32 [tilespmem:s17], [sflag:$0x3], $0x80, s25, s14, $0xb8;
	[tilespmem:$0x1C200] =	vst v63  }
0xd0: {  	_ =	swait.ge [sflag:s6], $0x4000  }
0xd1: {  	[sflag:s6] =	ssyncset.done $0x0  }
0xd2: {  	s29 =	rddreg [dreg:$0x15];
	[sflag:s6] =	ssyncadd.s32 $0xFFFFC000  }
0xd3: {  	[tilespmem:s17], [sflag:$0x1] =	stream.strided.gather [hbm4b:s29+s9], $0x4000, s22, s9, $0x38;
	[tilespmem:$0x1C200] =	vst v63  }
0xd4: {  	_ =	swait.ge [sflag:s19], $0x4000  }
0xd5: {  	[sflag:s19] =	ssyncset.done $0x0  }
0xd6: {  	[sflag:s19] =	ssyncadd.s32 $0xFFFFC000  }
0xd7: {  	[spmem:s2] =	stream.indirect.scatter.add.f32 [tilespmem:s13], [sflag:$0x3], $0x80, s21, s14, $0xb8;
	[tilespmem:$0x1C200] =	vst v63  }
0xd8: {  	_ =	swait.ge [sflag:s6], $0x4000  }
0xd9: {  	[sflag:s6] =	ssyncset.done $0x0  }
0xda: {  	[sflag:s6] =	ssyncadd.s32 $0xFFFFC000  }
0xdb: {  	[tilespmem:s13], [sflag:$0x2] =	stream.strided.gather [hbm4b:s28+s9], $0x4000, s22, s9, $0x38;
	[tilespmem:$0x1C200] =	vst v63  }
0xdc: {  	_ =	swait.ge [sflag:s24], $0x4000  }
0xdd: {  	[sflag:s24] =	ssyncset.done $0x0  }
0xde: {  	[sflag:s24] =	ssyncadd.s32 $0xFFFFC000  }
0xdf: {  	[spmem:s2] =	stream.indirect.scatter.add.f32 [tilespmem:s17], [sflag:$0x3], $0x80, s15, s14, $0xb8;
	[tilespmem:$0x1C200] =	vst v63  }
0xe0: {  	_ =	swait.ge [sflag:s6], $0x4000  }
0xe1: {  	[sflag:s6] =	ssyncset.done $0x0  }
0xe2: {  	[sflag:s6] =	ssyncadd.s32 $0xFFFFC000  }
0xe3: {  	_ =	swait.ge [sflag:s19], $0x4000  }
0xe4: {  	[sflag:s19] =	ssyncset.done $0x0  }
0xe5: {  	[sflag:s19] =	ssyncadd.s32 $0xFFFFC000  }
0xe6: {  	[spmem:s2] =	stream.indirect.scatter.add.f32 [tilespmem:s13], [sflag:$0x3], $0x80, s10, s14, $0xb8;
	[tilespmem:$0x1C200] =	vst v63  }
0xe7: {  	_ =	swait.ge [sflag:s6], $0x4000  }
0xe8: {  	[sflag:s6] =	ssyncset.done $0x0  }
0xe9: {  	[sflag:s6] =	ssyncadd.s32 $0xFFFFC000  }
0xea: {  	[bflag:$0x0] =	sbarrier.arrive $0xFFFF  }
0xeb: {  	[hbm:s26@s9], [sflag:s30] =	dma.strided [spmem:s31@s14], $0x2000, s16, $0x10   }
0xec: {  	_ =	swait.ge [sflag:s6], $0x2000  }
0xed: {  	[sflag:s6] =	ssyncset.done $0x0  }
0xee: {  	[sflag:s6] =	ssyncadd.s32 $0xFFFFE000  }
0xef: {  	[spmem:s5] =	stream.linear.scatter [tilespmem:s3], [sflag:$0x3], $0x4000, $0x38;
	[tilespmem:$0x1C200] =	vst v63  }
0xf0: {  	_ =	swait.ge [sflag:s6], $0x4000  }
0xf1: {  	[sflag:s6] =	ssyncset.done $0x0  }
0xf2: {  	[sflag:s6] =	ssyncadd.s32 $0xFFFFC000  }
0xf3: {  	[spmem:s4] =	stream.linear.scatter [tilespmem:s3], [sflag:$0x3], $0x4000, $0x38;
	[tilespmem:$0x1C200] =	vst v63  }
0xf4: {  	_ =	swait.ge [sflag:s6], $0x4000  }
0xf5: {  	[sflag:s6] =	ssyncset.done $0x0  }
0xf6: {  	[sflag:s6] =	ssyncadd.s32 $0xFFFFC000  }
0xf7: {  	[spmem:s8] =	stream.linear.scatter [tilespmem:s3], [sflag:$0x3], $0x4000, $0x38;
	[tilespmem:$0x1C200] =	vst v63  }
0xf8: {  	_ =	swait.ge [sflag:s6], $0x4000  }
0xf9: {  	[sflag:s6] =	ssyncset.done $0x0  }
0xfa: {  	[sflag:s6] =	ssyncadd.s32 $0xFFFFC000  }
0xfb: {  	[spmem:s11] =	stream.linear.scatter [tilespmem:s3], [sflag:$0x3], $0x4000, $0x38;
	[tilespmem:$0x1C200] =	vst v63  }
0xfc: {  	_ =	swait.ge [sflag:s6], $0x4000  }
0xfd: {  	[sflag:s6] =	ssyncset.done $0x0  }
0xfe: {  	[sflag:s6] =	ssyncadd.s32 $0xFFFFC000  }
0xff: {  	[bflag:$0x0] =	sbarrier.arrive $0xFFFF  }
0x100: {  	[tilespmem:s17], [sflag:$0x1] =	stream.strided.gather [hbm4b:s20+s9], $0x4000, s22, s9, $0x38;
	[tilespmem:$0x1C200] =	vst v63  }
0x101: {  	_ = 	snop  }
0x102: {  	[tilespmem:s13], [sflag:$0x2] =	stream.strided.gather [hbm4b:s23+s9], $0x4000, s22, s9, $0x38;
	[tilespmem:$0x1C200] =	vst v63  }
0x103: {  	_ =	swait.ge [sflag:s24], $0x4000  }
0x104: {  	[sflag:s24] =	ssyncset.done $0x0  }
0x105: {  	[sflag:s24] =	ssyncadd.s32 $0xFFFFC000  }
0x106: {  	[spmem:s2] =	stream.indirect.scatter.add.f32 [tilespmem:s17], [sflag:$0x3], $0x80, s25, s14, $0xb8;
	[tilespmem:$0x1C200] =	vst v63  }
0x107: {  	_ =	swait.ge [sflag:s6], $0x4000  }
0x108: {  	[sflag:s6] =	ssyncset.done $0x0  }
0x109: {  	[sflag:s6] =	ssyncadd.s32 $0xFFFFC000  }
0x10a: {  	[tilespmem:s17], [sflag:$0x1] =	stream.strided.gather [hbm4b:s18+s9], $0x4000, s22, s9, $0x38;
	[tilespmem:$0x1C200] =	vst v63  }
0x10b: {  	_ =	swait.ge [sflag:s19], $0x4000  }
0x10c: {  	[sflag:s19] =	ssyncset.done $0x0  }
0x10d: {  	[sflag:s19] =	ssyncadd.s32 $0xFFFFC000  }
0x10e: {  	[spmem:s2] =	stream.indirect.scatter.add.f32 [tilespmem:s13], [sflag:$0x3], $0x80, s21, s14, $0xb8;
	[tilespmem:$0x1C200] =	vst v63  }
0x10f: {  	_ =	swait.ge [sflag:s6], $0x4000  }
0x110: {  	[sflag:s6] =	ssyncset.done $0x0  }
0x111: {  	[sflag:s6] =	ssyncadd.s32 $0xFFFFC000  }
0x112: {  	[tilespmem:s13], [sflag:$0x2] =	stream.strided.gather [hbm4b:s12+s9], $0x4000, s22, s9, $0x38;
	[tilespmem:$0x1C200] =	vst v63  }
0x113: {  	_ =	swait.ge [sflag:s24], $0x4000  }
0x114: {  	[sflag:s24] =	ssyncset.done $0x0  }
0x115: {  	[sflag:s24] =	ssyncadd.s32 $0xFFFFC000  }
0x116: {  	[spmem:s2] =	stream.indirect.scatter.add.f32 [tilespmem:s17], [sflag:$0x3], $0x80, s15, s14, $0xb8;
	[tilespmem:$0x1C200] =	vst v63  }
0x117: {  	_ =	swait.ge [sflag:s6], $0x4000  }
0x118: {  	[sflag:s6] =	ssyncset.done $0x0  }
0x119: {  	[sflag:s6] =	ssyncadd.s32 $0xFFFFC000  }
0x11a: {  	_ =	swait.ge [sflag:s19], $0x4000  }
0x11b: {  	[sflag:s19] =	ssyncset.done $0x0  }
0x11c: {  	[sflag:s19] =	ssyncadd.s32 $0xFFFFC000  }
0x11d: {  	[spmem:s2] =	stream.indirect.scatter.add.f32 [tilespmem:s13], [sflag:$0x3], $0x80, s10, s14, $0xb8;
	[tilespmem:$0x1C200] =	vst v63  }
0x11e: {  	_ =	swait.ge [sflag:s6], $0x4000  }
0x11f: {  	p1 =	sne.s32 s0, $0x1;
	[sflag:s6] =	ssyncset.done $0x0  }
.Ltmp1:
0x120: {  	[sflag:s6] =	ssyncadd.s32 $0xFFFFC000;
	(pc) =	sbr.rel @!p1 .LBB2_2-.Ltmp1, $4  }
0x121: {  	[bflag:$0x0] =	sbarrier.arrive $0xFFFF  }
0x122: {  	[hbm:s7@s9], [sflag:s30] =	dma.strided [spmem:s31@s14], $0x2000, s16, $0x10   }
0x123: {  	s0 =	sadd.s32 $0xFFFFFFFF, s0;
	_ =	swait.ge [sflag:s6], $0x2000  }
0x124: {  	p0 =	por $0x1, $0x1;
	s1 =	rddreg [dreg:$0x4];
	[sflag:s6] =	ssyncset.done $0x0  }
.LBB2_3:
0x125: {  	[sflag:s6] =	ssyncadd.s32 $0xFFFFE000  }
0x126: {  	[tilespmem:s3], [sflag:$0x3] =	stream.linear.gather [hbm4b:s1+s3], $0x4000, $0x38;
	[tilespmem:$0x1C200] =	vst v63  }
0x127: {  	_ =	swait.ge [sflag:s6], $0x4000  }
0x128: {  	[sflag:s6] =	ssyncset.done $0x0  }
0x129: {  	s29 =	rddreg [dreg:$0x5];
	[sflag:s6] =	ssyncadd.s32 $0xFFFFC000  }
0x12a: {  	[tilespmem:s25], [sflag:$0x3] =	stream.linear.gather [hbm4b:s29+s3], $0x80, $0x38;
	[tilespmem:$0x1C200] =	vst v63  }
0x12b: {  	_ =	swait.ge [sflag:s6], $0x80  }
0x12c: {  	[sflag:s6] =	ssyncset.done $0x0  }
0x12d: {  	s29 =	rddreg [dreg:$0x6];
	[sflag:s6] =	ssyncadd.s32 $0xFFFFFF80  }
0x12e: {  	[tilespmem:s21], [sflag:$0x3] =	stream.linear.gather [hbm4b:s29+s3], $0x80, $0x38;
	[tilespmem:$0x1C200] =	vst v63  }
0x12f: {  	_ =	swait.ge [sflag:s6], $0x80  }
0x130: {  	[sflag:s6] =	ssyncset.done $0x0  }
0x131: {  	s29 =	rddreg [dreg:$0x7];
	[sflag:s6] =	ssyncadd.s32 $0xFFFFFF80  }
0x132: {  	[tilespmem:s15], [sflag:$0x3] =	stream.linear.gather [hbm4b:s29+s3], $0x80, $0x38;
	[tilespmem:$0x1C200] =	vst v63  }
0x133: {  	_ =	swait.ge [sflag:s6], $0x80  }
0x134: {  	[sflag:s6] =	ssyncset.done $0x0  }
0x135: {  	s29 =	rddreg [dreg:$0x8];
	[sflag:s6] =	ssyncadd.s32 $0xFFFFFF80  }
0x136: {  	[tilespmem:s10], [sflag:$0x3] =	stream.linear.gather [hbm4b:s29+s3], $0x80, $0x38;
	[tilespmem:$0x1C200] =	vst v63  }
0x137: {  	_ =	swait.ge [sflag:s6], $0x80  }
0x138: {  	[sflag:s6] =	ssyncset.done $0x0  }
0x139: {  	[sflag:s6] =	ssyncadd.s32 $0xFFFFFF80  }
0x13a: {  	[spmem:s5] =	stream.linear.scatter [tilespmem:s3], [sflag:$0x3], $0x4000, $0x38;
	[tilespmem:$0x1C200] =	vst v63  }
0x13b: {  	_ =	swait.ge [sflag:s6], $0x4000  }
0x13c: {  	[sflag:s6] =	ssyncset.done $0x0  }
0x13d: {  	[sflag:s6] =	ssyncadd.s32 $0xFFFFC000  }
0x13e: {  	[spmem:s4] =	stream.linear.scatter [tilespmem:s3], [sflag:$0x3], $0x4000, $0x38;
	[tilespmem:$0x1C200] =	vst v63  }
0x13f: {  	_ =	swait.ge [sflag:s6], $0x4000  }
0x140: {  	[sflag:s6] =	ssyncset.done $0x0  }
0x141: {  	[sflag:s6] =	ssyncadd.s32 $0xFFFFC000  }
0x142: {  	[spmem:s8] =	stream.linear.scatter [tilespmem:s3], [sflag:$0x3], $0x4000, $0x38;
	[tilespmem:$0x1C200] =	vst v63  }
0x143: {  	_ =	swait.ge [sflag:s6], $0x4000  }
0x144: {  	[sflag:s6] =	ssyncset.done $0x0  }
0x145: {  	[sflag:s6] =	ssyncadd.s32 $0xFFFFC000  }
0x146: {  	[spmem:s11] =	stream.linear.scatter [tilespmem:s3], [sflag:$0x3], $0x4000, $0x38;
	[tilespmem:$0x1C200] =	vst v63  }
0x147: {  	_ =	swait.ge [sflag:s6], $0x4000  }
0x148: {  	[sflag:s6] =	ssyncset.done $0x0  }
0x149: {  	[sflag:s6] =	ssyncadd.s32 $0xFFFFC000  }
0x14a: {  	[bflag:$0x0] =	sbarrier.arrive $0xFFFF  }
0x14b: {  	s1 =	rddreg [dreg:$0x9]  }
0x14c: {  	[tilespmem:s17], [sflag:$0x1] =	stream.strided.gather [hbm4b:s1+s9], $0x4000, s22, s9, $0x38;
	[tilespmem:$0x1C200] =	vst v63  }
0x14d: {  	s29 =	rddreg [dreg:$0xa]  }
0x14e: {  	[tilespmem:s13], [sflag:$0x2] =	stream.strided.gather [hbm4b:s29+s9], $0x4000, s22, s9, $0x38;
	[tilespmem:$0x1C200] =	vst v63  }
0x14f: {  	_ =	swait.ge [sflag:s24], $0x4000  }
0x150: {  	[sflag:s24] =	ssyncset.done $0x0  }
0x151: {  	[sflag:s24] =	ssyncadd.s32 $0xFFFFC000  }
0x152: {  	[spmem:s2] =	stream.indirect.scatter.add.f32 [tilespmem:s17], [sflag:$0x3], $0x80, s25, s14, $0xb8;
	[tilespmem:$0x1C200] =	vst v63  }
0x153: {  	_ =	swait.ge [sflag:s6], $0x4000  }
0x154: {  	[sflag:s6] =	ssyncset.done $0x0  }
0x155: {  	s29 =	rddreg [dreg:$0xb];
	[sflag:s6] =	ssyncadd.s32 $0xFFFFC000  }
0x156: {  	[tilespmem:s17], [sflag:$0x1] =	stream.strided.gather [hbm4b:s29+s9], $0x4000, s22, s9, $0x38;
	[tilespmem:$0x1C200] =	vst v63  }
0x157: {  	_ =	swait.ge [sflag:s19], $0x4000  }
0x158: {  	[sflag:s19] =	ssyncset.done $0x0  }
0x159: {  	[sflag:s19] =	ssyncadd.s32 $0xFFFFC000  }
0x15a: {  	[spmem:s2] =	stream.indirect.scatter.add.f32 [tilespmem:s13], [sflag:$0x3], $0x80, s21, s14, $0xb8;
	[tilespmem:$0x1C200] =	vst v63  }
0x15b: {  	_ =	swait.ge [sflag:s6], $0x4000  }
0x15c: {  	[sflag:s6] =	ssyncset.done $0x0  }
0x15d: {  	s29 =	rddreg [dreg:$0xc];
	[sflag:s6] =	ssyncadd.s32 $0xFFFFC000  }
0x15e: {  	[tilespmem:s13], [sflag:$0x2] =	stream.strided.gather [hbm4b:s29+s9], $0x4000, s22, s9, $0x38;
	[tilespmem:$0x1C200] =	vst v63  }
0x15f: {  	_ =	swait.ge [sflag:s24], $0x4000  }
0x160: {  	[sflag:s24] =	ssyncset.done $0x0  }
0x161: {  	[sflag:s24] =	ssyncadd.s32 $0xFFFFC000  }
0x162: {  	[spmem:s2] =	stream.indirect.scatter.add.f32 [tilespmem:s17], [sflag:$0x3], $0x80, s15, s14, $0xb8;
	[tilespmem:$0x1C200] =	vst v63  }
0x163: {  	_ =	swait.ge [sflag:s6], $0x4000  }
0x164: {  	[sflag:s6] =	ssyncset.done $0x0  }
0x165: {  	[sflag:s6] =	ssyncadd.s32 $0xFFFFC000  }
0x166: {  	_ =	swait.ge [sflag:s19], $0x4000  }
0x167: {  	[sflag:s19] =	ssyncset.done $0x0  }
0x168: {  	[sflag:s19] =	ssyncadd.s32 $0xFFFFC000  }
0x169: {  	[spmem:s2] =	stream.indirect.scatter.add.f32 [tilespmem:s13], [sflag:$0x3], $0x80, s10, s14, $0xb8;
	[tilespmem:$0x1C200] =	vst v63  }
0x16a: {  	_ =	swait.ge [sflag:s6], $0x4000  }
0x16b: {  	[sflag:s6] =	ssyncset.done $0x0  }
0x16c: {  	[sflag:s6] =	ssyncadd.s32 $0xFFFFC000  }
0x16d: {  	[bflag:$0x0] =	sbarrier.arrive $0xFFFF  }
0x16e: {  	s29 =	rddreg [dreg:$0xd]  }
0x16f: {  	[hbm:s29@s9], [sflag:s30] =	dma.strided [spmem:s31@s14], $0x2000, s16, $0x10   }
0x170: {  	_ =	swait.ge [sflag:s6], $0x2000  }
0x171: {  	[sflag:s6] =	ssyncset.done $0x0  }
0x172: {  	[sflag:s6] =	ssyncadd.s32 $0xFFFFE000  }
0x173: {  	[spmem:s5] =	stream.linear.scatter [tilespmem:s3], [sflag:$0x3], $0x4000, $0x38;
	[tilespmem:$0x1C200] =	vst v63  }
0x174: {  	_ =	swait.ge [sflag:s6], $0x4000  }
0x175: {  	[sflag:s6] =	ssyncset.done $0x0  }
0x176: {  	[sflag:s6] =	ssyncadd.s32 $0xFFFFC000  }
0x177: {  	[spmem:s4] =	stream.linear.scatter [tilespmem:s3], [sflag:$0x3], $0x4000, $0x38;
	[tilespmem:$0x1C200] =	vst v63  }
0x178: {  	_ =	swait.ge [sflag:s6], $0x4000  }
0x179: {  	[sflag:s6] =	ssyncset.done $0x0  }
0x17a: {  	[sflag:s6] =	ssyncadd.s32 $0xFFFFC000  }
0x17b: {  	[spmem:s8] =	stream.linear.scatter [tilespmem:s3], [sflag:$0x3], $0x4000, $0x38;
	[tilespmem:$0x1C200] =	vst v63  }
0x17c: {  	_ =	swait.ge [sflag:s6], $0x4000  }
0x17d: {  	[sflag:s6] =	ssyncset.done $0x0  }
0x17e: {  	[sflag:s6] =	ssyncadd.s32 $0xFFFFC000  }
0x17f: {  	[spmem:s11] =	stream.linear.scatter [tilespmem:s3], [sflag:$0x3], $0x4000, $0x38;
	[tilespmem:$0x1C200] =	vst v63  }
0x180: {  	_ =	swait.ge [sflag:s6], $0x4000  }
0x181: {  	[sflag:s6] =	ssyncset.done $0x0  }
0x182: {  	[sflag:s6] =	ssyncadd.s32 $0xFFFFC000  }
0x183: {  	[bflag:$0x0] =	sbarrier.arrive $0xFFFF  }
0x184: {  	s1 =	rddreg [dreg:$0xe]  }
0x185: {  	[tilespmem:s17], [sflag:$0x1] =	stream.strided.gather [hbm4b:s1+s9], $0x4000, s22, s9, $0x38;
	[tilespmem:$0x1C200] =	vst v63  }
0x186: {  	s29 =	rddreg [dreg:$0xf]  }
0x187: {  	[tilespmem:s13], [sflag:$0x2] =	stream.strided.gather [hbm4b:s29+s9], $0x4000, s22, s9, $0x38;
	[tilespmem:$0x1C200] =	vst v63  }
0x188: {  	_ =	swait.ge [sflag:s24], $0x4000  }
0x189: {  	[sflag:s24] =	ssyncset.done $0x0  }
0x18a: {  	[sflag:s24] =	ssyncadd.s32 $0xFFFFC000  }
0x18b: {  	[spmem:s2] =	stream.indirect.scatter.add.f32 [tilespmem:s17], [sflag:$0x3], $0x80, s25, s14, $0xb8;
	[tilespmem:$0x1C200] =	vst v63  }
0x18c: {  	_ =	swait.ge [sflag:s6], $0x4000  }
0x18d: {  	[sflag:s6] =	ssyncset.done $0x0  }
0x18e: {  	s29 =	rddreg [dreg:$0x10];
	[sflag:s6] =	ssyncadd.s32 $0xFFFFC000  }
0x18f: {  	[tilespmem:s17], [sflag:$0x1] =	stream.strided.gather [hbm4b:s29+s9], $0x4000, s22, s9, $0x38;
	[tilespmem:$0x1C200] =	vst v63  }
0x190: {  	_ =	swait.ge [sflag:s19], $0x4000  }
0x191: {  	[sflag:s19] =	ssyncset.done $0x0  }
0x192: {  	[sflag:s19] =	ssyncadd.s32 $0xFFFFC000  }
0x193: {  	[spmem:s2] =	stream.indirect.scatter.add.f32 [tilespmem:s13], [sflag:$0x3], $0x80, s21, s14, $0xb8;
	[tilespmem:$0x1C200] =	vst v63  }
0x194: {  	_ =	swait.ge [sflag:s6], $0x4000  }
0x195: {  	[sflag:s6] =	ssyncset.done $0x0  }
0x196: {  	s29 =	rddreg [dreg:$0x11];
	[sflag:s6] =	ssyncadd.s32 $0xFFFFC000  }
0x197: {  	[tilespmem:s13], [sflag:$0x2] =	stream.strided.gather [hbm4b:s29+s9], $0x4000, s22, s9, $0x38;
	[tilespmem:$0x1C200] =	vst v63  }
0x198: {  	_ =	swait.ge [sflag:s24], $0x4000  }
0x199: {  	[sflag:s24] =	ssyncset.done $0x0  }
0x19a: {  	[sflag:s24] =	ssyncadd.s32 $0xFFFFC000  }
0x19b: {  	[spmem:s2] =	stream.indirect.scatter.add.f32 [tilespmem:s17], [sflag:$0x3], $0x80, s15, s14, $0xb8;
	[tilespmem:$0x1C200] =	vst v63  }
0x19c: {  	_ =	swait.ge [sflag:s6], $0x4000  }
0x19d: {  	[sflag:s6] =	ssyncset.done $0x0  }
0x19e: {  	[sflag:s6] =	ssyncadd.s32 $0xFFFFC000  }
0x19f: {  	_ =	swait.ge [sflag:s19], $0x4000  }
0x1a0: {  	[sflag:s19] =	ssyncset.done $0x0  }
0x1a1: {  	[sflag:s19] =	ssyncadd.s32 $0xFFFFC000  }
0x1a2: {  	[spmem:s2] =	stream.indirect.scatter.add.f32 [tilespmem:s13], [sflag:$0x3], $0x80, s10, s14, $0xb8;
	[tilespmem:$0x1C200] =	vst v63  }
0x1a3: {  	_ =	swait.ge [sflag:s6], $0x4000  }
0x1a4: {  	[sflag:s6] =	ssyncset.done $0x0  }
0x1a5: {  	[sflag:s6] =	ssyncadd.s32 $0xFFFFC000  }
0x1a6: {  	[bflag:$0x0] =	sbarrier.arrive $0xFFFF  }
0x1a7: {  	s29 =	rddreg [dreg:$0x12]  }
0x1a8: {  	[hbm:s29@s9], [sflag:s30] =	dma.strided [spmem:s31@s14], $0x2000, s16, $0x10   }
0x1a9: {  	_ =	swait.ge [sflag:s6], $0x2000  }
0x1aa: {  	[sflag:s6] =	ssyncset.done $0x0  }
0x1ab: {  	[sflag:s6] =	ssyncadd.s32 $0xFFFFE000  }
0x1ac: {  	[spmem:s5] =	stream.linear.scatter [tilespmem:s3], [sflag:$0x3], $0x4000, $0x38;
	[tilespmem:$0x1C200] =	vst v63  }
0x1ad: {  	_ =	swait.ge [sflag:s6], $0x4000  }
0x1ae: {  	[sflag:s6] =	ssyncset.done $0x0  }
0x1af: {  	[sflag:s6] =	ssyncadd.s32 $0xFFFFC000  }
0x1b0: {  	[spmem:s4] =	stream.linear.scatter [tilespmem:s3], [sflag:$0x3], $0x4000, $0x38;
	[tilespmem:$0x1C200] =	vst v63  }
0x1b1: {  	_ =	swait.ge [sflag:s6], $0x4000  }
0x1b2: {  	[sflag:s6] =	ssyncset.done $0x0  }
0x1b3: {  	[sflag:s6] =	ssyncadd.s32 $0xFFFFC000  }
0x1b4: {  	[spmem:s8] =	stream.linear.scatter [tilespmem:s3], [sflag:$0x3], $0x4000, $0x38;
	[tilespmem:$0x1C200] =	vst v63  }
0x1b5: {  	_ =	swait.ge [sflag:s6], $0x4000  }
0x1b6: {  	[sflag:s6] =	ssyncset.done $0x0  }
0x1b7: {  	[sflag:s6] =	ssyncadd.s32 $0xFFFFC000  }
0x1b8: {  	[spmem:s11] =	stream.linear.scatter [tilespmem:s3], [sflag:$0x3], $0x4000, $0x38;
	[tilespmem:$0x1C200] =	vst v63  }
0x1b9: {  	_ =	swait.ge [sflag:s6], $0x4000  }
0x1ba: {  	[sflag:s6] =	ssyncset.done $0x0  }
0x1bb: {  	[sflag:s6] =	ssyncadd.s32 $0xFFFFC000  }
0x1bc: {  	[bflag:$0x0] =	sbarrier.arrive $0xFFFF  }
0x1bd: {  	s1 =	rddreg [dreg:$0x13]  }
0x1be: {  	[tilespmem:s17], [sflag:$0x1] =	stream.strided.gather [hbm4b:s1+s9], $0x4000, s22, s9, $0x38;
	[tilespmem:$0x1C200] =	vst v63  }
0x1bf: {  	s29 =	rddreg [dreg:$0x14]  }
0x1c0: {  	[tilespmem:s13], [sflag:$0x2] =	stream.strided.gather [hbm4b:s29+s9], $0x4000, s22, s9, $0x38;
	[tilespmem:$0x1C200] =	vst v63  }
0x1c1: {  	_ =	swait.ge [sflag:s24], $0x4000  }
0x1c2: {  	[sflag:s24] =	ssyncset.done $0x0  }
0x1c3: {  	[sflag:s24] =	ssyncadd.s32 $0xFFFFC000  }
0x1c4: {  	[spmem:s2] =	stream.indirect.scatter.add.f32 [tilespmem:s17], [sflag:$0x3], $0x80, s25, s14, $0xb8;
	[tilespmem:$0x1C200] =	vst v63  }
0x1c5: {  	_ =	swait.ge [sflag:s6], $0x4000  }
0x1c6: {  	[sflag:s6] =	ssyncset.done $0x0  }
0x1c7: {  	s29 =	rddreg [dreg:$0x15];
	[sflag:s6] =	ssyncadd.s32 $0xFFFFC000  }
0x1c8: {  	[tilespmem:s17], [sflag:$0x1] =	stream.strided.gather [hbm4b:s29+s9], $0x4000, s22, s9, $0x38;
	[tilespmem:$0x1C200] =	vst v63  }
0x1c9: {  	_ =	swait.ge [sflag:s19], $0x4000  }
0x1ca: {  	[sflag:s19] =	ssyncset.done $0x0  }
0x1cb: {  	[sflag:s19] =	ssyncadd.s32 $0xFFFFC000  }
0x1cc: {  	[spmem:s2] =	stream.indirect.scatter.add.f32 [tilespmem:s13], [sflag:$0x3], $0x80, s21, s14, $0xb8;
	[tilespmem:$0x1C200] =	vst v63  }
0x1cd: {  	_ =	swait.ge [sflag:s6], $0x4000  }
0x1ce: {  	[sflag:s6] =	ssyncset.done $0x0  }
0x1cf: {  	[sflag:s6] =	ssyncadd.s32 $0xFFFFC000  }
0x1d0: {  	[tilespmem:s13], [sflag:$0x2] =	stream.strided.gather [hbm4b:s28+s9], $0x4000, s22, s9, $0x38;
	[tilespmem:$0x1C200] =	vst v63  }
0x1d1: {  	_ =	swait.ge [sflag:s24], $0x4000  }
0x1d2: {  	[sflag:s24] =	ssyncset.done $0x0  }
0x1d3: {  	[sflag:s24] =	ssyncadd.s32 $0xFFFFC000  }
0x1d4: {  	[spmem:s2] =	stream.indirect.scatter.add.f32 [tilespmem:s17], [sflag:$0x3], $0x80, s15, s14, $0xb8;
	[tilespmem:$0x1C200] =	vst v63  }
0x1d5: {  	_ =	swait.ge [sflag:s6], $0x4000  }
0x1d6: {  	[sflag:s6] =	ssyncset.done $0x0  }
0x1d7: {  	[sflag:s6] =	ssyncadd.s32 $0xFFFFC000  }
0x1d8: {  	_ =	swait.ge [sflag:s19], $0x4000  }
0x1d9: {  	[sflag:s19] =	ssyncset.done $0x0  }
0x1da: {  	[sflag:s19] =	ssyncadd.s32 $0xFFFFC000  }
0x1db: {  	[spmem:s2] =	stream.indirect.scatter.add.f32 [tilespmem:s13], [sflag:$0x3], $0x80, s10, s14, $0xb8;
	[tilespmem:$0x1C200] =	vst v63  }
0x1dc: {  	_ =	swait.ge [sflag:s6], $0x4000  }
0x1dd: {  	[sflag:s6] =	ssyncset.done $0x0  }
0x1de: {  	[sflag:s6] =	ssyncadd.s32 $0xFFFFC000  }
0x1df: {  	[bflag:$0x0] =	sbarrier.arrive $0xFFFF  }
0x1e0: {  	[hbm:s26@s9], [sflag:s30] =	dma.strided [spmem:s31@s14], $0x2000, s16, $0x10   }
0x1e1: {  	_ =	swait.ge [sflag:s6], $0x2000  }
0x1e2: {  	[sflag:s6] =	ssyncset.done $0x0  }
0x1e3: {  	[sflag:s6] =	ssyncadd.s32 $0xFFFFE000  }
0x1e4: {  	[spmem:s5] =	stream.linear.scatter [tilespmem:s3], [sflag:$0x3], $0x4000, $0x38;
	[tilespmem:$0x1C200] =	vst v63  }
0x1e5: {  	_ =	swait.ge [sflag:s6], $0x4000  }
0x1e6: {  	[sflag:s6] =	ssyncset.done $0x0  }
0x1e7: {  	[sflag:s6] =	ssyncadd.s32 $0xFFFFC000  }
0x1e8: {  	[spmem:s4] =	stream.linear.scatter [tilespmem:s3], [sflag:$0x3], $0x4000, $0x38;
	[tilespmem:$0x1C200] =	vst v63  }
0x1e9: {  	_ =	swait.ge [sflag:s6], $0x4000  }
0x1ea: {  	[sflag:s6] =	ssyncset.done $0x0  }
0x1eb: {  	[sflag:s6] =	ssyncadd.s32 $0xFFFFC000  }
0x1ec: {  	[spmem:s8] =	stream.linear.scatter [tilespmem:s3], [sflag:$0x3], $0x4000, $0x38;
	[tilespmem:$0x1C200] =	vst v63  }
0x1ed: {  	_ =	swait.ge [sflag:s6], $0x4000  }
0x1ee: {  	[sflag:s6] =	ssyncset.done $0x0  }
0x1ef: {  	[sflag:s6] =	ssyncadd.s32 $0xFFFFC000  }
0x1f0: {  	[spmem:s11] =	stream.linear.scatter [tilespmem:s3], [sflag:$0x3], $0x4000, $0x38;
	[tilespmem:$0x1C200] =	vst v63  }
0x1f1: {  	_ =	swait.ge [sflag:s6], $0x4000  }
0x1f2: {  	[sflag:s6] =	ssyncset.done $0x0  }
0x1f3: {  	[sflag:s6] =	ssyncadd.s32 $0xFFFFC000  }
0x1f4: {  	[bflag:$0x0] =	sbarrier.arrive $0xFFFF  }
0x1f5: {  	[tilespmem:s17], [sflag:$0x1] =	stream.strided.gather [hbm4b:s20+s9], $0x4000, s22, s9, $0x38;
	[tilespmem:$0x1C200] =	vst v63  }
0x1f6: {  	_ = 	snop  }
0x1f7: {  	[tilespmem:s13], [sflag:$0x2] =	stream.strided.gather [hbm4b:s23+s9], $0x4000, s22, s9, $0x38;
	[tilespmem:$0x1C200] =	vst v63  }
0x1f8: {  	_ =	swait.ge [sflag:s24], $0x4000  }
0x1f9: {  	[sflag:s24] =	ssyncset.done $0x0  }
0x1fa: {  	[sflag:s24] =	ssyncadd.s32 $0xFFFFC000  }
0x1fb: {  	[spmem:s2] =	stream.indirect.scatter.add.f32 [tilespmem:s17], [sflag:$0x3], $0x80, s25, s14, $0xb8;
	[tilespmem:$0x1C200] =	vst v63  }
0x1fc: {  	_ =	swait.ge [sflag:s6], $0x4000  }
0x1fd: {  	[sflag:s6] =	ssyncset.done $0x0  }
0x1fe: {  	[sflag:s6] =	ssyncadd.s32 $0xFFFFC000  }
0x1ff: {  	[tilespmem:s17], [sflag:$0x1] =	stream.strided.gather [hbm4b:s18+s9], $0x4000, s22, s9, $0x38;
	[tilespmem:$0x1C200] =	vst v63  }
0x200: {  	_ =	swait.ge [sflag:s19], $0x4000  }
0x201: {  	[sflag:s19] =	ssyncset.done $0x0  }
0x202: {  	[sflag:s19] =	ssyncadd.s32 $0xFFFFC000  }
0x203: {  	[spmem:s2] =	stream.indirect.scatter.add.f32 [tilespmem:s13], [sflag:$0x3], $0x80, s21, s14, $0xb8;
	[tilespmem:$0x1C200] =	vst v63  }
0x204: {  	_ =	swait.ge [sflag:s6], $0x4000  }
0x205: {  	[sflag:s6] =	ssyncset.done $0x0  }
0x206: {  	[sflag:s6] =	ssyncadd.s32 $0xFFFFC000  }
0x207: {  	[tilespmem:s13], [sflag:$0x2] =	stream.strided.gather [hbm4b:s12+s9], $0x4000, s22, s9, $0x38;
	[tilespmem:$0x1C200] =	vst v63  }
0x208: {  	_ =	swait.ge [sflag:s24], $0x4000  }
0x209: {  	[sflag:s24] =	ssyncset.done $0x0  }
0x20a: {  	[sflag:s24] =	ssyncadd.s32 $0xFFFFC000  }
0x20b: {  	[spmem:s2] =	stream.indirect.scatter.add.f32 [tilespmem:s17], [sflag:$0x3], $0x80, s15, s14, $0xb8;
	[tilespmem:$0x1C200] =	vst v63  }
0x20c: {  	_ =	swait.ge [sflag:s6], $0x4000  }
0x20d: {  	[sflag:s6] =	ssyncset.done $0x0  }
0x20e: {  	[sflag:s6] =	ssyncadd.s32 $0xFFFFC000  }
0x20f: {  	_ =	swait.ge [sflag:s19], $0x4000  }
0x210: {  	[sflag:s19] =	ssyncset.done $0x0  }
0x211: {  	[sflag:s19] =	ssyncadd.s32 $0xFFFFC000  }
0x212: {  	[spmem:s2] =	stream.indirect.scatter.add.f32 [tilespmem:s13], [sflag:$0x3], $0x80, s10, s14, $0xb8;
	[tilespmem:$0x1C200] =	vst v63  }
0x213: {  	_ =	swait.ge [sflag:s6], $0x4000  }
0x214: {  	p1 =	sne.s32 s0, $0x1;
	[sflag:s6] =	ssyncset.done $0x0  }
.Ltmp2:
0x215: {  	[sflag:s6] =	ssyncadd.s32 $0xFFFFC000;
	(pc) =	sbr.rel @p1 .LBB2_3-.Ltmp2, $4  }
0x216: {  	[bflag:$0x0] =	sbarrier.arrive $0xFFFF  }
0x217: {  	[hbm:s7@s9], [sflag:s30] =	dma.strided [spmem:s31@s14], $0x2000, s16, $0x10   }
0x218: {  	_ =	swait.ge [sflag:s6], $0x2000  }
0x219: {  	s0 =	sadd.s32 $0xFFFFFFFF, s0;
	s1 =	rddreg [dreg:$0x4];
	[sflag:s6] =	ssyncset.done $0x0  }
0x21a: {  	s31 =	rddreg [dreg:$0x3]  }
0x21b: {  	s29 =	rddreg [dreg:$0x16]  }
.LBB2_5:
0x21c: {  	[sflag:s6] =	ssyncadd.s32 @p0 $0xFFFFE000  }
0x21d: {  	[tilespmem:s3], [sflag:$0x3] =	stream.linear.gather [hbm4b:s1+s3], $0x4000, $0x38;
	[tilespmem:$0x1C200] =	vst v63  }
0x21e: {  	_ =	swait.ge [sflag:s6], $0x4000  }
0x21f: {  	[sflag:s6] =	ssyncset.done $0x0  }
0x220: {  	s0 =	rddreg [dreg:$0x5];
	[sflag:s6] =	ssyncadd.s32 $0xFFFFC000  }
0x221: {  	[tilespmem:s25], [sflag:$0x3] =	stream.linear.gather [hbm4b:s0+s3], $0x80, $0x38;
	[tilespmem:$0x1C200] =	vst v63  }
0x222: {  	_ =	swait.ge [sflag:s6], $0x80  }
0x223: {  	[sflag:s6] =	ssyncset.done $0x0  }
0x224: {  	s30 =	rddreg [dreg:$0x6];
	[sflag:s6] =	ssyncadd.s32 $0xFFFFFF80  }
0x225: {  	[tilespmem:s21], [sflag:$0x3] =	stream.linear.gather [hbm4b:s30+s3], $0x80, $0x38;
	[tilespmem:$0x1C200] =	vst v63  }
0x226: {  	_ =	swait.ge [sflag:s6], $0x80  }
0x227: {  	[sflag:s6] =	ssyncset.done $0x0  }
0x228: {  	s1 =	rddreg [dreg:$0x7];
	[sflag:s6] =	ssyncadd.s32 $0xFFFFFF80  }
0x229: {  	[tilespmem:s15], [sflag:$0x3] =	stream.linear.gather [hbm4b:s1+s3], $0x80, $0x38;
	[tilespmem:$0x1C200] =	vst v63  }
0x22a: {  	_ =	swait.ge [sflag:s6], $0x80  }
0x22b: {  	[sflag:s6] =	ssyncset.done $0x0  }
0x22c: {  	s30 =	rddreg [dreg:$0x8];
	[sflag:s6] =	ssyncadd.s32 $0xFFFFFF80  }
0x22d: {  	[tilespmem:s10], [sflag:$0x3] =	stream.linear.gather [hbm4b:s30+s3], $0x80, $0x38;
	[tilespmem:$0x1C200] =	vst v63  }
0x22e: {  	_ =	swait.ge [sflag:s6], $0x80  }
0x22f: {  	[sflag:s6] =	ssyncset.done $0x0  }
0x230: {  	[sflag:s6] =	ssyncadd.s32 $0xFFFFFF80  }
0x231: {  	[spmem:s5] =	stream.linear.scatter [tilespmem:s3], [sflag:$0x3], $0x4000, $0x38;
	[tilespmem:$0x1C200] =	vst v63  }
0x232: {  	_ =	swait.ge [sflag:s6], $0x4000  }
0x233: {  	[sflag:s6] =	ssyncset.done $0x0  }
0x234: {  	[sflag:s6] =	ssyncadd.s32 $0xFFFFC000  }
0x235: {  	[spmem:s4] =	stream.linear.scatter [tilespmem:s3], [sflag:$0x3], $0x4000, $0x38;
	[tilespmem:$0x1C200] =	vst v63  }
0x236: {  	_ =	swait.ge [sflag:s6], $0x4000  }
0x237: {  	[sflag:s6] =	ssyncset.done $0x0  }
0x238: {  	[sflag:s6] =	ssyncadd.s32 $0xFFFFC000  }
0x239: {  	[spmem:s8] =	stream.linear.scatter [tilespmem:s3], [sflag:$0x3], $0x4000, $0x38;
	[tilespmem:$0x1C200] =	vst v63  }
0x23a: {  	_ =	swait.ge [sflag:s6], $0x4000  }
0x23b: {  	[sflag:s6] =	ssyncset.done $0x0  }
0x23c: {  	[sflag:s6] =	ssyncadd.s32 $0xFFFFC000  }
0x23d: {  	[spmem:s11] =	stream.linear.scatter [tilespmem:s3], [sflag:$0x3], $0x4000, $0x38;
	[tilespmem:$0x1C200] =	vst v63  }
0x23e: {  	_ =	swait.ge [sflag:s6], $0x4000  }
0x23f: {  	[sflag:s6] =	ssyncset.done $0x0  }
0x240: {  	[sflag:s6] =	ssyncadd.s32 $0xFFFFC000  }
0x241: {  	[bflag:$0x0] =	sbarrier.arrive $0xFFFF  }
0x242: {  	s1 =	rddreg [dreg:$0x9]  }
0x243: {  	[tilespmem:s17], [sflag:$0x1] =	stream.strided.gather [hbm4b:s1+s9], $0x4000, s22, s9, $0x38;
	[tilespmem:$0x1C200] =	vst v63  }
0x244: {  	s30 =	rddreg [dreg:$0xa]  }
0x245: {  	[tilespmem:s13], [sflag:$0x2] =	stream.strided.gather [hbm4b:s30+s9], $0x4000, s22, s9, $0x38;
	[tilespmem:$0x1C200] =	vst v63  }
0x246: {  	_ =	swait.ge [sflag:s24], $0x4000  }
0x247: {  	[sflag:s24] =	ssyncset.done $0x0  }
0x248: {  	[sflag:s24] =	ssyncadd.s32 $0xFFFFC000  }
0x249: {  	[spmem:s2] =	stream.indirect.scatter.add.f32 [tilespmem:s17], [sflag:$0x3], $0x80, s25, s14, $0xb8;
	[tilespmem:$0x1C200] =	vst v63  }
0x24a: {  	_ =	swait.ge [sflag:s6], $0x4000  }
0x24b: {  	[sflag:s6] =	ssyncset.done $0x0  }
0x24c: {  	s30 =	rddreg [dreg:$0xb];
	[sflag:s6] =	ssyncadd.s32 $0xFFFFC000  }
0x24d: {  	[tilespmem:s17], [sflag:$0x1] =	stream.strided.gather [hbm4b:s30+s9], $0x4000, s22, s9, $0x38;
	[tilespmem:$0x1C200] =	vst v63  }
0x24e: {  	_ =	swait.ge [sflag:s19], $0x4000  }
0x24f: {  	[sflag:s19] =	ssyncset.done $0x0  }
0x250: {  	[sflag:s19] =	ssyncadd.s32 $0xFFFFC000  }
0x251: {  	[spmem:s2] =	stream.indirect.scatter.add.f32 [tilespmem:s13], [sflag:$0x3], $0x80, s21, s14, $0xb8;
	[tilespmem:$0x1C200] =	vst v63  }
0x252: {  	_ =	swait.ge [sflag:s6], $0x4000  }
0x253: {  	[sflag:s6] =	ssyncset.done $0x0  }
0x254: {  	s1 =	rddreg [dreg:$0xc];
	[sflag:s6] =	ssyncadd.s32 $0xFFFFC000  }
0x255: {  	[tilespmem:s13], [sflag:$0x2] =	stream.strided.gather [hbm4b:s1+s9], $0x4000, s22, s9, $0x38;
	[tilespmem:$0x1C200] =	vst v63  }
0x256: {  	_ =	swait.ge [sflag:s24], $0x4000  }
0x257: {  	[sflag:s24] =	ssyncset.done $0x0  }
0x258: {  	[sflag:s24] =	ssyncadd.s32 $0xFFFFC000  }
0x259: {  	[spmem:s2] =	stream.indirect.scatter.add.f32 [tilespmem:s17], [sflag:$0x3], $0x80, s15, s14, $0xb8;
	[tilespmem:$0x1C200] =	vst v63  }
0x25a: {  	_ =	swait.ge [sflag:s6], $0x4000  }
0x25b: {  	[sflag:s6] =	ssyncset.done $0x0  }
0x25c: {  	[sflag:s6] =	ssyncadd.s32 $0xFFFFC000  }
0x25d: {  	_ =	swait.ge [sflag:s19], $0x4000  }
0x25e: {  	[sflag:s19] =	ssyncset.done $0x0  }
0x25f: {  	[sflag:s19] =	ssyncadd.s32 $0xFFFFC000  }
0x260: {  	[spmem:s2] =	stream.indirect.scatter.add.f32 [tilespmem:s13], [sflag:$0x3], $0x80, s10, s14, $0xb8;
	[tilespmem:$0x1C200] =	vst v63  }
0x261: {  	_ =	swait.ge [sflag:s6], $0x4000  }
0x262: {  	[sflag:s6] =	ssyncset.done $0x0  }
0x263: {  	[sflag:s6] =	ssyncadd.s32 $0xFFFFC000  }
0x264: {  	[bflag:$0x0] =	sbarrier.arrive $0xFFFF  }
0x265: {  	s0 =	sor.u32 $0x1C03, s29;
	s29 =	sshrl.u32 s5, $0x3;
	s30 =	rddreg [dreg:$0xd]  }
0x266: {  	[hbm:s30@s9], [sflag:s0] =	dma.strided [spmem:s29@s14], $0x2000, s16, $0x10   }
0x267: {  	_ =	swait.ge [sflag:s6], $0x2000  }
0x268: {  	[sflag:s6] =	ssyncset.done $0x0  }
0x269: {  	[sflag:s6] =	ssyncadd.s32 $0xFFFFE000  }
0x26a: {  	[spmem:s5] =	stream.linear.scatter [tilespmem:s3], [sflag:$0x3], $0x4000, $0x38;
	[tilespmem:$0x1C200] =	vst v63  }
0x26b: {  	_ =	swait.ge [sflag:s6], $0x4000  }
0x26c: {  	[sflag:s6] =	ssyncset.done $0x0  }
0x26d: {  	[sflag:s6] =	ssyncadd.s32 $0xFFFFC000  }
0x26e: {  	[spmem:s4] =	stream.linear.scatter [tilespmem:s3], [sflag:$0x3], $0x4000, $0x38;
	[tilespmem:$0x1C200] =	vst v63  }
0x26f: {  	_ =	swait.ge [sflag:s6], $0x4000  }
0x270: {  	[sflag:s6] =	ssyncset.done $0x0  }
0x271: {  	[sflag:s6] =	ssyncadd.s32 $0xFFFFC000  }
0x272: {  	[spmem:s8] =	stream.linear.scatter [tilespmem:s3], [sflag:$0x3], $0x4000, $0x38;
	[tilespmem:$0x1C200] =	vst v63  }
0x273: {  	_ =	swait.ge [sflag:s6], $0x4000  }
0x274: {  	[sflag:s6] =	ssyncset.done $0x0  }
0x275: {  	[sflag:s6] =	ssyncadd.s32 $0xFFFFC000  }
0x276: {  	[spmem:s11] =	stream.linear.scatter [tilespmem:s3], [sflag:$0x3], $0x4000, $0x38;
	[tilespmem:$0x1C200] =	vst v63  }
0x277: {  	_ =	swait.ge [sflag:s6], $0x4000  }
0x278: {  	[sflag:s6] =	ssyncset.done $0x0  }
0x279: {  	[sflag:s6] =	ssyncadd.s32 $0xFFFFC000  }
0x27a: {  	[bflag:$0x0] =	sbarrier.arrive $0xFFFF  }
0x27b: {  	s1 =	rddreg [dreg:$0xe]  }
0x27c: {  	[tilespmem:s17], [sflag:$0x1] =	stream.strided.gather [hbm4b:s1+s9], $0x4000, s22, s9, $0x38;
	[tilespmem:$0x1C200] =	vst v63  }
0x27d: {  	s30 =	rddreg [dreg:$0xf]  }
0x27e: {  	[tilespmem:s13], [sflag:$0x2] =	stream.strided.gather [hbm4b:s30+s9], $0x4000, s22, s9, $0x38;
	[tilespmem:$0x1C200] =	vst v63  }
0x27f: {  	_ =	swait.ge [sflag:s24], $0x4000  }
0x280: {  	[sflag:s24] =	ssyncset.done $0x0  }
0x281: {  	[sflag:s24] =	ssyncadd.s32 $0xFFFFC000  }
0x282: {  	[spmem:s2] =	stream.indirect.scatter.add.f32 [tilespmem:s17], [sflag:$0x3], $0x80, s25, s14, $0xb8;
	[tilespmem:$0x1C200] =	vst v63  }
0x283: {  	_ =	swait.ge [sflag:s6], $0x4000  }
0x284: {  	[sflag:s6] =	ssyncset.done $0x0  }
0x285: {  	s30 =	rddreg [dreg:$0x10];
	[sflag:s6] =	ssyncadd.s32 $0xFFFFC000  }
0x286: {  	[tilespmem:s17], [sflag:$0x1] =	stream.strided.gather [hbm4b:s30+s9], $0x4000, s22, s9, $0x38;
	[tilespmem:$0x1C200] =	vst v63  }
0x287: {  	_ =	swait.ge [sflag:s19], $0x4000  }
0x288: {  	[sflag:s19] =	ssyncset.done $0x0  }
0x289: {  	[sflag:s19] =	ssyncadd.s32 $0xFFFFC000  }
0x28a: {  	[spmem:s2] =	stream.indirect.scatter.add.f32 [tilespmem:s13], [sflag:$0x3], $0x80, s21, s14, $0xb8;
	[tilespmem:$0x1C200] =	vst v63  }
0x28b: {  	_ =	swait.ge [sflag:s6], $0x4000  }
0x28c: {  	[sflag:s6] =	ssyncset.done $0x0  }
0x28d: {  	s30 =	rddreg [dreg:$0x11];
	[sflag:s6] =	ssyncadd.s32 $0xFFFFC000  }
0x28e: {  	[tilespmem:s13], [sflag:$0x2] =	stream.strided.gather [hbm4b:s30+s9], $0x4000, s22, s9, $0x38;
	[tilespmem:$0x1C200] =	vst v63  }
0x28f: {  	_ =	swait.ge [sflag:s24], $0x4000  }
0x290: {  	[sflag:s24] =	ssyncset.done $0x0  }
0x291: {  	[sflag:s24] =	ssyncadd.s32 $0xFFFFC000  }
0x292: {  	[spmem:s2] =	stream.indirect.scatter.add.f32 [tilespmem:s17], [sflag:$0x3], $0x80, s15, s14, $0xb8;
	[tilespmem:$0x1C200] =	vst v63  }
0x293: {  	_ =	swait.ge [sflag:s6], $0x4000  }
0x294: {  	[sflag:s6] =	ssyncset.done $0x0  }
0x295: {  	[sflag:s6] =	ssyncadd.s32 $0xFFFFC000  }
0x296: {  	_ =	swait.ge [sflag:s19], $0x4000  }
0x297: {  	[sflag:s19] =	ssyncset.done $0x0  }
0x298: {  	[sflag:s19] =	ssyncadd.s32 $0xFFFFC000  }
0x299: {  	[spmem:s2] =	stream.indirect.scatter.add.f32 [tilespmem:s13], [sflag:$0x3], $0x80, s10, s14, $0xb8;
	[tilespmem:$0x1C200] =	vst v63  }
0x29a: {  	_ =	swait.ge [sflag:s6], $0x4000  }
0x29b: {  	[sflag:s6] =	ssyncset.done $0x0  }
0x29c: {  	[sflag:s6] =	ssyncadd.s32 $0xFFFFC000  }
0x29d: {  	[bflag:$0x0] =	sbarrier.arrive $0xFFFF  }
0x29e: {  	s30 =	rddreg [dreg:$0x12]  }
0x29f: {  	[hbm:s30@s9], [sflag:s0] =	dma.strided [spmem:s29@s14], $0x2000, s16, $0x10   }
0x2a0: {  	_ =	swait.ge [sflag:s6], $0x2000  }
0x2a1: {  	[sflag:s6] =	ssyncset.done $0x0  }
0x2a2: {  	[sflag:s6] =	ssyncadd.s32 $0xFFFFE000  }
0x2a3: {  	[spmem:s5] =	stream.linear.scatter [tilespmem:s3], [sflag:$0x3], $0x4000, $0x38;
	[tilespmem:$0x1C200] =	vst v63  }
0x2a4: {  	_ =	swait.ge [sflag:s6], $0x4000  }
0x2a5: {  	[sflag:s6] =	ssyncset.done $0x0  }
0x2a6: {  	[sflag:s6] =	ssyncadd.s32 $0xFFFFC000  }
0x2a7: {  	[spmem:s4] =	stream.linear.scatter [tilespmem:s3], [sflag:$0x3], $0x4000, $0x38;
	[tilespmem:$0x1C200] =	vst v63  }
0x2a8: {  	_ =	swait.ge [sflag:s6], $0x4000  }
0x2a9: {  	[sflag:s6] =	ssyncset.done $0x0  }
0x2aa: {  	[sflag:s6] =	ssyncadd.s32 $0xFFFFC000  }
0x2ab: {  	[spmem:s8] =	stream.linear.scatter [tilespmem:s3], [sflag:$0x3], $0x4000, $0x38;
	[tilespmem:$0x1C200] =	vst v63  }
0x2ac: {  	_ =	swait.ge [sflag:s6], $0x4000  }
0x2ad: {  	[sflag:s6] =	ssyncset.done $0x0  }
0x2ae: {  	[sflag:s6] =	ssyncadd.s32 $0xFFFFC000  }
0x2af: {  	[spmem:s11] =	stream.linear.scatter [tilespmem:s3], [sflag:$0x3], $0x4000, $0x38;
	[tilespmem:$0x1C200] =	vst v63  }
0x2b0: {  	_ =	swait.ge [sflag:s6], $0x4000  }
0x2b1: {  	[sflag:s6] =	ssyncset.done $0x0  }
0x2b2: {  	[sflag:s6] =	ssyncadd.s32 $0xFFFFC000  }
0x2b3: {  	[bflag:$0x0] =	sbarrier.arrive $0xFFFF  }
0x2b4: {  	s1 =	rddreg [dreg:$0x13]  }
0x2b5: {  	[tilespmem:s17], [sflag:$0x1] =	stream.strided.gather [hbm4b:s1+s9], $0x4000, s22, s9, $0x38;
	[tilespmem:$0x1C200] =	vst v63  }
0x2b6: {  	s30 =	rddreg [dreg:$0x14]  }
0x2b7: {  	[tilespmem:s13], [sflag:$0x2] =	stream.strided.gather [hbm4b:s30+s9], $0x4000, s22, s9, $0x38;
	[tilespmem:$0x1C200] =	vst v63  }
0x2b8: {  	_ =	swait.ge [sflag:s24], $0x4000  }
0x2b9: {  	[sflag:s24] =	ssyncset.done $0x0  }
0x2ba: {  	[sflag:s24] =	ssyncadd.s32 $0xFFFFC000  }
0x2bb: {  	[spmem:s2] =	stream.indirect.scatter.add.f32 [tilespmem:s17], [sflag:$0x3], $0x80, s25, s14, $0xb8;
	[tilespmem:$0x1C200] =	vst v63  }
0x2bc: {  	_ =	swait.ge [sflag:s6], $0x4000  }
0x2bd: {  	[sflag:s6] =	ssyncset.done $0x0  }
0x2be: {  	s30 =	rddreg [dreg:$0x15];
	[sflag:s6] =	ssyncadd.s32 $0xFFFFC000  }
0x2bf: {  	[tilespmem:s17], [sflag:$0x1] =	stream.strided.gather [hbm4b:s30+s9], $0x4000, s22, s9, $0x38;
	[tilespmem:$0x1C200] =	vst v63  }
0x2c0: {  	_ =	swait.ge [sflag:s19], $0x4000  }
0x2c1: {  	[sflag:s19] =	ssyncset.done $0x0  }
0x2c2: {  	[sflag:s19] =	ssyncadd.s32 $0xFFFFC000  }
0x2c3: {  	[spmem:s2] =	stream.indirect.scatter.add.f32 [tilespmem:s13], [sflag:$0x3], $0x80, s21, s14, $0xb8;
	[tilespmem:$0x1C200] =	vst v63  }
0x2c4: {  	_ =	swait.ge [sflag:s6], $0x4000  }
0x2c5: {  	[sflag:s6] =	ssyncset.done $0x0  }
0x2c6: {  	[sflag:s6] =	ssyncadd.s32 $0xFFFFC000  }
0x2c7: {  	[tilespmem:s13], [sflag:$0x2] =	stream.strided.gather [hbm4b:s28+s9], $0x4000, s22, s9, $0x38;
	[tilespmem:$0x1C200] =	vst v63  }
0x2c8: {  	_ =	swait.ge [sflag:s24], $0x4000  }
0x2c9: {  	[sflag:s24] =	ssyncset.done $0x0  }
0x2ca: {  	[sflag:s24] =	ssyncadd.s32 $0xFFFFC000  }
0x2cb: {  	[spmem:s2] =	stream.indirect.scatter.add.f32 [tilespmem:s17], [sflag:$0x3], $0x80, s15, s14, $0xb8;
	[tilespmem:$0x1C200] =	vst v63  }
0x2cc: {  	_ =	swait.ge [sflag:s6], $0x4000  }
0x2cd: {  	[sflag:s6] =	ssyncset.done $0x0  }
0x2ce: {  	[sflag:s6] =	ssyncadd.s32 $0xFFFFC000  }
0x2cf: {  	_ =	swait.ge [sflag:s19], $0x4000  }
0x2d0: {  	[sflag:s19] =	ssyncset.done $0x0  }
0x2d1: {  	[sflag:s19] =	ssyncadd.s32 $0xFFFFC000  }
0x2d2: {  	[spmem:s2] =	stream.indirect.scatter.add.f32 [tilespmem:s13], [sflag:$0x3], $0x80, s10, s14, $0xb8;
	[tilespmem:$0x1C200] =	vst v63  }
0x2d3: {  	_ =	swait.ge [sflag:s6], $0x4000  }
0x2d4: {  	[sflag:s6] =	ssyncset.done $0x0  }
0x2d5: {  	[sflag:s6] =	ssyncadd.s32 $0xFFFFC000  }
0x2d6: {  	[bflag:$0x0] =	sbarrier.arrive $0xFFFF  }
0x2d7: {  	[hbm:s26@s9], [sflag:s0] =	dma.strided [spmem:s29@s14], $0x2000, s16, $0x10   }
0x2d8: {  	_ =	swait.ge [sflag:s6], $0x2000  }
0x2d9: {  	[sflag:s6] =	ssyncset.done $0x0  }
0x2da: {  	[sflag:s6] =	ssyncadd.s32 $0xFFFFE000  }
0x2db: {  	[spmem:s5] =	stream.linear.scatter [tilespmem:s3], [sflag:$0x3], $0x4000, $0x38;
	[tilespmem:$0x1C200] =	vst v63  }
0x2dc: {  	_ =	swait.ge [sflag:s6], $0x4000  }
0x2dd: {  	[sflag:s6] =	ssyncset.done $0x0  }
0x2de: {  	[sflag:s6] =	ssyncadd.s32 $0xFFFFC000  }
0x2df: {  	[spmem:s4] =	stream.linear.scatter [tilespmem:s3], [sflag:$0x3], $0x4000, $0x38;
	[tilespmem:$0x1C200] =	vst v63  }
0x2e0: {  	_ =	swait.ge [sflag:s6], $0x4000  }
0x2e1: {  	[sflag:s6] =	ssyncset.done $0x0  }
0x2e2: {  	[sflag:s6] =	ssyncadd.s32 $0xFFFFC000  }
0x2e3: {  	[spmem:s8] =	stream.linear.scatter [tilespmem:s3], [sflag:$0x3], $0x4000, $0x38;
	[tilespmem:$0x1C200] =	vst v63  }
0x2e4: {  	_ =	swait.ge [sflag:s6], $0x4000  }
0x2e5: {  	[sflag:s6] =	ssyncset.done $0x0  }
0x2e6: {  	[sflag:s6] =	ssyncadd.s32 $0xFFFFC000  }
0x2e7: {  	[spmem:s11] =	stream.linear.scatter [tilespmem:s3], [sflag:$0x3], $0x4000, $0x38;
	[tilespmem:$0x1C200] =	vst v63  }
0x2e8: {  	_ =	swait.ge [sflag:s6], $0x4000  }
0x2e9: {  	[sflag:s6] =	ssyncset.done $0x0  }
0x2ea: {  	[sflag:s6] =	ssyncadd.s32 $0xFFFFC000  }
0x2eb: {  	[bflag:$0x0] =	sbarrier.arrive $0xFFFF  }
0x2ec: {  	[tilespmem:s17], [sflag:$0x1] =	stream.strided.gather [hbm4b:s20+s9], $0x4000, s22, s9, $0x38;
	[tilespmem:$0x1C200] =	vst v63  }
0x2ed: {  	_ = 	snop  }
0x2ee: {  	[tilespmem:s13], [sflag:$0x2] =	stream.strided.gather [hbm4b:s23+s9], $0x4000, s22, s9, $0x38;
	[tilespmem:$0x1C200] =	vst v63  }
0x2ef: {  	_ =	swait.ge [sflag:s24], $0x4000  }
0x2f0: {  	[sflag:s24] =	ssyncset.done $0x0  }
0x2f1: {  	[sflag:s24] =	ssyncadd.s32 $0xFFFFC000  }
0x2f2: {  	[spmem:s2] =	stream.indirect.scatter.add.f32 [tilespmem:s17], [sflag:$0x3], $0x80, s25, s14, $0xb8;
	[tilespmem:$0x1C200] =	vst v63  }
0x2f3: {  	_ =	swait.ge [sflag:s6], $0x4000  }
0x2f4: {  	[sflag:s6] =	ssyncset.done $0x0  }
0x2f5: {  	[sflag:s6] =	ssyncadd.s32 $0xFFFFC000  }
0x2f6: {  	[tilespmem:s17], [sflag:$0x1] =	stream.strided.gather [hbm4b:s18+s9], $0x4000, s22, s9, $0x38;
	[tilespmem:$0x1C200] =	vst v63  }
0x2f7: {  	_ =	swait.ge [sflag:s19], $0x4000  }
0x2f8: {  	[sflag:s19] =	ssyncset.done $0x0  }
0x2f9: {  	[sflag:s19] =	ssyncadd.s32 $0xFFFFC000  }
0x2fa: {  	[spmem:s2] =	stream.indirect.scatter.add.f32 [tilespmem:s13], [sflag:$0x3], $0x80, s21, s14, $0xb8;
	[tilespmem:$0x1C200] =	vst v63  }
0x2fb: {  	_ =	swait.ge [sflag:s6], $0x4000  }
0x2fc: {  	[sflag:s6] =	ssyncset.done $0x0  }
0x2fd: {  	[sflag:s6] =	ssyncadd.s32 $0xFFFFC000  }
0x2fe: {  	[tilespmem:s13], [sflag:$0x2] =	stream.strided.gather [hbm4b:s12+s9], $0x4000, s22, s9, $0x38;
	[tilespmem:$0x1C200] =	vst v63  }
0x2ff: {  	_ =	swait.ge [sflag:s24], $0x4000  }
0x300: {  	[sflag:s24] =	ssyncset.done $0x0  }
0x301: {  	[sflag:s24] =	ssyncadd.s32 $0xFFFFC000  }
0x302: {  	[spmem:s2] =	stream.indirect.scatter.add.f32 [tilespmem:s17], [sflag:$0x3], $0x80, s15, s14, $0xb8;
	[tilespmem:$0x1C200] =	vst v63  }
0x303: {  	_ =	swait.ge [sflag:s6], $0x4000  }
0x304: {  	[sflag:s6] =	ssyncset.done $0x0  }
0x305: {  	[sflag:s6] =	ssyncadd.s32 $0xFFFFC000  }
0x306: {  	_ =	swait.ge [sflag:s19], $0x4000  }
0x307: {  	[sflag:s19] =	ssyncset.done $0x0  }
0x308: {  	[sflag:s19] =	ssyncadd.s32 $0xFFFFC000  }
0x309: {  	[spmem:s2] =	stream.indirect.scatter.add.f32 [tilespmem:s13], [sflag:$0x3], $0x80, s10, s14, $0xb8;
	[tilespmem:$0x1C200] =	vst v63  }
0x30a: {  	_ =	swait.ge [sflag:s6], $0x4000  }
0x30b: {  	[sflag:s6] =	ssyncset.done $0x0  }
0x30c: {  	[sflag:s6] =	ssyncadd.s32 $0xFFFFC000  }
0x30d: {  	[bflag:$0x0] =	sbarrier.arrive $0xFFFF  }
0x30e: {  	[hbm:s7@s9], [sflag:s0] =	dma.strided [spmem:s29@s14], $0x2000, s16, $0x10   }
0x30f: {  	_ =	swait.ge [sflag:s6], $0x2000  }
0x310: {  	[sflag:s6] =	ssyncset.done $0x0  }
0x311: {  	[sflag:s6] =	ssyncadd.s32 $0xFFFFE000  }
0x312: {  	_ =	sfence.sel $0x180000  }
0x313: {  	s30 =	stileid.u32;
	[bflag:$0x0] =	sbarrier.arrive $0xFFFF  }
0x314: {  	p0 =	sne.s32 s30, $0x0;
	_ =	strace $0x9000004D  }
0x315: {  	s0 =	sadd.s32 @!p0 $0x100000, s31;
	[bflag:$0x2] =	sbarrier.arrive $0xFFFF  }
0x316: {  	[sflag:s0] =	ssyncadd.tile.s32 @!p0 $0x1;
	_ =	shalt  }
.LBB2_2:
.Ltmp3:
0x317: {  	(pc) =	sbr.rel .LBB2_5-.Ltmp3, $3  }
0x318: {  	_ =	sdelay $0x1  }
0x319: {  	s31 =	rddreg [dreg:$0x3]  }
0x31a: {  	s29 =	rddreg [dreg:$0x16]  }
.Lfunc_end2:
_tile_overlayer_lowered:
.L_overlay_start_2:
0x31b: {  	(tag) =	ssettag $0x2  }
0x31c: {  	s0 =	rddreg [dreg:$0x0];
	s2 =	stileid.u32  }
0x31d: {  	s1 =	rddreg [dreg:$0x1];
	p0 =	sne.s32 s2, $0x0  }
0x31e: {  	s3 =	rddreg [dreg:$0x2];
	[bflag:$0x3] =	sbarrier.arrive $0xFFFF;
	s2 =	simm.s32 @!p0 $0x1C03  }
0x31f: {  	[timem:s3], [sflag:s2] =	dma.local @!p0 [hbm:s0], s1  }
0x320: {  	s0 =	simm.s32 @!p0 $0x3  }
0x321: {  	_ =	swait.ge @!p0 [sflag:s0], s1  }
0x322: {  	s1 =	ssub.s32 @!p0 $0x0, s1;
	[sflag:s0] =	ssyncset.done @!p0 $0x0  }
0x323: {  	[sflag:s0] =	ssyncadd.s32 @!p0 s1  }
0x324: {  	[bflag:$0x3] =	sbarrier.arrive $0xFFFF  }
0x325: {  	_ =	shalt  }

// kernel: kernel.8.cloned.1.call-start
scs
__scs_entry_jumppad:
0x0: {  	(pc) =	sbr.rel $0x88, $3  }
0x1: {  	(tag) =	ssettag $0x0;
	lr =	simm.s32 $0x1  }
0x2: {  	[smem:$0x3F9A] =	sst lr;
	_ =	strace $0xD0000000  }
0x3: {  	_ = 	snop  }
0x4: {  	_ = 	snop  }
0x5: {  	_ = 	snop  }
0x6: {  	_ = 	snop  }
0x7: {  	_ = 	snop  }
__scs_overlays_trampoline_lowered:
0x8: {  	[smem:$0x3FA9] =	sst s0  }
0x9: {  	[smem:$0x3FAA] =	sst s1  }
0xa: {  	[smem:$0x3FAB] =	sst s2  }
0xb: {  	[smem:$0x3FAC] =	sst s3  }
0xc: {  	[smem:$0x3FAD] =	sst s4  }
0xd: {  	[smem:$0x3FAE] =	sst s5  }
0xe: {  	[smem:$0x3FAF] =	sst s6  }
0xf: {  	[smem:$0x3FB0] =	sst s7  }
0x10: {  	[smem:$0x3FB1] =	sst s8  }
0x11: {  	[smem:$0x3FB2] =	sst s9;
	s0 =	simm.s32 @!p0 $0x0  }
0x12: {  	s1 =	sld [smem:$0x3F98];
	s0 =	simm.s32 @p0 $0x1  }
0x13: {  	[smem:$0x3FB3] =	sst s0;
	s0 =	simm.s32 @!p1 $0x0  }
0x14: {  	s2 =	sld [smem:$0x3F97];
	s0 =	simm.s32 @p1 $0x1  }
0x15: {  	[smem:$0x3FB4] =	sst s0;
	s0 =	simm.s32 @!p2 $0x0  }
0x16: {  	s3 =	sld [smem:$0x3FDB];
	s0 =	simm.s32 @p2 $0x1  }
0x17: {  	s4 =	simm.s32 $0x1BF5;
	[smem:$0x3FB6] =	sst s0  }
0x18: {  	s0 =	sld [smem:$0x3F99];
	_ =	swait.ge [sflag:s4], $0x0  }
0x19: {  	s7 =	sld [smem:$0x3F9A]  }
0x1a: {  	s8 =	sadd.s32 $0xFFFFE003, lr  }
0x1b: {  	s9 =	sadd.s32 $0xFFFFFEF7, lr;
	s5 =	simm.s32 $0xFFFFFFFF;
	p2 =	slt.u32 s8, $0xFFFFF086  }
0x1c: {  	p1 =	slt.u32 s9, $0xF7A;
	s5 =	simm.s32 @!p2 $0x0  }
0x1d: {  	s5 =	simm.s32 @p1 $0x1;
	p0 =	seq.s32 s7, s2  }
0x1e: {  	s7 =	smul.u32 @!p0 $0xF7A, s2;
	p2 =	seq.s32 @!p0 s5, $0x0  }
0x1f: {  	s9 =	smul.u32 $0xF7A, s1;
	s8 =	simm.s32 @!p0 $0x1BF5;
	p2 =	por !p2, p0  }
0x20: {  	[sflag:s8] =	ssyncset.s32 @!p0 $0xFFFFF086;
	s6 =	sadd.s32 @!p0 s3, s7;
	s7 =	simm.s32 @!p0 $0x108  }
0x21: {  	s3 =	sadd.s32 s3, s9;
	s6 =	sadd.s32 @!p0 $0x88, s6;
	s7 =	simm.s32 @p2 $0x1082  }
0x22: {  	[simem:s7], [sflag:s8] =	dma.local @!p0 [hbm:s6], $0xF7A  }
0x23: {  	s9 =	sor.u32 $0xD0000000, s2;
	s6 =	simm.s32 $0x108;
	_ =	swait.ge @!p0 [sflag:s8], $0x0  }
0x24: {  	s3 =	sadd.s32 $0x88, s3;
	s6 =	simm.s32 @!p1 $0x1082;
	[sflag:s4] =	ssyncset.s32 $0xFFFFF086  }
0x25: {  	[simem:s6], [sflag:s4] =	dma.local [hbm:s3], $0xF7A  }
0x26: {  	[smem:$0x3F9A] =	sst s1;
	(tag) =	ssettag s2;
	_ =	strace s9  }
0x27: {  	s1 =	sld [smem:$0x3FAA]  }
0x28: {  	s2 =	sld [smem:$0x3FAB]  }
0x29: {  	s4 =	sld [smem:$0x3FAD]  }
0x2a: {  	p0 =	seq.s32 s5, $0x0;
	s5 =	sld [smem:$0x3FAE]  }
0x2b: {  	s6 =	sld [smem:$0x3FAF]  }
0x2c: {  	s7 =	sld [smem:$0x3FB0]  }
0x2d: {  	s3 =	simm.s32 $0x108;
	s8 =	sld [smem:$0x3FB1]  }
0x2e: {  	s3 =	simm.s32 @!p0 $0x1082;
	s9 =	sld [smem:$0x3FB2]  }
0x2f: {  	lr =	sadd.s32 s0, s3;
	s0 =	sld [smem:$0x3FA9]  }
0x30: {  	s3 =	sld [smem:$0x3FAC]  }
0x31: {  	[smem:$0x3FB5] =	sst s10  }
0x32: {  	s10 =	sld [smem:$0x3FB3];
	_ =	sdelay $0x3  }
0x33: {  	p0 =	seq.s32 s10, $0x1;
	s10 =	sld [smem:$0x3FB5];
	_ =	sdelay $0x3  }
0x34: {  	[smem:$0x3FB5] =	sst s10  }
0x35: {  	s10 =	sld [smem:$0x3FB4];
	_ =	sdelay $0x3  }
0x36: {  	p1 =	seq.s32 s10, $0x1;
	s10 =	sld [smem:$0x3FB5];
	_ =	sdelay $0x3  }
0x37: {  	[smem:$0x3FB5] =	sst s10  }
0x38: {  	s10 =	sld [smem:$0x3FB6]  }
0x39: {  	_ = 	snop;
	(pc) =	sbr.ind lr, $3  }
0x3a: {  	_ = 	snop  }
0x3b: {  	_ = 	snop  }
0x3c: {  	p2 =	seq.s32 s10, $0x1;
	s10 =	sld [smem:$0x3FB5]  }
0x3d: {  	_ =	shalt  }
0x3e: {  	_ =	shalt  }
0x3f: {  	_ =	shalt  }
0x40: {  	_ =	shalt  }
0x41: {  	_ =	shalt  }
0x42: {  	_ =	shalt  }
0x43: {  	_ =	shalt  }
0x44: {  	_ =	shalt  }
0x45: {  	_ =	shalt  }
0x46: {  	_ =	shalt  }
0x47: {  	_ =	shalt  }
0x48: {  	_ =	shalt  }
0x49: {  	_ =	shalt  }
0x4a: {  	_ =	shalt  }
0x4b: {  	_ =	shalt  }
0x4c: {  	_ =	shalt  }
0x4d: {  	_ =	shalt  }
0x4e: {  	_ =	shalt  }
0x4f: {  	_ =	shalt  }
0x50: {  	_ =	shalt  }
0x51: {  	_ =	shalt  }
0x52: {  	_ =	shalt  }
0x53: {  	_ =	shalt  }
0x54: {  	_ =	shalt  }
0x55: {  	_ =	shalt  }
0x56: {  	_ =	shalt  }
0x57: {  	_ =	shalt  }
0x58: {  	_ =	shalt  }
0x59: {  	_ =	shalt  }
0x5a: {  	_ =	shalt  }
0x5b: {  	_ =	shalt  }
0x5c: {  	_ =	shalt  }
0x5d: {  	_ =	shalt  }
0x5e: {  	_ =	shalt  }
0x5f: {  	_ =	shalt  }
0x60: {  	_ =	shalt  }
0x61: {  	_ =	shalt  }
0x62: {  	_ =	shalt  }
0x63: {  	_ =	shalt  }
0x64: {  	_ =	shalt  }
0x65: {  	_ =	shalt  }
0x66: {  	_ =	shalt  }
0x67: {  	_ =	shalt  }
0x68: {  	_ =	shalt  }
0x69: {  	_ =	shalt  }
0x6a: {  	_ =	shalt  }
0x6b: {  	_ =	shalt  }
0x6c: {  	_ =	shalt  }
0x6d: {  	_ =	shalt  }
0x6e: {  	_ =	shalt  }
0x6f: {  	_ =	shalt  }
0x70: {  	_ =	shalt  }
0x71: {  	_ =	shalt  }
0x72: {  	_ =	shalt  }
0x73: {  	_ =	shalt  }
0x74: {  	_ =	shalt  }
0x75: {  	_ =	shalt  }
0x76: {  	_ =	shalt  }
0x77: {  	_ =	shalt  }
0x78: {  	_ =	shalt  }
0x79: {  	_ =	shalt  }
0x7a: {  	_ =	shalt  }
0x7b: {  	_ =	shalt  }
0x7c: {  	_ =	shalt  }
0x7d: {  	_ =	shalt  }
0x7e: {  	_ =	shalt  }
0x7f: {  	_ =	shalt  }
0x80: {  	_ =	shalt  }
0x81: {  	_ =	shalt  }
0x82: {  	_ =	shalt  }
0x83: {  	_ =	shalt  }
0x84: {  	_ =	shalt  }
0x85: {  	_ =	shalt  }
0x86: {  	_ =	shalt  }
0x87: {  	_ =	shalt  }
.Lfunc_end0:
.L_simem_size_0:
called_computation_lowered:
.L_overlay_start_0:
0x88: {  	s2 =	sld [smem:$0x3FD9]  }
0x89: {  	s3 =	sld [smem:$0x3FFE];
	_ =	sdelay $0x1  }
0x8a: {  	s1 =	srdreg.scid  }
0x8b: {  	s0 =	sand.u32 $0x1, s1  }
0x8c: {  	s17 =	sshll.u32 s0, $0xA;
	s2 =	sadd.s32 s3, s2  }
0x8d: {  	s2 =	sadd.s32 s2, s17  }
0x8e: {  	[smem:$0x3FC1] =	sst s2  }
0x8f: {  	_ = 	snop  }
0x90: {  	s2 =	sld [smem:$0x3FD0];
	(tm) =	ssettm $0x1  }
0x91: {  	s18 =	sld [smem:$0x3FFB];
	_ =	sdelay $0x3  }
0x92: {  	_ =	strace s18  }
0x93: {  	s3 =	sld [smem:$0x3FFC];
	_ =	sdelay $0x3  }
0x94: {  	_ =	strace s3  }
0x95: {  	s3 =	sld [smem:$0x3FFD];
	_ =	sdelay $0x3  }
0x96: {  	_ =	strace s3  }
0x97: {  	_ =	strace $0x8FFFFFFF  }
0x98: {  	s19 =	sld [smem:$0x3FDB];
	_ =	sdelay $0x1  }
0x99: {  	s4 =	simm.s32 $_scs_section_size  }
0x9a: {  	s5 =	simm.s32 $_size__tile_overlayer_lowered;
	s6 =	simm.s32 $_tile_overlayer_lowered  }
0x9b: {  	s22 =	simm.s32 $0x1BFF;
	s21 =	sshll.u32 s6, $0x1;
	s3 =	sadd.s32 s4, s19  }
0x9c: {  	s7 =	simm.s32 $0x0;
	s20 =	sshll.u32 s5, $0x1;
	s5 =	sadd.s32 s21, s3  }
0x9d: {  	[timem:s7], [sflag:s22] =	dma.local [hbm:s5], s20  }
0x9e: {  	_ =	swait.ge [sflag:s22], s20  }
0x9f: {  	s4 =	ssub.s32 $0x0, s20;
	[sflag:s22] =	ssyncset.done $0x0  }
0xa0: {  	[sflag:s22] =	ssyncadd.s32 s4;
	_ =	sdelay $0x1  }
0xa1: {  	s23 =	simm.s32 $0x1B8B  }
0xa2: {  	_ =	swait.ge [sflag:s23], $0x1  }
0xa3: {  	[sflag:s23] =	ssyncset.done $0x0  }
0xa4: {  	s25 =	simm.s32 $0x1B8E;
	s24 =	sld [smem:$0x3FFE];
	[sflag:s23] =	ssyncadd.s32 $0xFFFFFFFF  }
0xa5: {  	s26 =	simm.s32 $execute0_lowered;
	[smem:$0x3FD2] =	sst s25  }
0xa6: {  	s5 =	sshll.u32 s26, $0x1;
	_ =	strace $0x80000046;
	[dreg:$0x1] =	wrdreg $0xFFFFFFFF  }
0xa7: {  	s28 =	simm.s32 $_size_execute0_lowered;
	s3 =	sadd.s32 s3, s5;
	[dreg:$0x0] =	wrdreg $0x0  }
0xa8: {  	s5 =	sshll.u32 s28, $0x1;
	[dreg:$0x2] =	wrdreg s3  }
0xa9: {  	[dreg:$0x3] =	wrdreg s5  }
0xaa: {  	[dreg:$0x4] =	wrdreg $0xC0  }
0xab: {  	_ =	task [dreg:s7], $0x5FFFF  }
0xac: {  	[dreg:$0x1] =	wrdreg $0xFFFFFFFF  }
0xad: {  	[dreg:$0x0] =	wrdreg $0x60  }
0xae: {  	[dreg:$0x2] =	wrdreg s2  }
0xaf: {  	[dreg:$0x3] =	wrdreg s24  }
0xb0: {  	[dreg:$0x4] =	wrdreg $0x9  }
0xb1: {  	_ =	task.clear_ibuf [dreg:s7], $0x5FFFF;
	_ =	strace $0x90000046  }
0xb2: {  	s29 =	simm.s32 $0x9;
	_ =	strace $0x80000048  }
0xb3: {  	_ =	swait.ge [sflag:s29], $0x1  }
0xb4: {  	[sflag:s29] =	ssyncadd.s32 $0xFFFFFFFF  }
0xb5: {  	_ =	strace $0x90000048  }
0xb6: {  	_ =	sfence  }
0xb7: {  	s30 =	sld [smem:$0x0];
	_ =	sdelay $0x2  }
0xb8: {  	s31 =	sshll.u32 s1, $0xD;
	s1 =	sshrl.u32 s1, $0x2  }
0xb9: {  	s3 =	sand.u32 $0x4000, s31;
	s1 =	sadd.s32 s1, s30  }
0xba: {  	s0 =	sor.u32 s3, s0;
	s1 =	sshll.u32 s1, $0x11  }
0xbb: {  	s0 =	sor.u32 s1, s0  }
0xbc: {  	s0 =	sadd.s32 $0x8F2B, s0  }
0xbd: {  	[sflag:s0] =	ssyncadd.remote.s32 $0x1  }
0xbe: {  	_ =	sfence.sel $0xFFFF  }
0xbf: {  	[dreg:$0x0] =	wrdreg $0xFFFFFFFF;
	(pc) =	sbr.abs _section_cstart, $3  }
0xc0: {  	[dreg:$0x1] =	wrdreg $0xFFFFFFFF  }
0xc1: {  	_ =	task.clear_ibuf [dreg:s7], $0x2FFFF;
	_ =	strace $0x9FFFFFFF  }
0xc2: {  	(tm) =	ssettm $0x7FFFFFFF  }
0xc3: {  	_ =	shalt  }
tec
execute0_lowered:
.L_overlay_start_1:
0x0: {  	(tag) =	ssettag $0x1  }
0x1: {  	s1 =	stileid.u32  }
0x2: {  	p0 =	sgt.u32 s1, $0x7  }
.Ltmp0:
0x3: {  	_ = 	snop;
	(pc) =	sbr.rel @p0 .LBB2_5-.Ltmp0, $4  }
0x4: {  	s7 =	rddreg [dreg:$0x0]  }
0x5: {  	s3 =	rddreg [dreg:$0x1];
	s2 =	simm.s32 $0x0  }
0x6: {  	[smem:$0x7FF] =	sst s2  }
0x7: {  	s0 =	rddreg [dreg:$0x2];
	_ =	strace $0x80000047  }
0x8: {  	s4 =	srdreg.scid  }
0x9: {  	s29 =	sshll.u32 s1, $0x8;
	s6 =	sshrl.u32 s1, $0x2;
	s12 =	simm.s32 $0x2400  }
0xa: {  	s13 =	simm.s32 $0x2480;
	s14 =	simm.s32 $0x2000;
	s15 =	simm.s32 $0x2200  }
0xb: {  	s5 =	sand.u32 $0x1, s4;
	s4 =	sand.u32 $0x300, s29;
	s30 =	sshll.u32 s6, $0xA  }
0xc: {  	s9 =	sshll.u32 s6, $0xC;
	s8 =	sshll.u32 s5, $0x7;
	s10 =	ssub.s32 $0x2, s5  }
0xd: {  	s6 =	sshll.u32 s6, $0x10;
	s8 =	sor.u32 s8, s4;
	s11 =	sshrl.u32 s10, $0x1  }
0xe: {  	s4 =	sor.u32 s30, s8;
	s9 =	sor.u32 s9, s8;
	s8 =	sor.u32 s6, s8  }
0xf: {  	s31 =	ssub.s32 s10, s11;
	s10 =	simm.s32 $0x400;
	s11 =	simm.s32 $0x1  }
0x10: {  	s4 =	sshrl.u32 s4, $0x3;
	s9 =	sshrl.u32 s9, $0x3;
	s8 =	sshrl.u32 s8, $0x3  }
0x11: {  	s4 =	sadd.s32 s4, s3;
	s9 =	sadd.s32 s9, s3;
	s7 =	sadd.s32 s7, s8  }
0x12: {  	s8 =	smax.u32 s31, $0x1;
	s3 =	sadd.s32 $0x1E00, s4;
	s4 =	sadd.s32 $0x2000, s4  }
0x13: {  	v0 =	vimm.s32 $0x0;
	v1 =	vlaneseq.u32;
	s5 =	sadd.s32 $0x2200, s9;
	s6 =	sadd.s32 $0x2600, s9;
	s9 =	simm.s32 $0x80  }
.LBB2_2:
0x14: {  	s16 =	simm.s32 $0x0  }
0x15: {  	[tilespmem:s16], [sflag:$0x1] =	stream.strided.gather [hbm4b:s7+s9], $0x2000, s10, s9, $0x38;
	[tilespmem:$0x2500] =	vst v63  }
0x16: {  	_ =	swait.ge [sflag:s11], $0x2000  }
0x17: {  	[sflag:s11] =	ssyncset.done $0x0  }
0x18: {  	[sflag:s11] =	ssyncadd.s32 $0xFFFFE000  }
0x19: {  	[tilespmem:s12], [sflag:$0x1] =	stream.linear.gather [hbm4b:s3+s16], $0x10, $0x38;
	[tilespmem:$0x2500] =	vst v63  }
0x1a: {  	_ =	swait.ge [sflag:s11], $0x10  }
0x1b: {  	[sflag:s11] =	ssyncset.done $0x0  }
0x1c: {  	[sflag:s11] =	ssyncadd.s32 $0xFFFFFFF0  }
0x1d: {  	[tilespmem:s13], [sflag:$0x1] =	stream.linear.gather [hbm4b:s4+s16], $0x10, $0x38;
	[tilespmem:$0x2500] =	vst v63  }
0x1e: {  	_ =	swait.ge [sflag:s11], $0x10  }
0x1f: {  	[sflag:s11] =	ssyncset.done $0x0  }
0x20: {  	[sflag:s11] =	ssyncadd.s32 $0xFFFFFFF0  }
0x21: {  	v4 =	vld [tilespmem:$0x2400]  }
0x22: {  	v2 =	vld [tilespmem:s16+$0x0]  }
0x23: {  	s17 =	simm.s32 $0x10;
	v6 =	vimm.s32 $0x0;
	v3 =	vimm.s32 $0x0;
	s18 =	simm.s32 $0x0;
	v5 =	vld [tilespmem:$0x2480]  }
.LBB2_3:
0x24: {  	p0 =	sne.s32 s17, $0x1FF0;
	_ =	sdelay $0x2  }
0x25: {  	vm0 =	veq.s32 v4, v2  }
0x26: {  	v7 =	vsel vm0, $0x1, v0  }
0x27: {  	(xrf0) =	vadd.scan.msk.s32 $0xffff, v7;
	_ =	sdelay $0x5  }
0x28: {  	v7, _, _ =	vpop (xrf0)  }
0x29: {  	vm1 =	vle.s32 v7, v5  }
0x2a: {  	vm2 =	vlt.s32 v4, v2;
	vm0 =	vmand vm0, vm1  }
0x2b: {  	vm1 =	vmor vm2, vm0;
	v7 =	vmpcnt.ones.xlane vm0  }
0x2c: {  	v8 =	vsel vm1, $0x1, v0;
	v9 =	vmpcnt.ones.xlane vm1  }
0x2d: {  	v5 =	vsub.s32 v5, v7;
	(xrf0) =	vadd.scan.msk.s32 $0xffff, v8  }
0x2e: {  	v6 =	vadd.s32 v6, v9;
	_ =	sdelay $0x4  }
0x2f: {  	v7, _, _ =	vpop (xrf0)  }
0x30: {  	v7 =	vadd.s32 v7, v3;
	v3 =	vmov v6  }
0x31: {  	v7 =	vadd.s32 $0xFFFFFFFF, v7;
	_ =	sdelay $0x3  }
.Ltmp1:
0x32: {  	v8 =	vor.u32 s16, v1;
	s16 =	smov.u32 s17;
	(pc) =	sbr.rel @p0 .LBB2_3-.Ltmp1, $4  }
0x33: {  	[tilespmem:v7+s14+$0x0] =	vst.idx.msk vm1, v8  }
0x34: {  	s18 =	sadd.s32 $0x10, s18;
	[tilespmem:v7+s15+$0x0] =	vst.idx.msk vm1, v2  }
0x35: {  	v2 =	vld [tilespmem:s18+$0x0]  }
0x36: {  	s17 =	sadd.s32 $0x10, s17  }
0x37: {  	_ =	sdelay $0x2  }
0x38: {  	vm0 =	veq.s32 v4, v2  }
0x39: {  	v6 =	vsel vm0, $0x1, v0  }
0x3a: {  	(xrf0) =	vadd.scan.msk.s32 $0xffff, v6;
	_ =	sdelay $0x5  }
0x3b: {  	v6, _, _ =	vpop (xrf0)  }
0x3c: {  	vm1 =	vle.s32 v6, v5  }
0x3d: {  	vm2 =	vlt.s32 v4, v2;
	vm0 =	vmand vm0, vm1  }
0x3e: {  	vm0 =	vmor vm2, vm0  }
0x3f: {  	v62 =	vsel vm0, $0x1, v0  }
0x40: {  	(xrf0) =	vadd.scan.msk.s32 $0xffff, v62;
	_ =	sdelay $0x5  }
0x41: {  	v4, _, _ =	vpop (xrf0)  }
0x42: {  	v3 =	vadd.s32 v4, v3  }
0x43: {  	v3 =	vadd.s32 $0xFFFFFFFF, v3;
	_ =	sdelay $0x3  }
0x44: {  	v63 =	vor.u32 s16, v1  }
0x45: {  	[tilespmem:v3+s14+$0x0] =	vst.idx.msk vm0, v63  }
0x46: {  	[tilespmem:v3+s15+$0x0] =	vst.idx.msk vm0, v2  }
0x47: {  	[hbm4b:s5+s9] =	stream.strided.scatter [tilespmem:s14], [sflag:$0x1], $0x200, s10, s9, $0x38;
	[tilespmem:$0x2500] =	vst v63  }
0x48: {  	s2 =	sadd.s32 $0x1, s2;
	_ =	swait.ge [sflag:s11], $0x200  }
0x49: {  	p0 =	sne.s32 s2, s8;
	[sflag:s11] =	ssyncset.done $0x0  }
.Ltmp2:
0x4a: {  	[sflag:s11] =	ssyncadd.s32 $0xFFFFFE00;
	(pc) =	sbr.rel @p0 .LBB2_2-.Ltmp2, $4  }
0x4b: {  	[hbm4b:s6+s9] =	stream.strided.scatter [tilespmem:s15], [sflag:$0x1], $0x200, s10, s9, $0x38;
	[tilespmem:$0x2500] =	vst v63  }
0x4c: {  	_ =	swait.ge [sflag:s11], $0x200  }
0x4d: {  	[sflag:s11] =	ssyncset.done $0x0  }
0x4e: {  	[sflag:s11] =	ssyncadd.s32 $0xFFFFFE00  }
.LBB2_5:
0x4f: {  	_ =	sfence.sel $0x180000  }
0x50: {  	[bflag:$0x0] =	sbarrier.arrive $0xFFFF  }
0x51: {  	p0 =	sne.s32 s1, $0x0;
	_ =	strace $0x90000047  }
0x52: {  	s0 =	sadd.s32 @!p0 $0x100000, s0;
	[bflag:$0x2] =	sbarrier.arrive $0xFFFF  }
0x53: {  	[sflag:s0] =	ssyncadd.tile.s32 @!p0 $0x1;
	_ =	shalt  }
.Lfunc_end2:
_tile_overlayer_lowered:
.L_overlay_start_2:
0x54: {  	(tag) =	ssettag $0x2  }
0x55: {  	s0 =	rddreg [dreg:$0x0];
	s2 =	stileid.u32  }
0x56: {  	s1 =	rddreg [dreg:$0x1];
	p0 =	sne.s32 s2, $0x0  }
0x57: {  	s3 =	rddreg [dreg:$0x2];
	[bflag:$0x3] =	sbarrier.arrive $0xFFFF;
	s2 =	simm.s32 @!p0 $0x1C01  }
0x58: {  	[timem:s3], [sflag:s2] =	dma.local @!p0 [hbm:s0], s1  }
0x59: {  	s0 =	simm.s32 @!p0 $0x1  }
0x5a: {  	_ =	swait.ge @!p0 [sflag:s0], s1  }
0x5b: {  	s1 =	ssub.s32 @!p0 $0x0, s1;
	[sflag:s0] =	ssyncset.done @!p0 $0x0  }
0x5c: {  	[sflag:s0] =	ssyncadd.s32 @!p0 s1  }
0x5d: {  	[bflag:$0x3] =	sbarrier.arrive $0xFFFF  }
0x5e: {  	_ =	shalt  }

</sc_bundles>
